<compile_context>
chip_gen: v7x
topology: tpu7x:2x2x1
jax: 0.10.2.dev20260603
libtpu: 0.0.44.dev20260713+nightly
codegen_flags: <defaults>
</compile_context>

<pallas_src>
import functools

import jax
import jax.numpy as jnp
from jax import lax
from jax.experimental import pallas as pl
from jax.experimental.pallas import tpu as pltpu
from jax.experimental.pallas import tpu_sc as plsc

_NC = 2
_NS = 16
_NW = _NC * _NS

_ROWS = 2000


def _deg_sc(dsti, ones, zeros, n):
    nw, nch, cb = dsti.shape
    wd = ones.shape[1]
    rpt = n // _NS
    mesh = plsc.VectorSubcoreMesh(core_axis_name="c", subcore_axis_name="s")

    @functools.partial(
        pl.kernel, mesh=mesh,
        out_type=jax.ShapeDtypeStruct((_NC, n, wd), jnp.float32),
        scratch_types=[
            pltpu.VMEM((nch, cb), jnp.int32),
            pltpu.VMEM((cb, wd), jnp.float32),
            pltpu.VMEM_SHARED((n, wd), jnp.float32),
        ],
    )
    def k(dsti_hbm, ones_hbm, zeros_hbm, out_hbm, dstv, onev, acc):
        c = lax.axis_index("c")
        s = lax.axis_index("s")
        w = s * _NC + c
        r0 = s * rpt
        pltpu.sync_copy(zeros_hbm.at[pl.ds(r0, rpt)], acc.at[pl.ds(r0, rpt)])
        pltpu.sync_copy(dsti_hbm.at[w], dstv)
        pltpu.sync_copy(ones_hbm, onev)
        plsc.subcore_barrier()

        def body(j, carry):
            pltpu.sync_copy(onev, acc.at[dstv.at[j]], add=True)
            return carry

        lax.fori_loop(0, nch, body, 0)
        plsc.subcore_barrier()
        pltpu.sync_copy(acc.at[pl.ds(r0, rpt)], out_hbm.at[c].at[pl.ds(r0, rpt)])

    return k(dsti, ones, zeros)


def _prop_sc(hp, srci, dsti, zeros):
    nw, nch, cb = srci.shape
    npad = zeros.shape[0]
    d = hp.shape[1]
    rpt = npad // _NS
    assert nch % 3 == 2, "3-slot pipeline below assumes nch = 3k+2"
    mesh = plsc.VectorSubcoreMesh(core_axis_name="c", subcore_axis_name="s")

    @functools.partial(
        pl.kernel, mesh=mesh,
        out_type=jax.ShapeDtypeStruct((_NC, npad, d), jnp.float32),
        scratch_types=[
            pltpu.VMEM((nch, cb), jnp.int32),
            pltpu.VMEM((3, cb), jnp.int32),
            [pltpu.VMEM((cb, d), jnp.float32)] * 3,
            [pltpu.SemaphoreType.DMA] * 3,
            [pltpu.SemaphoreType.DMA] * 3,
            [pltpu.SemaphoreType.DMA] * 3,
            pltpu.VMEM_SHARED((npad, d), jnp.float32),
        ],
    )
    def k(hp_hbm, srci_hbm, dsti_hbm, zeros_hbm, out_hbm,
          srcv, didx, rows, semr, semi, semw, acc):
        c = lax.axis_index("c")
        s = lax.axis_index("s")
        w = s * _NC + c
        r0 = s * rpt
        pltpu.sync_copy(zeros_hbm.at[pl.ds(r0, rpt)], acc.at[pl.ds(r0, rpt)])
        pltpu.sync_copy(srci_hbm.at[w], srcv)
        plsc.subcore_barrier()

        def didx_load(j, x):
            pltpu.async_copy(dsti_hbm.at[w].at[pl.ds(j, 1)], didx.at[pl.ds(x, 1)], semi[x])

        def gather(j, x):
            pltpu.async_copy(hp_hbm.at[srcv.at[j]], rows[x], semr[x])

        def wait_gather(j, x):
            pltpu.make_async_copy(hp_hbm.at[srcv.at[j]], rows[x], semr[x]).wait()
            pltpu.make_async_copy(
                dsti_hbm.at[w].at[pl.ds(j, 1)], didx.at[pl.ds(x, 1)], semi[x]).wait()

        def scatter_start(j, x):
            pltpu.async_copy(rows[x], acc.at[didx.at[x]], semw[x], add=True)

        def scatter_drain(x):
            pltpu.make_async_copy(rows[x], acc.at[didx.at[x]], semw[x]).wait()

        def pos(j, x):
            g = (x + 2) % 3
            scatter_drain(g)
            didx_load(j + 2, g)
            wait_gather(j, x)
            gather(j + 2, g)
            scatter_start(j, x)

        didx_load(0, 0)
        didx_load(1, 1)
        didx_load(2, 2)
        gather(0, 0)
        gather(1, 1)
        wait_gather(0, 0)
        gather(2, 2)
        scatter_start(0, 0)

        def body(i, carry):
            j = 3 * i
            pos(j + 1, 1)
            pos(j + 2, 2)
            pos(j + 3, 0)
            return carry

        lax.fori_loop(0, (nch - 5) // 3, body, 0)
        pos(nch - 4, 1)
        pos(nch - 3, 2)

        def tail(j, x):
            wait_gather(j, x)
            scatter_start(j, x)

        scatter_drain(2)
        tail(nch - 2, 0)
        tail(nch - 1, 1)
        scatter_drain(0)
        scatter_drain(1)
        plsc.subcore_barrier()
        pltpu.sync_copy(acc.at[pl.ds(r0, rpt)], out_hbm.at[c].at[pl.ds(r0, rpt)])

    return k(hp, srci, dsti, zeros)


def _softplus(x):
    return jnp.log(1.0 + jnp.exp(-jnp.abs(x))) + jnp.maximum(x, 0.0)


def _prep_tc(degp, x):
    n, d = x.shape

    def body(degp_ref, x_ref, dinv_ref, h_ref):
        deg = degp_ref[0, :, 0:1] + degp_ref[1, :, 0:1] + 1.0
        dv = lax.rsqrt(deg)
        dinv_ref[...] = dv
        h_ref[...] = x_ref[...] * dv

    return pl.pallas_call(
        body,
        grid=(n // _ROWS,),
        in_specs=[
            pl.BlockSpec((2, _ROWS, 128), lambda i: (0, i, 0)),
            pl.BlockSpec((_ROWS, d), lambda i: (i, 0)),
        ],
        out_specs=[
            pl.BlockSpec((_ROWS, 1), lambda i: (i, 0)),
            pl.BlockSpec((_ROWS, d), lambda i: (i, 0)),
        ],
        out_shape=[
            jax.ShapeDtypeStruct((n, 1), jnp.float32),
            jax.ShapeDtypeStruct((n, d), jnp.float32),
        ],
    )(degp, x)


def _layer_tc(p, hprev, dinv, W, b):
    n, d = hprev.shape
    dout = W.shape[1]

    def body(p_ref, h_ref, dinv_ref, w_ref, b_ref, o_ref):
        dv = dinv_ref[...]
        g = (p_ref[0] + p_ref[1] + h_ref[...]) * dv
        y = jnp.dot(g, w_ref[...], preferred_element_type=jnp.float32) + b_ref[...]
        o_ref[...] = _softplus(y) * dv

    return pl.pallas_call(
        body,
        grid=(n // _ROWS,),
        in_specs=[
            pl.BlockSpec((2, _ROWS, d), lambda i: (0, i, 0)),
            pl.BlockSpec((_ROWS, d), lambda i: (i, 0)),
            pl.BlockSpec((_ROWS, 1), lambda i: (i, 0)),
            pl.BlockSpec((d, dout), lambda i: (0, 0)),
            pl.BlockSpec((1, dout), lambda i: (0, 0)),
        ],
        out_specs=pl.BlockSpec((_ROWS, dout), lambda i: (i, 0)),
        out_shape=jax.ShapeDtypeStruct((n, dout), jnp.float32),
    )(p, hprev, dinv, W, b)


def _final_tc(p, hprev, dinv, Wmu, bmu, Wls, bls, eps):
    n, d = hprev.shape
    kk = Wmu.shape[1]

    def body(p_ref, h_ref, dinv_ref, wmu_ref, bmu_ref, wls_ref, bls_ref, eps_ref,
             z_ref, pout_ref, mu_ref, ls_ref, var_ref):
        dv = dinv_ref[...]
        g = (p_ref[0] + p_ref[1] + h_ref[...]) * dv
        mu = jnp.dot(g, wmu_ref[...], preferred_element_type=jnp.float32) + bmu_ref[...]
        ls = jnp.dot(g, wls_ref[...], preferred_element_type=jnp.float32) + bls_ref[...]
        var = jnp.exp(ls)
        z = mu + jnp.sqrt(var) * eps_ref[...]
        zmax = jnp.max(z, axis=1, keepdims=True)
        ez = jnp.exp(z - zmax)
        pout = ez / jnp.sum(ez, axis=1, keepdims=True)
        z_ref[...] = z
        pout_ref[...] = pout
        mu_ref[...] = mu
        ls_ref[...] = ls
        var_ref[...] = var

    outs = pl.pallas_call(
        body,
        grid=(n // _ROWS,),
        in_specs=[
            pl.BlockSpec((2, _ROWS, d), lambda i: (0, i, 0)),
            pl.BlockSpec((_ROWS, d), lambda i: (i, 0)),
            pl.BlockSpec((_ROWS, 1), lambda i: (i, 0)),
            pl.BlockSpec((d, kk), lambda i: (0, 0)),
            pl.BlockSpec((1, kk), lambda i: (0, 0)),
            pl.BlockSpec((d, kk), lambda i: (0, 0)),
            pl.BlockSpec((1, kk), lambda i: (0, 0)),
            pl.BlockSpec((_ROWS, kk), lambda i: (i, 0)),
        ],
        out_specs=[pl.BlockSpec((_ROWS, kk), lambda i: (i, 0))] * 5,
        out_shape=[jax.ShapeDtypeStruct((n, kk), jnp.float32)] * 5,
    )(p, hprev, dinv, Wmu, bmu, Wls, bls, eps)
    return tuple(outs)


def kernel(x, edge_index, W0, b0, W1, b1, W2, b2, Wmu, bmu, Wls, bls, eps):
    n, d = x.shape
    e = edge_index.shape[1]
    ew = e // _NW
    cb = 80
    nch = ew // cb

    npad = ((n + 8 * _NS - 1) // (8 * _NS)) * (8 * _NS)
    src = edge_index[0].reshape(_NW, nch, cb)
    dst = edge_index[1].reshape(_NW, nch, cb)
    zeros = jnp.zeros((npad, d), jnp.float32)
    ones = jnp.ones((cb, d), jnp.float32)

    degp = _deg_sc(dst, ones, zeros, npad)
    dinv, h0 = _prep_tc(degp, x)

    p1 = _prop_sc(h0, src, dst, zeros)
    h1 = _layer_tc(p1, h0, dinv, W0, b0.reshape(1, -1))
    p2 = _prop_sc(h1, src, dst, zeros)
    h2 = _layer_tc(p2, h1, dinv, W1, b1.reshape(1, -1))
    p3 = _prop_sc(h2, src, dst, zeros)
    h3 = _layer_tc(p3, h2, dinv, W2, b2.reshape(1, -1))
    p4 = _prop_sc(h3, src, dst, zeros)

    return _final_tc(p4, h3, dinv, Wmu, bmu.reshape(1, -1), Wls, bls.reshape(1, -1), eps)

# --- scband reference (transcript-rebuilt; emitter-appended) ---
"""Pipeline reference for scband-prod-ldaencoder-52372831207607 (READ-ONLY COPY).

The authoritative reference and input builder live on the scoring server;
editing this copy changes nothing except your own understanding.
"""

import jax, jax.numpy as jnp
import numpy as np

N = 10000
E = 320000
D = 128
H = 128
K = 64


def setup_inputs(seed: int = 0) -> dict:
    key = jax.random.key(seed)
    ks = jax.random.split(key, 16)
    x = jax.random.normal(ks[0], (N, D), dtype=jnp.float32)
    edge_index = jax.random.randint(ks[1], (2, E), 0, N, dtype=jnp.int32)
    def glorot(k, shape):
        fan_in = shape[0]
        return jax.random.normal(k, shape, dtype=jnp.float32) * (1.0 / np.sqrt(fan_in))
    W0 = glorot(ks[2], (D, H)); b0 = jnp.zeros((H,), jnp.float32)
    W1 = glorot(ks[3], (H, H)); b1 = jnp.zeros((H,), jnp.float32)
    W2 = glorot(ks[4], (H, H)); b2 = jnp.zeros((H,), jnp.float32)
    Wmu = glorot(ks[5], (H, K)); bmu = jnp.zeros((K,), jnp.float32)
    Wls = glorot(ks[6], (H, K)); bls = jnp.zeros((K,), jnp.float32)
    eps = jax.random.normal(ks[7], (N, K), dtype=jnp.float32)
    return {"x": x, "edge_index": edge_index, "W0": W0, "b0": b0, "W1": W1, "b1": b1, "W2": W2, "b2": b2, "Wmu": Wmu, "bmu": bmu, "Wls": Wls, "bls": bls, "eps": eps}


def _gcn_conv(x, edge_index, W, b, n_nodes):
    # PyG GCNConv: add self-loops, symmetric normalization, linear transform, scatter-add
    src = edge_index[0]
    dst = edge_index[1]
    sl = jnp.arange(n_nodes, dtype=src.dtype)
    s = jnp.concatenate([src, sl])
    d = jnp.concatenate([dst, sl])
    deg = jnp.zeros((n_nodes,), x.dtype).at[d].add(1.0)
    dinv = jax.lax.rsqrt(jnp.maximum(deg, 1e-12))
    dinv = jnp.where(deg > 0, dinv, 0.0)
    coef = dinv[s] * dinv[d]
    h = x @ W
    msg = h[s] * coef[:, None]
    out = jnp.zeros((n_nodes, W.shape[1]), x.dtype).at[d].add(msg)
    return out + b


def reference(x, edge_index, W0, b0, W1, b1, W2, b2, Wmu, bmu, Wls, bls, eps):
    n = x.shape[0]
    h = jax.nn.softplus(_gcn_conv(x, edge_index, W0, b0, n))
    h = jax.nn.softplus(_gcn_conv(h, edge_index, W1, b1, n))
    h = jax.nn.softplus(_gcn_conv(h, edge_index, W2, b2, n))
    # dropout is identity in deterministic eval reference
    posterior_mean = _gcn_conv(h, edge_index, Wmu, bmu, n)
    posterior_logvar = _gcn_conv(h, edge_index, Wls, bls, n)
    posterior_var = jnp.exp(posterior_logvar)
    z = posterior_mean + jnp.sqrt(posterior_var) * eps
    p = jax.nn.softmax(z, axis=1)
    return (z, p, posterior_mean, posterior_logvar, posterior_var)

if __name__ == "__main__":
    import jax
    _d = setup_inputs()
    print(jax.jit(kernel)(*tuple(_d.values())))

</pallas_src>

<mosaic_0001>
#map = affine_map<(d0, d1) -> (0, 0)>
#map1 = affine_map<(d0, d1) -> (0, 0, 0)>
module attributes {stable_mosaic.version = 14 : i64} {
  func.func @k(%arg0: i32, %arg1: i32, %arg2: memref<10000x128xf32, #tpu.memory_space<hbm>>, %arg3: memref<32x125x80xi32, #tpu.memory_space<hbm>>, %arg4: memref<32x125x80xi32, #tpu.memory_space<hbm>>, %arg5: memref<10112x128xf32, #tpu.memory_space<hbm>>, %arg6: memref<2x10112x128xf32, #tpu.memory_space<hbm>>, %arg7: memref<125x80xi32, #tpu.memory_space<vmem>>, %arg8: memref<3x80xi32, #tpu.memory_space<vmem>>, %arg9: memref<80x128xf32, #tpu.memory_space<vmem>>, %arg10: memref<80x128xf32, #tpu.memory_space<vmem>>, %arg11: memref<80x128xf32, #tpu.memory_space<vmem>>, %arg12: memref<!tpu.dma_semaphore, #tpu.memory_space<semaphore_mem>>, %arg13: memref<!tpu.dma_semaphore, #tpu.memory_space<semaphore_mem>>, %arg14: memref<!tpu.dma_semaphore, #tpu.memory_space<semaphore_mem>>, %arg15: memref<!tpu.dma_semaphore, #tpu.memory_space<semaphore_mem>>, %arg16: memref<!tpu.dma_semaphore, #tpu.memory_space<semaphore_mem>>, %arg17: memref<!tpu.dma_semaphore, #tpu.memory_space<semaphore_mem>>, %arg18: memref<!tpu.dma_semaphore, #tpu.memory_space<semaphore_mem>>, %arg19: memref<!tpu.dma_semaphore, #tpu.memory_space<semaphore_mem>>, %arg20: memref<!tpu.dma_semaphore, #tpu.memory_space<semaphore_mem>>, %arg21: memref<10112x128xf32, #tpu.memory_space<vmem_shared>>) attributes {dimension_semantics = [#tpu.dimension_semantics<core_parallel>, #tpu.dimension_semantics<subcore_parallel>], iteration_bounds = array<i64: 2, 16>, scalar_prefetch = 0 : i64, scratch_operands = 15 : i64, tpu.core_type = #tpu.core_type<sc_vector_subcore>, window_params = [{transform_indices = #map}, {transform_indices = #map1}, {transform_indices = #map1}, {transform_indices = #map}, {transform_indices = #map1}]} {
    %mul3A = arith.constant 2 : i32
    %mul3A_0 = arith.muli %arg1, %mul3A : i32
    %add3A = arith.addi %mul3A_0, %arg0 : i32
    %mul3A_1 = arith.constant 632 : i32
    %mul3A_2 = arith.muli %arg1, %mul3A_1 : i32
    "tpu.region"() ({
      %run_scoped3A = tpu.sem_alloc : memref<!tpu.dma_semaphore, #tpu.memory_space<semaphore_mem>>
      %dma_start3A_347 = arith.constant 0 : i32
      %dma_start3A_348 = tpu.memref_slice %arg21[%mul3A_2, %dma_start3A_347] : memref<10112x128xf32, #tpu.memory_space<vmem_shared>> -> memref<632x128xf32, #tpu.memory_space<vmem_shared>>
      %dma_start3A_349 = arith.constant 0 : i32
      %dma_start3A_350 = tpu.memref_slice %arg5[%mul3A_2, %dma_start3A_349] : memref<10112x128xf32, #tpu.memory_space<hbm>> -> memref<632x128xf32, #tpu.memory_space<hbm>>
      tpu.enqueue_dma source(%dma_start3A_350 : memref<632x128xf32, #tpu.memory_space<hbm>>) target(%dma_start3A_348 : memref<632x128xf32, #tpu.memory_space<vmem_shared>>) target_semaphore(%run_scoped3A : memref<!tpu.dma_semaphore, #tpu.memory_space<semaphore_mem>>)
      %dma_wait3A_351 = arith.constant 0 : i32
      %dma_wait3A_352 = tpu.memref_slice %arg21[%mul3A_2, %dma_wait3A_351] : memref<10112x128xf32, #tpu.memory_space<vmem_shared>> -> memref<632x128xf32, #tpu.memory_space<vmem_shared>>
      %dma_wait3A_353 = arith.constant 0 : i32
      %dma_wait3A_354 = tpu.memref_slice %arg5[%mul3A_2, %dma_wait3A_353] : memref<10112x128xf32, #tpu.memory_space<hbm>> -> memref<632x128xf32, #tpu.memory_space<hbm>>
      tpu.wait_dma2 semaphore(%run_scoped3A : memref<!tpu.dma_semaphore, #tpu.memory_space<semaphore_mem>>) src(%dma_wait3A_354 : memref<632x128xf32, #tpu.memory_space<hbm>>) dst(%dma_wait3A_352 : memref<632x128xf32, #tpu.memory_space<vmem_shared>>)
      tpu.yield
    }) : () -> ()
    "tpu.region"() ({
      %run_scoped3A = tpu.sem_alloc : memref<!tpu.dma_semaphore, #tpu.memory_space<semaphore_mem>>
      %dma_start3A_347 = arith.constant 0 : i32
      %dma_start3A_348 = arith.constant 0 : i32
      %dma_start3A_349 = tpu.memref_slice %arg3[%add3A, %dma_start3A_347, %dma_start3A_348] : memref<32x125x80xi32, #tpu.memory_space<hbm>> -> memref<1x125x80xi32, #tpu.memory_space<hbm>>
      %dma_start3A_350 = tpu.memref_squeeze %dma_start3A_349 : memref<1x125x80xi32, #tpu.memory_space<hbm>> -> memref<125x80xi32, #tpu.memory_space<hbm>>
      %dma_start3A_351 = arith.constant 0 : i32
      %dma_start3A_352 = arith.constant 0 : i32
      %dma_start3A_353 = tpu.memref_slice %arg3[%add3A, %dma_start3A_351, %dma_start3A_352] : memref<32x125x80xi32, #tpu.memory_space<hbm>> -> memref<1x125x80xi32, #tpu.memory_space<hbm>>
      %dma_start3A_354 = tpu.memref_squeeze %dma_start3A_353 : memref<1x125x80xi32, #tpu.memory_space<hbm>> -> memref<125x80xi32, #tpu.memory_space<hbm>>
      tpu.enqueue_dma source(%dma_start3A_354 : memref<125x80xi32, #tpu.memory_space<hbm>>) target(%arg7 : memref<125x80xi32, #tpu.memory_space<vmem>>) target_semaphore(%run_scoped3A : memref<!tpu.dma_semaphore, #tpu.memory_space<semaphore_mem>>)
      %dma_wait3A_355 = arith.constant 0 : i32
      %dma_wait3A_356 = arith.constant 0 : i32
      %dma_wait3A_357 = tpu.memref_slice %arg3[%add3A, %dma_wait3A_355, %dma_wait3A_356] : memref<32x125x80xi32, #tpu.memory_space<hbm>> -> memref<1x125x80xi32, #tpu.memory_space<hbm>>
      %dma_wait3A_358 = tpu.memref_squeeze %dma_wait3A_357 : memref<1x125x80xi32, #tpu.memory_space<hbm>> -> memref<125x80xi32, #tpu.memory_space<hbm>>
      %dma_wait3A_359 = arith.constant 0 : i32
      %dma_wait3A_360 = arith.constant 0 : i32
      %dma_wait3A_361 = tpu.memref_slice %arg3[%add3A, %dma_wait3A_359, %dma_wait3A_360] : memref<32x125x80xi32, #tpu.memory_space<hbm>> -> memref<1x125x80xi32, #tpu.memory_space<hbm>>
      %dma_wait3A_362 = tpu.memref_squeeze %dma_wait3A_361 : memref<1x125x80xi32, #tpu.memory_space<hbm>> -> memref<125x80xi32, #tpu.memory_space<hbm>>
      tpu.wait_dma2 semaphore(%run_scoped3A : memref<!tpu.dma_semaphore, #tpu.memory_space<semaphore_mem>>) src(%dma_wait3A_362 : memref<125x80xi32, #tpu.memory_space<hbm>>) dst(%arg7 : memref<125x80xi32, #tpu.memory_space<vmem>>)
      tpu.yield
    }) : () -> ()
    %barrier3A = arith.constant 0 : index
    tpu.barrier barrier_id(%barrier3A)
    %dma_start3A = arith.constant 0 : i32
    %dma_start3A_3 = arith.constant 0 : i32
    %dma_start3A_4 = tpu.memref_slice %arg8[%dma_start3A, %dma_start3A_3] : memref<3x80xi32, #tpu.memory_space<vmem>> -> memref<1x80xi32, #tpu.memory_space<vmem>>
    %dma_start3A_5 = arith.constant 0 : i32
    %dma_start3A_6 = arith.constant 0 : i32
    %dma_start3A_7 = tpu.memref_slice %arg4[%add3A, %dma_start3A_5, %dma_start3A_6] : memref<32x125x80xi32, #tpu.memory_space<hbm>> -> memref<1x125x80xi32, #tpu.memory_space<hbm>>
    %dma_start3A_8 = tpu.memref_squeeze %dma_start3A_7 : memref<1x125x80xi32, #tpu.memory_space<hbm>> -> memref<125x80xi32, #tpu.memory_space<hbm>>
    %dma_start3A_9 = arith.constant 0 : i32
    %dma_start3A_10 = arith.constant 0 : i32
    %dma_start3A_11 = tpu.memref_slice %dma_start3A_8[%dma_start3A_9, %dma_start3A_10] : memref<125x80xi32, #tpu.memory_space<hbm>> -> memref<1x80xi32, #tpu.memory_space<hbm>>
    %dma_start3A_12 = arith.constant 0 : i32
    %dma_start3A_13 = arith.constant 0 : i32
    %dma_start3A_14 = tpu.memref_slice %arg8[%dma_start3A_12, %dma_start3A_13] : memref<3x80xi32, #tpu.memory_space<vmem>> -> memref<1x80xi32, #tpu.memory_space<vmem>>
    %dma_start3A_15 = arith.constant 0 : i32
    %dma_start3A_16 = arith.constant 0 : i32
    %dma_start3A_17 = tpu.memref_slice %arg4[%add3A, %dma_start3A_15, %dma_start3A_16] : memref<32x125x80xi32, #tpu.memory_space<hbm>> -> memref<1x125x80xi32, #tpu.memory_space<hbm>>
    %dma_start3A_18 = tpu.memref_squeeze %dma_start3A_17 : memref<1x125x80xi32, #tpu.memory_space<hbm>> -> memref<125x80xi32, #tpu.memory_space<hbm>>
    %dma_start3A_19 = arith.constant 0 : i32
    %dma_start3A_20 = arith.constant 0 : i32
    %dma_start3A_21 = tpu.memref_slice %dma_start3A_18[%dma_start3A_19, %dma_start3A_20] : memref<125x80xi32, #tpu.memory_space<hbm>> -> memref<1x80xi32, #tpu.memory_space<hbm>>
    tpu.enqueue_dma source(%dma_start3A_21 : memref<1x80xi32, #tpu.memory_space<hbm>>) target(%dma_start3A_14 : memref<1x80xi32, #tpu.memory_space<vmem>>) target_semaphore(%arg15 : memref<!tpu.dma_semaphore, #tpu.memory_space<semaphore_mem>>)
    %dma_start3A_22 = arith.constant 1 : i32
    %dma_start3A_23 = arith.constant 0 : i32
    %dma_start3A_24 = tpu.memref_slice %arg8[%dma_start3A_22, %dma_start3A_23] : memref<3x80xi32, #tpu.memory_space<vmem>> -> memref<1x80xi32, #tpu.memory_space<vmem>>
    %dma_start3A_25 = arith.constant 0 : i32
    %dma_start3A_26 = arith.constant 0 : i32
    %dma_start3A_27 = tpu.memref_slice %arg4[%add3A, %dma_start3A_25, %dma_start3A_26] : memref<32x125x80xi32, #tpu.memory_space<hbm>> -> memref<1x125x80xi32, #tpu.memory_space<hbm>>
    %dma_start3A_28 = tpu.memref_squeeze %dma_start3A_27 : memref<1x125x80xi32, #tpu.memory_space<hbm>> -> memref<125x80xi32, #tpu.memory_space<hbm>>
    %dma_start3A_29 = arith.constant 1 : i32
    %dma_start3A_30 = arith.constant 0 : i32
    %dma_start3A_31 = tpu.memref_slice %dma_start3A_28[%dma_start3A_29, %dma_start3A_30] : memref<125x80xi32, #tpu.memory_space<hbm>> -> memref<1x80xi32, #tpu.memory_space<hbm>>
    %dma_start3A_32 = arith.constant 1 : i32
    %dma_start3A_33 = arith.constant 0 : i32
    %dma_start3A_34 = tpu.memref_slice %arg8[%dma_start3A_32, %dma_start3A_33] : memref<3x80xi32, #tpu.memory_space<vmem>> -> memref<1x80xi32, #tpu.memory_space<vmem>>
    %dma_start3A_35 = arith.constant 0 : i32
    %dma_start3A_36 = arith.constant 0 : i32
    %dma_start3A_37 = tpu.memref_slice %arg4[%add3A, %dma_start3A_35, %dma_start3A_36] : memref<32x125x80xi32, #tpu.memory_space<hbm>> -> memref<1x125x80xi32, #tpu.memory_space<hbm>>
    %dma_start3A_38 = tpu.memref_squeeze %dma_start3A_37 : memref<1x125x80xi32, #tpu.memory_space<hbm>> -> memref<125x80xi32, #tpu.memory_space<hbm>>
    %dma_start3A_39 = arith.constant 1 : i32
    %dma_start3A_40 = arith.constant 0 : i32
    %dma_start3A_41 = tpu.memref_slice %dma_start3A_38[%dma_start3A_39, %dma_start3A_40] : memref<125x80xi32, #tpu.memory_space<hbm>> -> memref<1x80xi32, #tpu.memory_space<hbm>>
    tpu.enqueue_dma source(%dma_start3A_41 : memref<1x80xi32, #tpu.memory_space<hbm>>) target(%dma_start3A_34 : memref<1x80xi32, #tpu.memory_space<vmem>>) target_semaphore(%arg16 : memref<!tpu.dma_semaphore, #tpu.memory_space<semaphore_mem>>)
    %dma_start3A_42 = arith.constant 2 : i32
    %dma_start3A_43 = arith.constant 0 : i32
    %dma_start3A_44 = tpu.memref_slice %arg8[%dma_start3A_42, %dma_start3A_43] : memref<3x80xi32, #tpu.memory_space<vmem>> -> memref<1x80xi32, #tpu.memory_space<vmem>>
    %dma_start3A_45 = arith.constant 0 : i32
    %dma_start3A_46 = arith.constant 0 : i32
    %dma_start3A_47 = tpu.memref_slice %arg4[%add3A, %dma_start3A_45, %dma_start3A_46] : memref<32x125x80xi32, #tpu.memory_space<hbm>> -> memref<1x125x80xi32, #tpu.memory_space<hbm>>
    %dma_start3A_48 = tpu.memref_squeeze %dma_start3A_47 : memref<1x125x80xi32, #tpu.memory_space<hbm>> -> memref<125x80xi32, #tpu.memory_space<hbm>>
    %dma_start3A_49 = arith.constant 2 : i32
    %dma_start3A_50 = arith.constant 0 : i32
    %dma_start3A_51 = tpu.memref_slice %dma_start3A_48[%dma_start3A_49, %dma_start3A_50] : memref<125x80xi32, #tpu.memory_space<hbm>> -> memref<1x80xi32, #tpu.memory_space<hbm>>
    %dma_start3A_52 = arith.constant 2 : i32
    %dma_start3A_53 = arith.constant 0 : i32
    %dma_start3A_54 = tpu.memref_slice %arg8[%dma_start3A_52, %dma_start3A_53] : memref<3x80xi32, #tpu.memory_space<vmem>> -> memref<1x80xi32, #tpu.memory_space<vmem>>
    %dma_start3A_55 = arith.constant 0 : i32
    %dma_start3A_56 = arith.constant 0 : i32
    %dma_start3A_57 = tpu.memref_slice %arg4[%add3A, %dma_start3A_55, %dma_start3A_56] : memref<32x125x80xi32, #tpu.memory_space<hbm>> -> memref<1x125x80xi32, #tpu.memory_space<hbm>>
    %dma_start3A_58 = tpu.memref_squeeze %dma_start3A_57 : memref<1x125x80xi32, #tpu.memory_space<hbm>> -> memref<125x80xi32, #tpu.memory_space<hbm>>
    %dma_start3A_59 = arith.constant 2 : i32
    %dma_start3A_60 = arith.constant 0 : i32
    %dma_start3A_61 = tpu.memref_slice %dma_start3A_58[%dma_start3A_59, %dma_start3A_60] : memref<125x80xi32, #tpu.memory_space<hbm>> -> memref<1x80xi32, #tpu.memory_space<hbm>>
    tpu.enqueue_dma source(%dma_start3A_61 : memref<1x80xi32, #tpu.memory_space<hbm>>) target(%dma_start3A_54 : memref<1x80xi32, #tpu.memory_space<vmem>>) target_semaphore(%arg17 : memref<!tpu.dma_semaphore, #tpu.memory_space<semaphore_mem>>)
    %dma_start3A_62 = arith.constant 0 : i32
    %dma_start3A_63 = arith.constant 0 : i32
    %dma_start3A_64 = tpu.memref_slice %arg7[%dma_start3A_62, %dma_start3A_63] : memref<125x80xi32, #tpu.memory_space<vmem>> -> memref<1x80xi32, #tpu.memory_space<vmem>>
    %dma_start3A_65 = tpu.memref_squeeze %dma_start3A_64 : memref<1x80xi32, #tpu.memory_space<vmem>> -> memref<80xi32, #tpu.memory_space<vmem>>
    %dma_start3A_66 = arith.constant 0 : i32
    %dma_start3A_67 = arith.constant 0 : i32
    %dma_start3A_68 = tpu.memref_slice %arg2[%dma_start3A_66, %dma_start3A_67] : memref<10000x128xf32, #tpu.memory_space<hbm>> -> memref<10000x128xf32, #tpu.memory_space<hbm>>
    tpu.enqueue_indirect_dma source(%dma_start3A_68 : memref<10000x128xf32, #tpu.memory_space<hbm>>) target(%arg9 : memref<80x128xf32, #tpu.memory_space<vmem>>) offsets(%dma_start3A_65 : memref<80xi32, #tpu.memory_space<vmem>>) semaphore(%arg12 : memref<!tpu.dma_semaphore, #tpu.memory_space<semaphore_mem>>)
    %dma_start3A_69 = arith.constant 1 : i32
    %dma_start3A_70 = arith.constant 0 : i32
    %dma_start3A_71 = tpu.memref_slice %arg7[%dma_start3A_69, %dma_start3A_70] : memref<125x80xi32, #tpu.memory_space<vmem>> -> memref<1x80xi32, #tpu.memory_space<vmem>>
    %dma_start3A_72 = tpu.memref_squeeze %dma_start3A_71 : memref<1x80xi32, #tpu.memory_space<vmem>> -> memref<80xi32, #tpu.memory_space<vmem>>
    %dma_start3A_73 = arith.constant 0 : i32
    %dma_start3A_74 = arith.constant 0 : i32
    %dma_start3A_75 = tpu.memref_slice %arg2[%dma_start3A_73, %dma_start3A_74] : memref<10000x128xf32, #tpu.memory_space<hbm>> -> memref<10000x128xf32, #tpu.memory_space<hbm>>
    tpu.enqueue_indirect_dma source(%dma_start3A_75 : memref<10000x128xf32, #tpu.memory_space<hbm>>) target(%arg10 : memref<80x128xf32, #tpu.memory_space<vmem>>) offsets(%dma_start3A_72 : memref<80xi32, #tpu.memory_space<vmem>>) semaphore(%arg13 : memref<!tpu.dma_semaphore, #tpu.memory_space<semaphore_mem>>)
    %dma_wait3A = arith.constant 0 : i32
    %dma_wait3A_76 = arith.constant 0 : i32
    %dma_wait3A_77 = tpu.memref_slice %arg7[%dma_wait3A, %dma_wait3A_76] : memref<125x80xi32, #tpu.memory_space<vmem>> -> memref<1x80xi32, #tpu.memory_space<vmem>>
    %dma_wait3A_78 = tpu.memref_squeeze %dma_wait3A_77 : memref<1x80xi32, #tpu.memory_space<vmem>> -> memref<80xi32, #tpu.memory_space<vmem>>
    %dma_wait3A_79 = arith.constant 0 : i32
    %dma_wait3A_80 = arith.constant 0 : i32
    %dma_wait3A_81 = tpu.memref_slice %arg2[%dma_wait3A_79, %dma_wait3A_80] : memref<10000x128xf32, #tpu.memory_space<hbm>> -> memref<10000x128xf32, #tpu.memory_space<hbm>>
    tpu.wait_indirect_dma semaphore(%arg12 : memref<!tpu.dma_semaphore, #tpu.memory_space<semaphore_mem>>) src(%dma_wait3A_81 : memref<10000x128xf32, #tpu.memory_space<hbm>>) dst(%arg9 : memref<80x128xf32, #tpu.memory_space<vmem>>)
    %dma_wait3A_82 = arith.constant 0 : i32
    %dma_wait3A_83 = arith.constant 0 : i32
    %dma_wait3A_84 = tpu.memref_slice %arg8[%dma_wait3A_82, %dma_wait3A_83] : memref<3x80xi32, #tpu.memory_space<vmem>> -> memref<1x80xi32, #tpu.memory_space<vmem>>
    %dma_wait3A_85 = arith.constant 0 : i32
    %dma_wait3A_86 = arith.constant 0 : i32
    %dma_wait3A_87 = tpu.memref_slice %arg4[%add3A, %dma_wait3A_85, %dma_wait3A_86] : memref<32x125x80xi32, #tpu.memory_space<hbm>> -> memref<1x125x80xi32, #tpu.memory_space<hbm>>
    %dma_wait3A_88 = tpu.memref_squeeze %dma_wait3A_87 : memref<1x125x80xi32, #tpu.memory_space<hbm>> -> memref<125x80xi32, #tpu.memory_space<hbm>>
    %dma_wait3A_89 = arith.constant 0 : i32
    %dma_wait3A_90 = arith.constant 0 : i32
    %dma_wait3A_91 = tpu.memref_slice %dma_wait3A_88[%dma_wait3A_89, %dma_wait3A_90] : memref<125x80xi32, #tpu.memory_space<hbm>> -> memref<1x80xi32, #tpu.memory_space<hbm>>
    %dma_wait3A_92 = arith.constant 0 : i32
    %dma_wait3A_93 = arith.constant 0 : i32
    %dma_wait3A_94 = tpu.memref_slice %arg8[%dma_wait3A_92, %dma_wait3A_93] : memref<3x80xi32, #tpu.memory_space<vmem>> -> memref<1x80xi32, #tpu.memory_space<vmem>>
    %dma_wait3A_95 = arith.constant 0 : i32
    %dma_wait3A_96 = arith.constant 0 : i32
    %dma_wait3A_97 = tpu.memref_slice %arg4[%add3A, %dma_wait3A_95, %dma_wait3A_96] : memref<32x125x80xi32, #tpu.memory_space<hbm>> -> memref<1x125x80xi32, #tpu.memory_space<hbm>>
    %dma_wait3A_98 = tpu.memref_squeeze %dma_wait3A_97 : memref<1x125x80xi32, #tpu.memory_space<hbm>> -> memref<125x80xi32, #tpu.memory_space<hbm>>
    %dma_wait3A_99 = arith.constant 0 : i32
    %dma_wait3A_100 = arith.constant 0 : i32
    %dma_wait3A_101 = tpu.memref_slice %dma_wait3A_98[%dma_wait3A_99, %dma_wait3A_100] : memref<125x80xi32, #tpu.memory_space<hbm>> -> memref<1x80xi32, #tpu.memory_space<hbm>>
    tpu.wait_dma2 semaphore(%arg15 : memref<!tpu.dma_semaphore, #tpu.memory_space<semaphore_mem>>) src(%dma_wait3A_101 : memref<1x80xi32, #tpu.memory_space<hbm>>) dst(%dma_wait3A_94 : memref<1x80xi32, #tpu.memory_space<vmem>>)
    %dma_start3A_102 = arith.constant 2 : i32
    %dma_start3A_103 = arith.constant 0 : i32
    %dma_start3A_104 = tpu.memref_slice %arg7[%dma_start3A_102, %dma_start3A_103] : memref<125x80xi32, #tpu.memory_space<vmem>> -> memref<1x80xi32, #tpu.memory_space<vmem>>
    %dma_start3A_105 = tpu.memref_squeeze %dma_start3A_104 : memref<1x80xi32, #tpu.memory_space<vmem>> -> memref<80xi32, #tpu.memory_space<vmem>>
    %dma_start3A_106 = arith.constant 0 : i32
    %dma_start3A_107 = arith.constant 0 : i32
    %dma_start3A_108 = tpu.memref_slice %arg2[%dma_start3A_106, %dma_start3A_107] : memref<10000x128xf32, #tpu.memory_space<hbm>> -> memref<10000x128xf32, #tpu.memory_space<hbm>>
    tpu.enqueue_indirect_dma source(%dma_start3A_108 : memref<10000x128xf32, #tpu.memory_space<hbm>>) target(%arg11 : memref<80x128xf32, #tpu.memory_space<vmem>>) offsets(%dma_start3A_105 : memref<80xi32, #tpu.memory_space<vmem>>) semaphore(%arg14 : memref<!tpu.dma_semaphore, #tpu.memory_space<semaphore_mem>>)
    %dma_start3A_109 = arith.constant 0 : i32
    %dma_start3A_110 = arith.constant 0 : i32
    %dma_start3A_111 = tpu.memref_slice %arg8[%dma_start3A_109, %dma_start3A_110] : memref<3x80xi32, #tpu.memory_space<vmem>> -> memref<1x80xi32, #tpu.memory_space<vmem>>
    %dma_start3A_112 = tpu.memref_squeeze %dma_start3A_111 : memref<1x80xi32, #tpu.memory_space<vmem>> -> memref<80xi32, #tpu.memory_space<vmem>>
    %dma_start3A_113 = arith.constant 0 : i32
    %dma_start3A_114 = arith.constant 0 : i32
    %dma_start3A_115 = tpu.memref_slice %arg21[%dma_start3A_113, %dma_start3A_114] : memref<10112x128xf32, #tpu.memory_space<vmem_shared>> -> memref<10112x128xf32, #tpu.memory_space<vmem_shared>>
    tpu.enqueue_indirect_dma source(%arg9 : memref<80x128xf32, #tpu.memory_space<vmem>>) target(%dma_start3A_115 : memref<10112x128xf32, #tpu.memory_space<vmem_shared>>) offsets(%dma_start3A_112 : memref<80xi32, #tpu.memory_space<vmem>>) semaphore(%arg18 : memref<!tpu.dma_semaphore, #tpu.memory_space<semaphore_mem>>) {add = true}
    %scan3A = arith.constant 0 : i32
    %scan3A_116 = arith.constant 0 : i32
    %scan3A_117 = arith.constant 40 : i32
    %scan3A_118 = arith.addi %scan3A_116, %scan3A_117 : i32
    %scan3A_119 = arith.constant 1 : i32
    scf.for %scan3A_347 = %scan3A_116 to %scan3A_118 step %scan3A_119  : i32 {
      %mul3A_348 = arith.constant 3 : i32
      %mul3A_349 = arith.muli %mul3A_348, %scan3A_347 : i32
      %add3A_350 = arith.constant 1 : i32
      %add3A_351 = arith.addi %mul3A_349, %add3A_350 : i32
      %dma_wait3A_352 = arith.constant 0 : i32
      %dma_wait3A_353 = arith.constant 0 : i32
      %dma_wait3A_354 = tpu.memref_slice %arg8[%dma_wait3A_352, %dma_wait3A_353] : memref<3x80xi32, #tpu.memory_space<vmem>> -> memref<1x80xi32, #tpu.memory_space<vmem>>
      %dma_wait3A_355 = tpu.memref_squeeze %dma_wait3A_354 : memref<1x80xi32, #tpu.memory_space<vmem>> -> memref<80xi32, #tpu.memory_space<vmem>>
      %dma_wait3A_356 = arith.constant 0 : i32
      %dma_wait3A_357 = arith.constant 0 : i32
      %dma_wait3A_358 = tpu.memref_slice %arg21[%dma_wait3A_356, %dma_wait3A_357] : memref<10112x128xf32, #tpu.memory_space<vmem_shared>> -> memref<10112x128xf32, #tpu.memory_space<vmem_shared>>
      tpu.wait_indirect_dma semaphore(%arg18 : memref<!tpu.dma_semaphore, #tpu.memory_space<semaphore_mem>>) src(%arg9 : memref<80x128xf32, #tpu.memory_space<vmem>>) dst(%dma_wait3A_358 : memref<10112x128xf32, #tpu.memory_space<vmem_shared>>)
      %add3A_359 = arith.constant 2 : i32
      %add3A_360 = arith.addi %add3A_351, %add3A_359 : i32
      %dma_start3A_361 = arith.constant 0 : i32
      %dma_start3A_362 = arith.constant 0 : i32
      %dma_start3A_363 = tpu.memref_slice %arg8[%dma_start3A_361, %dma_start3A_362] : memref<3x80xi32, #tpu.memory_space<vmem>> -> memref<1x80xi32, #tpu.memory_space<vmem>>
      %dma_start3A_364 = arith.constant 0 : i32
      %dma_start3A_365 = arith.constant 0 : i32
      %dma_start3A_366 = tpu.memref_slice %arg4[%add3A, %dma_start3A_364, %dma_start3A_365] : memref<32x125x80xi32, #tpu.memory_space<hbm>> -> memref<1x125x80xi32, #tpu.memory_space<hbm>>
      %dma_start3A_367 = tpu.memref_squeeze %dma_start3A_366 : memref<1x125x80xi32, #tpu.memory_space<hbm>> -> memref<125x80xi32, #tpu.memory_space<hbm>>
      %dma_start3A_368 = arith.constant 0 : i32
      %dma_start3A_369 = tpu.memref_slice %dma_start3A_367[%add3A_360, %dma_start3A_368] : memref<125x80xi32, #tpu.memory_space<hbm>> -> memref<1x80xi32, #tpu.memory_space<hbm>>
      %dma_start3A_370 = arith.constant 0 : i32
      %dma_start3A_371 = arith.constant 0 : i32
      %dma_start3A_372 = tpu.memref_slice %arg8[%dma_start3A_370, %dma_start3A_371] : memref<3x80xi32, #tpu.memory_space<vmem>> -> memref<1x80xi32, #tpu.memory_space<vmem>>
      %dma_start3A_373 = arith.constant 0 : i32
      %dma_start3A_374 = arith.constant 0 : i32
      %dma_start3A_375 = tpu.memref_slice %arg4[%add3A, %dma_start3A_373, %dma_start3A_374] : memref<32x125x80xi32, #tpu.memory_space<hbm>> -> memref<1x125x80xi32, #tpu.memory_space<hbm>>
      %dma_start3A_376 = tpu.memref_squeeze %dma_start3A_375 : memref<1x125x80xi32, #tpu.memory_space<hbm>> -> memref<125x80xi32, #tpu.memory_space<hbm>>
      %dma_start3A_377 = arith.constant 0 : i32
      %dma_start3A_378 = tpu.memref_slice %dma_start3A_376[%add3A_360, %dma_start3A_377] : memref<125x80xi32, #tpu.memory_space<hbm>> -> memref<1x80xi32, #tpu.memory_space<hbm>>
      tpu.enqueue_dma source(%dma_start3A_378 : memref<1x80xi32, #tpu.memory_space<hbm>>) target(%dma_start3A_372 : memref<1x80xi32, #tpu.memory_space<vmem>>) target_semaphore(%arg15 : memref<!tpu.dma_semaphore, #tpu.memory_space<semaphore_mem>>)
      %dma_wait3A_379 = arith.constant 0 : i32
      %dma_wait3A_380 = tpu.memref_slice %arg7[%add3A_351, %dma_wait3A_379] : memref<125x80xi32, #tpu.memory_space<vmem>> -> memref<1x80xi32, #tpu.memory_space<vmem>>
      %dma_wait3A_381 = tpu.memref_squeeze %dma_wait3A_380 : memref<1x80xi32, #tpu.memory_space<vmem>> -> memref<80xi32, #tpu.memory_space<vmem>>
      %dma_wait3A_382 = arith.constant 0 : i32
      %dma_wait3A_383 = arith.constant 0 : i32
      %dma_wait3A_384 = tpu.memref_slice %arg2[%dma_wait3A_382, %dma_wait3A_383] : memref<10000x128xf32, #tpu.memory_space<hbm>> -> memref<10000x128xf32, #tpu.memory_space<hbm>>
      tpu.wait_indirect_dma semaphore(%arg13 : memref<!tpu.dma_semaphore, #tpu.memory_space<semaphore_mem>>) src(%dma_wait3A_384 : memref<10000x128xf32, #tpu.memory_space<hbm>>) dst(%arg10 : memref<80x128xf32, #tpu.memory_space<vmem>>)
      %dma_wait3A_385 = arith.constant 1 : i32
      %dma_wait3A_386 = arith.constant 0 : i32
      %dma_wait3A_387 = tpu.memref_slice %arg8[%dma_wait3A_385, %dma_wait3A_386] : memref<3x80xi32, #tpu.memory_space<vmem>> -> memref<1x80xi32, #tpu.memory_space<vmem>>
      %dma_wait3A_388 = arith.constant 0 : i32
      %dma_wait3A_389 = arith.constant 0 : i32
      %dma_wait3A_390 = tpu.memref_slice %arg4[%add3A, %dma_wait3A_388, %dma_wait3A_389] : memref<32x125x80xi32, #tpu.memory_space<hbm>> -> memref<1x125x80xi32, #tpu.memory_space<hbm>>
      %dma_wait3A_391 = tpu.memref_squeeze %dma_wait3A_390 : memref<1x125x80xi32, #tpu.memory_space<hbm>> -> memref<125x80xi32, #tpu.memory_space<hbm>>
      %dma_wait3A_392 = arith.constant 0 : i32
      %dma_wait3A_393 = tpu.memref_slice %dma_wait3A_391[%add3A_351, %dma_wait3A_392] : memref<125x80xi32, #tpu.memory_space<hbm>> -> memref<1x80xi32, #tpu.memory_space<hbm>>
      %dma_wait3A_394 = arith.constant 1 : i32
      %dma_wait3A_395 = arith.constant 0 : i32
      %dma_wait3A_396 = tpu.memref_slice %arg8[%dma_wait3A_394, %dma_wait3A_395] : memref<3x80xi32, #tpu.memory_space<vmem>> -> memref<1x80xi32, #tpu.memory_space<vmem>>
      %dma_wait3A_397 = arith.constant 0 : i32
      %dma_wait3A_398 = arith.constant 0 : i32
      %dma_wait3A_399 = tpu.memref_slice %arg4[%add3A, %dma_wait3A_397, %dma_wait3A_398] : memref<32x125x80xi32, #tpu.memory_space<hbm>> -> memref<1x125x80xi32, #tpu.memory_space<hbm>>
      %dma_wait3A_400 = tpu.memref_squeeze %dma_wait3A_399 : memref<1x125x80xi32, #tpu.memory_space<hbm>> -> memref<125x80xi32, #tpu.memory_space<hbm>>
      %dma_wait3A_401 = arith.constant 0 : i32
      %dma_wait3A_402 = tpu.memref_slice %dma_wait3A_400[%add3A_351, %dma_wait3A_401] : memref<125x80xi32, #tpu.memory_space<hbm>> -> memref<1x80xi32, #tpu.memory_space<hbm>>
      tpu.wait_dma2 semaphore(%arg16 : memref<!tpu.dma_semaphore, #tpu.memory_space<semaphore_mem>>) src(%dma_wait3A_402 : memref<1x80xi32, #tpu.memory_space<hbm>>) dst(%dma_wait3A_396 : memref<1x80xi32, #tpu.memory_space<vmem>>)
      %add3A_403 = arith.constant 2 : i32
      %add3A_404 = arith.addi %add3A_351, %add3A_403 : i32
      %dma_start3A_405 = arith.constant 0 : i32
      %dma_start3A_406 = tpu.memref_slice %arg7[%add3A_404, %dma_start3A_405] : memref<125x80xi32, #tpu.memory_space<vmem>> -> memref<1x80xi32, #tpu.memory_space<vmem>>
      %dma_start3A_407 = tpu.memref_squeeze %dma_start3A_406 : memref<1x80xi32, #tpu.memory_space<vmem>> -> memref<80xi32, #tpu.memory_space<vmem>>
      %dma_start3A_408 = arith.constant 0 : i32
      %dma_start3A_409 = arith.constant 0 : i32
      %dma_start3A_410 = tpu.memref_slice %arg2[%dma_start3A_408, %dma_start3A_409] : memref<10000x128xf32, #tpu.memory_space<hbm>> -> memref<10000x128xf32, #tpu.memory_space<hbm>>
      tpu.enqueue_indirect_dma source(%dma_start3A_410 : memref<10000x128xf32, #tpu.memory_space<hbm>>) target(%arg9 : memref<80x128xf32, #tpu.memory_space<vmem>>) offsets(%dma_start3A_407 : memref<80xi32, #tpu.memory_space<vmem>>) semaphore(%arg12 : memref<!tpu.dma_semaphore, #tpu.memory_space<semaphore_mem>>)
      %dma_start3A_411 = arith.constant 1 : i32
      %dma_start3A_412 = arith.constant 0 : i32
      %dma_start3A_413 = tpu.memref_slice %arg8[%dma_start3A_411, %dma_start3A_412] : memref<3x80xi32, #tpu.memory_space<vmem>> -> memref<1x80xi32, #tpu.memory_space<vmem>>
      %dma_start3A_414 = tpu.memref_squeeze %dma_start3A_413 : memref<1x80xi32, #tpu.memory_space<vmem>> -> memref<80xi32, #tpu.memory_space<vmem>>
      %dma_start3A_415 = arith.constant 0 : i32
      %dma_start3A_416 = arith.constant 0 : i32
      %dma_start3A_417 = tpu.memref_slice %arg21[%dma_start3A_415, %dma_start3A_416] : memref<10112x128xf32, #tpu.memory_space<vmem_shared>> -> memref<10112x128xf32, #tpu.memory_space<vmem_shared>>
      tpu.enqueue_indirect_dma source(%arg10 : memref<80x128xf32, #tpu.memory_space<vmem>>) target(%dma_start3A_417 : memref<10112x128xf32, #tpu.memory_space<vmem_shared>>) offsets(%dma_start3A_414 : memref<80xi32, #tpu.memory_space<vmem>>) semaphore(%arg19 : memref<!tpu.dma_semaphore, #tpu.memory_space<semaphore_mem>>) {add = true}
      %add3A_418 = arith.constant 2 : i32
      %add3A_419 = arith.addi %mul3A_349, %add3A_418 : i32
      %dma_wait3A_420 = arith.constant 1 : i32
      %dma_wait3A_421 = arith.constant 0 : i32
      %dma_wait3A_422 = tpu.memref_slice %arg8[%dma_wait3A_420, %dma_wait3A_421] : memref<3x80xi32, #tpu.memory_space<vmem>> -> memref<1x80xi32, #tpu.memory_space<vmem>>
      %dma_wait3A_423 = tpu.memref_squeeze %dma_wait3A_422 : memref<1x80xi32, #tpu.memory_space<vmem>> -> memref<80xi32, #tpu.memory_space<vmem>>
      %dma_wait3A_424 = arith.constant 0 : i32
      %dma_wait3A_425 = arith.constant 0 : i32
      %dma_wait3A_426 = tpu.memref_slice %arg21[%dma_wait3A_424, %dma_wait3A_425] : memref<10112x128xf32, #tpu.memory_space<vmem_shared>> -> memref<10112x128xf32, #tpu.memory_space<vmem_shared>>
      tpu.wait_indirect_dma semaphore(%arg19 : memref<!tpu.dma_semaphore, #tpu.memory_space<semaphore_mem>>) src(%arg10 : memref<80x128xf32, #tpu.memory_space<vmem>>) dst(%dma_wait3A_426 : memref<10112x128xf32, #tpu.memory_space<vmem_shared>>)
      %add3A_427 = arith.constant 2 : i32
      %add3A_428 = arith.addi %add3A_419, %add3A_427 : i32
      %dma_start3A_429 = arith.constant 1 : i32
      %dma_start3A_430 = arith.constant 0 : i32
      %dma_start3A_431 = tpu.memref_slice %arg8[%dma_start3A_429, %dma_start3A_430] : memref<3x80xi32, #tpu.memory_space<vmem>> -> memref<1x80xi32, #tpu.memory_space<vmem>>
      %dma_start3A_432 = arith.constant 0 : i32
      %dma_start3A_433 = arith.constant 0 : i32
      %dma_start3A_434 = tpu.memref_slice %arg4[%add3A, %dma_start3A_432, %dma_start3A_433] : memref<32x125x80xi32, #tpu.memory_space<hbm>> -> memref<1x125x80xi32, #tpu.memory_space<hbm>>
      %dma_start3A_435 = tpu.memref_squeeze %dma_start3A_434 : memref<1x125x80xi32, #tpu.memory_space<hbm>> -> memref<125x80xi32, #tpu.memory_space<hbm>>
      %dma_start3A_436 = arith.constant 0 : i32
      %dma_start3A_437 = tpu.memref_slice %dma_start3A_435[%add3A_428, %dma_start3A_436] : memref<125x80xi32, #tpu.memory_space<hbm>> -> memref<1x80xi32, #tpu.memory_space<hbm>>
      %dma_start3A_438 = arith.constant 1 : i32
      %dma_start3A_439 = arith.constant 0 : i32
      %dma_start3A_440 = tpu.memref_slice %arg8[%dma_start3A_438, %dma_start3A_439] : memref<3x80xi32, #tpu.memory_space<vmem>> -> memref<1x80xi32, #tpu.memory_space<vmem>>
      %dma_start3A_441 = arith.constant 0 : i32
      %dma_start3A_442 = arith.constant 0 : i32
      %dma_start3A_443 = tpu.memref_slice %arg4[%add3A, %dma_start3A_441, %dma_start3A_442] : memref<32x125x80xi32, #tpu.memory_space<hbm>> -> memref<1x125x80xi32, #tpu.memory_space<hbm>>
      %dma_start3A_444 = tpu.memref_squeeze %dma_start3A_443 : memref<1x125x80xi32, #tpu.memory_space<hbm>> -> memref<125x80xi32, #tpu.memory_space<hbm>>
      %dma_start3A_445 = arith.constant 0 : i32
      %dma_start3A_446 = tpu.memref_slice %dma_start3A_444[%add3A_428, %dma_start3A_445] : memref<125x80xi32, #tpu.memory_space<hbm>> -> memref<1x80xi32, #tpu.memory_space<hbm>>
      tpu.enqueue_dma source(%dma_start3A_446 : memref<1x80xi32, #tpu.memory_space<hbm>>) target(%dma_start3A_440 : memref<1x80xi32, #tpu.memory_space<vmem>>) target_semaphore(%arg16 : memref<!tpu.dma_semaphore, #tpu.memory_space<semaphore_mem>>)
      %dma_wait3A_447 = arith.constant 0 : i32
      %dma_wait3A_448 = tpu.memref_slice %arg7[%add3A_419, %dma_wait3A_447] : memref<125x80xi32, #tpu.memory_space<vmem>> -> memref<1x80xi32, #tpu.memory_space<vmem>>
      %dma_wait3A_449 = tpu.memref_squeeze %dma_wait3A_448 : memref<1x80xi32, #tpu.memory_space<vmem>> -> memref<80xi32, #tpu.memory_space<vmem>>
      %dma_wait3A_450 = arith.constant 0 : i32
      %dma_wait3A_451 = arith.constant 0 : i32
      %dma_wait3A_452 = tpu.memref_slice %arg2[%dma_wait3A_450, %dma_wait3A_451] : memref<10000x128xf32, #tpu.memory_space<hbm>> -> memref<10000x128xf32, #tpu.memory_space<hbm>>
      tpu.wait_indirect_dma semaphore(%arg14 : memref<!tpu.dma_semaphore, #tpu.memory_space<semaphore_mem>>) src(%dma_wait3A_452 : memref<10000x128xf32, #tpu.memory_space<hbm>>) dst(%arg11 : memref<80x128xf32, #tpu.memory_space<vmem>>)
      %dma_wait3A_453 = arith.constant 2 : i32
      %dma_wait3A_454 = arith.constant 0 : i32
      %dma_wait3A_455 = tpu.memref_slice %arg8[%dma_wait3A_453, %dma_wait3A_454] : memref<3x80xi32, #tpu.memory_space<vmem>> -> memref<1x80xi32, #tpu.memory_space<vmem>>
      %dma_wait3A_456 = arith.constant 0 : i32
      %dma_wait3A_457 = arith.constant 0 : i32
      %dma_wait3A_458 = tpu.memref_slice %arg4[%add3A, %dma_wait3A_456, %dma_wait3A_457] : memref<32x125x80xi32, #tpu.memory_space<hbm>> -> memref<1x125x80xi32, #tpu.memory_space<hbm>>
      %dma_wait3A_459 = tpu.memref_squeeze %dma_wait3A_458 : memref<1x125x80xi32, #tpu.memory_space<hbm>> -> memref<125x80xi32, #tpu.memory_space<hbm>>
      %dma_wait3A_460 = arith.constant 0 : i32
      %dma_wait3A_461 = tpu.memref_slice %dma_wait3A_459[%add3A_419, %dma_wait3A_460] : memref<125x80xi32, #tpu.memory_space<hbm>> -> memref<1x80xi32, #tpu.memory_space<hbm>>
      %dma_wait3A_462 = arith.constant 2 : i32
      %dma_wait3A_463 = arith.constant 0 : i32
      %dma_wait3A_464 = tpu.memref_slice %arg8[%dma_wait3A_462, %dma_wait3A_463] : memref<3x80xi32, #tpu.memory_space<vmem>> -> memref<1x80xi32, #tpu.memory_space<vmem>>
      %dma_wait3A_465 = arith.constant 0 : i32
      %dma_wait3A_466 = arith.constant 0 : i32
      %dma_wait3A_467 = tpu.memref_slice %arg4[%add3A, %dma_wait3A_465, %dma_wait3A_466] : memref<32x125x80xi32, #tpu.memory_space<hbm>> -> memref<1x125x80xi32, #tpu.memory_space<hbm>>
      %dma_wait3A_468 = tpu.memref_squeeze %dma_wait3A_467 : memref<1x125x80xi32, #tpu.memory_space<hbm>> -> memref<125x80xi32, #tpu.memory_space<hbm>>
      %dma_wait3A_469 = arith.constant 0 : i32
      %dma_wait3A_470 = tpu.memref_slice %dma_wait3A_468[%add3A_419, %dma_wait3A_469] : memref<125x80xi32, #tpu.memory_space<hbm>> -> memref<1x80xi32, #tpu.memory_space<hbm>>
      tpu.wait_dma2 semaphore(%arg17 : memref<!tpu.dma_semaphore, #tpu.memory_space<semaphore_mem>>) src(%dma_wait3A_470 : memref<1x80xi32, #tpu.memory_space<hbm>>) dst(%dma_wait3A_464 : memref<1x80xi32, #tpu.memory_space<vmem>>)
      %add3A_471 = arith.constant 2 : i32
      %add3A_472 = arith.addi %add3A_419, %add3A_471 : i32
      %dma_start3A_473 = arith.constant 0 : i32
      %dma_start3A_474 = tpu.memref_slice %arg7[%add3A_472, %dma_start3A_473] : memref<125x80xi32, #tpu.memory_space<vmem>> -> memref<1x80xi32, #tpu.memory_space<vmem>>
      %dma_start3A_475 = tpu.memref_squeeze %dma_start3A_474 : memref<1x80xi32, #tpu.memory_space<vmem>> -> memref<80xi32, #tpu.memory_space<vmem>>
      %dma_start3A_476 = arith.constant 0 : i32
      %dma_start3A_477 = arith.constant 0 : i32
      %dma_start3A_478 = tpu.memref_slice %arg2[%dma_start3A_476, %dma_start3A_477] : memref<10000x128xf32, #tpu.memory_space<hbm>> -> memref<10000x128xf32, #tpu.memory_space<hbm>>
      tpu.enqueue_indirect_dma source(%dma_start3A_478 : memref<10000x128xf32, #tpu.memory_space<hbm>>) target(%arg10 : memref<80x128xf32, #tpu.memory_space<vmem>>) offsets(%dma_start3A_475 : memref<80xi32, #tpu.memory_space<vmem>>) semaphore(%arg13 : memref<!tpu.dma_semaphore, #tpu.memory_space<semaphore_mem>>)
      %dma_start3A_479 = arith.constant 2 : i32
      %dma_start3A_480 = arith.constant 0 : i32
      %dma_start3A_481 = tpu.memref_slice %arg8[%dma_start3A_479, %dma_start3A_480] : memref<3x80xi32, #tpu.memory_space<vmem>> -> memref<1x80xi32, #tpu.memory_space<vmem>>
      %dma_start3A_482 = tpu.memref_squeeze %dma_start3A_481 : memref<1x80xi32, #tpu.memory_space<vmem>> -> memref<80xi32, #tpu.memory_space<vmem>>
      %dma_start3A_483 = arith.constant 0 : i32
      %dma_start3A_484 = arith.constant 0 : i32
      %dma_start3A_485 = tpu.memref_slice %arg21[%dma_start3A_483, %dma_start3A_484] : memref<10112x128xf32, #tpu.memory_space<vmem_shared>> -> memref<10112x128xf32, #tpu.memory_space<vmem_shared>>
      tpu.enqueue_indirect_dma source(%arg11 : memref<80x128xf32, #tpu.memory_space<vmem>>) target(%dma_start3A_485 : memref<10112x128xf32, #tpu.memory_space<vmem_shared>>) offsets(%dma_start3A_482 : memref<80xi32, #tpu.memory_space<vmem>>) semaphore(%arg20 : memref<!tpu.dma_semaphore, #tpu.memory_space<semaphore_mem>>) {add = true}
      %add3A_486 = arith.constant 3 : i32
      %add3A_487 = arith.addi %mul3A_349, %add3A_486 : i32
      %dma_wait3A_488 = arith.constant 2 : i32
      %dma_wait3A_489 = arith.constant 0 : i32
      %dma_wait3A_490 = tpu.memref_slice %arg8[%dma_wait3A_488, %dma_wait3A_489] : memref<3x80xi32, #tpu.memory_space<vmem>> -> memref<1x80xi32, #tpu.memory_space<vmem>>
      %dma_wait3A_491 = tpu.memref_squeeze %dma_wait3A_490 : memref<1x80xi32, #tpu.memory_space<vmem>> -> memref<80xi32, #tpu.memory_space<vmem>>
      %dma_wait3A_492 = arith.constant 0 : i32
      %dma_wait3A_493 = arith.constant 0 : i32
      %dma_wait3A_494 = tpu.memref_slice %arg21[%dma_wait3A_492, %dma_wait3A_493] : memref<10112x128xf32, #tpu.memory_space<vmem_shared>> -> memref<10112x128xf32, #tpu.memory_space<vmem_shared>>
      tpu.wait_indirect_dma semaphore(%arg20 : memref<!tpu.dma_semaphore, #tpu.memory_space<semaphore_mem>>) src(%arg11 : memref<80x128xf32, #tpu.memory_space<vmem>>) dst(%dma_wait3A_494 : memref<10112x128xf32, #tpu.memory_space<vmem_shared>>)
      %add3A_495 = arith.constant 2 : i32
      %add3A_496 = arith.addi %add3A_487, %add3A_495 : i32
      %dma_start3A_497 = arith.constant 2 : i32
      %dma_start3A_498 = arith.constant 0 : i32
      %dma_start3A_499 = tpu.memref_slice %arg8[%dma_start3A_497, %dma_start3A_498] : memref<3x80xi32, #tpu.memory_space<vmem>> -> memref<1x80xi32, #tpu.memory_space<vmem>>
      %dma_start3A_500 = arith.constant 0 : i32
      %dma_start3A_501 = arith.constant 0 : i32
      %dma_start3A_502 = tpu.memref_slice %arg4[%add3A, %dma_start3A_500, %dma_start3A_501] : memref<32x125x80xi32, #tpu.memory_space<hbm>> -> memref<1x125x80xi32, #tpu.memory_space<hbm>>
      %dma_start3A_503 = tpu.memref_squeeze %dma_start3A_502 : memref<1x125x80xi32, #tpu.memory_space<hbm>> -> memref<125x80xi32, #tpu.memory_space<hbm>>
      %dma_start3A_504 = arith.constant 0 : i32
      %dma_start3A_505 = tpu.memref_slice %dma_start3A_503[%add3A_496, %dma_start3A_504] : memref<125x80xi32, #tpu.memory_space<hbm>> -> memref<1x80xi32, #tpu.memory_space<hbm>>
      %dma_start3A_506 = arith.constant 2 : i32
      %dma_start3A_507 = arith.constant 0 : i32
      %dma_start3A_508 = tpu.memref_slice %arg8[%dma_start3A_506, %dma_start3A_507] : memref<3x80xi32, #tpu.memory_space<vmem>> -> memref<1x80xi32, #tpu.memory_space<vmem>>
      %dma_start3A_509 = arith.constant 0 : i32
      %dma_start3A_510 = arith.constant 0 : i32
      %dma_start3A_511 = tpu.memref_slice %arg4[%add3A, %dma_start3A_509, %dma_start3A_510] : memref<32x125x80xi32, #tpu.memory_space<hbm>> -> memref<1x125x80xi32, #tpu.memory_space<hbm>>
      %dma_start3A_512 = tpu.memref_squeeze %dma_start3A_511 : memref<1x125x80xi32, #tpu.memory_space<hbm>> -> memref<125x80xi32, #tpu.memory_space<hbm>>
      %dma_start3A_513 = arith.constant 0 : i32
      %dma_start3A_514 = tpu.memref_slice %dma_start3A_512[%add3A_496, %dma_start3A_513] : memref<125x80xi32, #tpu.memory_space<hbm>> -> memref<1x80xi32, #tpu.memory_space<hbm>>
      tpu.enqueue_dma source(%dma_start3A_514 : memref<1x80xi32, #tpu.memory_space<hbm>>) target(%dma_start3A_508 : memref<1x80xi32, #tpu.memory_space<vmem>>) target_semaphore(%arg17 : memref<!tpu.dma_semaphore, #tpu.memory_space<semaphore_mem>>)
      %dma_wait3A_515 = arith.constant 0 : i32
      %dma_wait3A_516 = tpu.memref_slice %arg7[%add3A_487, %dma_wait3A_515] : memref<125x80xi32, #tpu.memory_space<vmem>> -> memref<1x80xi32, #tpu.memory_space<vmem>>
      %dma_wait3A_517 = tpu.memref_squeeze %dma_wait3A_516 : memref<1x80xi32, #tpu.memory_space<vmem>> -> memref<80xi32, #tpu.memory_space<vmem>>
      %dma_wait3A_518 = arith.constant 0 : i32
      %dma_wait3A_519 = arith.constant 0 : i32
      %dma_wait3A_520 = tpu.memref_slice %arg2[%dma_wait3A_518, %dma_wait3A_519] : memref<10000x128xf32, #tpu.memory_space<hbm>> -> memref<10000x128xf32, #tpu.memory_space<hbm>>
      tpu.wait_indirect_dma semaphore(%arg12 : memref<!tpu.dma_semaphore, #tpu.memory_space<semaphore_mem>>) src(%dma_wait3A_520 : memref<10000x128xf32, #tpu.memory_space<hbm>>) dst(%arg9 : memref<80x128xf32, #tpu.memory_space<vmem>>)
      %dma_wait3A_521 = arith.constant 0 : i32
      %dma_wait3A_522 = arith.constant 0 : i32
      %dma_wait3A_523 = tpu.memref_slice %arg8[%dma_wait3A_521, %dma_wait3A_522] : memref<3x80xi32, #tpu.memory_space<vmem>> -> memref<1x80xi32, #tpu.memory_space<vmem>>
      %dma_wait3A_524 = arith.constant 0 : i32
      %dma_wait3A_525 = arith.constant 0 : i32
      %dma_wait3A_526 = tpu.memref_slice %arg4[%add3A, %dma_wait3A_524, %dma_wait3A_525] : memref<32x125x80xi32, #tpu.memory_space<hbm>> -> memref<1x125x80xi32, #tpu.memory_space<hbm>>
      %dma_wait3A_527 = tpu.memref_squeeze %dma_wait3A_526 : memref<1x125x80xi32, #tpu.memory_space<hbm>> -> memref<125x80xi32, #tpu.memory_space<hbm>>
      %dma_wait3A_528 = arith.constant 0 : i32
      %dma_wait3A_529 = tpu.memref_slice %dma_wait3A_527[%add3A_487, %dma_wait3A_528] : memref<125x80xi32, #tpu.memory_space<hbm>> -> memref<1x80xi32, #tpu.memory_space<hbm>>
      %dma_wait3A_530 = arith.constant 0 : i32
      %dma_wait3A_531 = arith.constant 0 : i32
      %dma_wait3A_532 = tpu.memref_slice %arg8[%dma_wait3A_530, %dma_wait3A_531] : memref<3x80xi32, #tpu.memory_space<vmem>> -> memref<1x80xi32, #tpu.memory_space<vmem>>
      %dma_wait3A_533 = arith.constant 0 : i32
      %dma_wait3A_534 = arith.constant 0 : i32
      %dma_wait3A_535 = tpu.memref_slice %arg4[%add3A, %dma_wait3A_533, %dma_wait3A_534] : memref<32x125x80xi32, #tpu.memory_space<hbm>> -> memref<1x125x80xi32, #tpu.memory_space<hbm>>
      %dma_wait3A_536 = tpu.memref_squeeze %dma_wait3A_535 : memref<1x125x80xi32, #tpu.memory_space<hbm>> -> memref<125x80xi32, #tpu.memory_space<hbm>>
      %dma_wait3A_537 = arith.constant 0 : i32
      %dma_wait3A_538 = tpu.memref_slice %dma_wait3A_536[%add3A_487, %dma_wait3A_537] : memref<125x80xi32, #tpu.memory_space<hbm>> -> memref<1x80xi32, #tpu.memory_space<hbm>>
      tpu.wait_dma2 semaphore(%arg15 : memref<!tpu.dma_semaphore, #tpu.memory_space<semaphore_mem>>) src(%dma_wait3A_538 : memref<1x80xi32, #tpu.memory_space<hbm>>) dst(%dma_wait3A_532 : memref<1x80xi32, #tpu.memory_space<vmem>>)
      %add3A_539 = arith.constant 2 : i32
      %add3A_540 = arith.addi %add3A_487, %add3A_539 : i32
      %dma_start3A_541 = arith.constant 0 : i32
      %dma_start3A_542 = tpu.memref_slice %arg7[%add3A_540, %dma_start3A_541] : memref<125x80xi32, #tpu.memory_space<vmem>> -> memref<1x80xi32, #tpu.memory_space<vmem>>
      %dma_start3A_543 = tpu.memref_squeeze %dma_start3A_542 : memref<1x80xi32, #tpu.memory_space<vmem>> -> memref<80xi32, #tpu.memory_space<vmem>>
      %dma_start3A_544 = arith.constant 0 : i32
      %dma_start3A_545 = arith.constant 0 : i32
      %dma_start3A_546 = tpu.memref_slice %arg2[%dma_start3A_544, %dma_start3A_545] : memref<10000x128xf32, #tpu.memory_space<hbm>> -> memref<10000x128xf32, #tpu.memory_space<hbm>>
      tpu.enqueue_indirect_dma source(%dma_start3A_546 : memref<10000x128xf32, #tpu.memory_space<hbm>>) target(%arg11 : memref<80x128xf32, #tpu.memory_space<vmem>>) offsets(%dma_start3A_543 : memref<80xi32, #tpu.memory_space<vmem>>) semaphore(%arg14 : memref<!tpu.dma_semaphore, #tpu.memory_space<semaphore_mem>>)
      %dma_start3A_547 = arith.constant 0 : i32
      %dma_start3A_548 = arith.constant 0 : i32
      %dma_start3A_549 = tpu.memref_slice %arg8[%dma_start3A_547, %dma_start3A_548] : memref<3x80xi32, #tpu.memory_space<vmem>> -> memref<1x80xi32, #tpu.memory_space<vmem>>
      %dma_start3A_550 = tpu.memref_squeeze %dma_start3A_549 : memref<1x80xi32, #tpu.memory_space<vmem>> -> memref<80xi32, #tpu.memory_space<vmem>>
      %dma_start3A_551 = arith.constant 0 : i32
      %dma_start3A_552 = arith.constant 0 : i32
      %dma_start3A_553 = tpu.memref_slice %arg21[%dma_start3A_551, %dma_start3A_552] : memref<10112x128xf32, #tpu.memory_space<vmem_shared>> -> memref<10112x128xf32, #tpu.memory_space<vmem_shared>>
      tpu.enqueue_indirect_dma source(%arg9 : memref<80x128xf32, #tpu.memory_space<vmem>>) target(%dma_start3A_553 : memref<10112x128xf32, #tpu.memory_space<vmem_shared>>) offsets(%dma_start3A_550 : memref<80xi32, #tpu.memory_space<vmem>>) semaphore(%arg18 : memref<!tpu.dma_semaphore, #tpu.memory_space<semaphore_mem>>) {add = true}
    }
    %scan3A_120 = arith.constant 40 : i32
    %dma_wait3A_121 = arith.constant 0 : i32
    %dma_wait3A_122 = arith.constant 0 : i32
    %dma_wait3A_123 = tpu.memref_slice %arg8[%dma_wait3A_121, %dma_wait3A_122] : memref<3x80xi32, #tpu.memory_space<vmem>> -> memref<1x80xi32, #tpu.memory_space<vmem>>
    %dma_wait3A_124 = tpu.memref_squeeze %dma_wait3A_123 : memref<1x80xi32, #tpu.memory_space<vmem>> -> memref<80xi32, #tpu.memory_space<vmem>>
    %dma_wait3A_125 = arith.constant 0 : i32
    %dma_wait3A_126 = arith.constant 0 : i32
    %dma_wait3A_127 = tpu.memref_slice %arg21[%dma_wait3A_125, %dma_wait3A_126] : memref<10112x128xf32, #tpu.memory_space<vmem_shared>> -> memref<10112x128xf32, #tpu.memory_space<vmem_shared>>
    tpu.wait_indirect_dma semaphore(%arg18 : memref<!tpu.dma_semaphore, #tpu.memory_space<semaphore_mem>>) src(%arg9 : memref<80x128xf32, #tpu.memory_space<vmem>>) dst(%dma_wait3A_127 : memref<10112x128xf32, #tpu.memory_space<vmem_shared>>)
    %dma_start3A_128 = arith.constant 0 : i32
    %dma_start3A_129 = arith.constant 0 : i32
    %dma_start3A_130 = tpu.memref_slice %arg8[%dma_start3A_128, %dma_start3A_129] : memref<3x80xi32, #tpu.memory_space<vmem>> -> memref<1x80xi32, #tpu.memory_space<vmem>>
    %dma_start3A_131 = arith.constant 0 : i32
    %dma_start3A_132 = arith.constant 0 : i32
    %dma_start3A_133 = tpu.memref_slice %arg4[%add3A, %dma_start3A_131, %dma_start3A_132] : memref<32x125x80xi32, #tpu.memory_space<hbm>> -> memref<1x125x80xi32, #tpu.memory_space<hbm>>
    %dma_start3A_134 = tpu.memref_squeeze %dma_start3A_133 : memref<1x125x80xi32, #tpu.memory_space<hbm>> -> memref<125x80xi32, #tpu.memory_space<hbm>>
    %dma_start3A_135 = arith.constant 123 : i32
    %dma_start3A_136 = arith.constant 0 : i32
    %dma_start3A_137 = tpu.memref_slice %dma_start3A_134[%dma_start3A_135, %dma_start3A_136] : memref<125x80xi32, #tpu.memory_space<hbm>> -> memref<1x80xi32, #tpu.memory_space<hbm>>
    %dma_start3A_138 = arith.constant 0 : i32
    %dma_start3A_139 = arith.constant 0 : i32
    %dma_start3A_140 = tpu.memref_slice %arg8[%dma_start3A_138, %dma_start3A_139] : memref<3x80xi32, #tpu.memory_space<vmem>> -> memref<1x80xi32, #tpu.memory_space<vmem>>
    %dma_start3A_141 = arith.constant 0 : i32
    %dma_start3A_142 = arith.constant 0 : i32
    %dma_start3A_143 = tpu.memref_slice %arg4[%add3A, %dma_start3A_141, %dma_start3A_142] : memref<32x125x80xi32, #tpu.memory_space<hbm>> -> memref<1x125x80xi32, #tpu.memory_space<hbm>>
    %dma_start3A_144 = tpu.memref_squeeze %dma_start3A_143 : memref<1x125x80xi32, #tpu.memory_space<hbm>> -> memref<125x80xi32, #tpu.memory_space<hbm>>
    %dma_start3A_145 = arith.constant 123 : i32
    %dma_start3A_146 = arith.constant 0 : i32
    %dma_start3A_147 = tpu.memref_slice %dma_start3A_144[%dma_start3A_145, %dma_start3A_146] : memref<125x80xi32, #tpu.memory_space<hbm>> -> memref<1x80xi32, #tpu.memory_space<hbm>>
    tpu.enqueue_dma source(%dma_start3A_147 : memref<1x80xi32, #tpu.memory_space<hbm>>) target(%dma_start3A_140 : memref<1x80xi32, #tpu.memory_space<vmem>>) target_semaphore(%arg15 : memref<!tpu.dma_semaphore, #tpu.memory_space<semaphore_mem>>)
    %dma_wait3A_148 = arith.constant 121 : i32
    %dma_wait3A_149 = arith.constant 0 : i32
    %dma_wait3A_150 = tpu.memref_slice %arg7[%dma_wait3A_148, %dma_wait3A_149] : memref<125x80xi32, #tpu.memory_space<vmem>> -> memref<1x80xi32, #tpu.memory_space<vmem>>
    %dma_wait3A_151 = tpu.memref_squeeze %dma_wait3A_150 : memref<1x80xi32, #tpu.memory_space<vmem>> -> memref<80xi32, #tpu.memory_space<vmem>>
    %dma_wait3A_152 = arith.constant 0 : i32
    %dma_wait3A_153 = arith.constant 0 : i32
    %dma_wait3A_154 = tpu.memref_slice %arg2[%dma_wait3A_152, %dma_wait3A_153] : memref<10000x128xf32, #tpu.memory_space<hbm>> -> memref<10000x128xf32, #tpu.memory_space<hbm>>
    tpu.wait_indirect_dma semaphore(%arg13 : memref<!tpu.dma_semaphore, #tpu.memory_space<semaphore_mem>>) src(%dma_wait3A_154 : memref<10000x128xf32, #tpu.memory_space<hbm>>) dst(%arg10 : memref<80x128xf32, #tpu.memory_space<vmem>>)
    %dma_wait3A_155 = arith.constant 1 : i32
    %dma_wait3A_156 = arith.constant 0 : i32
    %dma_wait3A_157 = tpu.memref_slice %arg8[%dma_wait3A_155, %dma_wait3A_156] : memref<3x80xi32, #tpu.memory_space<vmem>> -> memref<1x80xi32, #tpu.memory_space<vmem>>
    %dma_wait3A_158 = arith.constant 0 : i32
    %dma_wait3A_159 = arith.constant 0 : i32
    %dma_wait3A_160 = tpu.memref_slice %arg4[%add3A, %dma_wait3A_158, %dma_wait3A_159] : memref<32x125x80xi32, #tpu.memory_space<hbm>> -> memref<1x125x80xi32, #tpu.memory_space<hbm>>
    %dma_wait3A_161 = tpu.memref_squeeze %dma_wait3A_160 : memref<1x125x80xi32, #tpu.memory_space<hbm>> -> memref<125x80xi32, #tpu.memory_space<hbm>>
    %dma_wait3A_162 = arith.constant 121 : i32
    %dma_wait3A_163 = arith.constant 0 : i32
    %dma_wait3A_164 = tpu.memref_slice %dma_wait3A_161[%dma_wait3A_162, %dma_wait3A_163] : memref<125x80xi32, #tpu.memory_space<hbm>> -> memref<1x80xi32, #tpu.memory_space<hbm>>
    %dma_wait3A_165 = arith.constant 1 : i32
    %dma_wait3A_166 = arith.constant 0 : i32
    %dma_wait3A_167 = tpu.memref_slice %arg8[%dma_wait3A_165, %dma_wait3A_166] : memref<3x80xi32, #tpu.memory_space<vmem>> -> memref<1x80xi32, #tpu.memory_space<vmem>>
    %dma_wait3A_168 = arith.constant 0 : i32
    %dma_wait3A_169 = arith.constant 0 : i32
    %dma_wait3A_170 = tpu.memref_slice %arg4[%add3A, %dma_wait3A_168, %dma_wait3A_169] : memref<32x125x80xi32, #tpu.memory_space<hbm>> -> memref<1x125x80xi32, #tpu.memory_space<hbm>>
    %dma_wait3A_171 = tpu.memref_squeeze %dma_wait3A_170 : memref<1x125x80xi32, #tpu.memory_space<hbm>> -> memref<125x80xi32, #tpu.memory_space<hbm>>
    %dma_wait3A_172 = arith.constant 121 : i32
    %dma_wait3A_173 = arith.constant 0 : i32
    %dma_wait3A_174 = tpu.memref_slice %dma_wait3A_171[%dma_wait3A_172, %dma_wait3A_173] : memref<125x80xi32, #tpu.memory_space<hbm>> -> memref<1x80xi32, #tpu.memory_space<hbm>>
    tpu.wait_dma2 semaphore(%arg16 : memref<!tpu.dma_semaphore, #tpu.memory_space<semaphore_mem>>) src(%dma_wait3A_174 : memref<1x80xi32, #tpu.memory_space<hbm>>) dst(%dma_wait3A_167 : memref<1x80xi32, #tpu.memory_space<vmem>>)
    %dma_start3A_175 = arith.constant 123 : i32
    %dma_start3A_176 = arith.constant 0 : i32
    %dma_start3A_177 = tpu.memref_slice %arg7[%dma_start3A_175, %dma_start3A_176] : memref<125x80xi32, #tpu.memory_space<vmem>> -> memref<1x80xi32, #tpu.memory_space<vmem>>
    %dma_start3A_178 = tpu.memref_squeeze %dma_start3A_177 : memref<1x80xi32, #tpu.memory_space<vmem>> -> memref<80xi32, #tpu.memory_space<vmem>>
    %dma_start3A_179 = arith.constant 0 : i32
    %dma_start3A_180 = arith.constant 0 : i32
    %dma_start3A_181 = tpu.memref_slice %arg2[%dma_start3A_179, %dma_start3A_180] : memref<10000x128xf32, #tpu.memory_space<hbm>> -> memref<10000x128xf32, #tpu.memory_space<hbm>>
    tpu.enqueue_indirect_dma source(%dma_start3A_181 : memref<10000x128xf32, #tpu.memory_space<hbm>>) target(%arg9 : memref<80x128xf32, #tpu.memory_space<vmem>>) offsets(%dma_start3A_178 : memref<80xi32, #tpu.memory_space<vmem>>) semaphore(%arg12 : memref<!tpu.dma_semaphore, #tpu.memory_space<semaphore_mem>>)
    %dma_start3A_182 = arith.constant 1 : i32
    %dma_start3A_183 = arith.constant 0 : i32
    %dma_start3A_184 = tpu.memref_slice %arg8[%dma_start3A_182, %dma_start3A_183] : memref<3x80xi32, #tpu.memory_space<vmem>> -> memref<1x80xi32, #tpu.memory_space<vmem>>
    %dma_start3A_185 = tpu.memref_squeeze %dma_start3A_184 : memref<1x80xi32, #tpu.memory_space<vmem>> -> memref<80xi32, #tpu.memory_space<vmem>>
    %dma_start3A_186 = arith.constant 0 : i32
    %dma_start3A_187 = arith.constant 0 : i32
    %dma_start3A_188 = tpu.memref_slice %arg21[%dma_start3A_186, %dma_start3A_187] : memref<10112x128xf32, #tpu.memory_space<vmem_shared>> -> memref<10112x128xf32, #tpu.memory_space<vmem_shared>>
    tpu.enqueue_indirect_dma source(%arg10 : memref<80x128xf32, #tpu.memory_space<vmem>>) target(%dma_start3A_188 : memref<10112x128xf32, #tpu.memory_space<vmem_shared>>) offsets(%dma_start3A_185 : memref<80xi32, #tpu.memory_space<vmem>>) semaphore(%arg19 : memref<!tpu.dma_semaphore, #tpu.memory_space<semaphore_mem>>) {add = true}
    %dma_wait3A_189 = arith.constant 1 : i32
    %dma_wait3A_190 = arith.constant 0 : i32
    %dma_wait3A_191 = tpu.memref_slice %arg8[%dma_wait3A_189, %dma_wait3A_190] : memref<3x80xi32, #tpu.memory_space<vmem>> -> memref<1x80xi32, #tpu.memory_space<vmem>>
    %dma_wait3A_192 = tpu.memref_squeeze %dma_wait3A_191 : memref<1x80xi32, #tpu.memory_space<vmem>> -> memref<80xi32, #tpu.memory_space<vmem>>
    %dma_wait3A_193 = arith.constant 0 : i32
    %dma_wait3A_194 = arith.constant 0 : i32
    %dma_wait3A_195 = tpu.memref_slice %arg21[%dma_wait3A_193, %dma_wait3A_194] : memref<10112x128xf32, #tpu.memory_space<vmem_shared>> -> memref<10112x128xf32, #tpu.memory_space<vmem_shared>>
    tpu.wait_indirect_dma semaphore(%arg19 : memref<!tpu.dma_semaphore, #tpu.memory_space<semaphore_mem>>) src(%arg10 : memref<80x128xf32, #tpu.memory_space<vmem>>) dst(%dma_wait3A_195 : memref<10112x128xf32, #tpu.memory_space<vmem_shared>>)
    %dma_start3A_196 = arith.constant 1 : i32
    %dma_start3A_197 = arith.constant 0 : i32
    %dma_start3A_198 = tpu.memref_slice %arg8[%dma_start3A_196, %dma_start3A_197] : memref<3x80xi32, #tpu.memory_space<vmem>> -> memref<1x80xi32, #tpu.memory_space<vmem>>
    %dma_start3A_199 = arith.constant 0 : i32
    %dma_start3A_200 = arith.constant 0 : i32
    %dma_start3A_201 = tpu.memref_slice %arg4[%add3A, %dma_start3A_199, %dma_start3A_200] : memref<32x125x80xi32, #tpu.memory_space<hbm>> -> memref<1x125x80xi32, #tpu.memory_space<hbm>>
    %dma_start3A_202 = tpu.memref_squeeze %dma_start3A_201 : memref<1x125x80xi32, #tpu.memory_space<hbm>> -> memref<125x80xi32, #tpu.memory_space<hbm>>
    %dma_start3A_203 = arith.constant 124 : i32
    %dma_start3A_204 = arith.constant 0 : i32
    %dma_start3A_205 = tpu.memref_slice %dma_start3A_202[%dma_start3A_203, %dma_start3A_204] : memref<125x80xi32, #tpu.memory_space<hbm>> -> memref<1x80xi32, #tpu.memory_space<hbm>>
    %dma_start3A_206 = arith.constant 1 : i32
    %dma_start3A_207 = arith.constant 0 : i32
    %dma_start3A_208 = tpu.memref_slice %arg8[%dma_start3A_206, %dma_start3A_207] : memref<3x80xi32, #tpu.memory_space<vmem>> -> memref<1x80xi32, #tpu.memory_space<vmem>>
    %dma_start3A_209 = arith.constant 0 : i32
    %dma_start3A_210 = arith.constant 0 : i32
    %dma_start3A_211 = tpu.memref_slice %arg4[%add3A, %dma_start3A_209, %dma_start3A_210] : memref<32x125x80xi32, #tpu.memory_space<hbm>> -> memref<1x125x80xi32, #tpu.memory_space<hbm>>
    %dma_start3A_212 = tpu.memref_squeeze %dma_start3A_211 : memref<1x125x80xi32, #tpu.memory_space<hbm>> -> memref<125x80xi32, #tpu.memory_space<hbm>>
    %dma_start3A_213 = arith.constant 124 : i32
    %dma_start3A_214 = arith.constant 0 : i32
    %dma_start3A_215 = tpu.memref_slice %dma_start3A_212[%dma_start3A_213, %dma_start3A_214] : memref<125x80xi32, #tpu.memory_space<hbm>> -> memref<1x80xi32, #tpu.memory_space<hbm>>
    tpu.enqueue_dma source(%dma_start3A_215 : memref<1x80xi32, #tpu.memory_space<hbm>>) target(%dma_start3A_208 : memref<1x80xi32, #tpu.memory_space<vmem>>) target_semaphore(%arg16 : memref<!tpu.dma_semaphore, #tpu.memory_space<semaphore_mem>>)
    %dma_wait3A_216 = arith.constant 122 : i32
    %dma_wait3A_217 = arith.constant 0 : i32
    %dma_wait3A_218 = tpu.memref_slice %arg7[%dma_wait3A_216, %dma_wait3A_217] : memref<125x80xi32, #tpu.memory_space<vmem>> -> memref<1x80xi32, #tpu.memory_space<vmem>>
    %dma_wait3A_219 = tpu.memref_squeeze %dma_wait3A_218 : memref<1x80xi32, #tpu.memory_space<vmem>> -> memref<80xi32, #tpu.memory_space<vmem>>
    %dma_wait3A_220 = arith.constant 0 : i32
    %dma_wait3A_221 = arith.constant 0 : i32
    %dma_wait3A_222 = tpu.memref_slice %arg2[%dma_wait3A_220, %dma_wait3A_221] : memref<10000x128xf32, #tpu.memory_space<hbm>> -> memref<10000x128xf32, #tpu.memory_space<hbm>>
    tpu.wait_indirect_dma semaphore(%arg14 : memref<!tpu.dma_semaphore, #tpu.memory_space<semaphore_mem>>) src(%dma_wait3A_222 : memref<10000x128xf32, #tpu.memory_space<hbm>>) dst(%arg11 : memref<80x128xf32, #tpu.memory_space<vmem>>)
    %dma_wait3A_223 = arith.constant 2 : i32
    %dma_wait3A_224 = arith.constant 0 : i32
    %dma_wait3A_225 = tpu.memref_slice %arg8[%dma_wait3A_223, %dma_wait3A_224] : memref<3x80xi32, #tpu.memory_space<vmem>> -> memref<1x80xi32, #tpu.memory_space<vmem>>
    %dma_wait3A_226 = arith.constant 0 : i32
    %dma_wait3A_227 = arith.constant 0 : i32
    %dma_wait3A_228 = tpu.memref_slice %arg4[%add3A, %dma_wait3A_226, %dma_wait3A_227] : memref<32x125x80xi32, #tpu.memory_space<hbm>> -> memref<1x125x80xi32, #tpu.memory_space<hbm>>
    %dma_wait3A_229 = tpu.memref_squeeze %dma_wait3A_228 : memref<1x125x80xi32, #tpu.memory_space<hbm>> -> memref<125x80xi32, #tpu.memory_space<hbm>>
    %dma_wait3A_230 = arith.constant 122 : i32
    %dma_wait3A_231 = arith.constant 0 : i32
    %dma_wait3A_232 = tpu.memref_slice %dma_wait3A_229[%dma_wait3A_230, %dma_wait3A_231] : memref<125x80xi32, #tpu.memory_space<hbm>> -> memref<1x80xi32, #tpu.memory_space<hbm>>
    %dma_wait3A_233 = arith.constant 2 : i32
    %dma_wait3A_234 = arith.constant 0 : i32
    %dma_wait3A_235 = tpu.memref_slice %arg8[%dma_wait3A_233, %dma_wait3A_234] : memref<3x80xi32, #tpu.memory_space<vmem>> -> memref<1x80xi32, #tpu.memory_space<vmem>>
    %dma_wait3A_236 = arith.constant 0 : i32
    %dma_wait3A_237 = arith.constant 0 : i32
    %dma_wait3A_238 = tpu.memref_slice %arg4[%add3A, %dma_wait3A_236, %dma_wait3A_237] : memref<32x125x80xi32, #tpu.memory_space<hbm>> -> memref<1x125x80xi32, #tpu.memory_space<hbm>>
    %dma_wait3A_239 = tpu.memref_squeeze %dma_wait3A_238 : memref<1x125x80xi32, #tpu.memory_space<hbm>> -> memref<125x80xi32, #tpu.memory_space<hbm>>
    %dma_wait3A_240 = arith.constant 122 : i32
    %dma_wait3A_241 = arith.constant 0 : i32
    %dma_wait3A_242 = tpu.memref_slice %dma_wait3A_239[%dma_wait3A_240, %dma_wait3A_241] : memref<125x80xi32, #tpu.memory_space<hbm>> -> memref<1x80xi32, #tpu.memory_space<hbm>>
    tpu.wait_dma2 semaphore(%arg17 : memref<!tpu.dma_semaphore, #tpu.memory_space<semaphore_mem>>) src(%dma_wait3A_242 : memref<1x80xi32, #tpu.memory_space<hbm>>) dst(%dma_wait3A_235 : memref<1x80xi32, #tpu.memory_space<vmem>>)
    %dma_start3A_243 = arith.constant 124 : i32
    %dma_start3A_244 = arith.constant 0 : i32
    %dma_start3A_245 = tpu.memref_slice %arg7[%dma_start3A_243, %dma_start3A_244] : memref<125x80xi32, #tpu.memory_space<vmem>> -> memref<1x80xi32, #tpu.memory_space<vmem>>
    %dma_start3A_246 = tpu.memref_squeeze %dma_start3A_245 : memref<1x80xi32, #tpu.memory_space<vmem>> -> memref<80xi32, #tpu.memory_space<vmem>>
    %dma_start3A_247 = arith.constant 0 : i32
    %dma_start3A_248 = arith.constant 0 : i32
    %dma_start3A_249 = tpu.memref_slice %arg2[%dma_start3A_247, %dma_start3A_248] : memref<10000x128xf32, #tpu.memory_space<hbm>> -> memref<10000x128xf32, #tpu.memory_space<hbm>>
    tpu.enqueue_indirect_dma source(%dma_start3A_249 : memref<10000x128xf32, #tpu.memory_space<hbm>>) target(%arg10 : memref<80x128xf32, #tpu.memory_space<vmem>>) offsets(%dma_start3A_246 : memref<80xi32, #tpu.memory_space<vmem>>) semaphore(%arg13 : memref<!tpu.dma_semaphore, #tpu.memory_space<semaphore_mem>>)
    %dma_start3A_250 = arith.constant 2 : i32
    %dma_start3A_251 = arith.constant 0 : i32
    %dma_start3A_252 = tpu.memref_slice %arg8[%dma_start3A_250, %dma_start3A_251] : memref<3x80xi32, #tpu.memory_space<vmem>> -> memref<1x80xi32, #tpu.memory_space<vmem>>
    %dma_start3A_253 = tpu.memref_squeeze %dma_start3A_252 : memref<1x80xi32, #tpu.memory_space<vmem>> -> memref<80xi32, #tpu.memory_space<vmem>>
    %dma_start3A_254 = arith.constant 0 : i32
    %dma_start3A_255 = arith.constant 0 : i32
    %dma_start3A_256 = tpu.memref_slice %arg21[%dma_start3A_254, %dma_start3A_255] : memref<10112x128xf32, #tpu.memory_space<vmem_shared>> -> memref<10112x128xf32, #tpu.memory_space<vmem_shared>>
    tpu.enqueue_indirect_dma source(%arg11 : memref<80x128xf32, #tpu.memory_space<vmem>>) target(%dma_start3A_256 : memref<10112x128xf32, #tpu.memory_space<vmem_shared>>) offsets(%dma_start3A_253 : memref<80xi32, #tpu.memory_space<vmem>>) semaphore(%arg20 : memref<!tpu.dma_semaphore, #tpu.memory_space<semaphore_mem>>) {add = true}
    %dma_wait3A_257 = arith.constant 2 : i32
    %dma_wait3A_258 = arith.constant 0 : i32
    %dma_wait3A_259 = tpu.memref_slice %arg8[%dma_wait3A_257, %dma_wait3A_258] : memref<3x80xi32, #tpu.memory_space<vmem>> -> memref<1x80xi32, #tpu.memory_space<vmem>>
    %dma_wait3A_260 = tpu.memref_squeeze %dma_wait3A_259 : memref<1x80xi32, #tpu.memory_space<vmem>> -> memref<80xi32, #tpu.memory_space<vmem>>
    %dma_wait3A_261 = arith.constant 0 : i32
    %dma_wait3A_262 = arith.constant 0 : i32
    %dma_wait3A_263 = tpu.memref_slice %arg21[%dma_wait3A_261, %dma_wait3A_262] : memref<10112x128xf32, #tpu.memory_space<vmem_shared>> -> memref<10112x128xf32, #tpu.memory_space<vmem_shared>>
    tpu.wait_indirect_dma semaphore(%arg20 : memref<!tpu.dma_semaphore, #tpu.memory_space<semaphore_mem>>) src(%arg11 : memref<80x128xf32, #tpu.memory_space<vmem>>) dst(%dma_wait3A_263 : memref<10112x128xf32, #tpu.memory_space<vmem_shared>>)
    %dma_wait3A_264 = arith.constant 123 : i32
    %dma_wait3A_265 = arith.constant 0 : i32
    %dma_wait3A_266 = tpu.memref_slice %arg7[%dma_wait3A_264, %dma_wait3A_265] : memref<125x80xi32, #tpu.memory_space<vmem>> -> memref<1x80xi32, #tpu.memory_space<vmem>>
    %dma_wait3A_267 = tpu.memref_squeeze %dma_wait3A_266 : memref<1x80xi32, #tpu.memory_space<vmem>> -> memref<80xi32, #tpu.memory_space<vmem>>
    %dma_wait3A_268 = arith.constant 0 : i32
    %dma_wait3A_269 = arith.constant 0 : i32
    %dma_wait3A_270 = tpu.memref_slice %arg2[%dma_wait3A_268, %dma_wait3A_269] : memref<10000x128xf32, #tpu.memory_space<hbm>> -> memref<10000x128xf32, #tpu.memory_space<hbm>>
    tpu.wait_indirect_dma semaphore(%arg12 : memref<!tpu.dma_semaphore, #tpu.memory_space<semaphore_mem>>) src(%dma_wait3A_270 : memref<10000x128xf32, #tpu.memory_space<hbm>>) dst(%arg9 : memref<80x128xf32, #tpu.memory_space<vmem>>)
    %dma_wait3A_271 = arith.constant 0 : i32
    %dma_wait3A_272 = arith.constant 0 : i32
    %dma_wait3A_273 = tpu.memref_slice %arg8[%dma_wait3A_271, %dma_wait3A_272] : memref<3x80xi32, #tpu.memory_space<vmem>> -> memref<1x80xi32, #tpu.memory_space<vmem>>
    %dma_wait3A_274 = arith.constant 0 : i32
    %dma_wait3A_275 = arith.constant 0 : i32
    %dma_wait3A_276 = tpu.memref_slice %arg4[%add3A, %dma_wait3A_274, %dma_wait3A_275] : memref<32x125x80xi32, #tpu.memory_space<hbm>> -> memref<1x125x80xi32, #tpu.memory_space<hbm>>
    %dma_wait3A_277 = tpu.memref_squeeze %dma_wait3A_276 : memref<1x125x80xi32, #tpu.memory_space<hbm>> -> memref<125x80xi32, #tpu.memory_space<hbm>>
    %dma_wait3A_278 = arith.constant 123 : i32
    %dma_wait3A_279 = arith.constant 0 : i32
    %dma_wait3A_280 = tpu.memref_slice %dma_wait3A_277[%dma_wait3A_278, %dma_wait3A_279] : memref<125x80xi32, #tpu.memory_space<hbm>> -> memref<1x80xi32, #tpu.memory_space<hbm>>
    %dma_wait3A_281 = arith.constant 0 : i32
    %dma_wait3A_282 = arith.constant 0 : i32
    %dma_wait3A_283 = tpu.memref_slice %arg8[%dma_wait3A_281, %dma_wait3A_282] : memref<3x80xi32, #tpu.memory_space<vmem>> -> memref<1x80xi32, #tpu.memory_space<vmem>>
    %dma_wait3A_284 = arith.constant 0 : i32
    %dma_wait3A_285 = arith.constant 0 : i32
    %dma_wait3A_286 = tpu.memref_slice %arg4[%add3A, %dma_wait3A_284, %dma_wait3A_285] : memref<32x125x80xi32, #tpu.memory_space<hbm>> -> memref<1x125x80xi32, #tpu.memory_space<hbm>>
    %dma_wait3A_287 = tpu.memref_squeeze %dma_wait3A_286 : memref<1x125x80xi32, #tpu.memory_space<hbm>> -> memref<125x80xi32, #tpu.memory_space<hbm>>
    %dma_wait3A_288 = arith.constant 123 : i32
    %dma_wait3A_289 = arith.constant 0 : i32
    %dma_wait3A_290 = tpu.memref_slice %dma_wait3A_287[%dma_wait3A_288, %dma_wait3A_289] : memref<125x80xi32, #tpu.memory_space<hbm>> -> memref<1x80xi32, #tpu.memory_space<hbm>>
    tpu.wait_dma2 semaphore(%arg15 : memref<!tpu.dma_semaphore, #tpu.memory_space<semaphore_mem>>) src(%dma_wait3A_290 : memref<1x80xi32, #tpu.memory_space<hbm>>) dst(%dma_wait3A_283 : memref<1x80xi32, #tpu.memory_space<vmem>>)
    %dma_start3A_291 = arith.constant 0 : i32
    %dma_start3A_292 = arith.constant 0 : i32
    %dma_start3A_293 = tpu.memref_slice %arg8[%dma_start3A_291, %dma_start3A_292] : memref<3x80xi32, #tpu.memory_space<vmem>> -> memref<1x80xi32, #tpu.memory_space<vmem>>
    %dma_start3A_294 = tpu.memref_squeeze %dma_start3A_293 : memref<1x80xi32, #tpu.memory_space<vmem>> -> memref<80xi32, #tpu.memory_space<vmem>>
    %dma_start3A_295 = arith.constant 0 : i32
    %dma_start3A_296 = arith.constant 0 : i32
    %dma_start3A_297 = tpu.memref_slice %arg21[%dma_start3A_295, %dma_start3A_296] : memref<10112x128xf32, #tpu.memory_space<vmem_shared>> -> memref<10112x128xf32, #tpu.memory_space<vmem_shared>>
    tpu.enqueue_indirect_dma source(%arg9 : memref<80x128xf32, #tpu.memory_space<vmem>>) target(%dma_start3A_297 : memref<10112x128xf32, #tpu.memory_space<vmem_shared>>) offsets(%dma_start3A_294 : memref<80xi32, #tpu.memory_space<vmem>>) semaphore(%arg18 : memref<!tpu.dma_semaphore, #tpu.memory_space<semaphore_mem>>) {add = true}
    %dma_wait3A_298 = arith.constant 124 : i32
    %dma_wait3A_299 = arith.constant 0 : i32
    %dma_wait3A_300 = tpu.memref_slice %arg7[%dma_wait3A_298, %dma_wait3A_299] : memref<125x80xi32, #tpu.memory_space<vmem>> -> memref<1x80xi32, #tpu.memory_space<vmem>>
    %dma_wait3A_301 = tpu.memref_squeeze %dma_wait3A_300 : memref<1x80xi32, #tpu.memory_space<vmem>> -> memref<80xi32, #tpu.memory_space<vmem>>
    %dma_wait3A_302 = arith.constant 0 : i32
    %dma_wait3A_303 = arith.constant 0 : i32
    %dma_wait3A_304 = tpu.memref_slice %arg2[%dma_wait3A_302, %dma_wait3A_303] : memref<10000x128xf32, #tpu.memory_space<hbm>> -> memref<10000x128xf32, #tpu.memory_space<hbm>>
    tpu.wait_indirect_dma semaphore(%arg13 : memref<!tpu.dma_semaphore, #tpu.memory_space<semaphore_mem>>) src(%dma_wait3A_304 : memref<10000x128xf32, #tpu.memory_space<hbm>>) dst(%arg10 : memref<80x128xf32, #tpu.memory_space<vmem>>)
    %dma_wait3A_305 = arith.constant 1 : i32
    %dma_wait3A_306 = arith.constant 0 : i32
    %dma_wait3A_307 = tpu.memref_slice %arg8[%dma_wait3A_305, %dma_wait3A_306] : memref<3x80xi32, #tpu.memory_space<vmem>> -> memref<1x80xi32, #tpu.memory_space<vmem>>
    %dma_wait3A_308 = arith.constant 0 : i32
    %dma_wait3A_309 = arith.constant 0 : i32
    %dma_wait3A_310 = tpu.memref_slice %arg4[%add3A, %dma_wait3A_308, %dma_wait3A_309] : memref<32x125x80xi32, #tpu.memory_space<hbm>> -> memref<1x125x80xi32, #tpu.memory_space<hbm>>
    %dma_wait3A_311 = tpu.memref_squeeze %dma_wait3A_310 : memref<1x125x80xi32, #tpu.memory_space<hbm>> -> memref<125x80xi32, #tpu.memory_space<hbm>>
    %dma_wait3A_312 = arith.constant 124 : i32
    %dma_wait3A_313 = arith.constant 0 : i32
    %dma_wait3A_314 = tpu.memref_slice %dma_wait3A_311[%dma_wait3A_312, %dma_wait3A_313] : memref<125x80xi32, #tpu.memory_space<hbm>> -> memref<1x80xi32, #tpu.memory_space<hbm>>
    %dma_wait3A_315 = arith.constant 1 : i32
    %dma_wait3A_316 = arith.constant 0 : i32
    %dma_wait3A_317 = tpu.memref_slice %arg8[%dma_wait3A_315, %dma_wait3A_316] : memref<3x80xi32, #tpu.memory_space<vmem>> -> memref<1x80xi32, #tpu.memory_space<vmem>>
    %dma_wait3A_318 = arith.constant 0 : i32
    %dma_wait3A_319 = arith.constant 0 : i32
    %dma_wait3A_320 = tpu.memref_slice %arg4[%add3A, %dma_wait3A_318, %dma_wait3A_319] : memref<32x125x80xi32, #tpu.memory_space<hbm>> -> memref<1x125x80xi32, #tpu.memory_space<hbm>>
    %dma_wait3A_321 = tpu.memref_squeeze %dma_wait3A_320 : memref<1x125x80xi32, #tpu.memory_space<hbm>> -> memref<125x80xi32, #tpu.memory_space<hbm>>
    %dma_wait3A_322 = arith.constant 124 : i32
    %dma_wait3A_323 = arith.constant 0 : i32
    %dma_wait3A_324 = tpu.memref_slice %dma_wait3A_321[%dma_wait3A_322, %dma_wait3A_323] : memref<125x80xi32, #tpu.memory_space<hbm>> -> memref<1x80xi32, #tpu.memory_space<hbm>>
    tpu.wait_dma2 semaphore(%arg16 : memref<!tpu.dma_semaphore, #tpu.memory_space<semaphore_mem>>) src(%dma_wait3A_324 : memref<1x80xi32, #tpu.memory_space<hbm>>) dst(%dma_wait3A_317 : memref<1x80xi32, #tpu.memory_space<vmem>>)
    %dma_start3A_325 = arith.constant 1 : i32
    %dma_start3A_326 = arith.constant 0 : i32
    %dma_start3A_327 = tpu.memref_slice %arg8[%dma_start3A_325, %dma_start3A_326] : memref<3x80xi32, #tpu.memory_space<vmem>> -> memref<1x80xi32, #tpu.memory_space<vmem>>
    %dma_start3A_328 = tpu.memref_squeeze %dma_start3A_327 : memref<1x80xi32, #tpu.memory_space<vmem>> -> memref<80xi32, #tpu.memory_space<vmem>>
    %dma_start3A_329 = arith.constant 0 : i32
    %dma_start3A_330 = arith.constant 0 : i32
    %dma_start3A_331 = tpu.memref_slice %arg21[%dma_start3A_329, %dma_start3A_330] : memref<10112x128xf32, #tpu.memory_space<vmem_shared>> -> memref<10112x128xf32, #tpu.memory_space<vmem_shared>>
    tpu.enqueue_indirect_dma source(%arg10 : memref<80x128xf32, #tpu.memory_space<vmem>>) target(%dma_start3A_331 : memref<10112x128xf32, #tpu.memory_space<vmem_shared>>) offsets(%dma_start3A_328 : memref<80xi32, #tpu.memory_space<vmem>>) semaphore(%arg19 : memref<!tpu.dma_semaphore, #tpu.memory_space<semaphore_mem>>) {add = true}
    %dma_wait3A_332 = arith.constant 0 : i32
    %dma_wait3A_333 = arith.constant 0 : i32
    %dma_wait3A_334 = tpu.memref_slice %arg8[%dma_wait3A_332, %dma_wait3A_333] : memref<3x80xi32, #tpu.memory_space<vmem>> -> memref<1x80xi32, #tpu.memory_space<vmem>>
    %dma_wait3A_335 = tpu.memref_squeeze %dma_wait3A_334 : memref<1x80xi32, #tpu.memory_space<vmem>> -> memref<80xi32, #tpu.memory_space<vmem>>
    %dma_wait3A_336 = arith.constant 0 : i32
    %dma_wait3A_337 = arith.constant 0 : i32
    %dma_wait3A_338 = tpu.memref_slice %arg21[%dma_wait3A_336, %dma_wait3A_337] : memref<10112x128xf32, #tpu.memory_space<vmem_shared>> -> memref<10112x128xf32, #tpu.memory_space<vmem_shared>>
    tpu.wait_indirect_dma semaphore(%arg18 : memref<!tpu.dma_semaphore, #tpu.memory_space<semaphore_mem>>) src(%arg9 : memref<80x128xf32, #tpu.memory_space<vmem>>) dst(%dma_wait3A_338 : memref<10112x128xf32, #tpu.memory_space<vmem_shared>>)
    %dma_wait3A_339 = arith.constant 1 : i32
    %dma_wait3A_340 = arith.constant 0 : i32
    %dma_wait3A_341 = tpu.memref_slice %arg8[%dma_wait3A_339, %dma_wait3A_340] : memref<3x80xi32, #tpu.memory_space<vmem>> -> memref<1x80xi32, #tpu.memory_space<vmem>>
    %dma_wait3A_342 = tpu.memref_squeeze %dma_wait3A_341 : memref<1x80xi32, #tpu.memory_space<vmem>> -> memref<80xi32, #tpu.memory_space<vmem>>
    %dma_wait3A_343 = arith.constant 0 : i32
    %dma_wait3A_344 = arith.constant 0 : i32
    %dma_wait3A_345 = tpu.memref_slice %arg21[%dma_wait3A_343, %dma_wait3A_344] : memref<10112x128xf32, #tpu.memory_space<vmem_shared>> -> memref<10112x128xf32, #tpu.memory_space<vmem_shared>>
    tpu.wait_indirect_dma semaphore(%arg19 : memref<!tpu.dma_semaphore, #tpu.memory_space<semaphore_mem>>) src(%arg10 : memref<80x128xf32, #tpu.memory_space<vmem>>) dst(%dma_wait3A_345 : memref<10112x128xf32, #tpu.memory_space<vmem_shared>>)
    %barrier3A_346 = arith.constant 0 : index
    tpu.barrier barrier_id(%barrier3A_346)
    "tpu.region"() ({
      %run_scoped3A = tpu.sem_alloc : memref<!tpu.dma_semaphore, #tpu.memory_space<semaphore_mem>>
      %dma_start3A_347 = arith.constant 0 : i32
      %dma_start3A_348 = arith.constant 0 : i32
      %dma_start3A_349 = tpu.memref_slice %arg6[%arg0, %dma_start3A_347, %dma_start3A_348] : memref<2x10112x128xf32, #tpu.memory_space<hbm>> -> memref<1x10112x128xf32, #tpu.memory_space<hbm>>
      %dma_start3A_350 = tpu.memref_squeeze %dma_start3A_349 : memref<1x10112x128xf32, #tpu.memory_space<hbm>> -> memref<10112x128xf32, #tpu.memory_space<hbm>>
      %dma_start3A_351 = arith.constant 0 : i32
      %dma_start3A_352 = tpu.memref_slice %dma_start3A_350[%mul3A_2, %dma_start3A_351] : memref<10112x128xf32, #tpu.memory_space<hbm>> -> memref<632x128xf32, #tpu.memory_space<hbm>>
      %dma_start3A_353 = arith.constant 0 : i32
      %dma_start3A_354 = tpu.memref_slice %arg21[%mul3A_2, %dma_start3A_353] : memref<10112x128xf32, #tpu.memory_space<vmem_shared>> -> memref<632x128xf32, #tpu.memory_space<vmem_shared>>
      tpu.enqueue_dma source(%dma_start3A_354 : memref<632x128xf32, #tpu.memory_space<vmem_shared>>) target(%dma_start3A_352 : memref<632x128xf32, #tpu.memory_space<hbm>>) target_semaphore(%run_scoped3A : memref<!tpu.dma_semaphore, #tpu.memory_space<semaphore_mem>>)
      %dma_wait3A_355 = arith.constant 0 : i32
      %dma_wait3A_356 = arith.constant 0 : i32
      %dma_wait3A_357 = tpu.memref_slice %arg6[%arg0, %dma_wait3A_355, %dma_wait3A_356] : memref<2x10112x128xf32, #tpu.memory_space<hbm>> -> memref<1x10112x128xf32, #tpu.memory_space<hbm>>
      %dma_wait3A_358 = tpu.memref_squeeze %dma_wait3A_357 : memref<1x10112x128xf32, #tpu.memory_space<hbm>> -> memref<10112x128xf32, #tpu.memory_space<hbm>>
      %dma_wait3A_359 = arith.constant 0 : i32
      %dma_wait3A_360 = tpu.memref_slice %dma_wait3A_358[%mul3A_2, %dma_wait3A_359] : memref<10112x128xf32, #tpu.memory_space<hbm>> -> memref<632x128xf32, #tpu.memory_space<hbm>>
      %dma_wait3A_361 = arith.constant 0 : i32
      %dma_wait3A_362 = tpu.memref_slice %arg21[%mul3A_2, %dma_wait3A_361] : memref<10112x128xf32, #tpu.memory_space<vmem_shared>> -> memref<632x128xf32, #tpu.memory_space<vmem_shared>>
      tpu.wait_dma2 semaphore(%run_scoped3A : memref<!tpu.dma_semaphore, #tpu.memory_space<semaphore_mem>>) src(%dma_wait3A_362 : memref<632x128xf32, #tpu.memory_space<vmem_shared>>) dst(%dma_wait3A_360 : memref<632x128xf32, #tpu.memory_space<hbm>>)
      tpu.yield
    }) : () -> ()
    return
  }
}

#map = affine_map<(d0, d1) -> (0, 0, 0)>
#map1 = affine_map<(d0, d1) -> (0, 0)>
module attributes {stable_mosaic.version = 14 : i64} {
  func.func @k(%arg0: i32, %arg1: i32, %arg2: memref<32x125x80xi32, #tpu.memory_space<hbm>>, %arg3: memref<80x128xf32, #tpu.memory_space<hbm>>, %arg4: memref<10112x128xf32, #tpu.memory_space<hbm>>, %arg5: memref<2x10112x128xf32, #tpu.memory_space<hbm>>, %arg6: memref<125x80xi32, #tpu.memory_space<vmem>>, %arg7: memref<80x128xf32, #tpu.memory_space<vmem>>, %arg8: memref<10112x128xf32, #tpu.memory_space<vmem_shared>>) attributes {dimension_semantics = [#tpu.dimension_semantics<core_parallel>, #tpu.dimension_semantics<subcore_parallel>], iteration_bounds = array<i64: 2, 16>, scalar_prefetch = 0 : i64, scratch_operands = 3 : i64, tpu.core_type = #tpu.core_type<sc_vector_subcore>, window_params = [{transform_indices = #map}, {transform_indices = #map1}, {transform_indices = #map1}, {transform_indices = #map}]} {
    %mul3A = arith.constant 2 : i32
    %mul3A_0 = arith.muli %arg1, %mul3A : i32
    %add3A = arith.addi %mul3A_0, %arg0 : i32
    %mul3A_1 = arith.constant 632 : i32
    %mul3A_2 = arith.muli %arg1, %mul3A_1 : i32
    "tpu.region"() ({
      %run_scoped3A = tpu.sem_alloc : memref<!tpu.dma_semaphore, #tpu.memory_space<semaphore_mem>>
      %dma_start3A = arith.constant 0 : i32
      %dma_start3A_9 = tpu.memref_slice %arg8[%mul3A_2, %dma_start3A] : memref<10112x128xf32, #tpu.memory_space<vmem_shared>> -> memref<632x128xf32, #tpu.memory_space<vmem_shared>>
      %dma_start3A_10 = arith.constant 0 : i32
      %dma_start3A_11 = tpu.memref_slice %arg4[%mul3A_2, %dma_start3A_10] : memref<10112x128xf32, #tpu.memory_space<hbm>> -> memref<632x128xf32, #tpu.memory_space<hbm>>
      tpu.enqueue_dma source(%dma_start3A_11 : memref<632x128xf32, #tpu.memory_space<hbm>>) target(%dma_start3A_9 : memref<632x128xf32, #tpu.memory_space<vmem_shared>>) target_semaphore(%run_scoped3A : memref<!tpu.dma_semaphore, #tpu.memory_space<semaphore_mem>>)
      %dma_wait3A = arith.constant 0 : i32
      %dma_wait3A_12 = tpu.memref_slice %arg8[%mul3A_2, %dma_wait3A] : memref<10112x128xf32, #tpu.memory_space<vmem_shared>> -> memref<632x128xf32, #tpu.memory_space<vmem_shared>>
      %dma_wait3A_13 = arith.constant 0 : i32
      %dma_wait3A_14 = tpu.memref_slice %arg4[%mul3A_2, %dma_wait3A_13] : memref<10112x128xf32, #tpu.memory_space<hbm>> -> memref<632x128xf32, #tpu.memory_space<hbm>>
      tpu.wait_dma2 semaphore(%run_scoped3A : memref<!tpu.dma_semaphore, #tpu.memory_space<semaphore_mem>>) src(%dma_wait3A_14 : memref<632x128xf32, #tpu.memory_space<hbm>>) dst(%dma_wait3A_12 : memref<632x128xf32, #tpu.memory_space<vmem_shared>>)
      tpu.yield
    }) : () -> ()
    "tpu.region"() ({
      %run_scoped3A = tpu.sem_alloc : memref<!tpu.dma_semaphore, #tpu.memory_space<semaphore_mem>>
      %dma_start3A = arith.constant 0 : i32
      %dma_start3A_9 = arith.constant 0 : i32
      %dma_start3A_10 = tpu.memref_slice %arg2[%add3A, %dma_start3A, %dma_start3A_9] : memref<32x125x80xi32, #tpu.memory_space<hbm>> -> memref<1x125x80xi32, #tpu.memory_space<hbm>>
      %dma_start3A_11 = tpu.memref_squeeze %dma_start3A_10 : memref<1x125x80xi32, #tpu.memory_space<hbm>> -> memref<125x80xi32, #tpu.memory_space<hbm>>
      %dma_start3A_12 = arith.constant 0 : i32
      %dma_start3A_13 = arith.constant 0 : i32
      %dma_start3A_14 = tpu.memref_slice %arg2[%add3A, %dma_start3A_12, %dma_start3A_13] : memref<32x125x80xi32, #tpu.memory_space<hbm>> -> memref<1x125x80xi32, #tpu.memory_space<hbm>>
      %dma_start3A_15 = tpu.memref_squeeze %dma_start3A_14 : memref<1x125x80xi32, #tpu.memory_space<hbm>> -> memref<125x80xi32, #tpu.memory_space<hbm>>
      tpu.enqueue_dma source(%dma_start3A_15 : memref<125x80xi32, #tpu.memory_space<hbm>>) target(%arg6 : memref<125x80xi32, #tpu.memory_space<vmem>>) target_semaphore(%run_scoped3A : memref<!tpu.dma_semaphore, #tpu.memory_space<semaphore_mem>>)
      %dma_wait3A = arith.constant 0 : i32
      %dma_wait3A_16 = arith.constant 0 : i32
      %dma_wait3A_17 = tpu.memref_slice %arg2[%add3A, %dma_wait3A, %dma_wait3A_16] : memref<32x125x80xi32, #tpu.memory_space<hbm>> -> memref<1x125x80xi32, #tpu.memory_space<hbm>>
      %dma_wait3A_18 = tpu.memref_squeeze %dma_wait3A_17 : memref<1x125x80xi32, #tpu.memory_space<hbm>> -> memref<125x80xi32, #tpu.memory_space<hbm>>
      %dma_wait3A_19 = arith.constant 0 : i32
      %dma_wait3A_20 = arith.constant 0 : i32
      %dma_wait3A_21 = tpu.memref_slice %arg2[%add3A, %dma_wait3A_19, %dma_wait3A_20] : memref<32x125x80xi32, #tpu.memory_space<hbm>> -> memref<1x125x80xi32, #tpu.memory_space<hbm>>
      %dma_wait3A_22 = tpu.memref_squeeze %dma_wait3A_21 : memref<1x125x80xi32, #tpu.memory_space<hbm>> -> memref<125x80xi32, #tpu.memory_space<hbm>>
      tpu.wait_dma2 semaphore(%run_scoped3A : memref<!tpu.dma_semaphore, #tpu.memory_space<semaphore_mem>>) src(%dma_wait3A_22 : memref<125x80xi32, #tpu.memory_space<hbm>>) dst(%arg6 : memref<125x80xi32, #tpu.memory_space<vmem>>)
      tpu.yield
    }) : () -> ()
    "tpu.region"() ({
      %run_scoped3A = tpu.sem_alloc : memref<!tpu.dma_semaphore, #tpu.memory_space<semaphore_mem>>
      tpu.enqueue_dma source(%arg3 : memref<80x128xf32, #tpu.memory_space<hbm>>) target(%arg7 : memref<80x128xf32, #tpu.memory_space<vmem>>) target_semaphore(%run_scoped3A : memref<!tpu.dma_semaphore, #tpu.memory_space<semaphore_mem>>)
      tpu.wait_dma2 semaphore(%run_scoped3A : memref<!tpu.dma_semaphore, #tpu.memory_space<semaphore_mem>>) src(%arg3 : memref<80x128xf32, #tpu.memory_space<hbm>>) dst(%arg7 : memref<80x128xf32, #tpu.memory_space<vmem>>)
      tpu.yield
    }) : () -> ()
    %barrier3A = arith.constant 0 : index
    tpu.barrier barrier_id(%barrier3A)
    %scan3A = arith.constant 0 : i32
    %scan3A_3 = arith.constant 0 : i32
    %scan3A_4 = arith.constant 125 : i32
    %scan3A_5 = arith.addi %scan3A_3, %scan3A_4 : i32
    %scan3A_6 = arith.constant 1 : i32
    scf.for %scan3A_9 = %scan3A_3 to %scan3A_5 step %scan3A_6  : i32 {
      "tpu.region"() ({
        %run_scoped3A = tpu.sem_alloc : memref<!tpu.dma_semaphore, #tpu.memory_space<semaphore_mem>>
        %dma_start3A = arith.constant 0 : i32
        %dma_start3A_10 = tpu.memref_slice %arg6[%scan3A_9, %dma_start3A] : memref<125x80xi32, #tpu.memory_space<vmem>> -> memref<1x80xi32, #tpu.memory_space<vmem>>
        %dma_start3A_11 = tpu.memref_squeeze %dma_start3A_10 : memref<1x80xi32, #tpu.memory_space<vmem>> -> memref<80xi32, #tpu.memory_space<vmem>>
        %dma_start3A_12 = arith.constant 0 : i32
        %dma_start3A_13 = arith.constant 0 : i32
        %dma_start3A_14 = tpu.memref_slice %arg8[%dma_start3A_12, %dma_start3A_13] : memref<10112x128xf32, #tpu.memory_space<vmem_shared>> -> memref<10112x128xf32, #tpu.memory_space<vmem_shared>>
        tpu.enqueue_indirect_dma source(%arg7 : memref<80x128xf32, #tpu.memory_space<vmem>>) target(%dma_start3A_14 : memref<10112x128xf32, #tpu.memory_space<vmem_shared>>) offsets(%dma_start3A_11 : memref<80xi32, #tpu.memory_space<vmem>>) semaphore(%run_scoped3A : memref<!tpu.dma_semaphore, #tpu.memory_space<semaphore_mem>>) {add = true}
        %dma_wait3A = arith.constant 0 : i32
        %dma_wait3A_15 = tpu.memref_slice %arg6[%scan3A_9, %dma_wait3A] : memref<125x80xi32, #tpu.memory_space<vmem>> -> memref<1x80xi32, #tpu.memory_space<vmem>>
        %dma_wait3A_16 = tpu.memref_squeeze %dma_wait3A_15 : memref<1x80xi32, #tpu.memory_space<vmem>> -> memref<80xi32, #tpu.memory_space<vmem>>
        %dma_wait3A_17 = arith.constant 0 : i32
        %dma_wait3A_18 = arith.constant 0 : i32
        %dma_wait3A_19 = tpu.memref_slice %arg8[%dma_wait3A_17, %dma_wait3A_18] : memref<10112x128xf32, #tpu.memory_space<vmem_shared>> -> memref<10112x128xf32, #tpu.memory_space<vmem_shared>>
        tpu.wait_indirect_dma semaphore(%run_scoped3A : memref<!tpu.dma_semaphore, #tpu.memory_space<semaphore_mem>>) src(%arg7 : memref<80x128xf32, #tpu.memory_space<vmem>>) dst(%dma_wait3A_19 : memref<10112x128xf32, #tpu.memory_space<vmem_shared>>)
        tpu.yield
      }) : () -> ()
    }
    %scan3A_7 = arith.constant 125 : i32
    %barrier3A_8 = arith.constant 0 : index
    tpu.barrier barrier_id(%barrier3A_8)
    "tpu.region"() ({
      %run_scoped3A = tpu.sem_alloc : memref<!tpu.dma_semaphore, #tpu.memory_space<semaphore_mem>>
      %dma_start3A = arith.constant 0 : i32
      %dma_start3A_9 = arith.constant 0 : i32
      %dma_start3A_10 = tpu.memref_slice %arg5[%arg0, %dma_start3A, %dma_start3A_9] : memref<2x10112x128xf32, #tpu.memory_space<hbm>> -> memref<1x10112x128xf32, #tpu.memory_space<hbm>>
      %dma_start3A_11 = tpu.memref_squeeze %dma_start3A_10 : memref<1x10112x128xf32, #tpu.memory_space<hbm>> -> memref<10112x128xf32, #tpu.memory_space<hbm>>
      %dma_start3A_12 = arith.constant 0 : i32
      %dma_start3A_13 = tpu.memref_slice %dma_start3A_11[%mul3A_2, %dma_start3A_12] : memref<10112x128xf32, #tpu.memory_space<hbm>> -> memref<632x128xf32, #tpu.memory_space<hbm>>
      %dma_start3A_14 = arith.constant 0 : i32
      %dma_start3A_15 = tpu.memref_slice %arg8[%mul3A_2, %dma_start3A_14] : memref<10112x128xf32, #tpu.memory_space<vmem_shared>> -> memref<632x128xf32, #tpu.memory_space<vmem_shared>>
      tpu.enqueue_dma source(%dma_start3A_15 : memref<632x128xf32, #tpu.memory_space<vmem_shared>>) target(%dma_start3A_13 : memref<632x128xf32, #tpu.memory_space<hbm>>) target_semaphore(%run_scoped3A : memref<!tpu.dma_semaphore, #tpu.memory_space<semaphore_mem>>)
      %dma_wait3A = arith.constant 0 : i32
      %dma_wait3A_16 = arith.constant 0 : i32
      %dma_wait3A_17 = tpu.memref_slice %arg5[%arg0, %dma_wait3A, %dma_wait3A_16] : memref<2x10112x128xf32, #tpu.memory_space<hbm>> -> memref<1x10112x128xf32, #tpu.memory_space<hbm>>
      %dma_wait3A_18 = tpu.memref_squeeze %dma_wait3A_17 : memref<1x10112x128xf32, #tpu.memory_space<hbm>> -> memref<10112x128xf32, #tpu.memory_space<hbm>>
      %dma_wait3A_19 = arith.constant 0 : i32
      %dma_wait3A_20 = tpu.memref_slice %dma_wait3A_18[%mul3A_2, %dma_wait3A_19] : memref<10112x128xf32, #tpu.memory_space<hbm>> -> memref<632x128xf32, #tpu.memory_space<hbm>>
      %dma_wait3A_21 = arith.constant 0 : i32
      %dma_wait3A_22 = tpu.memref_slice %arg8[%mul3A_2, %dma_wait3A_21] : memref<10112x128xf32, #tpu.memory_space<vmem_shared>> -> memref<632x128xf32, #tpu.memory_space<vmem_shared>>
      tpu.wait_dma2 semaphore(%run_scoped3A : memref<!tpu.dma_semaphore, #tpu.memory_space<semaphore_mem>>) src(%dma_wait3A_22 : memref<632x128xf32, #tpu.memory_space<vmem_shared>>) dst(%dma_wait3A_20 : memref<632x128xf32, #tpu.memory_space<hbm>>)
      tpu.yield
    }) : () -> ()
    return
  }
}

#map = affine_map<(d0, d1) -> (0, 0)>
#map1 = affine_map<(d0, d1) -> (0, 0, 0)>
module attributes {stable_mosaic.version = 14 : i64} {
  func.func @k(%arg0: i32, %arg1: i32, %arg2: memref<10000x128xf32, #tpu.memory_space<hbm>>, %arg3: memref<32x125x80xi32, #tpu.memory_space<hbm>>, %arg4: memref<32x125x80xi32, #tpu.memory_space<hbm>>, %arg5: memref<10112x128xf32, #tpu.memory_space<hbm>>, %arg6: memref<2x10112x128xf32, #tpu.memory_space<hbm>>, %arg7: memref<125x80xi32, #tpu.memory_space<vmem>>, %arg8: memref<3x80xi32, #tpu.memory_space<vmem>>, %arg9: memref<80x128xf32, #tpu.memory_space<vmem>>, %arg10: memref<80x128xf32, #tpu.memory_space<vmem>>, %arg11: memref<80x128xf32, #tpu.memory_space<vmem>>, %arg12: memref<!tpu.dma_semaphore, #tpu.memory_space<semaphore_mem>>, %arg13: memref<!tpu.dma_semaphore, #tpu.memory_space<semaphore_mem>>, %arg14: memref<!tpu.dma_semaphore, #tpu.memory_space<semaphore_mem>>, %arg15: memref<!tpu.dma_semaphore, #tpu.memory_space<semaphore_mem>>, %arg16: memref<!tpu.dma_semaphore, #tpu.memory_space<semaphore_mem>>, %arg17: memref<!tpu.dma_semaphore, #tpu.memory_space<semaphore_mem>>, %arg18: memref<!tpu.dma_semaphore, #tpu.memory_space<semaphore_mem>>, %arg19: memref<!tpu.dma_semaphore, #tpu.memory_space<semaphore_mem>>, %arg20: memref<!tpu.dma_semaphore, #tpu.memory_space<semaphore_mem>>, %arg21: memref<10112x128xf32, #tpu.memory_space<vmem_shared>>) attributes {dimension_semantics = [#tpu.dimension_semantics<core_parallel>, #tpu.dimension_semantics<subcore_parallel>], iteration_bounds = array<i64: 2, 16>, scalar_prefetch = 0 : i64, scratch_operands = 15 : i64, tpu.core_type = #tpu.core_type<sc_vector_subcore>, window_params = [{transform_indices = #map}, {transform_indices = #map1}, {transform_indices = #map1}, {transform_indices = #map}, {transform_indices = #map1}]} {
    %mul3A = arith.constant 2 : i32
    %mul3A_0 = arith.muli %arg1, %mul3A : i32
    %add3A = arith.addi %mul3A_0, %arg0 : i32
    %mul3A_1 = arith.constant 632 : i32
    %mul3A_2 = arith.muli %arg1, %mul3A_1 : i32
    "tpu.region"() ({
      %run_scoped3A = tpu.sem_alloc : memref<!tpu.dma_semaphore, #tpu.memory_space<semaphore_mem>>
      %dma_start3A_347 = arith.constant 0 : i32
      %dma_start3A_348 = tpu.memref_slice %arg21[%mul3A_2, %dma_start3A_347] : memref<10112x128xf32, #tpu.memory_space<vmem_shared>> -> memref<632x128xf32, #tpu.memory_space<vmem_shared>>
      %dma_start3A_349 = arith.constant 0 : i32
      %dma_start3A_350 = tpu.memref_slice %arg5[%mul3A_2, %dma_start3A_349] : memref<10112x128xf32, #tpu.memory_space<hbm>> -> memref<632x128xf32, #tpu.memory_space<hbm>>
      tpu.enqueue_dma source(%dma_start3A_350 : memref<632x128xf32, #tpu.memory_space<hbm>>) target(%dma_start3A_348 : memref<632x128xf32, #tpu.memory_space<vmem_shared>>) target_semaphore(%run_scoped3A : memref<!tpu.dma_semaphore, #tpu.memory_space<semaphore_mem>>)
      %dma_wait3A_351 = arith.constant 0 : i32
      %dma_wait3A_352 = tpu.memref_slice %arg21[%mul3A_2, %dma_wait3A_351] : memref<10112x128xf32, #tpu.memory_space<vmem_shared>> -> memref<632x128xf32, #tpu.memory_space<vmem_shared>>
      %dma_wait3A_353 = arith.constant 0 : i32
      %dma_wait3A_354 = tpu.memref_slice %arg5[%mul3A_2, %dma_wait3A_353] : memref<10112x128xf32, #tpu.memory_space<hbm>> -> memref<632x128xf32, #tpu.memory_space<hbm>>
      tpu.wait_dma2 semaphore(%run_scoped3A : memref<!tpu.dma_semaphore, #tpu.memory_space<semaphore_mem>>) src(%dma_wait3A_354 : memref<632x128xf32, #tpu.memory_space<hbm>>) dst(%dma_wait3A_352 : memref<632x128xf32, #tpu.memory_space<vmem_shared>>)
      tpu.yield
    }) : () -> ()
    "tpu.region"() ({
      %run_scoped3A = tpu.sem_alloc : memref<!tpu.dma_semaphore, #tpu.memory_space<semaphore_mem>>
      %dma_start3A_347 = arith.constant 0 : i32
      %dma_start3A_348 = arith.constant 0 : i32
      %dma_start3A_349 = tpu.memref_slice %arg3[%add3A, %dma_start3A_347, %dma_start3A_348] : memref<32x125x80xi32, #tpu.memory_space<hbm>> -> memref<1x125x80xi32, #tpu.memory_space<hbm>>
      %dma_start3A_350 = tpu.memref_squeeze %dma_start3A_349 : memref<1x125x80xi32, #tpu.memory_space<hbm>> -> memref<125x80xi32, #tpu.memory_space<hbm>>
      %dma_start3A_351 = arith.constant 0 : i32
      %dma_start3A_352 = arith.constant 0 : i32
      %dma_start3A_353 = tpu.memref_slice %arg3[%add3A, %dma_start3A_351, %dma_start3A_352] : memref<32x125x80xi32, #tpu.memory_space<hbm>> -> memref<1x125x80xi32, #tpu.memory_space<hbm>>
      %dma_start3A_354 = tpu.memref_squeeze %dma_start3A_353 : memref<1x125x80xi32, #tpu.memory_space<hbm>> -> memref<125x80xi32, #tpu.memory_space<hbm>>
      tpu.enqueue_dma source(%dma_start3A_354 : memref<125x80xi32, #tpu.memory_space<hbm>>) target(%arg7 : memref<125x80xi32, #tpu.memory_space<vmem>>) target_semaphore(%run_scoped3A : memref<!tpu.dma_semaphore, #tpu.memory_space<semaphore_mem>>)
      %dma_wait3A_355 = arith.constant 0 : i32
      %dma_wait3A_356 = arith.constant 0 : i32
      %dma_wait3A_357 = tpu.memref_slice %arg3[%add3A, %dma_wait3A_355, %dma_wait3A_356] : memref<32x125x80xi32, #tpu.memory_space<hbm>> -> memref<1x125x80xi32, #tpu.memory_space<hbm>>
      %dma_wait3A_358 = tpu.memref_squeeze %dma_wait3A_357 : memref<1x125x80xi32, #tpu.memory_space<hbm>> -> memref<125x80xi32, #tpu.memory_space<hbm>>
      %dma_wait3A_359 = arith.constant 0 : i32
      %dma_wait3A_360 = arith.constant 0 : i32
      %dma_wait3A_361 = tpu.memref_slice %arg3[%add3A, %dma_wait3A_359, %dma_wait3A_360] : memref<32x125x80xi32, #tpu.memory_space<hbm>> -> memref<1x125x80xi32, #tpu.memory_space<hbm>>
      %dma_wait3A_362 = tpu.memref_squeeze %dma_wait3A_361 : memref<1x125x80xi32, #tpu.memory_space<hbm>> -> memref<125x80xi32, #tpu.memory_space<hbm>>
      tpu.wait_dma2 semaphore(%run_scoped3A : memref<!tpu.dma_semaphore, #tpu.memory_space<semaphore_mem>>) src(%dma_wait3A_362 : memref<125x80xi32, #tpu.memory_space<hbm>>) dst(%arg7 : memref<125x80xi32, #tpu.memory_space<vmem>>)
      tpu.yield
    }) : () -> ()
    %barrier3A = arith.constant 0 : index
    tpu.barrier barrier_id(%barrier3A)
    %dma_start3A = arith.constant 0 : i32
    %dma_start3A_3 = arith.constant 0 : i32
    %dma_start3A_4 = tpu.memref_slice %arg8[%dma_start3A, %dma_start3A_3] : memref<3x80xi32, #tpu.memory_space<vmem>> -> memref<1x80xi32, #tpu.memory_space<vmem>>
    %dma_start3A_5 = arith.constant 0 : i32
    %dma_start3A_6 = arith.constant 0 : i32
    %dma_start3A_7 = tpu.memref_slice %arg4[%add3A, %dma_start3A_5, %dma_start3A_6] : memref<32x125x80xi32, #tpu.memory_space<hbm>> -> memref<1x125x80xi32, #tpu.memory_space<hbm>>
    %dma_start3A_8 = tpu.memref_squeeze %dma_start3A_7 : memref<1x125x80xi32, #tpu.memory_space<hbm>> -> memref<125x80xi32, #tpu.memory_space<hbm>>
    %dma_start3A_9 = arith.constant 0 : i32
    %dma_start3A_10 = arith.constant 0 : i32
    %dma_start3A_11 = tpu.memref_slice %dma_start3A_8[%dma_start3A_9, %dma_start3A_10] : memref<125x80xi32, #tpu.memory_space<hbm>> -> memref<1x80xi32, #tpu.memory_space<hbm>>
    %dma_start3A_12 = arith.constant 0 : i32
    %dma_start3A_13 = arith.constant 0 : i32
    %dma_start3A_14 = tpu.memref_slice %arg8[%dma_start3A_12, %dma_start3A_13] : memref<3x80xi32, #tpu.memory_space<vmem>> -> memref<1x80xi32, #tpu.memory_space<vmem>>
    %dma_start3A_15 = arith.constant 0 : i32
    %dma_start3A_16 = arith.constant 0 : i32
    %dma_start3A_17 = tpu.memref_slice %arg4[%add3A, %dma_start3A_15, %dma_start3A_16] : memref<32x125x80xi32, #tpu.memory_space<hbm>> -> memref<1x125x80xi32, #tpu.memory_space<hbm>>
    %dma_start3A_18 = tpu.memref_squeeze %dma_start3A_17 : memref<1x125x80xi32, #tpu.memory_space<hbm>> -> memref<125x80xi32, #tpu.memory_space<hbm>>
    %dma_start3A_19 = arith.constant 0 : i32
    %dma_start3A_20 = arith.constant 0 : i32
    %dma_start3A_21 = tpu.memref_slice %dma_start3A_18[%dma_start3A_19, %dma_start3A_20] : memref<125x80xi32, #tpu.memory_space<hbm>> -> memref<1x80xi32, #tpu.memory_space<hbm>>
    tpu.enqueue_dma source(%dma_start3A_21 : memref<1x80xi32, #tpu.memory_space<hbm>>) target(%dma_start3A_14 : memref<1x80xi32, #tpu.memory_space<vmem>>) target_semaphore(%arg15 : memref<!tpu.dma_semaphore, #tpu.memory_space<semaphore_mem>>)
    %dma_start3A_22 = arith.constant 1 : i32
    %dma_start3A_23 = arith.constant 0 : i32
    %dma_start3A_24 = tpu.memref_slice %arg8[%dma_start3A_22, %dma_start3A_23] : memref<3x80xi32, #tpu.memory_space<vmem>> -> memref<1x80xi32, #tpu.memory_space<vmem>>
    %dma_start3A_25 = arith.constant 0 : i32
    %dma_start3A_26 = arith.constant 0 : i32
    %dma_start3A_27 = tpu.memref_slice %arg4[%add3A, %dma_start3A_25, %dma_start3A_26] : memref<32x125x80xi32, #tpu.memory_space<hbm>> -> memref<1x125x80xi32, #tpu.memory_space<hbm>>
    %dma_start3A_28 = tpu.memref_squeeze %dma_start3A_27 : memref<1x125x80xi32, #tpu.memory_space<hbm>> -> memref<125x80xi32, #tpu.memory_space<hbm>>
    %dma_start3A_29 = arith.constant 1 : i32
    %dma_start3A_30 = arith.constant 0 : i32
    %dma_start3A_31 = tpu.memref_slice %dma_start3A_28[%dma_start3A_29, %dma_start3A_30] : memref<125x80xi32, #tpu.memory_space<hbm>> -> memref<1x80xi32, #tpu.memory_space<hbm>>
    %dma_start3A_32 = arith.constant 1 : i32
    %dma_start3A_33 = arith.constant 0 : i32
    %dma_start3A_34 = tpu.memref_slice %arg8[%dma_start3A_32, %dma_start3A_33] : memref<3x80xi32, #tpu.memory_space<vmem>> -> memref<1x80xi32, #tpu.memory_space<vmem>>
    %dma_start3A_35 = arith.constant 0 : i32
    %dma_start3A_36 = arith.constant 0 : i32
    %dma_start3A_37 = tpu.memref_slice %arg4[%add3A, %dma_start3A_35, %dma_start3A_36] : memref<32x125x80xi32, #tpu.memory_space<hbm>> -> memref<1x125x80xi32, #tpu.memory_space<hbm>>
    %dma_start3A_38 = tpu.memref_squeeze %dma_start3A_37 : memref<1x125x80xi32, #tpu.memory_space<hbm>> -> memref<125x80xi32, #tpu.memory_space<hbm>>
    %dma_start3A_39 = arith.constant 1 : i32
    %dma_start3A_40 = arith.constant 0 : i32
    %dma_start3A_41 = tpu.memref_slice %dma_start3A_38[%dma_start3A_39, %dma_start3A_40] : memref<125x80xi32, #tpu.memory_space<hbm>> -> memref<1x80xi32, #tpu.memory_space<hbm>>
    tpu.enqueue_dma source(%dma_start3A_41 : memref<1x80xi32, #tpu.memory_space<hbm>>) target(%dma_start3A_34 : memref<1x80xi32, #tpu.memory_space<vmem>>) target_semaphore(%arg16 : memref<!tpu.dma_semaphore, #tpu.memory_space<semaphore_mem>>)
    %dma_start3A_42 = arith.constant 2 : i32
    %dma_start3A_43 = arith.constant 0 : i32
    %dma_start3A_44 = tpu.memref_slice %arg8[%dma_start3A_42, %dma_start3A_43] : memref<3x80xi32, #tpu.memory_space<vmem>> -> memref<1x80xi32, #tpu.memory_space<vmem>>
    %dma_start3A_45 = arith.constant 0 : i32
    %dma_start3A_46 = arith.constant 0 : i32
    %dma_start3A_47 = tpu.memref_slice %arg4[%add3A, %dma_start3A_45, %dma_start3A_46] : memref<32x125x80xi32, #tpu.memory_space<hbm>> -> memref<1x125x80xi32, #tpu.memory_space<hbm>>
    %dma_start3A_48 = tpu.memref_squeeze %dma_start3A_47 : memref<1x125x80xi32, #tpu.memory_space<hbm>> -> memref<125x80xi32, #tpu.memory_space<hbm>>
    %dma_start3A_49 = arith.constant 2 : i32
    %dma_start3A_50 = arith.constant 0 : i32
    %dma_start3A_51 = tpu.memref_slice %dma_start3A_48[%dma_start3A_49, %dma_start3A_50] : memref<125x80xi32, #tpu.memory_space<hbm>> -> memref<1x80xi32, #tpu.memory_space<hbm>>
    %dma_start3A_52 = arith.constant 2 : i32
    %dma_start3A_53 = arith.constant 0 : i32
    %dma_start3A_54 = tpu.memref_slice %arg8[%dma_start3A_52, %dma_start3A_53] : memref<3x80xi32, #tpu.memory_space<vmem>> -> memref<1x80xi32, #tpu.memory_space<vmem>>
    %dma_start3A_55 = arith.constant 0 : i32
    %dma_start3A_56 = arith.constant 0 : i32
    %dma_start3A_57 = tpu.memref_slice %arg4[%add3A, %dma_start3A_55, %dma_start3A_56] : memref<32x125x80xi32, #tpu.memory_space<hbm>> -> memref<1x125x80xi32, #tpu.memory_space<hbm>>
    %dma_start3A_58 = tpu.memref_squeeze %dma_start3A_57 : memref<1x125x80xi32, #tpu.memory_space<hbm>> -> memref<125x80xi32, #tpu.memory_space<hbm>>
    %dma_start3A_59 = arith.constant 2 : i32
    %dma_start3A_60 = arith.constant 0 : i32
    %dma_start3A_61 = tpu.memref_slice %dma_start3A_58[%dma_start3A_59, %dma_start3A_60] : memref<125x80xi32, #tpu.memory_space<hbm>> -> memref<1x80xi32, #tpu.memory_space<hbm>>
    tpu.enqueue_dma source(%dma_start3A_61 : memref<1x80xi32, #tpu.memory_space<hbm>>) target(%dma_start3A_54 : memref<1x80xi32, #tpu.memory_space<vmem>>) target_semaphore(%arg17 : memref<!tpu.dma_semaphore, #tpu.memory_space<semaphore_mem>>)
    %dma_start3A_62 = arith.constant 0 : i32
    %dma_start3A_63 = arith.constant 0 : i32
    %dma_start3A_64 = tpu.memref_slice %arg7[%dma_start3A_62, %dma_start3A_63] : memref<125x80xi32, #tpu.memory_space<vmem>> -> memref<1x80xi32, #tpu.memory_space<vmem>>
    %dma_start3A_65 = tpu.memref_squeeze %dma_start3A_64 : memref<1x80xi32, #tpu.memory_space<vmem>> -> memref<80xi32, #tpu.memory_space<vmem>>
    %dma_start3A_66 = arith.constant 0 : i32
    %dma_start3A_67 = arith.constant 0 : i32
    %dma_start3A_68 = tpu.memref_slice %arg2[%dma_start3A_66, %dma_start3A_67] : memref<10000x128xf32, #tpu.memory_space<hbm>> -> memref<10000x128xf32, #tpu.memory_space<hbm>>
    tpu.enqueue_indirect_dma source(%dma_start3A_68 : memref<10000x128xf32, #tpu.memory_space<hbm>>) target(%arg9 : memref<80x128xf32, #tpu.memory_space<vmem>>) offsets(%dma_start3A_65 : memref<80xi32, #tpu.memory_space<vmem>>) semaphore(%arg12 : memref<!tpu.dma_semaphore, #tpu.memory_space<semaphore_mem>>)
    %dma_start3A_69 = arith.constant 1 : i32
    %dma_start3A_70 = arith.constant 0 : i32
    %dma_start3A_71 = tpu.memref_slice %arg7[%dma_start3A_69, %dma_start3A_70] : memref<125x80xi32, #tpu.memory_space<vmem>> -> memref<1x80xi32, #tpu.memory_space<vmem>>
    %dma_start3A_72 = tpu.memref_squeeze %dma_start3A_71 : memref<1x80xi32, #tpu.memory_space<vmem>> -> memref<80xi32, #tpu.memory_space<vmem>>
    %dma_start3A_73 = arith.constant 0 : i32
    %dma_start3A_74 = arith.constant 0 : i32
    %dma_start3A_75 = tpu.memref_slice %arg2[%dma_start3A_73, %dma_start3A_74] : memref<10000x128xf32, #tpu.memory_space<hbm>> -> memref<10000x128xf32, #tpu.memory_space<hbm>>
    tpu.enqueue_indirect_dma source(%dma_start3A_75 : memref<10000x128xf32, #tpu.memory_space<hbm>>) target(%arg10 : memref<80x128xf32, #tpu.memory_space<vmem>>) offsets(%dma_start3A_72 : memref<80xi32, #tpu.memory_space<vmem>>) semaphore(%arg13 : memref<!tpu.dma_semaphore, #tpu.memory_space<semaphore_mem>>)
    %dma_wait3A = arith.constant 0 : i32
    %dma_wait3A_76 = arith.constant 0 : i32
    %dma_wait3A_77 = tpu.memref_slice %arg7[%dma_wait3A, %dma_wait3A_76] : memref<125x80xi32, #tpu.memory_space<vmem>> -> memref<1x80xi32, #tpu.memory_space<vmem>>
    %dma_wait3A_78 = tpu.memref_squeeze %dma_wait3A_77 : memref<1x80xi32, #tpu.memory_space<vmem>> -> memref<80xi32, #tpu.memory_space<vmem>>
    %dma_wait3A_79 = arith.constant 0 : i32
    %dma_wait3A_80 = arith.constant 0 : i32
    %dma_wait3A_81 = tpu.memref_slice %arg2[%dma_wait3A_79, %dma_wait3A_80] : memref<10000x128xf32, #tpu.memory_space<hbm>> -> memref<10000x128xf32, #tpu.memory_space<hbm>>
    tpu.wait_indirect_dma semaphore(%arg12 : memref<!tpu.dma_semaphore, #tpu.memory_space<semaphore_mem>>) src(%dma_wait3A_81 : memref<10000x128xf32, #tpu.memory_space<hbm>>) dst(%arg9 : memref<80x128xf32, #tpu.memory_space<vmem>>)
    %dma_wait3A_82 = arith.constant 0 : i32
    %dma_wait3A_83 = arith.constant 0 : i32
    %dma_wait3A_84 = tpu.memref_slice %arg8[%dma_wait3A_82, %dma_wait3A_83] : memref<3x80xi32, #tpu.memory_space<vmem>> -> memref<1x80xi32, #tpu.memory_space<vmem>>
    %dma_wait3A_85 = arith.constant 0 : i32
    %dma_wait3A_86 = arith.constant 0 : i32
    %dma_wait3A_87 = tpu.memref_slice %arg4[%add3A, %dma_wait3A_85, %dma_wait3A_86] : memref<32x125x80xi32, #tpu.memory_space<hbm>> -> memref<1x125x80xi32, #tpu.memory_space<hbm>>
    %dma_wait3A_88 = tpu.memref_squeeze %dma_wait3A_87 : memref<1x125x80xi32, #tpu.memory_space<hbm>> -> memref<125x80xi32, #tpu.memory_space<hbm>>
    %dma_wait3A_89 = arith.constant 0 : i32
    %dma_wait3A_90 = arith.constant 0 : i32
    %dma_wait3A_91 = tpu.memref_slice %dma_wait3A_88[%dma_wait3A_89, %dma_wait3A_90] : memref<125x80xi32, #tpu.memory_space<hbm>> -> memref<1x80xi32, #tpu.memory_space<hbm>>
    %dma_wait3A_92 = arith.constant 0 : i32
    %dma_wait3A_93 = arith.constant 0 : i32
    %dma_wait3A_94 = tpu.memref_slice %arg8[%dma_wait3A_92, %dma_wait3A_93] : memref<3x80xi32, #tpu.memory_space<vmem>> -> memref<1x80xi32, #tpu.memory_space<vmem>>
    %dma_wait3A_95 = arith.constant 0 : i32
    %dma_wait3A_96 = arith.constant 0 : i32
    %dma_wait3A_97 = tpu.memref_slice %arg4[%add3A, %dma_wait3A_95, %dma_wait3A_96] : memref<32x125x80xi32, #tpu.memory_space<hbm>> -> memref<1x125x80xi32, #tpu.memory_space<hbm>>
    %dma_wait3A_98 = tpu.memref_squeeze %dma_wait3A_97 : memref<1x125x80xi32, #tpu.memory_space<hbm>> -> memref<125x80xi32, #tpu.memory_space<hbm>>
    %dma_wait3A_99 = arith.constant 0 : i32
    %dma_wait3A_100 = arith.constant 0 : i32
    %dma_wait3A_101 = tpu.memref_slice %dma_wait3A_98[%dma_wait3A_99, %dma_wait3A_100] : memref<125x80xi32, #tpu.memory_space<hbm>> -> memref<1x80xi32, #tpu.memory_space<hbm>>
    tpu.wait_dma2 semaphore(%arg15 : memref<!tpu.dma_semaphore, #tpu.memory_space<semaphore_mem>>) src(%dma_wait3A_101 : memref<1x80xi32, #tpu.memory_space<hbm>>) dst(%dma_wait3A_94 : memref<1x80xi32, #tpu.memory_space<vmem>>)
    %dma_start3A_102 = arith.constant 2 : i32
    %dma_start3A_103 = arith.constant 0 : i32
    %dma_start3A_104 = tpu.memref_slice %arg7[%dma_start3A_102, %dma_start3A_103] : memref<125x80xi32, #tpu.memory_space<vmem>> -> memref<1x80xi32, #tpu.memory_space<vmem>>
    %dma_start3A_105 = tpu.memref_squeeze %dma_start3A_104 : memref<1x80xi32, #tpu.memory_space<vmem>> -> memref<80xi32, #tpu.memory_space<vmem>>
    %dma_start3A_106 = arith.constant 0 : i32
    %dma_start3A_107 = arith.constant 0 : i32
    %dma_start3A_108 = tpu.memref_slice %arg2[%dma_start3A_106, %dma_start3A_107] : memref<10000x128xf32, #tpu.memory_space<hbm>> -> memref<10000x128xf32, #tpu.memory_space<hbm>>
    tpu.enqueue_indirect_dma source(%dma_start3A_108 : memref<10000x128xf32, #tpu.memory_space<hbm>>) target(%arg11 : memref<80x128xf32, #tpu.memory_space<vmem>>) offsets(%dma_start3A_105 : memref<80xi32, #tpu.memory_space<vmem>>) semaphore(%arg14 : memref<!tpu.dma_semaphore, #tpu.memory_space<semaphore_mem>>)
    %dma_start3A_109 = arith.constant 0 : i32
    %dma_start3A_110 = arith.constant 0 : i32
    %dma_start3A_111 = tpu.memref_slice %arg8[%dma_start3A_109, %dma_start3A_110] : memref<3x80xi32, #tpu.memory_space<vmem>> -> memref<1x80xi32, #tpu.memory_space<vmem>>
    %dma_start3A_112 = tpu.memref_squeeze %dma_start3A_111 : memref<1x80xi32, #tpu.memory_space<vmem>> -> memref<80xi32, #tpu.memory_space<vmem>>
    %dma_start3A_113 = arith.constant 0 : i32
    %dma_start3A_114 = arith.constant 0 : i32
    %dma_start3A_115 = tpu.memref_slice %arg21[%dma_start3A_113, %dma_start3A_114] : memref<10112x128xf32, #tpu.memory_space<vmem_shared>> -> memref<10112x128xf32, #tpu.memory_space<vmem_shared>>
    tpu.enqueue_indirect_dma source(%arg9 : memref<80x128xf32, #tpu.memory_space<vmem>>) target(%dma_start3A_115 : memref<10112x128xf32, #tpu.memory_space<vmem_shared>>) offsets(%dma_start3A_112 : memref<80xi32, #tpu.memory_space<vmem>>) semaphore(%arg18 : memref<!tpu.dma_semaphore, #tpu.memory_space<semaphore_mem>>) {add = true}
    %scan3A = arith.constant 0 : i32
    %scan3A_116 = arith.constant 0 : i32
    %scan3A_117 = arith.constant 40 : i32
    %scan3A_118 = arith.addi %scan3A_116, %scan3A_117 : i32
    %scan3A_119 = arith.constant 1 : i32
    scf.for %scan3A_347 = %scan3A_116 to %scan3A_118 step %scan3A_119  : i32 {
      %mul3A_348 = arith.constant 3 : i32
      %mul3A_349 = arith.muli %mul3A_348, %scan3A_347 : i32
      %add3A_350 = arith.constant 1 : i32
      %add3A_351 = arith.addi %mul3A_349, %add3A_350 : i32
      %dma_wait3A_352 = arith.constant 0 : i32
      %dma_wait3A_353 = arith.constant 0 : i32
      %dma_wait3A_354 = tpu.memref_slice %arg8[%dma_wait3A_352, %dma_wait3A_353] : memref<3x80xi32, #tpu.memory_space<vmem>> -> memref<1x80xi32, #tpu.memory_space<vmem>>
      %dma_wait3A_355 = tpu.memref_squeeze %dma_wait3A_354 : memref<1x80xi32, #tpu.memory_space<vmem>> -> memref<80xi32, #tpu.memory_space<vmem>>
      %dma_wait3A_356 = arith.constant 0 : i32
      %dma_wait3A_357 = arith.constant 0 : i32
      %dma_wait3A_358 = tpu.memref_slice %arg21[%dma_wait3A_356, %dma_wait3A_357] : memref<10112x128xf32, #tpu.memory_space<vmem_shared>> -> memref<10112x128xf32, #tpu.memory_space<vmem_shared>>
      tpu.wait_indirect_dma semaphore(%arg18 : memref<!tpu.dma_semaphore, #tpu.memory_space<semaphore_mem>>) src(%arg9 : memref<80x128xf32, #tpu.memory_space<vmem>>) dst(%dma_wait3A_358 : memref<10112x128xf32, #tpu.memory_space<vmem_shared>>)
      %add3A_359 = arith.constant 2 : i32
      %add3A_360 = arith.addi %add3A_351, %add3A_359 : i32
      %dma_start3A_361 = arith.constant 0 : i32
      %dma_start3A_362 = arith.constant 0 : i32
      %dma_start3A_363 = tpu.memref_slice %arg8[%dma_start3A_361, %dma_start3A_362] : memref<3x80xi32, #tpu.memory_space<vmem>> -> memref<1x80xi32, #tpu.memory_space<vmem>>
      %dma_start3A_364 = arith.constant 0 : i32
      %dma_start3A_365 = arith.constant 0 : i32
      %dma_start3A_366 = tpu.memref_slice %arg4[%add3A, %dma_start3A_364, %dma_start3A_365] : memref<32x125x80xi32, #tpu.memory_space<hbm>> -> memref<1x125x80xi32, #tpu.memory_space<hbm>>
      %dma_start3A_367 = tpu.memref_squeeze %dma_start3A_366 : memref<1x125x80xi32, #tpu.memory_space<hbm>> -> memref<125x80xi32, #tpu.memory_space<hbm>>
      %dma_start3A_368 = arith.constant 0 : i32
      %dma_start3A_369 = tpu.memref_slice %dma_start3A_367[%add3A_360, %dma_start3A_368] : memref<125x80xi32, #tpu.memory_space<hbm>> -> memref<1x80xi32, #tpu.memory_space<hbm>>
      %dma_start3A_370 = arith.constant 0 : i32
      %dma_start3A_371 = arith.constant 0 : i32
      %dma_start3A_372 = tpu.memref_slice %arg8[%dma_start3A_370, %dma_start3A_371] : memref<3x80xi32, #tpu.memory_space<vmem>> -> memref<1x80xi32, #tpu.memory_space<vmem>>
      %dma_start3A_373 = arith.constant 0 : i32
      %dma_start3A_374 = arith.constant 0 : i32
      %dma_start3A_375 = tpu.memref_slice %arg4[%add3A, %dma_start3A_373, %dma_start3A_374] : memref<32x125x80xi32, #tpu.memory_space<hbm>> -> memref<1x125x80xi32, #tpu.memory_space<hbm>>
      %dma_start3A_376 = tpu.memref_squeeze %dma_start3A_375 : memref<1x125x80xi32, #tpu.memory_space<hbm>> -> memref<125x80xi32, #tpu.memory_space<hbm>>
      %dma_start3A_377 = arith.constant 0 : i32
      %dma_start3A_378 = tpu.memref_slice %dma_start3A_376[%add3A_360, %dma_start3A_377] : memref<125x80xi32, #tpu.memory_space<hbm>> -> memref<1x80xi32, #tpu.memory_space<hbm>>
      tpu.enqueue_dma source(%dma_start3A_378 : memref<1x80xi32, #tpu.memory_space<hbm>>) target(%dma_start3A_372 : memref<1x80xi32, #tpu.memory_space<vmem>>) target_semaphore(%arg15 : memref<!tpu.dma_semaphore, #tpu.memory_space<semaphore_mem>>)
      %dma_wait3A_379 = arith.constant 0 : i32
      %dma_wait3A_380 = tpu.memref_slice %arg7[%add3A_351, %dma_wait3A_379] : memref<125x80xi32, #tpu.memory_space<vmem>> -> memref<1x80xi32, #tpu.memory_space<vmem>>
      %dma_wait3A_381 = tpu.memref_squeeze %dma_wait3A_380 : memref<1x80xi32, #tpu.memory_space<vmem>> -> memref<80xi32, #tpu.memory_space<vmem>>
      %dma_wait3A_382 = arith.constant 0 : i32
      %dma_wait3A_383 = arith.constant 0 : i32
      %dma_wait3A_384 = tpu.memref_slice %arg2[%dma_wait3A_382, %dma_wait3A_383] : memref<10000x128xf32, #tpu.memory_space<hbm>> -> memref<10000x128xf32, #tpu.memory_space<hbm>>
      tpu.wait_indirect_dma semaphore(%arg13 : memref<!tpu.dma_semaphore, #tpu.memory_space<semaphore_mem>>) src(%dma_wait3A_384 : memref<10000x128xf32, #tpu.memory_space<hbm>>) dst(%arg10 : memref<80x128xf32, #tpu.memory_space<vmem>>)
      %dma_wait3A_385 = arith.constant 1 : i32
      %dma_wait3A_386 = arith.constant 0 : i32
      %dma_wait3A_387 = tpu.memref_slice %arg8[%dma_wait3A_385, %dma_wait3A_386] : memref<3x80xi32, #tpu.memory_space<vmem>> -> memref<1x80xi32, #tpu.memory_space<vmem>>
      %dma_wait3A_388 = arith.constant 0 : i32
      %dma_wait3A_389 = arith.constant 0 : i32
      %dma_wait3A_390 = tpu.memref_slice %arg4[%add3A, %dma_wait3A_388, %dma_wait3A_389] : memref<32x125x80xi32, #tpu.memory_space<hbm>> -> memref<1x125x80xi32, #tpu.memory_space<hbm>>
      %dma_wait3A_391 = tpu.memref_squeeze %dma_wait3A_390 : memref<1x125x80xi32, #tpu.memory_space<hbm>> -> memref<125x80xi32, #tpu.memory_space<hbm>>
      %dma_wait3A_392 = arith.constant 0 : i32
      %dma_wait3A_393 = tpu.memref_slice %dma_wait3A_391[%add3A_351, %dma_wait3A_392] : memref<125x80xi32, #tpu.memory_space<hbm>> -> memref<1x80xi32, #tpu.memory_space<hbm>>
      %dma_wait3A_394 = arith.constant 1 : i32
      %dma_wait3A_395 = arith.constant 0 : i32
      %dma_wait3A_396 = tpu.memref_slice %arg8[%dma_wait3A_394, %dma_wait3A_395] : memref<3x80xi32, #tpu.memory_space<vmem>> -> memref<1x80xi32, #tpu.memory_space<vmem>>
      %dma_wait3A_397 = arith.constant 0 : i32
      %dma_wait3A_398 = arith.constant 0 : i32
      %dma_wait3A_399 = tpu.memref_slice %arg4[%add3A, %dma_wait3A_397, %dma_wait3A_398] : memref<32x125x80xi32, #tpu.memory_space<hbm>> -> memref<1x125x80xi32, #tpu.memory_space<hbm>>
      %dma_wait3A_400 = tpu.memref_squeeze %dma_wait3A_399 : memref<1x125x80xi32, #tpu.memory_space<hbm>> -> memref<125x80xi32, #tpu.memory_space<hbm>>
      %dma_wait3A_401 = arith.constant 0 : i32
      %dma_wait3A_402 = tpu.memref_slice %dma_wait3A_400[%add3A_351, %dma_wait3A_401] : memref<125x80xi32, #tpu.memory_space<hbm>> -> memref<1x80xi32, #tpu.memory_space<hbm>>
      tpu.wait_dma2 semaphore(%arg16 : memref<!tpu.dma_semaphore, #tpu.memory_space<semaphore_mem>>) src(%dma_wait3A_402 : memref<1x80xi32, #tpu.memory_space<hbm>>) dst(%dma_wait3A_396 : memref<1x80xi32, #tpu.memory_space<vmem>>)
      %add3A_403 = arith.constant 2 : i32
      %add3A_404 = arith.addi %add3A_351, %add3A_403 : i32
      %dma_start3A_405 = arith.constant 0 : i32
      %dma_start3A_406 = tpu.memref_slice %arg7[%add3A_404, %dma_start3A_405] : memref<125x80xi32, #tpu.memory_space<vmem>> -> memref<1x80xi32, #tpu.memory_space<vmem>>
      %dma_start3A_407 = tpu.memref_squeeze %dma_start3A_406 : memref<1x80xi32, #tpu.memory_space<vmem>> -> memref<80xi32, #tpu.memory_space<vmem>>
      %dma_start3A_408 = arith.constant 0 : i32
      %dma_start3A_409 = arith.constant 0 : i32
      %dma_start3A_410 = tpu.memref_slice %arg2[%dma_start3A_408, %dma_start3A_409] : memref<10000x128xf32, #tpu.memory_space<hbm>> -> memref<10000x128xf32, #tpu.memory_space<hbm>>
      tpu.enqueue_indirect_dma source(%dma_start3A_410 : memref<10000x128xf32, #tpu.memory_space<hbm>>) target(%arg9 : memref<80x128xf32, #tpu.memory_space<vmem>>) offsets(%dma_start3A_407 : memref<80xi32, #tpu.memory_space<vmem>>) semaphore(%arg12 : memref<!tpu.dma_semaphore, #tpu.memory_space<semaphore_mem>>)
      %dma_start3A_411 = arith.constant 1 : i32
      %dma_start3A_412 = arith.constant 0 : i32
      %dma_start3A_413 = tpu.memref_slice %arg8[%dma_start3A_411, %dma_start3A_412] : memref<3x80xi32, #tpu.memory_space<vmem>> -> memref<1x80xi32, #tpu.memory_space<vmem>>
      %dma_start3A_414 = tpu.memref_squeeze %dma_start3A_413 : memref<1x80xi32, #tpu.memory_space<vmem>> -> memref<80xi32, #tpu.memory_space<vmem>>
      %dma_start3A_415 = arith.constant 0 : i32
      %dma_start3A_416 = arith.constant 0 : i32
      %dma_start3A_417 = tpu.memref_slice %arg21[%dma_start3A_415, %dma_start3A_416] : memref<10112x128xf32, #tpu.memory_space<vmem_shared>> -> memref<10112x128xf32, #tpu.memory_space<vmem_shared>>
      tpu.enqueue_indirect_dma source(%arg10 : memref<80x128xf32, #tpu.memory_space<vmem>>) target(%dma_start3A_417 : memref<10112x128xf32, #tpu.memory_space<vmem_shared>>) offsets(%dma_start3A_414 : memref<80xi32, #tpu.memory_space<vmem>>) semaphore(%arg19 : memref<!tpu.dma_semaphore, #tpu.memory_space<semaphore_mem>>) {add = true}
      %add3A_418 = arith.constant 2 : i32
      %add3A_419 = arith.addi %mul3A_349, %add3A_418 : i32
      %dma_wait3A_420 = arith.constant 1 : i32
      %dma_wait3A_421 = arith.constant 0 : i32
      %dma_wait3A_422 = tpu.memref_slice %arg8[%dma_wait3A_420, %dma_wait3A_421] : memref<3x80xi32, #tpu.memory_space<vmem>> -> memref<1x80xi32, #tpu.memory_space<vmem>>
      %dma_wait3A_423 = tpu.memref_squeeze %dma_wait3A_422 : memref<1x80xi32, #tpu.memory_space<vmem>> -> memref<80xi32, #tpu.memory_space<vmem>>
      %dma_wait3A_424 = arith.constant 0 : i32
      %dma_wait3A_425 = arith.constant 0 : i32
      %dma_wait3A_426 = tpu.memref_slice %arg21[%dma_wait3A_424, %dma_wait3A_425] : memref<10112x128xf32, #tpu.memory_space<vmem_shared>> -> memref<10112x128xf32, #tpu.memory_space<vmem_shared>>
      tpu.wait_indirect_dma semaphore(%arg19 : memref<!tpu.dma_semaphore, #tpu.memory_space<semaphore_mem>>) src(%arg10 : memref<80x128xf32, #tpu.memory_space<vmem>>) dst(%dma_wait3A_426 : memref<10112x128xf32, #tpu.memory_space<vmem_shared>>)
      %add3A_427 = arith.constant 2 : i32
      %add3A_428 = arith.addi %add3A_419, %add3A_427 : i32
      %dma_start3A_429 = arith.constant 1 : i32
      %dma_start3A_430 = arith.constant 0 : i32
      %dma_start3A_431 = tpu.memref_slice %arg8[%dma_start3A_429, %dma_start3A_430] : memref<3x80xi32, #tpu.memory_space<vmem>> -> memref<1x80xi32, #tpu.memory_space<vmem>>
      %dma_start3A_432 = arith.constant 0 : i32
      %dma_start3A_433 = arith.constant 0 : i32
      %dma_start3A_434 = tpu.memref_slice %arg4[%add3A, %dma_start3A_432, %dma_start3A_433] : memref<32x125x80xi32, #tpu.memory_space<hbm>> -> memref<1x125x80xi32, #tpu.memory_space<hbm>>
      %dma_start3A_435 = tpu.memref_squeeze %dma_start3A_434 : memref<1x125x80xi32, #tpu.memory_space<hbm>> -> memref<125x80xi32, #tpu.memory_space<hbm>>
      %dma_start3A_436 = arith.constant 0 : i32
      %dma_start3A_437 = tpu.memref_slice %dma_start3A_435[%add3A_428, %dma_start3A_436] : memref<125x80xi32, #tpu.memory_space<hbm>> -> memref<1x80xi32, #tpu.memory_space<hbm>>
      %dma_start3A_438 = arith.constant 1 : i32
      %dma_start3A_439 = arith.constant 0 : i32
      %dma_start3A_440 = tpu.memref_slice %arg8[%dma_start3A_438, %dma_start3A_439] : memref<3x80xi32, #tpu.memory_space<vmem>> -> memref<1x80xi32, #tpu.memory_space<vmem>>
      %dma_start3A_441 = arith.constant 0 : i32
      %dma_start3A_442 = arith.constant 0 : i32
      %dma_start3A_443 = tpu.memref_slice %arg4[%add3A, %dma_start3A_441, %dma_start3A_442] : memref<32x125x80xi32, #tpu.memory_space<hbm>> -> memref<1x125x80xi32, #tpu.memory_space<hbm>>
      %dma_start3A_444 = tpu.memref_squeeze %dma_start3A_443 : memref<1x125x80xi32, #tpu.memory_space<hbm>> -> memref<125x80xi32, #tpu.memory_space<hbm>>
      %dma_start3A_445 = arith.constant 0 : i32
      %dma_start3A_446 = tpu.memref_slice %dma_start3A_444[%add3A_428, %dma_start3A_445] : memref<125x80xi32, #tpu.memory_space<hbm>> -> memref<1x80xi32, #tpu.memory_space<hbm>>
      tpu.enqueue_dma source(%dma_start3A_446 : memref<1x80xi32, #tpu.memory_space<hbm>>) target(%dma_start3A_440 : memref<1x80xi32, #tpu.memory_space<vmem>>) target_semaphore(%arg16 : memref<!tpu.dma_semaphore, #tpu.memory_space<semaphore_mem>>)
      %dma_wait3A_447 = arith.constant 0 : i32
      %dma_wait3A_448 = tpu.memref_slice %arg7[%add3A_419, %dma_wait3A_447] : memref<125x80xi32, #tpu.memory_space<vmem>> -> memref<1x80xi32, #tpu.memory_space<vmem>>
      %dma_wait3A_449 = tpu.memref_squeeze %dma_wait3A_448 : memref<1x80xi32, #tpu.memory_space<vmem>> -> memref<80xi32, #tpu.memory_space<vmem>>
      %dma_wait3A_450 = arith.constant 0 : i32
      %dma_wait3A_451 = arith.constant 0 : i32
      %dma_wait3A_452 = tpu.memref_slice %arg2[%dma_wait3A_450, %dma_wait3A_451] : memref<10000x128xf32, #tpu.memory_space<hbm>> -> memref<10000x128xf32, #tpu.memory_space<hbm>>
      tpu.wait_indirect_dma semaphore(%arg14 : memref<!tpu.dma_semaphore, #tpu.memory_space<semaphore_mem>>) src(%dma_wait3A_452 : memref<10000x128xf32, #tpu.memory_space<hbm>>) dst(%arg11 : memref<80x128xf32, #tpu.memory_space<vmem>>)
      %dma_wait3A_453 = arith.constant 2 : i32
      %dma_wait3A_454 = arith.constant 0 : i32
      %dma_wait3A_455 = tpu.memref_slice %arg8[%dma_wait3A_453, %dma_wait3A_454] : memref<3x80xi32, #tpu.memory_space<vmem>> -> memref<1x80xi32, #tpu.memory_space<vmem>>
      %dma_wait3A_456 = arith.constant 0 : i32
      %dma_wait3A_457 = arith.constant 0 : i32
      %dma_wait3A_458 = tpu.memref_slice %arg4[%add3A, %dma_wait3A_456, %dma_wait3A_457] : memref<32x125x80xi32, #tpu.memory_space<hbm>> -> memref<1x125x80xi32, #tpu.memory_space<hbm>>
      %dma_wait3A_459 = tpu.memref_squeeze %dma_wait3A_458 : memref<1x125x80xi32, #tpu.memory_space<hbm>> -> memref<125x80xi32, #tpu.memory_space<hbm>>
      %dma_wait3A_460 = arith.constant 0 : i32
      %dma_wait3A_461 = tpu.memref_slice %dma_wait3A_459[%add3A_419, %dma_wait3A_460] : memref<125x80xi32, #tpu.memory_space<hbm>> -> memref<1x80xi32, #tpu.memory_space<hbm>>
      %dma_wait3A_462 = arith.constant 2 : i32
      %dma_wait3A_463 = arith.constant 0 : i32
      %dma_wait3A_464 = tpu.memref_slice %arg8[%dma_wait3A_462, %dma_wait3A_463] : memref<3x80xi32, #tpu.memory_space<vmem>> -> memref<1x80xi32, #tpu.memory_space<vmem>>
      %dma_wait3A_465 = arith.constant 0 : i32
      %dma_wait3A_466 = arith.constant 0 : i32
      %dma_wait3A_467 = tpu.memref_slice %arg4[%add3A, %dma_wait3A_465, %dma_wait3A_466] : memref<32x125x80xi32, #tpu.memory_space<hbm>> -> memref<1x125x80xi32, #tpu.memory_space<hbm>>
      %dma_wait3A_468 = tpu.memref_squeeze %dma_wait3A_467 : memref<1x125x80xi32, #tpu.memory_space<hbm>> -> memref<125x80xi32, #tpu.memory_space<hbm>>
      %dma_wait3A_469 = arith.constant 0 : i32
      %dma_wait3A_470 = tpu.memref_slice %dma_wait3A_468[%add3A_419, %dma_wait3A_469] : memref<125x80xi32, #tpu.memory_space<hbm>> -> memref<1x80xi32, #tpu.memory_space<hbm>>
      tpu.wait_dma2 semaphore(%arg17 : memref<!tpu.dma_semaphore, #tpu.memory_space<semaphore_mem>>) src(%dma_wait3A_470 : memref<1x80xi32, #tpu.memory_space<hbm>>) dst(%dma_wait3A_464 : memref<1x80xi32, #tpu.memory_space<vmem>>)
      %add3A_471 = arith.constant 2 : i32
      %add3A_472 = arith.addi %add3A_419, %add3A_471 : i32
      %dma_start3A_473 = arith.constant 0 : i32
      %dma_start3A_474 = tpu.memref_slice %arg7[%add3A_472, %dma_start3A_473] : memref<125x80xi32, #tpu.memory_space<vmem>> -> memref<1x80xi32, #tpu.memory_space<vmem>>
      %dma_start3A_475 = tpu.memref_squeeze %dma_start3A_474 : memref<1x80xi32, #tpu.memory_space<vmem>> -> memref<80xi32, #tpu.memory_space<vmem>>
      %dma_start3A_476 = arith.constant 0 : i32
      %dma_start3A_477 = arith.constant 0 : i32
      %dma_start3A_478 = tpu.memref_slice %arg2[%dma_start3A_476, %dma_start3A_477] : memref<10000x128xf32, #tpu.memory_space<hbm>> -> memref<10000x128xf32, #tpu.memory_space<hbm>>
      tpu.enqueue_indirect_dma source(%dma_start3A_478 : memref<10000x128xf32, #tpu.memory_space<hbm>>) target(%arg10 : memref<80x128xf32, #tpu.memory_space<vmem>>) offsets(%dma_start3A_475 : memref<80xi32, #tpu.memory_space<vmem>>) semaphore(%arg13 : memref<!tpu.dma_semaphore, #tpu.memory_space<semaphore_mem>>)
      %dma_start3A_479 = arith.constant 2 : i32
      %dma_start3A_480 = arith.constant 0 : i32
      %dma_start3A_481 = tpu.memref_slice %arg8[%dma_start3A_479, %dma_start3A_480] : memref<3x80xi32, #tpu.memory_space<vmem>> -> memref<1x80xi32, #tpu.memory_space<vmem>>
      %dma_start3A_482 = tpu.memref_squeeze %dma_start3A_481 : memref<1x80xi32, #tpu.memory_space<vmem>> -> memref<80xi32, #tpu.memory_space<vmem>>
      %dma_start3A_483 = arith.constant 0 : i32
      %dma_start3A_484 = arith.constant 0 : i32
      %dma_start3A_485 = tpu.memref_slice %arg21[%dma_start3A_483, %dma_start3A_484] : memref<10112x128xf32, #tpu.memory_space<vmem_shared>> -> memref<10112x128xf32, #tpu.memory_space<vmem_shared>>
      tpu.enqueue_indirect_dma source(%arg11 : memref<80x128xf32, #tpu.memory_space<vmem>>) target(%dma_start3A_485 : memref<10112x128xf32, #tpu.memory_space<vmem_shared>>) offsets(%dma_start3A_482 : memref<80xi32, #tpu.memory_space<vmem>>) semaphore(%arg20 : memref<!tpu.dma_semaphore, #tpu.memory_space<semaphore_mem>>) {add = true}
      %add3A_486 = arith.constant 3 : i32
      %add3A_487 = arith.addi %mul3A_349, %add3A_486 : i32
      %dma_wait3A_488 = arith.constant 2 : i32
      %dma_wait3A_489 = arith.constant 0 : i32
      %dma_wait3A_490 = tpu.memref_slice %arg8[%dma_wait3A_488, %dma_wait3A_489] : memref<3x80xi32, #tpu.memory_space<vmem>> -> memref<1x80xi32, #tpu.memory_space<vmem>>
      %dma_wait3A_491 = tpu.memref_squeeze %dma_wait3A_490 : memref<1x80xi32, #tpu.memory_space<vmem>> -> memref<80xi32, #tpu.memory_space<vmem>>
      %dma_wait3A_492 = arith.constant 0 : i32
      %dma_wait3A_493 = arith.constant 0 : i32
      %dma_wait3A_494 = tpu.memref_slice %arg21[%dma_wait3A_492, %dma_wait3A_493] : memref<10112x128xf32, #tpu.memory_space<vmem_shared>> -> memref<10112x128xf32, #tpu.memory_space<vmem_shared>>
      tpu.wait_indirect_dma semaphore(%arg20 : memref<!tpu.dma_semaphore, #tpu.memory_space<semaphore_mem>>) src(%arg11 : memref<80x128xf32, #tpu.memory_space<vmem>>) dst(%dma_wait3A_494 : memref<10112x128xf32, #tpu.memory_space<vmem_shared>>)
      %add3A_495 = arith.constant 2 : i32
      %add3A_496 = arith.addi %add3A_487, %add3A_495 : i32
      %dma_start3A_497 = arith.constant 2 : i32
      %dma_start3A_498 = arith.constant 0 : i32
      %dma_start3A_499 = tpu.memref_slice %arg8[%dma_start3A_497, %dma_start3A_498] : memref<3x80xi32, #tpu.memory_space<vmem>> -> memref<1x80xi32, #tpu.memory_space<vmem>>
      %dma_start3A_500 = arith.constant 0 : i32
      %dma_start3A_501 = arith.constant 0 : i32
      %dma_start3A_502 = tpu.memref_slice %arg4[%add3A, %dma_start3A_500, %dma_start3A_501] : memref<32x125x80xi32, #tpu.memory_space<hbm>> -> memref<1x125x80xi32, #tpu.memory_space<hbm>>
      %dma_start3A_503 = tpu.memref_squeeze %dma_start3A_502 : memref<1x125x80xi32, #tpu.memory_space<hbm>> -> memref<125x80xi32, #tpu.memory_space<hbm>>
      %dma_start3A_504 = arith.constant 0 : i32
      %dma_start3A_505 = tpu.memref_slice %dma_start3A_503[%add3A_496, %dma_start3A_504] : memref<125x80xi32, #tpu.memory_space<hbm>> -> memref<1x80xi32, #tpu.memory_space<hbm>>
      %dma_start3A_506 = arith.constant 2 : i32
      %dma_start3A_507 = arith.constant 0 : i32
      %dma_start3A_508 = tpu.memref_slice %arg8[%dma_start3A_506, %dma_start3A_507] : memref<3x80xi32, #tpu.memory_space<vmem>> -> memref<1x80xi32, #tpu.memory_space<vmem>>
      %dma_start3A_509 = arith.constant 0 : i32
      %dma_start3A_510 = arith.constant 0 : i32
      %dma_start3A_511 = tpu.memref_slice %arg4[%add3A, %dma_start3A_509, %dma_start3A_510] : memref<32x125x80xi32, #tpu.memory_space<hbm>> -> memref<1x125x80xi32, #tpu.memory_space<hbm>>
      %dma_start3A_512 = tpu.memref_squeeze %dma_start3A_511 : memref<1x125x80xi32, #tpu.memory_space<hbm>> -> memref<125x80xi32, #tpu.memory_space<hbm>>
      %dma_start3A_513 = arith.constant 0 : i32
      %dma_start3A_514 = tpu.memref_slice %dma_start3A_512[%add3A_496, %dma_start3A_513] : memref<125x80xi32, #tpu.memory_space<hbm>> -> memref<1x80xi32, #tpu.memory_space<hbm>>
      tpu.enqueue_dma source(%dma_start3A_514 : memref<1x80xi32, #tpu.memory_space<hbm>>) target(%dma_start3A_508 : memref<1x80xi32, #tpu.memory_space<vmem>>) target_semaphore(%arg17 : memref<!tpu.dma_semaphore, #tpu.memory_space<semaphore_mem>>)
      %dma_wait3A_515 = arith.constant 0 : i32
      %dma_wait3A_516 = tpu.memref_slice %arg7[%add3A_487, %dma_wait3A_515] : memref<125x80xi32, #tpu.memory_space<vmem>> -> memref<1x80xi32, #tpu.memory_space<vmem>>
      %dma_wait3A_517 = tpu.memref_squeeze %dma_wait3A_516 : memref<1x80xi32, #tpu.memory_space<vmem>> -> memref<80xi32, #tpu.memory_space<vmem>>
      %dma_wait3A_518 = arith.constant 0 : i32
      %dma_wait3A_519 = arith.constant 0 : i32
      %dma_wait3A_520 = tpu.memref_slice %arg2[%dma_wait3A_518, %dma_wait3A_519] : memref<10000x128xf32, #tpu.memory_space<hbm>> -> memref<10000x128xf32, #tpu.memory_space<hbm>>
      tpu.wait_indirect_dma semaphore(%arg12 : memref<!tpu.dma_semaphore, #tpu.memory_space<semaphore_mem>>) src(%dma_wait3A_520 : memref<10000x128xf32, #tpu.memory_space<hbm>>) dst(%arg9 : memref<80x128xf32, #tpu.memory_space<vmem>>)
      %dma_wait3A_521 = arith.constant 0 : i32
      %dma_wait3A_522 = arith.constant 0 : i32
      %dma_wait3A_523 = tpu.memref_slice %arg8[%dma_wait3A_521, %dma_wait3A_522] : memref<3x80xi32, #tpu.memory_space<vmem>> -> memref<1x80xi32, #tpu.memory_space<vmem>>
      %dma_wait3A_524 = arith.constant 0 : i32
      %dma_wait3A_525 = arith.constant 0 : i32
      %dma_wait3A_526 = tpu.memref_slice %arg4[%add3A, %dma_wait3A_524, %dma_wait3A_525] : memref<32x125x80xi32, #tpu.memory_space<hbm>> -> memref<1x125x80xi32, #tpu.memory_space<hbm>>
      %dma_wait3A_527 = tpu.memref_squeeze %dma_wait3A_526 : memref<1x125x80xi32, #tpu.memory_space<hbm>> -> memref<125x80xi32, #tpu.memory_space<hbm>>
      %dma_wait3A_528 = arith.constant 0 : i32
      %dma_wait3A_529 = tpu.memref_slice %dma_wait3A_527[%add3A_487, %dma_wait3A_528] : memref<125x80xi32, #tpu.memory_space<hbm>> -> memref<1x80xi32, #tpu.memory_space<hbm>>
      %dma_wait3A_530 = arith.constant 0 : i32
      %dma_wait3A_531 = arith.constant 0 : i32
      %dma_wait3A_532 = tpu.memref_slice %arg8[%dma_wait3A_530, %dma_wait3A_531] : memref<3x80xi32, #tpu.memory_space<vmem>> -> memref<1x80xi32, #tpu.memory_space<vmem>>
      %dma_wait3A_533 = arith.constant 0 : i32
      %dma_wait3A_534 = arith.constant 0 : i32
      %dma_wait3A_535 = tpu.memref_slice %arg4[%add3A, %dma_wait3A_533, %dma_wait3A_534] : memref<32x125x80xi32, #tpu.memory_space<hbm>> -> memref<1x125x80xi32, #tpu.memory_space<hbm>>
      %dma_wait3A_536 = tpu.memref_squeeze %dma_wait3A_535 : memref<1x125x80xi32, #tpu.memory_space<hbm>> -> memref<125x80xi32, #tpu.memory_space<hbm>>
      %dma_wait3A_537 = arith.constant 0 : i32
      %dma_wait3A_538 = tpu.memref_slice %dma_wait3A_536[%add3A_487, %dma_wait3A_537] : memref<125x80xi32, #tpu.memory_space<hbm>> -> memref<1x80xi32, #tpu.memory_space<hbm>>
      tpu.wait_dma2 semaphore(%arg15 : memref<!tpu.dma_semaphore, #tpu.memory_space<semaphore_mem>>) src(%dma_wait3A_538 : memref<1x80xi32, #tpu.memory_space<hbm>>) dst(%dma_wait3A_532 : memref<1x80xi32, #tpu.memory_space<vmem>>)
      %add3A_539 = arith.constant 2 : i32
      %add3A_540 = arith.addi %add3A_487, %add3A_539 : i32
      %dma_start3A_541 = arith.constant 0 : i32
      %dma_start3A_542 = tpu.memref_slice %arg7[%add3A_540, %dma_start3A_541] : memref<125x80xi32, #tpu.memory_space<vmem>> -> memref<1x80xi32, #tpu.memory_space<vmem>>
      %dma_start3A_543 = tpu.memref_squeeze %dma_start3A_542 : memref<1x80xi32, #tpu.memory_space<vmem>> -> memref<80xi32, #tpu.memory_space<vmem>>
      %dma_start3A_544 = arith.constant 0 : i32
      %dma_start3A_545 = arith.constant 0 : i32
      %dma_start3A_546 = tpu.memref_slice %arg2[%dma_start3A_544, %dma_start3A_545] : memref<10000x128xf32, #tpu.memory_space<hbm>> -> memref<10000x128xf32, #tpu.memory_space<hbm>>
      tpu.enqueue_indirect_dma source(%dma_start3A_546 : memref<10000x128xf32, #tpu.memory_space<hbm>>) target(%arg11 : memref<80x128xf32, #tpu.memory_space<vmem>>) offsets(%dma_start3A_543 : memref<80xi32, #tpu.memory_space<vmem>>) semaphore(%arg14 : memref<!tpu.dma_semaphore, #tpu.memory_space<semaphore_mem>>)
      %dma_start3A_547 = arith.constant 0 : i32
      %dma_start3A_548 = arith.constant 0 : i32
      %dma_start3A_549 = tpu.memref_slice %arg8[%dma_start3A_547, %dma_start3A_548] : memref<3x80xi32, #tpu.memory_space<vmem>> -> memref<1x80xi32, #tpu.memory_space<vmem>>
      %dma_start3A_550 = tpu.memref_squeeze %dma_start3A_549 : memref<1x80xi32, #tpu.memory_space<vmem>> -> memref<80xi32, #tpu.memory_space<vmem>>
      %dma_start3A_551 = arith.constant 0 : i32
      %dma_start3A_552 = arith.constant 0 : i32
      %dma_start3A_553 = tpu.memref_slice %arg21[%dma_start3A_551, %dma_start3A_552] : memref<10112x128xf32, #tpu.memory_space<vmem_shared>> -> memref<10112x128xf32, #tpu.memory_space<vmem_shared>>
      tpu.enqueue_indirect_dma source(%arg9 : memref<80x128xf32, #tpu.memory_space<vmem>>) target(%dma_start3A_553 : memref<10112x128xf32, #tpu.memory_space<vmem_shared>>) offsets(%dma_start3A_550 : memref<80xi32, #tpu.memory_space<vmem>>) semaphore(%arg18 : memref<!tpu.dma_semaphore, #tpu.memory_space<semaphore_mem>>) {add = true}
    }
    %scan3A_120 = arith.constant 40 : i32
    %dma_wait3A_121 = arith.constant 0 : i32
    %dma_wait3A_122 = arith.constant 0 : i32
    %dma_wait3A_123 = tpu.memref_slice %arg8[%dma_wait3A_121, %dma_wait3A_122] : memref<3x80xi32, #tpu.memory_space<vmem>> -> memref<1x80xi32, #tpu.memory_space<vmem>>
    %dma_wait3A_124 = tpu.memref_squeeze %dma_wait3A_123 : memref<1x80xi32, #tpu.memory_space<vmem>> -> memref<80xi32, #tpu.memory_space<vmem>>
    %dma_wait3A_125 = arith.constant 0 : i32
    %dma_wait3A_126 = arith.constant 0 : i32
    %dma_wait3A_127 = tpu.memref_slice %arg21[%dma_wait3A_125, %dma_wait3A_126] : memref<10112x128xf32, #tpu.memory_space<vmem_shared>> -> memref<10112x128xf32, #tpu.memory_space<vmem_shared>>
    tpu.wait_indirect_dma semaphore(%arg18 : memref<!tpu.dma_semaphore, #tpu.memory_space<semaphore_mem>>) src(%arg9 : memref<80x128xf32, #tpu.memory_space<vmem>>) dst(%dma_wait3A_127 : memref<10112x128xf32, #tpu.memory_space<vmem_shared>>)
    %dma_start3A_128 = arith.constant 0 : i32
    %dma_start3A_129 = arith.constant 0 : i32
    %dma_start3A_130 = tpu.memref_slice %arg8[%dma_start3A_128, %dma_start3A_129] : memref<3x80xi32, #tpu.memory_space<vmem>> -> memref<1x80xi32, #tpu.memory_space<vmem>>
    %dma_start3A_131 = arith.constant 0 : i32
    %dma_start3A_132 = arith.constant 0 : i32
    %dma_start3A_133 = tpu.memref_slice %arg4[%add3A, %dma_start3A_131, %dma_start3A_132] : memref<32x125x80xi32, #tpu.memory_space<hbm>> -> memref<1x125x80xi32, #tpu.memory_space<hbm>>
    %dma_start3A_134 = tpu.memref_squeeze %dma_start3A_133 : memref<1x125x80xi32, #tpu.memory_space<hbm>> -> memref<125x80xi32, #tpu.memory_space<hbm>>
    %dma_start3A_135 = arith.constant 123 : i32
    %dma_start3A_136 = arith.constant 0 : i32
    %dma_start3A_137 = tpu.memref_slice %dma_start3A_134[%dma_start3A_135, %dma_start3A_136] : memref<125x80xi32, #tpu.memory_space<hbm>> -> memref<1x80xi32, #tpu.memory_space<hbm>>
    %dma_start3A_138 = arith.constant 0 : i32
    %dma_start3A_139 = arith.constant 0 : i32
    %dma_start3A_140 = tpu.memref_slice %arg8[%dma_start3A_138, %dma_start3A_139] : memref<3x80xi32, #tpu.memory_space<vmem>> -> memref<1x80xi32, #tpu.memory_space<vmem>>
    %dma_start3A_141 = arith.constant 0 : i32
    %dma_start3A_142 = arith.constant 0 : i32
    %dma_start3A_143 = tpu.memref_slice %arg4[%add3A, %dma_start3A_141, %dma_start3A_142] : memref<32x125x80xi32, #tpu.memory_space<hbm>> -> memref<1x125x80xi32, #tpu.memory_space<hbm>>
    %dma_start3A_144 = tpu.memref_squeeze %dma_start3A_143 : memref<1x125x80xi32, #tpu.memory_space<hbm>> -> memref<125x80xi32, #tpu.memory_space<hbm>>
    %dma_start3A_145 = arith.constant 123 : i32
    %dma_start3A_146 = arith.constant 0 : i32
    %dma_start3A_147 = tpu.memref_slice %dma_start3A_144[%dma_start3A_145, %dma_start3A_146] : memref<125x80xi32, #tpu.memory_space<hbm>> -> memref<1x80xi32, #tpu.memory_space<hbm>>
    tpu.enqueue_dma source(%dma_start3A_147 : memref<1x80xi32, #tpu.memory_space<hbm>>) target(%dma_start3A_140 : memref<1x80xi32, #tpu.memory_space<vmem>>) target_semaphore(%arg15 : memref<!tpu.dma_semaphore, #tpu.memory_space<semaphore_mem>>)
    %dma_wait3A_148 = arith.constant 121 : i32
    %dma_wait3A_149 = arith.constant 0 : i32
    %dma_wait3A_150 = tpu.memref_slice %arg7[%dma_wait3A_148, %dma_wait3A_149] : memref<125x80xi32, #tpu.memory_space<vmem>> -> memref<1x80xi32, #tpu.memory_space<vmem>>
    %dma_wait3A_151 = tpu.memref_squeeze %dma_wait3A_150 : memref<1x80xi32, #tpu.memory_space<vmem>> -> memref<80xi32, #tpu.memory_space<vmem>>
    %dma_wait3A_152 = arith.constant 0 : i32
    %dma_wait3A_153 = arith.constant 0 : i32
    %dma_wait3A_154 = tpu.memref_slice %arg2[%dma_wait3A_152, %dma_wait3A_153] : memref<10000x128xf32, #tpu.memory_space<hbm>> -> memref<10000x128xf32, #tpu.memory_space<hbm>>
    tpu.wait_indirect_dma semaphore(%arg13 : memref<!tpu.dma_semaphore, #tpu.memory_space<semaphore_mem>>) src(%dma_wait3A_154 : memref<10000x128xf32, #tpu.memory_space<hbm>>) dst(%arg10 : memref<80x128xf32, #tpu.memory_space<vmem>>)
    %dma_wait3A_155 = arith.constant 1 : i32
    %dma_wait3A_156 = arith.constant 0 : i32
    %dma_wait3A_157 = tpu.memref_slice %arg8[%dma_wait3A_155, %dma_wait3A_156] : memref<3x80xi32, #tpu.memory_space<vmem>> -> memref<1x80xi32, #tpu.memory_space<vmem>>
    %dma_wait3A_158 = arith.constant 0 : i32
    %dma_wait3A_159 = arith.constant 0 : i32
    %dma_wait3A_160 = tpu.memref_slice %arg4[%add3A, %dma_wait3A_158, %dma_wait3A_159] : memref<32x125x80xi32, #tpu.memory_space<hbm>> -> memref<1x125x80xi32, #tpu.memory_space<hbm>>
    %dma_wait3A_161 = tpu.memref_squeeze %dma_wait3A_160 : memref<1x125x80xi32, #tpu.memory_space<hbm>> -> memref<125x80xi32, #tpu.memory_space<hbm>>
    %dma_wait3A_162 = arith.constant 121 : i32
    %dma_wait3A_163 = arith.constant 0 : i32
    %dma_wait3A_164 = tpu.memref_slice %dma_wait3A_161[%dma_wait3A_162, %dma_wait3A_163] : memref<125x80xi32, #tpu.memory_space<hbm>> -> memref<1x80xi32, #tpu.memory_space<hbm>>
    %dma_wait3A_165 = arith.constant 1 : i32
    %dma_wait3A_166 = arith.constant 0 : i32
    %dma_wait3A_167 = tpu.memref_slice %arg8[%dma_wait3A_165, %dma_wait3A_166] : memref<3x80xi32, #tpu.memory_space<vmem>> -> memref<1x80xi32, #tpu.memory_space<vmem>>
    %dma_wait3A_168 = arith.constant 0 : i32
    %dma_wait3A_169 = arith.constant 0 : i32
    %dma_wait3A_170 = tpu.memref_slice %arg4[%add3A, %dma_wait3A_168, %dma_wait3A_169] : memref<32x125x80xi32, #tpu.memory_space<hbm>> -> memref<1x125x80xi32, #tpu.memory_space<hbm>>
    %dma_wait3A_171 = tpu.memref_squeeze %dma_wait3A_170 : memref<1x125x80xi32, #tpu.memory_space<hbm>> -> memref<125x80xi32, #tpu.memory_space<hbm>>
    %dma_wait3A_172 = arith.constant 121 : i32
    %dma_wait3A_173 = arith.constant 0 : i32
    %dma_wait3A_174 = tpu.memref_slice %dma_wait3A_171[%dma_wait3A_172, %dma_wait3A_173] : memref<125x80xi32, #tpu.memory_space<hbm>> -> memref<1x80xi32, #tpu.memory_space<hbm>>
    tpu.wait_dma2 semaphore(%arg16 : memref<!tpu.dma_semaphore, #tpu.memory_space<semaphore_mem>>) src(%dma_wait3A_174 : memref<1x80xi32, #tpu.memory_space<hbm>>) dst(%dma_wait3A_167 : memref<1x80xi32, #tpu.memory_space<vmem>>)
    %dma_start3A_175 = arith.constant 123 : i32
    %dma_start3A_176 = arith.constant 0 : i32
    %dma_start3A_177 = tpu.memref_slice %arg7[%dma_start3A_175, %dma_start3A_176] : memref<125x80xi32, #tpu.memory_space<vmem>> -> memref<1x80xi32, #tpu.memory_space<vmem>>
    %dma_start3A_178 = tpu.memref_squeeze %dma_start3A_177 : memref<1x80xi32, #tpu.memory_space<vmem>> -> memref<80xi32, #tpu.memory_space<vmem>>
    %dma_start3A_179 = arith.constant 0 : i32
    %dma_start3A_180 = arith.constant 0 : i32
    %dma_start3A_181 = tpu.memref_slice %arg2[%dma_start3A_179, %dma_start3A_180] : memref<10000x128xf32, #tpu.memory_space<hbm>> -> memref<10000x128xf32, #tpu.memory_space<hbm>>
    tpu.enqueue_indirect_dma source(%dma_start3A_181 : memref<10000x128xf32, #tpu.memory_space<hbm>>) target(%arg9 : memref<80x128xf32, #tpu.memory_space<vmem>>) offsets(%dma_start3A_178 : memref<80xi32, #tpu.memory_space<vmem>>) semaphore(%arg12 : memref<!tpu.dma_semaphore, #tpu.memory_space<semaphore_mem>>)
    %dma_start3A_182 = arith.constant 1 : i32
    %dma_start3A_183 = arith.constant 0 : i32
    %dma_start3A_184 = tpu.memref_slice %arg8[%dma_start3A_182, %dma_start3A_183] : memref<3x80xi32, #tpu.memory_space<vmem>> -> memref<1x80xi32, #tpu.memory_space<vmem>>
    %dma_start3A_185 = tpu.memref_squeeze %dma_start3A_184 : memref<1x80xi32, #tpu.memory_space<vmem>> -> memref<80xi32, #tpu.memory_space<vmem>>
    %dma_start3A_186 = arith.constant 0 : i32
    %dma_start3A_187 = arith.constant 0 : i32
    %dma_start3A_188 = tpu.memref_slice %arg21[%dma_start3A_186, %dma_start3A_187] : memref<10112x128xf32, #tpu.memory_space<vmem_shared>> -> memref<10112x128xf32, #tpu.memory_space<vmem_shared>>
    tpu.enqueue_indirect_dma source(%arg10 : memref<80x128xf32, #tpu.memory_space<vmem>>) target(%dma_start3A_188 : memref<10112x128xf32, #tpu.memory_space<vmem_shared>>) offsets(%dma_start3A_185 : memref<80xi32, #tpu.memory_space<vmem>>) semaphore(%arg19 : memref<!tpu.dma_semaphore, #tpu.memory_space<semaphore_mem>>) {add = true}
    %dma_wait3A_189 = arith.constant 1 : i32
    %dma_wait3A_190 = arith.constant 0 : i32
    %dma_wait3A_191 = tpu.memref_slice %arg8[%dma_wait3A_189, %dma_wait3A_190] : memref<3x80xi32, #tpu.memory_space<vmem>> -> memref<1x80xi32, #tpu.memory_space<vmem>>
    %dma_wait3A_192 = tpu.memref_squeeze %dma_wait3A_191 : memref<1x80xi32, #tpu.memory_space<vmem>> -> memref<80xi32, #tpu.memory_space<vmem>>
    %dma_wait3A_193 = arith.constant 0 : i32
    %dma_wait3A_194 = arith.constant 0 : i32
    %dma_wait3A_195 = tpu.memref_slice %arg21[%dma_wait3A_193, %dma_wait3A_194] : memref<10112x128xf32, #tpu.memory_space<vmem_shared>> -> memref<10112x128xf32, #tpu.memory_space<vmem_shared>>
    tpu.wait_indirect_dma semaphore(%arg19 : memref<!tpu.dma_semaphore, #tpu.memory_space<semaphore_mem>>) src(%arg10 : memref<80x128xf32, #tpu.memory_space<vmem>>) dst(%dma_wait3A_195 : memref<10112x128xf32, #tpu.memory_space<vmem_shared>>)
    %dma_start3A_196 = arith.constant 1 : i32
    %dma_start3A_197 = arith.constant 0 : i32
    %dma_start3A_198 = tpu.memref_slice %arg8[%dma_start3A_196, %dma_start3A_197] : memref<3x80xi32, #tpu.memory_space<vmem>> -> memref<1x80xi32, #tpu.memory_space<vmem>>
    %dma_start3A_199 = arith.constant 0 : i32
    %dma_start3A_200 = arith.constant 0 : i32
    %dma_start3A_201 = tpu.memref_slice %arg4[%add3A, %dma_start3A_199, %dma_start3A_200] : memref<32x125x80xi32, #tpu.memory_space<hbm>> -> memref<1x125x80xi32, #tpu.memory_space<hbm>>
    %dma_start3A_202 = tpu.memref_squeeze %dma_start3A_201 : memref<1x125x80xi32, #tpu.memory_space<hbm>> -> memref<125x80xi32, #tpu.memory_space<hbm>>
    %dma_start3A_203 = arith.constant 124 : i32
    %dma_start3A_204 = arith.constant 0 : i32
    %dma_start3A_205 = tpu.memref_slice %dma_start3A_202[%dma_start3A_203, %dma_start3A_204] : memref<125x80xi32, #tpu.memory_space<hbm>> -> memref<1x80xi32, #tpu.memory_space<hbm>>
    %dma_start3A_206 = arith.constant 1 : i32
    %dma_start3A_207 = arith.constant 0 : i32
    %dma_start3A_208 = tpu.memref_slice %arg8[%dma_start3A_206, %dma_start3A_207] : memref<3x80xi32, #tpu.memory_space<vmem>> -> memref<1x80xi32, #tpu.memory_space<vmem>>
    %dma_start3A_209 = arith.constant 0 : i32
    %dma_start3A_210 = arith.constant 0 : i32
    %dma_start3A_211 = tpu.memref_slice %arg4[%add3A, %dma_start3A_209, %dma_start3A_210] : memref<32x125x80xi32, #tpu.memory_space<hbm>> -> memref<1x125x80xi32, #tpu.memory_space<hbm>>
    %dma_start3A_212 = tpu.memref_squeeze %dma_start3A_211 : memref<1x125x80xi32, #tpu.memory_space<hbm>> -> memref<125x80xi32, #tpu.memory_space<hbm>>
    %dma_start3A_213 = arith.constant 124 : i32
    %dma_start3A_214 = arith.constant 0 : i32
    %dma_start3A_215 = tpu.memref_slice %dma_start3A_212[%dma_start3A_213, %dma_start3A_214] : memref<125x80xi32, #tpu.memory_space<hbm>> -> memref<1x80xi32, #tpu.memory_space<hbm>>
    tpu.enqueue_dma source(%dma_start3A_215 : memref<1x80xi32, #tpu.memory_space<hbm>>) target(%dma_start3A_208 : memref<1x80xi32, #tpu.memory_space<vmem>>) target_semaphore(%arg16 : memref<!tpu.dma_semaphore, #tpu.memory_space<semaphore_mem>>)
    %dma_wait3A_216 = arith.constant 122 : i32
    %dma_wait3A_217 = arith.constant 0 : i32
    %dma_wait3A_218 = tpu.memref_slice %arg7[%dma_wait3A_216, %dma_wait3A_217] : memref<125x80xi32, #tpu.memory_space<vmem>> -> memref<1x80xi32, #tpu.memory_space<vmem>>
    %dma_wait3A_219 = tpu.memref_squeeze %dma_wait3A_218 : memref<1x80xi32, #tpu.memory_space<vmem>> -> memref<80xi32, #tpu.memory_space<vmem>>
    %dma_wait3A_220 = arith.constant 0 : i32
    %dma_wait3A_221 = arith.constant 0 : i32
    %dma_wait3A_222 = tpu.memref_slice %arg2[%dma_wait3A_220, %dma_wait3A_221] : memref<10000x128xf32, #tpu.memory_space<hbm>> -> memref<10000x128xf32, #tpu.memory_space<hbm>>
    tpu.wait_indirect_dma semaphore(%arg14 : memref<!tpu.dma_semaphore, #tpu.memory_space<semaphore_mem>>) src(%dma_wait3A_222 : memref<10000x128xf32, #tpu.memory_space<hbm>>) dst(%arg11 : memref<80x128xf32, #tpu.memory_space<vmem>>)
    %dma_wait3A_223 = arith.constant 2 : i32
    %dma_wait3A_224 = arith.constant 0 : i32
    %dma_wait3A_225 = tpu.memref_slice %arg8[%dma_wait3A_223, %dma_wait3A_224] : memref<3x80xi32, #tpu.memory_space<vmem>> -> memref<1x80xi32, #tpu.memory_space<vmem>>
    %dma_wait3A_226 = arith.constant 0 : i32
    %dma_wait3A_227 = arith.constant 0 : i32
    %dma_wait3A_228 = tpu.memref_slice %arg4[%add3A, %dma_wait3A_226, %dma_wait3A_227] : memref<32x125x80xi32, #tpu.memory_space<hbm>> -> memref<1x125x80xi32, #tpu.memory_space<hbm>>
    %dma_wait3A_229 = tpu.memref_squeeze %dma_wait3A_228 : memref<1x125x80xi32, #tpu.memory_space<hbm>> -> memref<125x80xi32, #tpu.memory_space<hbm>>
    %dma_wait3A_230 = arith.constant 122 : i32
    %dma_wait3A_231 = arith.constant 0 : i32
    %dma_wait3A_232 = tpu.memref_slice %dma_wait3A_229[%dma_wait3A_230, %dma_wait3A_231] : memref<125x80xi32, #tpu.memory_space<hbm>> -> memref<1x80xi32, #tpu.memory_space<hbm>>
    %dma_wait3A_233 = arith.constant 2 : i32
    %dma_wait3A_234 = arith.constant 0 : i32
    %dma_wait3A_235 = tpu.memref_slice %arg8[%dma_wait3A_233, %dma_wait3A_234] : memref<3x80xi32, #tpu.memory_space<vmem>> -> memref<1x80xi32, #tpu.memory_space<vmem>>
    %dma_wait3A_236 = arith.constant 0 : i32
    %dma_wait3A_237 = arith.constant 0 : i32
    %dma_wait3A_238 = tpu.memref_slice %arg4[%add3A, %dma_wait3A_236, %dma_wait3A_237] : memref<32x125x80xi32, #tpu.memory_space<hbm>> -> memref<1x125x80xi32, #tpu.memory_space<hbm>>
    %dma_wait3A_239 = tpu.memref_squeeze %dma_wait3A_238 : memref<1x125x80xi32, #tpu.memory_space<hbm>> -> memref<125x80xi32, #tpu.memory_space<hbm>>
    %dma_wait3A_240 = arith.constant 122 : i32
    %dma_wait3A_241 = arith.constant 0 : i32
    %dma_wait3A_242 = tpu.memref_slice %dma_wait3A_239[%dma_wait3A_240, %dma_wait3A_241] : memref<125x80xi32, #tpu.memory_space<hbm>> -> memref<1x80xi32, #tpu.memory_space<hbm>>
    tpu.wait_dma2 semaphore(%arg17 : memref<!tpu.dma_semaphore, #tpu.memory_space<semaphore_mem>>) src(%dma_wait3A_242 : memref<1x80xi32, #tpu.memory_space<hbm>>) dst(%dma_wait3A_235 : memref<1x80xi32, #tpu.memory_space<vmem>>)
    %dma_start3A_243 = arith.constant 124 : i32
    %dma_start3A_244 = arith.constant 0 : i32
    %dma_start3A_245 = tpu.memref_slice %arg7[%dma_start3A_243, %dma_start3A_244] : memref<125x80xi32, #tpu.memory_space<vmem>> -> memref<1x80xi32, #tpu.memory_space<vmem>>
    %dma_start3A_246 = tpu.memref_squeeze %dma_start3A_245 : memref<1x80xi32, #tpu.memory_space<vmem>> -> memref<80xi32, #tpu.memory_space<vmem>>
    %dma_start3A_247 = arith.constant 0 : i32
    %dma_start3A_248 = arith.constant 0 : i32
    %dma_start3A_249 = tpu.memref_slice %arg2[%dma_start3A_247, %dma_start3A_248] : memref<10000x128xf32, #tpu.memory_space<hbm>> -> memref<10000x128xf32, #tpu.memory_space<hbm>>
    tpu.enqueue_indirect_dma source(%dma_start3A_249 : memref<10000x128xf32, #tpu.memory_space<hbm>>) target(%arg10 : memref<80x128xf32, #tpu.memory_space<vmem>>) offsets(%dma_start3A_246 : memref<80xi32, #tpu.memory_space<vmem>>) semaphore(%arg13 : memref<!tpu.dma_semaphore, #tpu.memory_space<semaphore_mem>>)
    %dma_start3A_250 = arith.constant 2 : i32
    %dma_start3A_251 = arith.constant 0 : i32
    %dma_start3A_252 = tpu.memref_slice %arg8[%dma_start3A_250, %dma_start3A_251] : memref<3x80xi32, #tpu.memory_space<vmem>> -> memref<1x80xi32, #tpu.memory_space<vmem>>
    %dma_start3A_253 = tpu.memref_squeeze %dma_start3A_252 : memref<1x80xi32, #tpu.memory_space<vmem>> -> memref<80xi32, #tpu.memory_space<vmem>>
    %dma_start3A_254 = arith.constant 0 : i32
    %dma_start3A_255 = arith.constant 0 : i32
    %dma_start3A_256 = tpu.memref_slice %arg21[%dma_start3A_254, %dma_start3A_255] : memref<10112x128xf32, #tpu.memory_space<vmem_shared>> -> memref<10112x128xf32, #tpu.memory_space<vmem_shared>>
    tpu.enqueue_indirect_dma source(%arg11 : memref<80x128xf32, #tpu.memory_space<vmem>>) target(%dma_start3A_256 : memref<10112x128xf32, #tpu.memory_space<vmem_shared>>) offsets(%dma_start3A_253 : memref<80xi32, #tpu.memory_space<vmem>>) semaphore(%arg20 : memref<!tpu.dma_semaphore, #tpu.memory_space<semaphore_mem>>) {add = true}
    %dma_wait3A_257 = arith.constant 2 : i32
    %dma_wait3A_258 = arith.constant 0 : i32
    %dma_wait3A_259 = tpu.memref_slice %arg8[%dma_wait3A_257, %dma_wait3A_258] : memref<3x80xi32, #tpu.memory_space<vmem>> -> memref<1x80xi32, #tpu.memory_space<vmem>>
    %dma_wait3A_260 = tpu.memref_squeeze %dma_wait3A_259 : memref<1x80xi32, #tpu.memory_space<vmem>> -> memref<80xi32, #tpu.memory_space<vmem>>
    %dma_wait3A_261 = arith.constant 0 : i32
    %dma_wait3A_262 = arith.constant 0 : i32
    %dma_wait3A_263 = tpu.memref_slice %arg21[%dma_wait3A_261, %dma_wait3A_262] : memref<10112x128xf32, #tpu.memory_space<vmem_shared>> -> memref<10112x128xf32, #tpu.memory_space<vmem_shared>>
    tpu.wait_indirect_dma semaphore(%arg20 : memref<!tpu.dma_semaphore, #tpu.memory_space<semaphore_mem>>) src(%arg11 : memref<80x128xf32, #tpu.memory_space<vmem>>) dst(%dma_wait3A_263 : memref<10112x128xf32, #tpu.memory_space<vmem_shared>>)
    %dma_wait3A_264 = arith.constant 123 : i32
    %dma_wait3A_265 = arith.constant 0 : i32
    %dma_wait3A_266 = tpu.memref_slice %arg7[%dma_wait3A_264, %dma_wait3A_265] : memref<125x80xi32, #tpu.memory_space<vmem>> -> memref<1x80xi32, #tpu.memory_space<vmem>>
    %dma_wait3A_267 = tpu.memref_squeeze %dma_wait3A_266 : memref<1x80xi32, #tpu.memory_space<vmem>> -> memref<80xi32, #tpu.memory_space<vmem>>
    %dma_wait3A_268 = arith.constant 0 : i32
    %dma_wait3A_269 = arith.constant 0 : i32
    %dma_wait3A_270 = tpu.memref_slice %arg2[%dma_wait3A_268, %dma_wait3A_269] : memref<10000x128xf32, #tpu.memory_space<hbm>> -> memref<10000x128xf32, #tpu.memory_space<hbm>>
    tpu.wait_indirect_dma semaphore(%arg12 : memref<!tpu.dma_semaphore, #tpu.memory_space<semaphore_mem>>) src(%dma_wait3A_270 : memref<10000x128xf32, #tpu.memory_space<hbm>>) dst(%arg9 : memref<80x128xf32, #tpu.memory_space<vmem>>)
    %dma_wait3A_271 = arith.constant 0 : i32
    %dma_wait3A_272 = arith.constant 0 : i32
    %dma_wait3A_273 = tpu.memref_slice %arg8[%dma_wait3A_271, %dma_wait3A_272] : memref<3x80xi32, #tpu.memory_space<vmem>> -> memref<1x80xi32, #tpu.memory_space<vmem>>
    %dma_wait3A_274 = arith.constant 0 : i32
    %dma_wait3A_275 = arith.constant 0 : i32
    %dma_wait3A_276 = tpu.memref_slice %arg4[%add3A, %dma_wait3A_274, %dma_wait3A_275] : memref<32x125x80xi32, #tpu.memory_space<hbm>> -> memref<1x125x80xi32, #tpu.memory_space<hbm>>
    %dma_wait3A_277 = tpu.memref_squeeze %dma_wait3A_276 : memref<1x125x80xi32, #tpu.memory_space<hbm>> -> memref<125x80xi32, #tpu.memory_space<hbm>>
    %dma_wait3A_278 = arith.constant 123 : i32
    %dma_wait3A_279 = arith.constant 0 : i32
    %dma_wait3A_280 = tpu.memref_slice %dma_wait3A_277[%dma_wait3A_278, %dma_wait3A_279] : memref<125x80xi32, #tpu.memory_space<hbm>> -> memref<1x80xi32, #tpu.memory_space<hbm>>
    %dma_wait3A_281 = arith.constant 0 : i32
    %dma_wait3A_282 = arith.constant 0 : i32
    %dma_wait3A_283 = tpu.memref_slice %arg8[%dma_wait3A_281, %dma_wait3A_282] : memref<3x80xi32, #tpu.memory_space<vmem>> -> memref<1x80xi32, #tpu.memory_space<vmem>>
    %dma_wait3A_284 = arith.constant 0 : i32
    %dma_wait3A_285 = arith.constant 0 : i32
    %dma_wait3A_286 = tpu.memref_slice %arg4[%add3A, %dma_wait3A_284, %dma_wait3A_285] : memref<32x125x80xi32, #tpu.memory_space<hbm>> -> memref<1x125x80xi32, #tpu.memory_space<hbm>>
    %dma_wait3A_287 = tpu.memref_squeeze %dma_wait3A_286 : memref<1x125x80xi32, #tpu.memory_space<hbm>> -> memref<125x80xi32, #tpu.memory_space<hbm>>
    %dma_wait3A_288 = arith.constant 123 : i32
    %dma_wait3A_289 = arith.constant 0 : i32
    %dma_wait3A_290 = tpu.memref_slice %dma_wait3A_287[%dma_wait3A_288, %dma_wait3A_289] : memref<125x80xi32, #tpu.memory_space<hbm>> -> memref<1x80xi32, #tpu.memory_space<hbm>>
    tpu.wait_dma2 semaphore(%arg15 : memref<!tpu.dma_semaphore, #tpu.memory_space<semaphore_mem>>) src(%dma_wait3A_290 : memref<1x80xi32, #tpu.memory_space<hbm>>) dst(%dma_wait3A_283 : memref<1x80xi32, #tpu.memory_space<vmem>>)
    %dma_start3A_291 = arith.constant 0 : i32
    %dma_start3A_292 = arith.constant 0 : i32
    %dma_start3A_293 = tpu.memref_slice %arg8[%dma_start3A_291, %dma_start3A_292] : memref<3x80xi32, #tpu.memory_space<vmem>> -> memref<1x80xi32, #tpu.memory_space<vmem>>
    %dma_start3A_294 = tpu.memref_squeeze %dma_start3A_293 : memref<1x80xi32, #tpu.memory_space<vmem>> -> memref<80xi32, #tpu.memory_space<vmem>>
    %dma_start3A_295 = arith.constant 0 : i32
    %dma_start3A_296 = arith.constant 0 : i32
    %dma_start3A_297 = tpu.memref_slice %arg21[%dma_start3A_295, %dma_start3A_296] : memref<10112x128xf32, #tpu.memory_space<vmem_shared>> -> memref<10112x128xf32, #tpu.memory_space<vmem_shared>>
    tpu.enqueue_indirect_dma source(%arg9 : memref<80x128xf32, #tpu.memory_space<vmem>>) target(%dma_start3A_297 : memref<10112x128xf32, #tpu.memory_space<vmem_shared>>) offsets(%dma_start3A_294 : memref<80xi32, #tpu.memory_space<vmem>>) semaphore(%arg18 : memref<!tpu.dma_semaphore, #tpu.memory_space<semaphore_mem>>) {add = true}
    %dma_wait3A_298 = arith.constant 124 : i32
    %dma_wait3A_299 = arith.constant 0 : i32
    %dma_wait3A_300 = tpu.memref_slice %arg7[%dma_wait3A_298, %dma_wait3A_299] : memref<125x80xi32, #tpu.memory_space<vmem>> -> memref<1x80xi32, #tpu.memory_space<vmem>>
    %dma_wait3A_301 = tpu.memref_squeeze %dma_wait3A_300 : memref<1x80xi32, #tpu.memory_space<vmem>> -> memref<80xi32, #tpu.memory_space<vmem>>
    %dma_wait3A_302 = arith.constant 0 : i32
    %dma_wait3A_303 = arith.constant 0 : i32
    %dma_wait3A_304 = tpu.memref_slice %arg2[%dma_wait3A_302, %dma_wait3A_303] : memref<10000x128xf32, #tpu.memory_space<hbm>> -> memref<10000x128xf32, #tpu.memory_space<hbm>>
    tpu.wait_indirect_dma semaphore(%arg13 : memref<!tpu.dma_semaphore, #tpu.memory_space<semaphore_mem>>) src(%dma_wait3A_304 : memref<10000x128xf32, #tpu.memory_space<hbm>>) dst(%arg10 : memref<80x128xf32, #tpu.memory_space<vmem>>)
    %dma_wait3A_305 = arith.constant 1 : i32
    %dma_wait3A_306 = arith.constant 0 : i32
    %dma_wait3A_307 = tpu.memref_slice %arg8[%dma_wait3A_305, %dma_wait3A_306] : memref<3x80xi32, #tpu.memory_space<vmem>> -> memref<1x80xi32, #tpu.memory_space<vmem>>
    %dma_wait3A_308 = arith.constant 0 : i32
    %dma_wait3A_309 = arith.constant 0 : i32
    %dma_wait3A_310 = tpu.memref_slice %arg4[%add3A, %dma_wait3A_308, %dma_wait3A_309] : memref<32x125x80xi32, #tpu.memory_space<hbm>> -> memref<1x125x80xi32, #tpu.memory_space<hbm>>
    %dma_wait3A_311 = tpu.memref_squeeze %dma_wait3A_310 : memref<1x125x80xi32, #tpu.memory_space<hbm>> -> memref<125x80xi32, #tpu.memory_space<hbm>>
    %dma_wait3A_312 = arith.constant 124 : i32
    %dma_wait3A_313 = arith.constant 0 : i32
    %dma_wait3A_314 = tpu.memref_slice %dma_wait3A_311[%dma_wait3A_312, %dma_wait3A_313] : memref<125x80xi32, #tpu.memory_space<hbm>> -> memref<1x80xi32, #tpu.memory_space<hbm>>
    %dma_wait3A_315 = arith.constant 1 : i32
    %dma_wait3A_316 = arith.constant 0 : i32
    %dma_wait3A_317 = tpu.memref_slice %arg8[%dma_wait3A_315, %dma_wait3A_316] : memref<3x80xi32, #tpu.memory_space<vmem>> -> memref<1x80xi32, #tpu.memory_space<vmem>>
    %dma_wait3A_318 = arith.constant 0 : i32
    %dma_wait3A_319 = arith.constant 0 : i32
    %dma_wait3A_320 = tpu.memref_slice %arg4[%add3A, %dma_wait3A_318, %dma_wait3A_319] : memref<32x125x80xi32, #tpu.memory_space<hbm>> -> memref<1x125x80xi32, #tpu.memory_space<hbm>>
    %dma_wait3A_321 = tpu.memref_squeeze %dma_wait3A_320 : memref<1x125x80xi32, #tpu.memory_space<hbm>> -> memref<125x80xi32, #tpu.memory_space<hbm>>
    %dma_wait3A_322 = arith.constant 124 : i32
    %dma_wait3A_323 = arith.constant 0 : i32
    %dma_wait3A_324 = tpu.memref_slice %dma_wait3A_321[%dma_wait3A_322, %dma_wait3A_323] : memref<125x80xi32, #tpu.memory_space<hbm>> -> memref<1x80xi32, #tpu.memory_space<hbm>>
    tpu.wait_dma2 semaphore(%arg16 : memref<!tpu.dma_semaphore, #tpu.memory_space<semaphore_mem>>) src(%dma_wait3A_324 : memref<1x80xi32, #tpu.memory_space<hbm>>) dst(%dma_wait3A_317 : memref<1x80xi32, #tpu.memory_space<vmem>>)
    %dma_start3A_325 = arith.constant 1 : i32
    %dma_start3A_326 = arith.constant 0 : i32
    %dma_start3A_327 = tpu.memref_slice %arg8[%dma_start3A_325, %dma_start3A_326] : memref<3x80xi32, #tpu.memory_space<vmem>> -> memref<1x80xi32, #tpu.memory_space<vmem>>
    %dma_start3A_328 = tpu.memref_squeeze %dma_start3A_327 : memref<1x80xi32, #tpu.memory_space<vmem>> -> memref<80xi32, #tpu.memory_space<vmem>>
    %dma_start3A_329 = arith.constant 0 : i32
    %dma_start3A_330 = arith.constant 0 : i32
    %dma_start3A_331 = tpu.memref_slice %arg21[%dma_start3A_329, %dma_start3A_330] : memref<10112x128xf32, #tpu.memory_space<vmem_shared>> -> memref<10112x128xf32, #tpu.memory_space<vmem_shared>>
    tpu.enqueue_indirect_dma source(%arg10 : memref<80x128xf32, #tpu.memory_space<vmem>>) target(%dma_start3A_331 : memref<10112x128xf32, #tpu.memory_space<vmem_shared>>) offsets(%dma_start3A_328 : memref<80xi32, #tpu.memory_space<vmem>>) semaphore(%arg19 : memref<!tpu.dma_semaphore, #tpu.memory_space<semaphore_mem>>) {add = true}
    %dma_wait3A_332 = arith.constant 0 : i32
    %dma_wait3A_333 = arith.constant 0 : i32
    %dma_wait3A_334 = tpu.memref_slice %arg8[%dma_wait3A_332, %dma_wait3A_333] : memref<3x80xi32, #tpu.memory_space<vmem>> -> memref<1x80xi32, #tpu.memory_space<vmem>>
    %dma_wait3A_335 = tpu.memref_squeeze %dma_wait3A_334 : memref<1x80xi32, #tpu.memory_space<vmem>> -> memref<80xi32, #tpu.memory_space<vmem>>
    %dma_wait3A_336 = arith.constant 0 : i32
    %dma_wait3A_337 = arith.constant 0 : i32
    %dma_wait3A_338 = tpu.memref_slice %arg21[%dma_wait3A_336, %dma_wait3A_337] : memref<10112x128xf32, #tpu.memory_space<vmem_shared>> -> memref<10112x128xf32, #tpu.memory_space<vmem_shared>>
    tpu.wait_indirect_dma semaphore(%arg18 : memref<!tpu.dma_semaphore, #tpu.memory_space<semaphore_mem>>) src(%arg9 : memref<80x128xf32, #tpu.memory_space<vmem>>) dst(%dma_wait3A_338 : memref<10112x128xf32, #tpu.memory_space<vmem_shared>>)
    %dma_wait3A_339 = arith.constant 1 : i32
    %dma_wait3A_340 = arith.constant 0 : i32
    %dma_wait3A_341 = tpu.memref_slice %arg8[%dma_wait3A_339, %dma_wait3A_340] : memref<3x80xi32, #tpu.memory_space<vmem>> -> memref<1x80xi32, #tpu.memory_space<vmem>>
    %dma_wait3A_342 = tpu.memref_squeeze %dma_wait3A_341 : memref<1x80xi32, #tpu.memory_space<vmem>> -> memref<80xi32, #tpu.memory_space<vmem>>
    %dma_wait3A_343 = arith.constant 0 : i32
    %dma_wait3A_344 = arith.constant 0 : i32
    %dma_wait3A_345 = tpu.memref_slice %arg21[%dma_wait3A_343, %dma_wait3A_344] : memref<10112x128xf32, #tpu.memory_space<vmem_shared>> -> memref<10112x128xf32, #tpu.memory_space<vmem_shared>>
    tpu.wait_indirect_dma semaphore(%arg19 : memref<!tpu.dma_semaphore, #tpu.memory_space<semaphore_mem>>) src(%arg10 : memref<80x128xf32, #tpu.memory_space<vmem>>) dst(%dma_wait3A_345 : memref<10112x128xf32, #tpu.memory_space<vmem_shared>>)
    %barrier3A_346 = arith.constant 0 : index
    tpu.barrier barrier_id(%barrier3A_346)
    "tpu.region"() ({
      %run_scoped3A = tpu.sem_alloc : memref<!tpu.dma_semaphore, #tpu.memory_space<semaphore_mem>>
      %dma_start3A_347 = arith.constant 0 : i32
      %dma_start3A_348 = arith.constant 0 : i32
      %dma_start3A_349 = tpu.memref_slice %arg6[%arg0, %dma_start3A_347, %dma_start3A_348] : memref<2x10112x128xf32, #tpu.memory_space<hbm>> -> memref<1x10112x128xf32, #tpu.memory_space<hbm>>
      %dma_start3A_350 = tpu.memref_squeeze %dma_start3A_349 : memref<1x10112x128xf32, #tpu.memory_space<hbm>> -> memref<10112x128xf32, #tpu.memory_space<hbm>>
      %dma_start3A_351 = arith.constant 0 : i32
      %dma_start3A_352 = tpu.memref_slice %dma_start3A_350[%mul3A_2, %dma_start3A_351] : memref<10112x128xf32, #tpu.memory_space<hbm>> -> memref<632x128xf32, #tpu.memory_space<hbm>>
      %dma_start3A_353 = arith.constant 0 : i32
      %dma_start3A_354 = tpu.memref_slice %arg21[%mul3A_2, %dma_start3A_353] : memref<10112x128xf32, #tpu.memory_space<vmem_shared>> -> memref<632x128xf32, #tpu.memory_space<vmem_shared>>
      tpu.enqueue_dma source(%dma_start3A_354 : memref<632x128xf32, #tpu.memory_space<vmem_shared>>) target(%dma_start3A_352 : memref<632x128xf32, #tpu.memory_space<hbm>>) target_semaphore(%run_scoped3A : memref<!tpu.dma_semaphore, #tpu.memory_space<semaphore_mem>>)
      %dma_wait3A_355 = arith.constant 0 : i32
      %dma_wait3A_356 = arith.constant 0 : i32
      %dma_wait3A_357 = tpu.memref_slice %arg6[%arg0, %dma_wait3A_355, %dma_wait3A_356] : memref<2x10112x128xf32, #tpu.memory_space<hbm>> -> memref<1x10112x128xf32, #tpu.memory_space<hbm>>
      %dma_wait3A_358 = tpu.memref_squeeze %dma_wait3A_357 : memref<1x10112x128xf32, #tpu.memory_space<hbm>> -> memref<10112x128xf32, #tpu.memory_space<hbm>>
      %dma_wait3A_359 = arith.constant 0 : i32
      %dma_wait3A_360 = tpu.memref_slice %dma_wait3A_358[%mul3A_2, %dma_wait3A_359] : memref<10112x128xf32, #tpu.memory_space<hbm>> -> memref<632x128xf32, #tpu.memory_space<hbm>>
      %dma_wait3A_361 = arith.constant 0 : i32
      %dma_wait3A_362 = tpu.memref_slice %arg21[%mul3A_2, %dma_wait3A_361] : memref<10112x128xf32, #tpu.memory_space<vmem_shared>> -> memref<632x128xf32, #tpu.memory_space<vmem_shared>>
      tpu.wait_dma2 semaphore(%run_scoped3A : memref<!tpu.dma_semaphore, #tpu.memory_space<semaphore_mem>>) src(%dma_wait3A_362 : memref<632x128xf32, #tpu.memory_space<vmem_shared>>) dst(%dma_wait3A_360 : memref<632x128xf32, #tpu.memory_space<hbm>>)
      tpu.yield
    }) : () -> ()
    return
  }
}

#map = affine_map<(d0, d1) -> (0, 0)>
#map1 = affine_map<(d0, d1) -> (0, 0, 0)>
module attributes {stable_mosaic.version = 14 : i64} {
  func.func @k(%arg0: i32, %arg1: i32, %arg2: memref<10000x128xf32, #tpu.memory_space<hbm>>, %arg3: memref<32x125x80xi32, #tpu.memory_space<hbm>>, %arg4: memref<32x125x80xi32, #tpu.memory_space<hbm>>, %arg5: memref<10112x128xf32, #tpu.memory_space<hbm>>, %arg6: memref<2x10112x128xf32, #tpu.memory_space<hbm>>, %arg7: memref<125x80xi32, #tpu.memory_space<vmem>>, %arg8: memref<3x80xi32, #tpu.memory_space<vmem>>, %arg9: memref<80x128xf32, #tpu.memory_space<vmem>>, %arg10: memref<80x128xf32, #tpu.memory_space<vmem>>, %arg11: memref<80x128xf32, #tpu.memory_space<vmem>>, %arg12: memref<!tpu.dma_semaphore, #tpu.memory_space<semaphore_mem>>, %arg13: memref<!tpu.dma_semaphore, #tpu.memory_space<semaphore_mem>>, %arg14: memref<!tpu.dma_semaphore, #tpu.memory_space<semaphore_mem>>, %arg15: memref<!tpu.dma_semaphore, #tpu.memory_space<semaphore_mem>>, %arg16: memref<!tpu.dma_semaphore, #tpu.memory_space<semaphore_mem>>, %arg17: memref<!tpu.dma_semaphore, #tpu.memory_space<semaphore_mem>>, %arg18: memref<!tpu.dma_semaphore, #tpu.memory_space<semaphore_mem>>, %arg19: memref<!tpu.dma_semaphore, #tpu.memory_space<semaphore_mem>>, %arg20: memref<!tpu.dma_semaphore, #tpu.memory_space<semaphore_mem>>, %arg21: memref<10112x128xf32, #tpu.memory_space<vmem_shared>>) attributes {dimension_semantics = [#tpu.dimension_semantics<core_parallel>, #tpu.dimension_semantics<subcore_parallel>], iteration_bounds = array<i64: 2, 16>, scalar_prefetch = 0 : i64, scratch_operands = 15 : i64, tpu.core_type = #tpu.core_type<sc_vector_subcore>, window_params = [{transform_indices = #map}, {transform_indices = #map1}, {transform_indices = #map1}, {transform_indices = #map}, {transform_indices = #map1}]} {
    %mul3A = arith.constant 2 : i32
    %mul3A_0 = arith.muli %arg1, %mul3A : i32
    %add3A = arith.addi %mul3A_0, %arg0 : i32
    %mul3A_1 = arith.constant 632 : i32
    %mul3A_2 = arith.muli %arg1, %mul3A_1 : i32
    "tpu.region"() ({
      %run_scoped3A = tpu.sem_alloc : memref<!tpu.dma_semaphore, #tpu.memory_space<semaphore_mem>>
      %dma_start3A_347 = arith.constant 0 : i32
      %dma_start3A_348 = tpu.memref_slice %arg21[%mul3A_2, %dma_start3A_347] : memref<10112x128xf32, #tpu.memory_space<vmem_shared>> -> memref<632x128xf32, #tpu.memory_space<vmem_shared>>
      %dma_start3A_349 = arith.constant 0 : i32
      %dma_start3A_350 = tpu.memref_slice %arg5[%mul3A_2, %dma_start3A_349] : memref<10112x128xf32, #tpu.memory_space<hbm>> -> memref<632x128xf32, #tpu.memory_space<hbm>>
      tpu.enqueue_dma source(%dma_start3A_350 : memref<632x128xf32, #tpu.memory_space<hbm>>) target(%dma_start3A_348 : memref<632x128xf32, #tpu.memory_space<vmem_shared>>) target_semaphore(%run_scoped3A : memref<!tpu.dma_semaphore, #tpu.memory_space<semaphore_mem>>)
      %dma_wait3A_351 = arith.constant 0 : i32
      %dma_wait3A_352 = tpu.memref_slice %arg21[%mul3A_2, %dma_wait3A_351] : memref<10112x128xf32, #tpu.memory_space<vmem_shared>> -> memref<632x128xf32, #tpu.memory_space<vmem_shared>>
      %dma_wait3A_353 = arith.constant 0 : i32
      %dma_wait3A_354 = tpu.memref_slice %arg5[%mul3A_2, %dma_wait3A_353] : memref<10112x128xf32, #tpu.memory_space<hbm>> -> memref<632x128xf32, #tpu.memory_space<hbm>>
      tpu.wait_dma2 semaphore(%run_scoped3A : memref<!tpu.dma_semaphore, #tpu.memory_space<semaphore_mem>>) src(%dma_wait3A_354 : memref<632x128xf32, #tpu.memory_space<hbm>>) dst(%dma_wait3A_352 : memref<632x128xf32, #tpu.memory_space<vmem_shared>>)
      tpu.yield
    }) : () -> ()
    "tpu.region"() ({
      %run_scoped3A = tpu.sem_alloc : memref<!tpu.dma_semaphore, #tpu.memory_space<semaphore_mem>>
      %dma_start3A_347 = arith.constant 0 : i32
      %dma_start3A_348 = arith.constant 0 : i32
      %dma_start3A_349 = tpu.memref_slice %arg3[%add3A, %dma_start3A_347, %dma_start3A_348] : memref<32x125x80xi32, #tpu.memory_space<hbm>> -> memref<1x125x80xi32, #tpu.memory_space<hbm>>
      %dma_start3A_350 = tpu.memref_squeeze %dma_start3A_349 : memref<1x125x80xi32, #tpu.memory_space<hbm>> -> memref<125x80xi32, #tpu.memory_space<hbm>>
      %dma_start3A_351 = arith.constant 0 : i32
      %dma_start3A_352 = arith.constant 0 : i32
      %dma_start3A_353 = tpu.memref_slice %arg3[%add3A, %dma_start3A_351, %dma_start3A_352] : memref<32x125x80xi32, #tpu.memory_space<hbm>> -> memref<1x125x80xi32, #tpu.memory_space<hbm>>
      %dma_start3A_354 = tpu.memref_squeeze %dma_start3A_353 : memref<1x125x80xi32, #tpu.memory_space<hbm>> -> memref<125x80xi32, #tpu.memory_space<hbm>>
      tpu.enqueue_dma source(%dma_start3A_354 : memref<125x80xi32, #tpu.memory_space<hbm>>) target(%arg7 : memref<125x80xi32, #tpu.memory_space<vmem>>) target_semaphore(%run_scoped3A : memref<!tpu.dma_semaphore, #tpu.memory_space<semaphore_mem>>)
      %dma_wait3A_355 = arith.constant 0 : i32
      %dma_wait3A_356 = arith.constant 0 : i32
      %dma_wait3A_357 = tpu.memref_slice %arg3[%add3A, %dma_wait3A_355, %dma_wait3A_356] : memref<32x125x80xi32, #tpu.memory_space<hbm>> -> memref<1x125x80xi32, #tpu.memory_space<hbm>>
      %dma_wait3A_358 = tpu.memref_squeeze %dma_wait3A_357 : memref<1x125x80xi32, #tpu.memory_space<hbm>> -> memref<125x80xi32, #tpu.memory_space<hbm>>
      %dma_wait3A_359 = arith.constant 0 : i32
      %dma_wait3A_360 = arith.constant 0 : i32
      %dma_wait3A_361 = tpu.memref_slice %arg3[%add3A, %dma_wait3A_359, %dma_wait3A_360] : memref<32x125x80xi32, #tpu.memory_space<hbm>> -> memref<1x125x80xi32, #tpu.memory_space<hbm>>
      %dma_wait3A_362 = tpu.memref_squeeze %dma_wait3A_361 : memref<1x125x80xi32, #tpu.memory_space<hbm>> -> memref<125x80xi32, #tpu.memory_space<hbm>>
      tpu.wait_dma2 semaphore(%run_scoped3A : memref<!tpu.dma_semaphore, #tpu.memory_space<semaphore_mem>>) src(%dma_wait3A_362 : memref<125x80xi32, #tpu.memory_space<hbm>>) dst(%arg7 : memref<125x80xi32, #tpu.memory_space<vmem>>)
      tpu.yield
    }) : () -> ()
    %barrier3A = arith.constant 0 : index
    tpu.barrier barrier_id(%barrier3A)
    %dma_start3A = arith.constant 0 : i32
    %dma_start3A_3 = arith.constant 0 : i32
    %dma_start3A_4 = tpu.memref_slice %arg8[%dma_start3A, %dma_start3A_3] : memref<3x80xi32, #tpu.memory_space<vmem>> -> memref<1x80xi32, #tpu.memory_space<vmem>>
    %dma_start3A_5 = arith.constant 0 : i32
    %dma_start3A_6 = arith.constant 0 : i32
    %dma_start3A_7 = tpu.memref_slice %arg4[%add3A, %dma_start3A_5, %dma_start3A_6] : memref<32x125x80xi32, #tpu.memory_space<hbm>> -> memref<1x125x80xi32, #tpu.memory_space<hbm>>
    %dma_start3A_8 = tpu.memref_squeeze %dma_start3A_7 : memref<1x125x80xi32, #tpu.memory_space<hbm>> -> memref<125x80xi32, #tpu.memory_space<hbm>>
    %dma_start3A_9 = arith.constant 0 : i32
    %dma_start3A_10 = arith.constant 0 : i32
    %dma_start3A_11 = tpu.memref_slice %dma_start3A_8[%dma_start3A_9, %dma_start3A_10] : memref<125x80xi32, #tpu.memory_space<hbm>> -> memref<1x80xi32, #tpu.memory_space<hbm>>
    %dma_start3A_12 = arith.constant 0 : i32
    %dma_start3A_13 = arith.constant 0 : i32
    %dma_start3A_14 = tpu.memref_slice %arg8[%dma_start3A_12, %dma_start3A_13] : memref<3x80xi32, #tpu.memory_space<vmem>> -> memref<1x80xi32, #tpu.memory_space<vmem>>
    %dma_start3A_15 = arith.constant 0 : i32
    %dma_start3A_16 = arith.constant 0 : i32
    %dma_start3A_17 = tpu.memref_slice %arg4[%add3A, %dma_start3A_15, %dma_start3A_16] : memref<32x125x80xi32, #tpu.memory_space<hbm>> -> memref<1x125x80xi32, #tpu.memory_space<hbm>>
    %dma_start3A_18 = tpu.memref_squeeze %dma_start3A_17 : memref<1x125x80xi32, #tpu.memory_space<hbm>> -> memref<125x80xi32, #tpu.memory_space<hbm>>
    %dma_start3A_19 = arith.constant 0 : i32
    %dma_start3A_20 = arith.constant 0 : i32
    %dma_start3A_21 = tpu.memref_slice %dma_start3A_18[%dma_start3A_19, %dma_start3A_20] : memref<125x80xi32, #tpu.memory_space<hbm>> -> memref<1x80xi32, #tpu.memory_space<hbm>>
    tpu.enqueue_dma source(%dma_start3A_21 : memref<1x80xi32, #tpu.memory_space<hbm>>) target(%dma_start3A_14 : memref<1x80xi32, #tpu.memory_space<vmem>>) target_semaphore(%arg15 : memref<!tpu.dma_semaphore, #tpu.memory_space<semaphore_mem>>)
    %dma_start3A_22 = arith.constant 1 : i32
    %dma_start3A_23 = arith.constant 0 : i32
    %dma_start3A_24 = tpu.memref_slice %arg8[%dma_start3A_22, %dma_start3A_23] : memref<3x80xi32, #tpu.memory_space<vmem>> -> memref<1x80xi32, #tpu.memory_space<vmem>>
    %dma_start3A_25 = arith.constant 0 : i32
    %dma_start3A_26 = arith.constant 0 : i32
    %dma_start3A_27 = tpu.memref_slice %arg4[%add3A, %dma_start3A_25, %dma_start3A_26] : memref<32x125x80xi32, #tpu.memory_space<hbm>> -> memref<1x125x80xi32, #tpu.memory_space<hbm>>
    %dma_start3A_28 = tpu.memref_squeeze %dma_start3A_27 : memref<1x125x80xi32, #tpu.memory_space<hbm>> -> memref<125x80xi32, #tpu.memory_space<hbm>>
    %dma_start3A_29 = arith.constant 1 : i32
    %dma_start3A_30 = arith.constant 0 : i32
    %dma_start3A_31 = tpu.memref_slice %dma_start3A_28[%dma_start3A_29, %dma_start3A_30] : memref<125x80xi32, #tpu.memory_space<hbm>> -> memref<1x80xi32, #tpu.memory_space<hbm>>
    %dma_start3A_32 = arith.constant 1 : i32
    %dma_start3A_33 = arith.constant 0 : i32
    %dma_start3A_34 = tpu.memref_slice %arg8[%dma_start3A_32, %dma_start3A_33] : memref<3x80xi32, #tpu.memory_space<vmem>> -> memref<1x80xi32, #tpu.memory_space<vmem>>
    %dma_start3A_35 = arith.constant 0 : i32
    %dma_start3A_36 = arith.constant 0 : i32
    %dma_start3A_37 = tpu.memref_slice %arg4[%add3A, %dma_start3A_35, %dma_start3A_36] : memref<32x125x80xi32, #tpu.memory_space<hbm>> -> memref<1x125x80xi32, #tpu.memory_space<hbm>>
    %dma_start3A_38 = tpu.memref_squeeze %dma_start3A_37 : memref<1x125x80xi32, #tpu.memory_space<hbm>> -> memref<125x80xi32, #tpu.memory_space<hbm>>
    %dma_start3A_39 = arith.constant 1 : i32
    %dma_start3A_40 = arith.constant 0 : i32
    %dma_start3A_41 = tpu.memref_slice %dma_start3A_38[%dma_start3A_39, %dma_start3A_40] : memref<125x80xi32, #tpu.memory_space<hbm>> -> memref<1x80xi32, #tpu.memory_space<hbm>>
    tpu.enqueue_dma source(%dma_start3A_41 : memref<1x80xi32, #tpu.memory_space<hbm>>) target(%dma_start3A_34 : memref<1x80xi32, #tpu.memory_space<vmem>>) target_semaphore(%arg16 : memref<!tpu.dma_semaphore, #tpu.memory_space<semaphore_mem>>)
    %dma_start3A_42 = arith.constant 2 : i32
    %dma_start3A_43 = arith.constant 0 : i32
    %dma_start3A_44 = tpu.memref_slice %arg8[%dma_start3A_42, %dma_start3A_43] : memref<3x80xi32, #tpu.memory_space<vmem>> -> memref<1x80xi32, #tpu.memory_space<vmem>>
    %dma_start3A_45 = arith.constant 0 : i32
    %dma_start3A_46 = arith.constant 0 : i32
    %dma_start3A_47 = tpu.memref_slice %arg4[%add3A, %dma_start3A_45, %dma_start3A_46] : memref<32x125x80xi32, #tpu.memory_space<hbm>> -> memref<1x125x80xi32, #tpu.memory_space<hbm>>
    %dma_start3A_48 = tpu.memref_squeeze %dma_start3A_47 : memref<1x125x80xi32, #tpu.memory_space<hbm>> -> memref<125x80xi32, #tpu.memory_space<hbm>>
    %dma_start3A_49 = arith.constant 2 : i32
    %dma_start3A_50 = arith.constant 0 : i32
    %dma_start3A_51 = tpu.memref_slice %dma_start3A_48[%dma_start3A_49, %dma_start3A_50] : memref<125x80xi32, #tpu.memory_space<hbm>> -> memref<1x80xi32, #tpu.memory_space<hbm>>
    %dma_start3A_52 = arith.constant 2 : i32
    %dma_start3A_53 = arith.constant 0 : i32
    %dma_start3A_54 = tpu.memref_slice %arg8[%dma_start3A_52, %dma_start3A_53] : memref<3x80xi32, #tpu.memory_space<vmem>> -> memref<1x80xi32, #tpu.memory_space<vmem>>
    %dma_start3A_55 = arith.constant 0 : i32
    %dma_start3A_56 = arith.constant 0 : i32
    %dma_start3A_57 = tpu.memref_slice %arg4[%add3A, %dma_start3A_55, %dma_start3A_56] : memref<32x125x80xi32, #tpu.memory_space<hbm>> -> memref<1x125x80xi32, #tpu.memory_space<hbm>>
    %dma_start3A_58 = tpu.memref_squeeze %dma_start3A_57 : memref<1x125x80xi32, #tpu.memory_space<hbm>> -> memref<125x80xi32, #tpu.memory_space<hbm>>
    %dma_start3A_59 = arith.constant 2 : i32
    %dma_start3A_60 = arith.constant 0 : i32
    %dma_start3A_61 = tpu.memref_slice %dma_start3A_58[%dma_start3A_59, %dma_start3A_60] : memref<125x80xi32, #tpu.memory_space<hbm>> -> memref<1x80xi32, #tpu.memory_space<hbm>>
    tpu.enqueue_dma source(%dma_start3A_61 : memref<1x80xi32, #tpu.memory_space<hbm>>) target(%dma_start3A_54 : memref<1x80xi32, #tpu.memory_space<vmem>>) target_semaphore(%arg17 : memref<!tpu.dma_semaphore, #tpu.memory_space<semaphore_mem>>)
    %dma_start3A_62 = arith.constant 0 : i32
    %dma_start3A_63 = arith.constant 0 : i32
    %dma_start3A_64 = tpu.memref_slice %arg7[%dma_start3A_62, %dma_start3A_63] : memref<125x80xi32, #tpu.memory_space<vmem>> -> memref<1x80xi32, #tpu.memory_space<vmem>>
    %dma_start3A_65 = tpu.memref_squeeze %dma_start3A_64 : memref<1x80xi32, #tpu.memory_space<vmem>> -> memref<80xi32, #tpu.memory_space<vmem>>
    %dma_start3A_66 = arith.constant 0 : i32
    %dma_start3A_67 = arith.constant 0 : i32
    %dma_start3A_68 = tpu.memref_slice %arg2[%dma_start3A_66, %dma_start3A_67] : memref<10000x128xf32, #tpu.memory_space<hbm>> -> memref<10000x128xf32, #tpu.memory_space<hbm>>
    tpu.enqueue_indirect_dma source(%dma_start3A_68 : memref<10000x128xf32, #tpu.memory_space<hbm>>) target(%arg9 : memref<80x128xf32, #tpu.memory_space<vmem>>) offsets(%dma_start3A_65 : memref<80xi32, #tpu.memory_space<vmem>>) semaphore(%arg12 : memref<!tpu.dma_semaphore, #tpu.memory_space<semaphore_mem>>)
    %dma_start3A_69 = arith.constant 1 : i32
    %dma_start3A_70 = arith.constant 0 : i32
    %dma_start3A_71 = tpu.memref_slice %arg7[%dma_start3A_69, %dma_start3A_70] : memref<125x80xi32, #tpu.memory_space<vmem>> -> memref<1x80xi32, #tpu.memory_space<vmem>>
    %dma_start3A_72 = tpu.memref_squeeze %dma_start3A_71 : memref<1x80xi32, #tpu.memory_space<vmem>> -> memref<80xi32, #tpu.memory_space<vmem>>
    %dma_start3A_73 = arith.constant 0 : i32
    %dma_start3A_74 = arith.constant 0 : i32
    %dma_start3A_75 = tpu.memref_slice %arg2[%dma_start3A_73, %dma_start3A_74] : memref<10000x128xf32, #tpu.memory_space<hbm>> -> memref<10000x128xf32, #tpu.memory_space<hbm>>
    tpu.enqueue_indirect_dma source(%dma_start3A_75 : memref<10000x128xf32, #tpu.memory_space<hbm>>) target(%arg10 : memref<80x128xf32, #tpu.memory_space<vmem>>) offsets(%dma_start3A_72 : memref<80xi32, #tpu.memory_space<vmem>>) semaphore(%arg13 : memref<!tpu.dma_semaphore, #tpu.memory_space<semaphore_mem>>)
    %dma_wait3A = arith.constant 0 : i32
    %dma_wait3A_76 = arith.constant 0 : i32
    %dma_wait3A_77 = tpu.memref_slice %arg7[%dma_wait3A, %dma_wait3A_76] : memref<125x80xi32, #tpu.memory_space<vmem>> -> memref<1x80xi32, #tpu.memory_space<vmem>>
    %dma_wait3A_78 = tpu.memref_squeeze %dma_wait3A_77 : memref<1x80xi32, #tpu.memory_space<vmem>> -> memref<80xi32, #tpu.memory_space<vmem>>
    %dma_wait3A_79 = arith.constant 0 : i32
    %dma_wait3A_80 = arith.constant 0 : i32
    %dma_wait3A_81 = tpu.memref_slice %arg2[%dma_wait3A_79, %dma_wait3A_80] : memref<10000x128xf32, #tpu.memory_space<hbm>> -> memref<10000x128xf32, #tpu.memory_space<hbm>>
    tpu.wait_indirect_dma semaphore(%arg12 : memref<!tpu.dma_semaphore, #tpu.memory_space<semaphore_mem>>) src(%dma_wait3A_81 : memref<10000x128xf32, #tpu.memory_space<hbm>>) dst(%arg9 : memref<80x128xf32, #tpu.memory_space<vmem>>)
    %dma_wait3A_82 = arith.constant 0 : i32
    %dma_wait3A_83 = arith.constant 0 : i32
    %dma_wait3A_84 = tpu.memref_slice %arg8[%dma_wait3A_82, %dma_wait3A_83] : memref<3x80xi32, #tpu.memory_space<vmem>> -> memref<1x80xi32, #tpu.memory_space<vmem>>
    %dma_wait3A_85 = arith.constant 0 : i32
    %dma_wait3A_86 = arith.constant 0 : i32
    %dma_wait3A_87 = tpu.memref_slice %arg4[%add3A, %dma_wait3A_85, %dma_wait3A_86] : memref<32x125x80xi32, #tpu.memory_space<hbm>> -> memref<1x125x80xi32, #tpu.memory_space<hbm>>
    %dma_wait3A_88 = tpu.memref_squeeze %dma_wait3A_87 : memref<1x125x80xi32, #tpu.memory_space<hbm>> -> memref<125x80xi32, #tpu.memory_space<hbm>>
    %dma_wait3A_89 = arith.constant 0 : i32
    %dma_wait3A_90 = arith.constant 0 : i32
    %dma_wait3A_91 = tpu.memref_slice %dma_wait3A_88[%dma_wait3A_89, %dma_wait3A_90] : memref<125x80xi32, #tpu.memory_space<hbm>> -> memref<1x80xi32, #tpu.memory_space<hbm>>
    %dma_wait3A_92 = arith.constant 0 : i32
    %dma_wait3A_93 = arith.constant 0 : i32
    %dma_wait3A_94 = tpu.memref_slice %arg8[%dma_wait3A_92, %dma_wait3A_93] : memref<3x80xi32, #tpu.memory_space<vmem>> -> memref<1x80xi32, #tpu.memory_space<vmem>>
    %dma_wait3A_95 = arith.constant 0 : i32
    %dma_wait3A_96 = arith.constant 0 : i32
    %dma_wait3A_97 = tpu.memref_slice %arg4[%add3A, %dma_wait3A_95, %dma_wait3A_96] : memref<32x125x80xi32, #tpu.memory_space<hbm>> -> memref<1x125x80xi32, #tpu.memory_space<hbm>>
    %dma_wait3A_98 = tpu.memref_squeeze %dma_wait3A_97 : memref<1x125x80xi32, #tpu.memory_space<hbm>> -> memref<125x80xi32, #tpu.memory_space<hbm>>
    %dma_wait3A_99 = arith.constant 0 : i32
    %dma_wait3A_100 = arith.constant 0 : i32
    %dma_wait3A_101 = tpu.memref_slice %dma_wait3A_98[%dma_wait3A_99, %dma_wait3A_100] : memref<125x80xi32, #tpu.memory_space<hbm>> -> memref<1x80xi32, #tpu.memory_space<hbm>>
    tpu.wait_dma2 semaphore(%arg15 : memref<!tpu.dma_semaphore, #tpu.memory_space<semaphore_mem>>) src(%dma_wait3A_101 : memref<1x80xi32, #tpu.memory_space<hbm>>) dst(%dma_wait3A_94 : memref<1x80xi32, #tpu.memory_space<vmem>>)
    %dma_start3A_102 = arith.constant 2 : i32
    %dma_start3A_103 = arith.constant 0 : i32
    %dma_start3A_104 = tpu.memref_slice %arg7[%dma_start3A_102, %dma_start3A_103] : memref<125x80xi32, #tpu.memory_space<vmem>> -> memref<1x80xi32, #tpu.memory_space<vmem>>
    %dma_start3A_105 = tpu.memref_squeeze %dma_start3A_104 : memref<1x80xi32, #tpu.memory_space<vmem>> -> memref<80xi32, #tpu.memory_space<vmem>>
    %dma_start3A_106 = arith.constant 0 : i32
    %dma_start3A_107 = arith.constant 0 : i32
    %dma_start3A_108 = tpu.memref_slice %arg2[%dma_start3A_106, %dma_start3A_107] : memref<10000x128xf32, #tpu.memory_space<hbm>> -> memref<10000x128xf32, #tpu.memory_space<hbm>>
    tpu.enqueue_indirect_dma source(%dma_start3A_108 : memref<10000x128xf32, #tpu.memory_space<hbm>>) target(%arg11 : memref<80x128xf32, #tpu.memory_space<vmem>>) offsets(%dma_start3A_105 : memref<80xi32, #tpu.memory_space<vmem>>) semaphore(%arg14 : memref<!tpu.dma_semaphore, #tpu.memory_space<semaphore_mem>>)
    %dma_start3A_109 = arith.constant 0 : i32
    %dma_start3A_110 = arith.constant 0 : i32
    %dma_start3A_111 = tpu.memref_slice %arg8[%dma_start3A_109, %dma_start3A_110] : memref<3x80xi32, #tpu.memory_space<vmem>> -> memref<1x80xi32, #tpu.memory_space<vmem>>
    %dma_start3A_112 = tpu.memref_squeeze %dma_start3A_111 : memref<1x80xi32, #tpu.memory_space<vmem>> -> memref<80xi32, #tpu.memory_space<vmem>>
    %dma_start3A_113 = arith.constant 0 : i32
    %dma_start3A_114 = arith.constant 0 : i32
    %dma_start3A_115 = tpu.memref_slice %arg21[%dma_start3A_113, %dma_start3A_114] : memref<10112x128xf32, #tpu.memory_space<vmem_shared>> -> memref<10112x128xf32, #tpu.memory_space<vmem_shared>>
    tpu.enqueue_indirect_dma source(%arg9 : memref<80x128xf32, #tpu.memory_space<vmem>>) target(%dma_start3A_115 : memref<10112x128xf32, #tpu.memory_space<vmem_shared>>) offsets(%dma_start3A_112 : memref<80xi32, #tpu.memory_space<vmem>>) semaphore(%arg18 : memref<!tpu.dma_semaphore, #tpu.memory_space<semaphore_mem>>) {add = true}
    %scan3A = arith.constant 0 : i32
    %scan3A_116 = arith.constant 0 : i32
    %scan3A_117 = arith.constant 40 : i32
    %scan3A_118 = arith.addi %scan3A_116, %scan3A_117 : i32
    %scan3A_119 = arith.constant 1 : i32
    scf.for %scan3A_347 = %scan3A_116 to %scan3A_118 step %scan3A_119  : i32 {
      %mul3A_348 = arith.constant 3 : i32
      %mul3A_349 = arith.muli %mul3A_348, %scan3A_347 : i32
      %add3A_350 = arith.constant 1 : i32
      %add3A_351 = arith.addi %mul3A_349, %add3A_350 : i32
      %dma_wait3A_352 = arith.constant 0 : i32
      %dma_wait3A_353 = arith.constant 0 : i32
      %dma_wait3A_354 = tpu.memref_slice %arg8[%dma_wait3A_352, %dma_wait3A_353] : memref<3x80xi32, #tpu.memory_space<vmem>> -> memref<1x80xi32, #tpu.memory_space<vmem>>
      %dma_wait3A_355 = tpu.memref_squeeze %dma_wait3A_354 : memref<1x80xi32, #tpu.memory_space<vmem>> -> memref<80xi32, #tpu.memory_space<vmem>>
      %dma_wait3A_356 = arith.constant 0 : i32
      %dma_wait3A_357 = arith.constant 0 : i32
      %dma_wait3A_358 = tpu.memref_slice %arg21[%dma_wait3A_356, %dma_wait3A_357] : memref<10112x128xf32, #tpu.memory_space<vmem_shared>> -> memref<10112x128xf32, #tpu.memory_space<vmem_shared>>
      tpu.wait_indirect_dma semaphore(%arg18 : memref<!tpu.dma_semaphore, #tpu.memory_space<semaphore_mem>>) src(%arg9 : memref<80x128xf32, #tpu.memory_space<vmem>>) dst(%dma_wait3A_358 : memref<10112x128xf32, #tpu.memory_space<vmem_shared>>)
      %add3A_359 = arith.constant 2 : i32
      %add3A_360 = arith.addi %add3A_351, %add3A_359 : i32
      %dma_start3A_361 = arith.constant 0 : i32
      %dma_start3A_362 = arith.constant 0 : i32
      %dma_start3A_363 = tpu.memref_slice %arg8[%dma_start3A_361, %dma_start3A_362] : memref<3x80xi32, #tpu.memory_space<vmem>> -> memref<1x80xi32, #tpu.memory_space<vmem>>
      %dma_start3A_364 = arith.constant 0 : i32
      %dma_start3A_365 = arith.constant 0 : i32
      %dma_start3A_366 = tpu.memref_slice %arg4[%add3A, %dma_start3A_364, %dma_start3A_365] : memref<32x125x80xi32, #tpu.memory_space<hbm>> -> memref<1x125x80xi32, #tpu.memory_space<hbm>>
      %dma_start3A_367 = tpu.memref_squeeze %dma_start3A_366 : memref<1x125x80xi32, #tpu.memory_space<hbm>> -> memref<125x80xi32, #tpu.memory_space<hbm>>
      %dma_start3A_368 = arith.constant 0 : i32
      %dma_start3A_369 = tpu.memref_slice %dma_start3A_367[%add3A_360, %dma_start3A_368] : memref<125x80xi32, #tpu.memory_space<hbm>> -> memref<1x80xi32, #tpu.memory_space<hbm>>
      %dma_start3A_370 = arith.constant 0 : i32
      %dma_start3A_371 = arith.constant 0 : i32
      %dma_start3A_372 = tpu.memref_slice %arg8[%dma_start3A_370, %dma_start3A_371] : memref<3x80xi32, #tpu.memory_space<vmem>> -> memref<1x80xi32, #tpu.memory_space<vmem>>
      %dma_start3A_373 = arith.constant 0 : i32
      %dma_start3A_374 = arith.constant 0 : i32
      %dma_start3A_375 = tpu.memref_slice %arg4[%add3A, %dma_start3A_373, %dma_start3A_374] : memref<32x125x80xi32, #tpu.memory_space<hbm>> -> memref<1x125x80xi32, #tpu.memory_space<hbm>>
      %dma_start3A_376 = tpu.memref_squeeze %dma_start3A_375 : memref<1x125x80xi32, #tpu.memory_space<hbm>> -> memref<125x80xi32, #tpu.memory_space<hbm>>
      %dma_start3A_377 = arith.constant 0 : i32
      %dma_start3A_378 = tpu.memref_slice %dma_start3A_376[%add3A_360, %dma_start3A_377] : memref<125x80xi32, #tpu.memory_space<hbm>> -> memref<1x80xi32, #tpu.memory_space<hbm>>
      tpu.enqueue_dma source(%dma_start3A_378 : memref<1x80xi32, #tpu.memory_space<hbm>>) target(%dma_start3A_372 : memref<1x80xi32, #tpu.memory_space<vmem>>) target_semaphore(%arg15 : memref<!tpu.dma_semaphore, #tpu.memory_space<semaphore_mem>>)
      %dma_wait3A_379 = arith.constant 0 : i32
      %dma_wait3A_380 = tpu.memref_slice %arg7[%add3A_351, %dma_wait3A_379] : memref<125x80xi32, #tpu.memory_space<vmem>> -> memref<1x80xi32, #tpu.memory_space<vmem>>
      %dma_wait3A_381 = tpu.memref_squeeze %dma_wait3A_380 : memref<1x80xi32, #tpu.memory_space<vmem>> -> memref<80xi32, #tpu.memory_space<vmem>>
      %dma_wait3A_382 = arith.constant 0 : i32
      %dma_wait3A_383 = arith.constant 0 : i32
      %dma_wait3A_384 = tpu.memref_slice %arg2[%dma_wait3A_382, %dma_wait3A_383] : memref<10000x128xf32, #tpu.memory_space<hbm>> -> memref<10000x128xf32, #tpu.memory_space<hbm>>
      tpu.wait_indirect_dma semaphore(%arg13 : memref<!tpu.dma_semaphore, #tpu.memory_space<semaphore_mem>>) src(%dma_wait3A_384 : memref<10000x128xf32, #tpu.memory_space<hbm>>) dst(%arg10 : memref<80x128xf32, #tpu.memory_space<vmem>>)
      %dma_wait3A_385 = arith.constant 1 : i32
      %dma_wait3A_386 = arith.constant 0 : i32
      %dma_wait3A_387 = tpu.memref_slice %arg8[%dma_wait3A_385, %dma_wait3A_386] : memref<3x80xi32, #tpu.memory_space<vmem>> -> memref<1x80xi32, #tpu.memory_space<vmem>>
      %dma_wait3A_388 = arith.constant 0 : i32
      %dma_wait3A_389 = arith.constant 0 : i32
      %dma_wait3A_390 = tpu.memref_slice %arg4[%add3A, %dma_wait3A_388, %dma_wait3A_389] : memref<32x125x80xi32, #tpu.memory_space<hbm>> -> memref<1x125x80xi32, #tpu.memory_space<hbm>>
      %dma_wait3A_391 = tpu.memref_squeeze %dma_wait3A_390 : memref<1x125x80xi32, #tpu.memory_space<hbm>> -> memref<125x80xi32, #tpu.memory_space<hbm>>
      %dma_wait3A_392 = arith.constant 0 : i32
      %dma_wait3A_393 = tpu.memref_slice %dma_wait3A_391[%add3A_351, %dma_wait3A_392] : memref<125x80xi32, #tpu.memory_space<hbm>> -> memref<1x80xi32, #tpu.memory_space<hbm>>
      %dma_wait3A_394 = arith.constant 1 : i32
      %dma_wait3A_395 = arith.constant 0 : i32
      %dma_wait3A_396 = tpu.memref_slice %arg8[%dma_wait3A_394, %dma_wait3A_395] : memref<3x80xi32, #tpu.memory_space<vmem>> -> memref<1x80xi32, #tpu.memory_space<vmem>>
      %dma_wait3A_397 = arith.constant 0 : i32
      %dma_wait3A_398 = arith.constant 0 : i32
      %dma_wait3A_399 = tpu.memref_slice %arg4[%add3A, %dma_wait3A_397, %dma_wait3A_398] : memref<32x125x80xi32, #tpu.memory_space<hbm>> -> memref<1x125x80xi32, #tpu.memory_space<hbm>>
      %dma_wait3A_400 = tpu.memref_squeeze %dma_wait3A_399 : memref<1x125x80xi32, #tpu.memory_space<hbm>> -> memref<125x80xi32, #tpu.memory_space<hbm>>
      %dma_wait3A_401 = arith.constant 0 : i32
      %dma_wait3A_402 = tpu.memref_slice %dma_wait3A_400[%add3A_351, %dma_wait3A_401] : memref<125x80xi32, #tpu.memory_space<hbm>> -> memref<1x80xi32, #tpu.memory_space<hbm>>
      tpu.wait_dma2 semaphore(%arg16 : memref<!tpu.dma_semaphore, #tpu.memory_space<semaphore_mem>>) src(%dma_wait3A_402 : memref<1x80xi32, #tpu.memory_space<hbm>>) dst(%dma_wait3A_396 : memref<1x80xi32, #tpu.memory_space<vmem>>)
      %add3A_403 = arith.constant 2 : i32
      %add3A_404 = arith.addi %add3A_351, %add3A_403 : i32
      %dma_start3A_405 = arith.constant 0 : i32
      %dma_start3A_406 = tpu.memref_slice %arg7[%add3A_404, %dma_start3A_405] : memref<125x80xi32, #tpu.memory_space<vmem>> -> memref<1x80xi32, #tpu.memory_space<vmem>>
      %dma_start3A_407 = tpu.memref_squeeze %dma_start3A_406 : memref<1x80xi32, #tpu.memory_space<vmem>> -> memref<80xi32, #tpu.memory_space<vmem>>
      %dma_start3A_408 = arith.constant 0 : i32
      %dma_start3A_409 = arith.constant 0 : i32
      %dma_start3A_410 = tpu.memref_slice %arg2[%dma_start3A_408, %dma_start3A_409] : memref<10000x128xf32, #tpu.memory_space<hbm>> -> memref<10000x128xf32, #tpu.memory_space<hbm>>
      tpu.enqueue_indirect_dma source(%dma_start3A_410 : memref<10000x128xf32, #tpu.memory_space<hbm>>) target(%arg9 : memref<80x128xf32, #tpu.memory_space<vmem>>) offsets(%dma_start3A_407 : memref<80xi32, #tpu.memory_space<vmem>>) semaphore(%arg12 : memref<!tpu.dma_semaphore, #tpu.memory_space<semaphore_mem>>)
      %dma_start3A_411 = arith.constant 1 : i32
      %dma_start3A_412 = arith.constant 0 : i32
      %dma_start3A_413 = tpu.memref_slice %arg8[%dma_start3A_411, %dma_start3A_412] : memref<3x80xi32, #tpu.memory_space<vmem>> -> memref<1x80xi32, #tpu.memory_space<vmem>>
      %dma_start3A_414 = tpu.memref_squeeze %dma_start3A_413 : memref<1x80xi32, #tpu.memory_space<vmem>> -> memref<80xi32, #tpu.memory_space<vmem>>
      %dma_start3A_415 = arith.constant 0 : i32
      %dma_start3A_416 = arith.constant 0 : i32
      %dma_start3A_417 = tpu.memref_slice %arg21[%dma_start3A_415, %dma_start3A_416] : memref<10112x128xf32, #tpu.memory_space<vmem_shared>> -> memref<10112x128xf32, #tpu.memory_space<vmem_shared>>
      tpu.enqueue_indirect_dma source(%arg10 : memref<80x128xf32, #tpu.memory_space<vmem>>) target(%dma_start3A_417 : memref<10112x128xf32, #tpu.memory_space<vmem_shared>>) offsets(%dma_start3A_414 : memref<80xi32, #tpu.memory_space<vmem>>) semaphore(%arg19 : memref<!tpu.dma_semaphore, #tpu.memory_space<semaphore_mem>>) {add = true}
      %add3A_418 = arith.constant 2 : i32
      %add3A_419 = arith.addi %mul3A_349, %add3A_418 : i32
      %dma_wait3A_420 = arith.constant 1 : i32
      %dma_wait3A_421 = arith.constant 0 : i32
      %dma_wait3A_422 = tpu.memref_slice %arg8[%dma_wait3A_420, %dma_wait3A_421] : memref<3x80xi32, #tpu.memory_space<vmem>> -> memref<1x80xi32, #tpu.memory_space<vmem>>
      %dma_wait3A_423 = tpu.memref_squeeze %dma_wait3A_422 : memref<1x80xi32, #tpu.memory_space<vmem>> -> memref<80xi32, #tpu.memory_space<vmem>>
      %dma_wait3A_424 = arith.constant 0 : i32
      %dma_wait3A_425 = arith.constant 0 : i32
      %dma_wait3A_426 = tpu.memref_slice %arg21[%dma_wait3A_424, %dma_wait3A_425] : memref<10112x128xf32, #tpu.memory_space<vmem_shared>> -> memref<10112x128xf32, #tpu.memory_space<vmem_shared>>
      tpu.wait_indirect_dma semaphore(%arg19 : memref<!tpu.dma_semaphore, #tpu.memory_space<semaphore_mem>>) src(%arg10 : memref<80x128xf32, #tpu.memory_space<vmem>>) dst(%dma_wait3A_426 : memref<10112x128xf32, #tpu.memory_space<vmem_shared>>)
      %add3A_427 = arith.constant 2 : i32
      %add3A_428 = arith.addi %add3A_419, %add3A_427 : i32
      %dma_start3A_429 = arith.constant 1 : i32
      %dma_start3A_430 = arith.constant 0 : i32
      %dma_start3A_431 = tpu.memref_slice %arg8[%dma_start3A_429, %dma_start3A_430] : memref<3x80xi32, #tpu.memory_space<vmem>> -> memref<1x80xi32, #tpu.memory_space<vmem>>
      %dma_start3A_432 = arith.constant 0 : i32
      %dma_start3A_433 = arith.constant 0 : i32
      %dma_start3A_434 = tpu.memref_slice %arg4[%add3A, %dma_start3A_432, %dma_start3A_433] : memref<32x125x80xi32, #tpu.memory_space<hbm>> -> memref<1x125x80xi32, #tpu.memory_space<hbm>>
      %dma_start3A_435 = tpu.memref_squeeze %dma_start3A_434 : memref<1x125x80xi32, #tpu.memory_space<hbm>> -> memref<125x80xi32, #tpu.memory_space<hbm>>
      %dma_start3A_436 = arith.constant 0 : i32
      %dma_start3A_437 = tpu.memref_slice %dma_start3A_435[%add3A_428, %dma_start3A_436] : memref<125x80xi32, #tpu.memory_space<hbm>> -> memref<1x80xi32, #tpu.memory_space<hbm>>
      %dma_start3A_438 = arith.constant 1 : i32
      %dma_start3A_439 = arith.constant 0 : i32
      %dma_start3A_440 = tpu.memref_slice %arg8[%dma_start3A_438, %dma_start3A_439] : memref<3x80xi32, #tpu.memory_space<vmem>> -> memref<1x80xi32, #tpu.memory_space<vmem>>
      %dma_start3A_441 = arith.constant 0 : i32
      %dma_start3A_442 = arith.constant 0 : i32
      %dma_start3A_443 = tpu.memref_slice %arg4[%add3A, %dma_start3A_441, %dma_start3A_442] : memref<32x125x80xi32, #tpu.memory_space<hbm>> -> memref<1x125x80xi32, #tpu.memory_space<hbm>>
      %dma_start3A_444 = tpu.memref_squeeze %dma_start3A_443 : memref<1x125x80xi32, #tpu.memory_space<hbm>> -> memref<125x80xi32, #tpu.memory_space<hbm>>
      %dma_start3A_445 = arith.constant 0 : i32
      %dma_start3A_446 = tpu.memref_slice %dma_start3A_444[%add3A_428, %dma_start3A_445] : memref<125x80xi32, #tpu.memory_space<hbm>> -> memref<1x80xi32, #tpu.memory_space<hbm>>
      tpu.enqueue_dma source(%dma_start3A_446 : memref<1x80xi32, #tpu.memory_space<hbm>>) target(%dma_start3A_440 : memref<1x80xi32, #tpu.memory_space<vmem>>) target_semaphore(%arg16 : memref<!tpu.dma_semaphore, #tpu.memory_space<semaphore_mem>>)
      %dma_wait3A_447 = arith.constant 0 : i32
      %dma_wait3A_448 = tpu.memref_slice %arg7[%add3A_419, %dma_wait3A_447] : memref<125x80xi32, #tpu.memory_space<vmem>> -> memref<1x80xi32, #tpu.memory_space<vmem>>
      %dma_wait3A_449 = tpu.memref_squeeze %dma_wait3A_448 : memref<1x80xi32, #tpu.memory_space<vmem>> -> memref<80xi32, #tpu.memory_space<vmem>>
      %dma_wait3A_450 = arith.constant 0 : i32
      %dma_wait3A_451 = arith.constant 0 : i32
      %dma_wait3A_452 = tpu.memref_slice %arg2[%dma_wait3A_450, %dma_wait3A_451] : memref<10000x128xf32, #tpu.memory_space<hbm>> -> memref<10000x128xf32, #tpu.memory_space<hbm>>
      tpu.wait_indirect_dma semaphore(%arg14 : memref<!tpu.dma_semaphore, #tpu.memory_space<semaphore_mem>>) src(%dma_wait3A_452 : memref<10000x128xf32, #tpu.memory_space<hbm>>) dst(%arg11 : memref<80x128xf32, #tpu.memory_space<vmem>>)
      %dma_wait3A_453 = arith.constant 2 : i32
      %dma_wait3A_454 = arith.constant 0 : i32
      %dma_wait3A_455 = tpu.memref_slice %arg8[%dma_wait3A_453, %dma_wait3A_454] : memref<3x80xi32, #tpu.memory_space<vmem>> -> memref<1x80xi32, #tpu.memory_space<vmem>>
      %dma_wait3A_456 = arith.constant 0 : i32
      %dma_wait3A_457 = arith.constant 0 : i32
      %dma_wait3A_458 = tpu.memref_slice %arg4[%add3A, %dma_wait3A_456, %dma_wait3A_457] : memref<32x125x80xi32, #tpu.memory_space<hbm>> -> memref<1x125x80xi32, #tpu.memory_space<hbm>>
      %dma_wait3A_459 = tpu.memref_squeeze %dma_wait3A_458 : memref<1x125x80xi32, #tpu.memory_space<hbm>> -> memref<125x80xi32, #tpu.memory_space<hbm>>
      %dma_wait3A_460 = arith.constant 0 : i32
      %dma_wait3A_461 = tpu.memref_slice %dma_wait3A_459[%add3A_419, %dma_wait3A_460] : memref<125x80xi32, #tpu.memory_space<hbm>> -> memref<1x80xi32, #tpu.memory_space<hbm>>
      %dma_wait3A_462 = arith.constant 2 : i32
      %dma_wait3A_463 = arith.constant 0 : i32
      %dma_wait3A_464 = tpu.memref_slice %arg8[%dma_wait3A_462, %dma_wait3A_463] : memref<3x80xi32, #tpu.memory_space<vmem>> -> memref<1x80xi32, #tpu.memory_space<vmem>>
      %dma_wait3A_465 = arith.constant 0 : i32
      %dma_wait3A_466 = arith.constant 0 : i32
      %dma_wait3A_467 = tpu.memref_slice %arg4[%add3A, %dma_wait3A_465, %dma_wait3A_466] : memref<32x125x80xi32, #tpu.memory_space<hbm>> -> memref<1x125x80xi32, #tpu.memory_space<hbm>>
      %dma_wait3A_468 = tpu.memref_squeeze %dma_wait3A_467 : memref<1x125x80xi32, #tpu.memory_space<hbm>> -> memref<125x80xi32, #tpu.memory_space<hbm>>
      %dma_wait3A_469 = arith.constant 0 : i32
      %dma_wait3A_470 = tpu.memref_slice %dma_wait3A_468[%add3A_419, %dma_wait3A_469] : memref<125x80xi32, #tpu.memory_space<hbm>> -> memref<1x80xi32, #tpu.memory_space<hbm>>
      tpu.wait_dma2 semaphore(%arg17 : memref<!tpu.dma_semaphore, #tpu.memory_space<semaphore_mem>>) src(%dma_wait3A_470 : memref<1x80xi32, #tpu.memory_space<hbm>>) dst(%dma_wait3A_464 : memref<1x80xi32, #tpu.memory_space<vmem>>)
      %add3A_471 = arith.constant 2 : i32
      %add3A_472 = arith.addi %add3A_419, %add3A_471 : i32
      %dma_start3A_473 = arith.constant 0 : i32
      %dma_start3A_474 = tpu.memref_slice %arg7[%add3A_472, %dma_start3A_473] : memref<125x80xi32, #tpu.memory_space<vmem>> -> memref<1x80xi32, #tpu.memory_space<vmem>>
      %dma_start3A_475 = tpu.memref_squeeze %dma_start3A_474 : memref<1x80xi32, #tpu.memory_space<vmem>> -> memref<80xi32, #tpu.memory_space<vmem>>
      %dma_start3A_476 = arith.constant 0 : i32
      %dma_start3A_477 = arith.constant 0 : i32
      %dma_start3A_478 = tpu.memref_slice %arg2[%dma_start3A_476, %dma_start3A_477] : memref<10000x128xf32, #tpu.memory_space<hbm>> -> memref<10000x128xf32, #tpu.memory_space<hbm>>
      tpu.enqueue_indirect_dma source(%dma_start3A_478 : memref<10000x128xf32, #tpu.memory_space<hbm>>) target(%arg10 : memref<80x128xf32, #tpu.memory_space<vmem>>) offsets(%dma_start3A_475 : memref<80xi32, #tpu.memory_space<vmem>>) semaphore(%arg13 : memref<!tpu.dma_semaphore, #tpu.memory_space<semaphore_mem>>)
      %dma_start3A_479 = arith.constant 2 : i32
      %dma_start3A_480 = arith.constant 0 : i32
      %dma_start3A_481 = tpu.memref_slice %arg8[%dma_start3A_479, %dma_start3A_480] : memref<3x80xi32, #tpu.memory_space<vmem>> -> memref<1x80xi32, #tpu.memory_space<vmem>>
      %dma_start3A_482 = tpu.memref_squeeze %dma_start3A_481 : memref<1x80xi32, #tpu.memory_space<vmem>> -> memref<80xi32, #tpu.memory_space<vmem>>
      %dma_start3A_483 = arith.constant 0 : i32
      %dma_start3A_484 = arith.constant 0 : i32
      %dma_start3A_485 = tpu.memref_slice %arg21[%dma_start3A_483, %dma_start3A_484] : memref<10112x128xf32, #tpu.memory_space<vmem_shared>> -> memref<10112x128xf32, #tpu.memory_space<vmem_shared>>
      tpu.enqueue_indirect_dma source(%arg11 : memref<80x128xf32, #tpu.memory_space<vmem>>) target(%dma_start3A_485 : memref<10112x128xf32, #tpu.memory_space<vmem_shared>>) offsets(%dma_start3A_482 : memref<80xi32, #tpu.memory_space<vmem>>) semaphore(%arg20 : memref<!tpu.dma_semaphore, #tpu.memory_space<semaphore_mem>>) {add = true}
      %add3A_486 = arith.constant 3 : i32
      %add3A_487 = arith.addi %mul3A_349, %add3A_486 : i32
      %dma_wait3A_488 = arith.constant 2 : i32
      %dma_wait3A_489 = arith.constant 0 : i32
      %dma_wait3A_490 = tpu.memref_slice %arg8[%dma_wait3A_488, %dma_wait3A_489] : memref<3x80xi32, #tpu.memory_space<vmem>> -> memref<1x80xi32, #tpu.memory_space<vmem>>
      %dma_wait3A_491 = tpu.memref_squeeze %dma_wait3A_490 : memref<1x80xi32, #tpu.memory_space<vmem>> -> memref<80xi32, #tpu.memory_space<vmem>>
      %dma_wait3A_492 = arith.constant 0 : i32
      %dma_wait3A_493 = arith.constant 0 : i32
      %dma_wait3A_494 = tpu.memref_slice %arg21[%dma_wait3A_492, %dma_wait3A_493] : memref<10112x128xf32, #tpu.memory_space<vmem_shared>> -> memref<10112x128xf32, #tpu.memory_space<vmem_shared>>
      tpu.wait_indirect_dma semaphore(%arg20 : memref<!tpu.dma_semaphore, #tpu.memory_space<semaphore_mem>>) src(%arg11 : memref<80x128xf32, #tpu.memory_space<vmem>>) dst(%dma_wait3A_494 : memref<10112x128xf32, #tpu.memory_space<vmem_shared>>)
      %add3A_495 = arith.constant 2 : i32
      %add3A_496 = arith.addi %add3A_487, %add3A_495 : i32
      %dma_start3A_497 = arith.constant 2 : i32
      %dma_start3A_498 = arith.constant 0 : i32
      %dma_start3A_499 = tpu.memref_slice %arg8[%dma_start3A_497, %dma_start3A_498] : memref<3x80xi32, #tpu.memory_space<vmem>> -> memref<1x80xi32, #tpu.memory_space<vmem>>
      %dma_start3A_500 = arith.constant 0 : i32
      %dma_start3A_501 = arith.constant 0 : i32
      %dma_start3A_502 = tpu.memref_slice %arg4[%add3A, %dma_start3A_500, %dma_start3A_501] : memref<32x125x80xi32, #tpu.memory_space<hbm>> -> memref<1x125x80xi32, #tpu.memory_space<hbm>>
      %dma_start3A_503 = tpu.memref_squeeze %dma_start3A_502 : memref<1x125x80xi32, #tpu.memory_space<hbm>> -> memref<125x80xi32, #tpu.memory_space<hbm>>
      %dma_start3A_504 = arith.constant 0 : i32
      %dma_start3A_505 = tpu.memref_slice %dma_start3A_503[%add3A_496, %dma_start3A_504] : memref<125x80xi32, #tpu.memory_space<hbm>> -> memref<1x80xi32, #tpu.memory_space<hbm>>
      %dma_start3A_506 = arith.constant 2 : i32
      %dma_start3A_507 = arith.constant 0 : i32
      %dma_start3A_508 = tpu.memref_slice %arg8[%dma_start3A_506, %dma_start3A_507] : memref<3x80xi32, #tpu.memory_space<vmem>> -> memref<1x80xi32, #tpu.memory_space<vmem>>
      %dma_start3A_509 = arith.constant 0 : i32
      %dma_start3A_510 = arith.constant 0 : i32
      %dma_start3A_511 = tpu.memref_slice %arg4[%add3A, %dma_start3A_509, %dma_start3A_510] : memref<32x125x80xi32, #tpu.memory_space<hbm>> -> memref<1x125x80xi32, #tpu.memory_space<hbm>>
      %dma_start3A_512 = tpu.memref_squeeze %dma_start3A_511 : memref<1x125x80xi32, #tpu.memory_space<hbm>> -> memref<125x80xi32, #tpu.memory_space<hbm>>
      %dma_start3A_513 = arith.constant 0 : i32
      %dma_start3A_514 = tpu.memref_slice %dma_start3A_512[%add3A_496, %dma_start3A_513] : memref<125x80xi32, #tpu.memory_space<hbm>> -> memref<1x80xi32, #tpu.memory_space<hbm>>
      tpu.enqueue_dma source(%dma_start3A_514 : memref<1x80xi32, #tpu.memory_space<hbm>>) target(%dma_start3A_508 : memref<1x80xi32, #tpu.memory_space<vmem>>) target_semaphore(%arg17 : memref<!tpu.dma_semaphore, #tpu.memory_space<semaphore_mem>>)
      %dma_wait3A_515 = arith.constant 0 : i32
      %dma_wait3A_516 = tpu.memref_slice %arg7[%add3A_487, %dma_wait3A_515] : memref<125x80xi32, #tpu.memory_space<vmem>> -> memref<1x80xi32, #tpu.memory_space<vmem>>
      %dma_wait3A_517 = tpu.memref_squeeze %dma_wait3A_516 : memref<1x80xi32, #tpu.memory_space<vmem>> -> memref<80xi32, #tpu.memory_space<vmem>>
      %dma_wait3A_518 = arith.constant 0 : i32
      %dma_wait3A_519 = arith.constant 0 : i32
      %dma_wait3A_520 = tpu.memref_slice %arg2[%dma_wait3A_518, %dma_wait3A_519] : memref<10000x128xf32, #tpu.memory_space<hbm>> -> memref<10000x128xf32, #tpu.memory_space<hbm>>
      tpu.wait_indirect_dma semaphore(%arg12 : memref<!tpu.dma_semaphore, #tpu.memory_space<semaphore_mem>>) src(%dma_wait3A_520 : memref<10000x128xf32, #tpu.memory_space<hbm>>) dst(%arg9 : memref<80x128xf32, #tpu.memory_space<vmem>>)
      %dma_wait3A_521 = arith.constant 0 : i32
      %dma_wait3A_522 = arith.constant 0 : i32
      %dma_wait3A_523 = tpu.memref_slice %arg8[%dma_wait3A_521, %dma_wait3A_522] : memref<3x80xi32, #tpu.memory_space<vmem>> -> memref<1x80xi32, #tpu.memory_space<vmem>>
      %dma_wait3A_524 = arith.constant 0 : i32
      %dma_wait3A_525 = arith.constant 0 : i32
      %dma_wait3A_526 = tpu.memref_slice %arg4[%add3A, %dma_wait3A_524, %dma_wait3A_525] : memref<32x125x80xi32, #tpu.memory_space<hbm>> -> memref<1x125x80xi32, #tpu.memory_space<hbm>>
      %dma_wait3A_527 = tpu.memref_squeeze %dma_wait3A_526 : memref<1x125x80xi32, #tpu.memory_space<hbm>> -> memref<125x80xi32, #tpu.memory_space<hbm>>
      %dma_wait3A_528 = arith.constant 0 : i32
      %dma_wait3A_529 = tpu.memref_slice %dma_wait3A_527[%add3A_487, %dma_wait3A_528] : memref<125x80xi32, #tpu.memory_space<hbm>> -> memref<1x80xi32, #tpu.memory_space<hbm>>
      %dma_wait3A_530 = arith.constant 0 : i32
      %dma_wait3A_531 = arith.constant 0 : i32
      %dma_wait3A_532 = tpu.memref_slice %arg8[%dma_wait3A_530, %dma_wait3A_531] : memref<3x80xi32, #tpu.memory_space<vmem>> -> memref<1x80xi32, #tpu.memory_space<vmem>>
      %dma_wait3A_533 = arith.constant 0 : i32
      %dma_wait3A_534 = arith.constant 0 : i32
      %dma_wait3A_535 = tpu.memref_slice %arg4[%add3A, %dma_wait3A_533, %dma_wait3A_534] : memref<32x125x80xi32, #tpu.memory_space<hbm>> -> memref<1x125x80xi32, #tpu.memory_space<hbm>>
      %dma_wait3A_536 = tpu.memref_squeeze %dma_wait3A_535 : memref<1x125x80xi32, #tpu.memory_space<hbm>> -> memref<125x80xi32, #tpu.memory_space<hbm>>
      %dma_wait3A_537 = arith.constant 0 : i32
      %dma_wait3A_538 = tpu.memref_slice %dma_wait3A_536[%add3A_487, %dma_wait3A_537] : memref<125x80xi32, #tpu.memory_space<hbm>> -> memref<1x80xi32, #tpu.memory_space<hbm>>
      tpu.wait_dma2 semaphore(%arg15 : memref<!tpu.dma_semaphore, #tpu.memory_space<semaphore_mem>>) src(%dma_wait3A_538 : memref<1x80xi32, #tpu.memory_space<hbm>>) dst(%dma_wait3A_532 : memref<1x80xi32, #tpu.memory_space<vmem>>)
      %add3A_539 = arith.constant 2 : i32
      %add3A_540 = arith.addi %add3A_487, %add3A_539 : i32
      %dma_start3A_541 = arith.constant 0 : i32
      %dma_start3A_542 = tpu.memref_slice %arg7[%add3A_540, %dma_start3A_541] : memref<125x80xi32, #tpu.memory_space<vmem>> -> memref<1x80xi32, #tpu.memory_space<vmem>>
      %dma_start3A_543 = tpu.memref_squeeze %dma_start3A_542 : memref<1x80xi32, #tpu.memory_space<vmem>> -> memref<80xi32, #tpu.memory_space<vmem>>
      %dma_start3A_544 = arith.constant 0 : i32
      %dma_start3A_545 = arith.constant 0 : i32
      %dma_start3A_546 = tpu.memref_slice %arg2[%dma_start3A_544, %dma_start3A_545] : memref<10000x128xf32, #tpu.memory_space<hbm>> -> memref<10000x128xf32, #tpu.memory_space<hbm>>
      tpu.enqueue_indirect_dma source(%dma_start3A_546 : memref<10000x128xf32, #tpu.memory_space<hbm>>) target(%arg11 : memref<80x128xf32, #tpu.memory_space<vmem>>) offsets(%dma_start3A_543 : memref<80xi32, #tpu.memory_space<vmem>>) semaphore(%arg14 : memref<!tpu.dma_semaphore, #tpu.memory_space<semaphore_mem>>)
      %dma_start3A_547 = arith.constant 0 : i32
      %dma_start3A_548 = arith.constant 0 : i32
      %dma_start3A_549 = tpu.memref_slice %arg8[%dma_start3A_547, %dma_start3A_548] : memref<3x80xi32, #tpu.memory_space<vmem>> -> memref<1x80xi32, #tpu.memory_space<vmem>>
      %dma_start3A_550 = tpu.memref_squeeze %dma_start3A_549 : memref<1x80xi32, #tpu.memory_space<vmem>> -> memref<80xi32, #tpu.memory_space<vmem>>
      %dma_start3A_551 = arith.constant 0 : i32
      %dma_start3A_552 = arith.constant 0 : i32
      %dma_start3A_553 = tpu.memref_slice %arg21[%dma_start3A_551, %dma_start3A_552] : memref<10112x128xf32, #tpu.memory_space<vmem_shared>> -> memref<10112x128xf32, #tpu.memory_space<vmem_shared>>
      tpu.enqueue_indirect_dma source(%arg9 : memref<80x128xf32, #tpu.memory_space<vmem>>) target(%dma_start3A_553 : memref<10112x128xf32, #tpu.memory_space<vmem_shared>>) offsets(%dma_start3A_550 : memref<80xi32, #tpu.memory_space<vmem>>) semaphore(%arg18 : memref<!tpu.dma_semaphore, #tpu.memory_space<semaphore_mem>>) {add = true}
    }
    %scan3A_120 = arith.constant 40 : i32
    %dma_wait3A_121 = arith.constant 0 : i32
    %dma_wait3A_122 = arith.constant 0 : i32
    %dma_wait3A_123 = tpu.memref_slice %arg8[%dma_wait3A_121, %dma_wait3A_122] : memref<3x80xi32, #tpu.memory_space<vmem>> -> memref<1x80xi32, #tpu.memory_space<vmem>>
    %dma_wait3A_124 = tpu.memref_squeeze %dma_wait3A_123 : memref<1x80xi32, #tpu.memory_space<vmem>> -> memref<80xi32, #tpu.memory_space<vmem>>
    %dma_wait3A_125 = arith.constant 0 : i32
    %dma_wait3A_126 = arith.constant 0 : i32
    %dma_wait3A_127 = tpu.memref_slice %arg21[%dma_wait3A_125, %dma_wait3A_126] : memref<10112x128xf32, #tpu.memory_space<vmem_shared>> -> memref<10112x128xf32, #tpu.memory_space<vmem_shared>>
    tpu.wait_indirect_dma semaphore(%arg18 : memref<!tpu.dma_semaphore, #tpu.memory_space<semaphore_mem>>) src(%arg9 : memref<80x128xf32, #tpu.memory_space<vmem>>) dst(%dma_wait3A_127 : memref<10112x128xf32, #tpu.memory_space<vmem_shared>>)
    %dma_start3A_128 = arith.constant 0 : i32
    %dma_start3A_129 = arith.constant 0 : i32
    %dma_start3A_130 = tpu.memref_slice %arg8[%dma_start3A_128, %dma_start3A_129] : memref<3x80xi32, #tpu.memory_space<vmem>> -> memref<1x80xi32, #tpu.memory_space<vmem>>
    %dma_start3A_131 = arith.constant 0 : i32
    %dma_start3A_132 = arith.constant 0 : i32
    %dma_start3A_133 = tpu.memref_slice %arg4[%add3A, %dma_start3A_131, %dma_start3A_132] : memref<32x125x80xi32, #tpu.memory_space<hbm>> -> memref<1x125x80xi32, #tpu.memory_space<hbm>>
    %dma_start3A_134 = tpu.memref_squeeze %dma_start3A_133 : memref<1x125x80xi32, #tpu.memory_space<hbm>> -> memref<125x80xi32, #tpu.memory_space<hbm>>
    %dma_start3A_135 = arith.constant 123 : i32
    %dma_start3A_136 = arith.constant 0 : i32
    %dma_start3A_137 = tpu.memref_slice %dma_start3A_134[%dma_start3A_135, %dma_start3A_136] : memref<125x80xi32, #tpu.memory_space<hbm>> -> memref<1x80xi32, #tpu.memory_space<hbm>>
    %dma_start3A_138 = arith.constant 0 : i32
    %dma_start3A_139 = arith.constant 0 : i32
    %dma_start3A_140 = tpu.memref_slice %arg8[%dma_start3A_138, %dma_start3A_139] : memref<3x80xi32, #tpu.memory_space<vmem>> -> memref<1x80xi32, #tpu.memory_space<vmem>>
    %dma_start3A_141 = arith.constant 0 : i32
    %dma_start3A_142 = arith.constant 0 : i32
    %dma_start3A_143 = tpu.memref_slice %arg4[%add3A, %dma_start3A_141, %dma_start3A_142] : memref<32x125x80xi32, #tpu.memory_space<hbm>> -> memref<1x125x80xi32, #tpu.memory_space<hbm>>
    %dma_start3A_144 = tpu.memref_squeeze %dma_start3A_143 : memref<1x125x80xi32, #tpu.memory_space<hbm>> -> memref<125x80xi32, #tpu.memory_space<hbm>>
    %dma_start3A_145 = arith.constant 123 : i32
    %dma_start3A_146 = arith.constant 0 : i32
    %dma_start3A_147 = tpu.memref_slice %dma_start3A_144[%dma_start3A_145, %dma_start3A_146] : memref<125x80xi32, #tpu.memory_space<hbm>> -> memref<1x80xi32, #tpu.memory_space<hbm>>
    tpu.enqueue_dma source(%dma_start3A_147 : memref<1x80xi32, #tpu.memory_space<hbm>>) target(%dma_start3A_140 : memref<1x80xi32, #tpu.memory_space<vmem>>) target_semaphore(%arg15 : memref<!tpu.dma_semaphore, #tpu.memory_space<semaphore_mem>>)
    %dma_wait3A_148 = arith.constant 121 : i32
    %dma_wait3A_149 = arith.constant 0 : i32
    %dma_wait3A_150 = tpu.memref_slice %arg7[%dma_wait3A_148, %dma_wait3A_149] : memref<125x80xi32, #tpu.memory_space<vmem>> -> memref<1x80xi32, #tpu.memory_space<vmem>>
    %dma_wait3A_151 = tpu.memref_squeeze %dma_wait3A_150 : memref<1x80xi32, #tpu.memory_space<vmem>> -> memref<80xi32, #tpu.memory_space<vmem>>
    %dma_wait3A_152 = arith.constant 0 : i32
    %dma_wait3A_153 = arith.constant 0 : i32
    %dma_wait3A_154 = tpu.memref_slice %arg2[%dma_wait3A_152, %dma_wait3A_153] : memref<10000x128xf32, #tpu.memory_space<hbm>> -> memref<10000x128xf32, #tpu.memory_space<hbm>>
    tpu.wait_indirect_dma semaphore(%arg13 : memref<!tpu.dma_semaphore, #tpu.memory_space<semaphore_mem>>) src(%dma_wait3A_154 : memref<10000x128xf32, #tpu.memory_space<hbm>>) dst(%arg10 : memref<80x128xf32, #tpu.memory_space<vmem>>)
    %dma_wait3A_155 = arith.constant 1 : i32
    %dma_wait3A_156 = arith.constant 0 : i32
    %dma_wait3A_157 = tpu.memref_slice %arg8[%dma_wait3A_155, %dma_wait3A_156] : memref<3x80xi32, #tpu.memory_space<vmem>> -> memref<1x80xi32, #tpu.memory_space<vmem>>
    %dma_wait3A_158 = arith.constant 0 : i32
    %dma_wait3A_159 = arith.constant 0 : i32
    %dma_wait3A_160 = tpu.memref_slice %arg4[%add3A, %dma_wait3A_158, %dma_wait3A_159] : memref<32x125x80xi32, #tpu.memory_space<hbm>> -> memref<1x125x80xi32, #tpu.memory_space<hbm>>
    %dma_wait3A_161 = tpu.memref_squeeze %dma_wait3A_160 : memref<1x125x80xi32, #tpu.memory_space<hbm>> -> memref<125x80xi32, #tpu.memory_space<hbm>>
    %dma_wait3A_162 = arith.constant 121 : i32
    %dma_wait3A_163 = arith.constant 0 : i32
    %dma_wait3A_164 = tpu.memref_slice %dma_wait3A_161[%dma_wait3A_162, %dma_wait3A_163] : memref<125x80xi32, #tpu.memory_space<hbm>> -> memref<1x80xi32, #tpu.memory_space<hbm>>
    %dma_wait3A_165 = arith.constant 1 : i32
    %dma_wait3A_166 = arith.constant 0 : i32
    %dma_wait3A_167 = tpu.memref_slice %arg8[%dma_wait3A_165, %dma_wait3A_166] : memref<3x80xi32, #tpu.memory_space<vmem>> -> memref<1x80xi32, #tpu.memory_space<vmem>>
    %dma_wait3A_168 = arith.constant 0 : i32
    %dma_wait3A_169 = arith.constant 0 : i32
    %dma_wait3A_170 = tpu.memref_slice %arg4[%add3A, %dma_wait3A_168, %dma_wait3A_169] : memref<32x125x80xi32, #tpu.memory_space<hbm>> -> memref<1x125x80xi32, #tpu.memory_space<hbm>>
    %dma_wait3A_171 = tpu.memref_squeeze %dma_wait3A_170 : memref<1x125x80xi32, #tpu.memory_space<hbm>> -> memref<125x80xi32, #tpu.memory_space<hbm>>
    %dma_wait3A_172 = arith.constant 121 : i32
    %dma_wait3A_173 = arith.constant 0 : i32
    %dma_wait3A_174 = tpu.memref_slice %dma_wait3A_171[%dma_wait3A_172, %dma_wait3A_173] : memref<125x80xi32, #tpu.memory_space<hbm>> -> memref<1x80xi32, #tpu.memory_space<hbm>>
    tpu.wait_dma2 semaphore(%arg16 : memref<!tpu.dma_semaphore, #tpu.memory_space<semaphore_mem>>) src(%dma_wait3A_174 : memref<1x80xi32, #tpu.memory_space<hbm>>) dst(%dma_wait3A_167 : memref<1x80xi32, #tpu.memory_space<vmem>>)
    %dma_start3A_175 = arith.constant 123 : i32
    %dma_start3A_176 = arith.constant 0 : i32
    %dma_start3A_177 = tpu.memref_slice %arg7[%dma_start3A_175, %dma_start3A_176] : memref<125x80xi32, #tpu.memory_space<vmem>> -> memref<1x80xi32, #tpu.memory_space<vmem>>
    %dma_start3A_178 = tpu.memref_squeeze %dma_start3A_177 : memref<1x80xi32, #tpu.memory_space<vmem>> -> memref<80xi32, #tpu.memory_space<vmem>>
    %dma_start3A_179 = arith.constant 0 : i32
    %dma_start3A_180 = arith.constant 0 : i32
    %dma_start3A_181 = tpu.memref_slice %arg2[%dma_start3A_179, %dma_start3A_180] : memref<10000x128xf32, #tpu.memory_space<hbm>> -> memref<10000x128xf32, #tpu.memory_space<hbm>>
    tpu.enqueue_indirect_dma source(%dma_start3A_181 : memref<10000x128xf32, #tpu.memory_space<hbm>>) target(%arg9 : memref<80x128xf32, #tpu.memory_space<vmem>>) offsets(%dma_start3A_178 : memref<80xi32, #tpu.memory_space<vmem>>) semaphore(%arg12 : memref<!tpu.dma_semaphore, #tpu.memory_space<semaphore_mem>>)
    %dma_start3A_182 = arith.constant 1 : i32
    %dma_start3A_183 = arith.constant 0 : i32
    %dma_start3A_184 = tpu.memref_slice %arg8[%dma_start3A_182, %dma_start3A_183] : memref<3x80xi32, #tpu.memory_space<vmem>> -> memref<1x80xi32, #tpu.memory_space<vmem>>
    %dma_start3A_185 = tpu.memref_squeeze %dma_start3A_184 : memref<1x80xi32, #tpu.memory_space<vmem>> -> memref<80xi32, #tpu.memory_space<vmem>>
    %dma_start3A_186 = arith.constant 0 : i32
    %dma_start3A_187 = arith.constant 0 : i32
    %dma_start3A_188 = tpu.memref_slice %arg21[%dma_start3A_186, %dma_start3A_187] : memref<10112x128xf32, #tpu.memory_space<vmem_shared>> -> memref<10112x128xf32, #tpu.memory_space<vmem_shared>>
    tpu.enqueue_indirect_dma source(%arg10 : memref<80x128xf32, #tpu.memory_space<vmem>>) target(%dma_start3A_188 : memref<10112x128xf32, #tpu.memory_space<vmem_shared>>) offsets(%dma_start3A_185 : memref<80xi32, #tpu.memory_space<vmem>>) semaphore(%arg19 : memref<!tpu.dma_semaphore, #tpu.memory_space<semaphore_mem>>) {add = true}
    %dma_wait3A_189 = arith.constant 1 : i32
    %dma_wait3A_190 = arith.constant 0 : i32
    %dma_wait3A_191 = tpu.memref_slice %arg8[%dma_wait3A_189, %dma_wait3A_190] : memref<3x80xi32, #tpu.memory_space<vmem>> -> memref<1x80xi32, #tpu.memory_space<vmem>>
    %dma_wait3A_192 = tpu.memref_squeeze %dma_wait3A_191 : memref<1x80xi32, #tpu.memory_space<vmem>> -> memref<80xi32, #tpu.memory_space<vmem>>
    %dma_wait3A_193 = arith.constant 0 : i32
    %dma_wait3A_194 = arith.constant 0 : i32
    %dma_wait3A_195 = tpu.memref_slice %arg21[%dma_wait3A_193, %dma_wait3A_194] : memref<10112x128xf32, #tpu.memory_space<vmem_shared>> -> memref<10112x128xf32, #tpu.memory_space<vmem_shared>>
    tpu.wait_indirect_dma semaphore(%arg19 : memref<!tpu.dma_semaphore, #tpu.memory_space<semaphore_mem>>) src(%arg10 : memref<80x128xf32, #tpu.memory_space<vmem>>) dst(%dma_wait3A_195 : memref<10112x128xf32, #tpu.memory_space<vmem_shared>>)
    %dma_start3A_196 = arith.constant 1 : i32
    %dma_start3A_197 = arith.constant 0 : i32
    %dma_start3A_198 = tpu.memref_slice %arg8[%dma_start3A_196, %dma_start3A_197] : memref<3x80xi32, #tpu.memory_space<vmem>> -> memref<1x80xi32, #tpu.memory_space<vmem>>
    %dma_start3A_199 = arith.constant 0 : i32
    %dma_start3A_200 = arith.constant 0 : i32
    %dma_start3A_201 = tpu.memref_slice %arg4[%add3A, %dma_start3A_199, %dma_start3A_200] : memref<32x125x80xi32, #tpu.memory_space<hbm>> -> memref<1x125x80xi32, #tpu.memory_space<hbm>>
    %dma_start3A_202 = tpu.memref_squeeze %dma_start3A_201 : memref<1x125x80xi32, #tpu.memory_space<hbm>> -> memref<125x80xi32, #tpu.memory_space<hbm>>
    %dma_start3A_203 = arith.constant 124 : i32
    %dma_start3A_204 = arith.constant 0 : i32
    %dma_start3A_205 = tpu.memref_slice %dma_start3A_202[%dma_start3A_203, %dma_start3A_204] : memref<125x80xi32, #tpu.memory_space<hbm>> -> memref<1x80xi32, #tpu.memory_space<hbm>>
    %dma_start3A_206 = arith.constant 1 : i32
    %dma_start3A_207 = arith.constant 0 : i32
    %dma_start3A_208 = tpu.memref_slice %arg8[%dma_start3A_206, %dma_start3A_207] : memref<3x80xi32, #tpu.memory_space<vmem>> -> memref<1x80xi32, #tpu.memory_space<vmem>>
    %dma_start3A_209 = arith.constant 0 : i32
    %dma_start3A_210 = arith.constant 0 : i32
    %dma_start3A_211 = tpu.memref_slice %arg4[%add3A, %dma_start3A_209, %dma_start3A_210] : memref<32x125x80xi32, #tpu.memory_space<hbm>> -> memref<1x125x80xi32, #tpu.memory_space<hbm>>
    %dma_start3A_212 = tpu.memref_squeeze %dma_start3A_211 : memref<1x125x80xi32, #tpu.memory_space<hbm>> -> memref<125x80xi32, #tpu.memory_space<hbm>>
    %dma_start3A_213 = arith.constant 124 : i32
    %dma_start3A_214 = arith.constant 0 : i32
    %dma_start3A_215 = tpu.memref_slice %dma_start3A_212[%dma_start3A_213, %dma_start3A_214] : memref<125x80xi32, #tpu.memory_space<hbm>> -> memref<1x80xi32, #tpu.memory_space<hbm>>
    tpu.enqueue_dma source(%dma_start3A_215 : memref<1x80xi32, #tpu.memory_space<hbm>>) target(%dma_start3A_208 : memref<1x80xi32, #tpu.memory_space<vmem>>) target_semaphore(%arg16 : memref<!tpu.dma_semaphore, #tpu.memory_space<semaphore_mem>>)
    %dma_wait3A_216 = arith.constant 122 : i32
    %dma_wait3A_217 = arith.constant 0 : i32
    %dma_wait3A_218 = tpu.memref_slice %arg7[%dma_wait3A_216, %dma_wait3A_217] : memref<125x80xi32, #tpu.memory_space<vmem>> -> memref<1x80xi32, #tpu.memory_space<vmem>>
    %dma_wait3A_219 = tpu.memref_squeeze %dma_wait3A_218 : memref<1x80xi32, #tpu.memory_space<vmem>> -> memref<80xi32, #tpu.memory_space<vmem>>
    %dma_wait3A_220 = arith.constant 0 : i32
    %dma_wait3A_221 = arith.constant 0 : i32
    %dma_wait3A_222 = tpu.memref_slice %arg2[%dma_wait3A_220, %dma_wait3A_221] : memref<10000x128xf32, #tpu.memory_space<hbm>> -> memref<10000x128xf32, #tpu.memory_space<hbm>>
    tpu.wait_indirect_dma semaphore(%arg14 : memref<!tpu.dma_semaphore, #tpu.memory_space<semaphore_mem>>) src(%dma_wait3A_222 : memref<10000x128xf32, #tpu.memory_space<hbm>>) dst(%arg11 : memref<80x128xf32, #tpu.memory_space<vmem>>)
    %dma_wait3A_223 = arith.constant 2 : i32
    %dma_wait3A_224 = arith.constant 0 : i32
    %dma_wait3A_225 = tpu.memref_slice %arg8[%dma_wait3A_223, %dma_wait3A_224] : memref<3x80xi32, #tpu.memory_space<vmem>> -> memref<1x80xi32, #tpu.memory_space<vmem>>
    %dma_wait3A_226 = arith.constant 0 : i32
    %dma_wait3A_227 = arith.constant 0 : i32
    %dma_wait3A_228 = tpu.memref_slice %arg4[%add3A, %dma_wait3A_226, %dma_wait3A_227] : memref<32x125x80xi32, #tpu.memory_space<hbm>> -> memref<1x125x80xi32, #tpu.memory_space<hbm>>
    %dma_wait3A_229 = tpu.memref_squeeze %dma_wait3A_228 : memref<1x125x80xi32, #tpu.memory_space<hbm>> -> memref<125x80xi32, #tpu.memory_space<hbm>>
    %dma_wait3A_230 = arith.constant 122 : i32
    %dma_wait3A_231 = arith.constant 0 : i32
    %dma_wait3A_232 = tpu.memref_slice %dma_wait3A_229[%dma_wait3A_230, %dma_wait3A_231] : memref<125x80xi32, #tpu.memory_space<hbm>> -> memref<1x80xi32, #tpu.memory_space<hbm>>
    %dma_wait3A_233 = arith.constant 2 : i32
    %dma_wait3A_234 = arith.constant 0 : i32
    %dma_wait3A_235 = tpu.memref_slice %arg8[%dma_wait3A_233, %dma_wait3A_234] : memref<3x80xi32, #tpu.memory_space<vmem>> -> memref<1x80xi32, #tpu.memory_space<vmem>>
    %dma_wait3A_236 = arith.constant 0 : i32
    %dma_wait3A_237 = arith.constant 0 : i32
    %dma_wait3A_238 = tpu.memref_slice %arg4[%add3A, %dma_wait3A_236, %dma_wait3A_237] : memref<32x125x80xi32, #tpu.memory_space<hbm>> -> memref<1x125x80xi32, #tpu.memory_space<hbm>>
    %dma_wait3A_239 = tpu.memref_squeeze %dma_wait3A_238 : memref<1x125x80xi32, #tpu.memory_space<hbm>> -> memref<125x80xi32, #tpu.memory_space<hbm>>
    %dma_wait3A_240 = arith.constant 122 : i32
    %dma_wait3A_241 = arith.constant 0 : i32
    %dma_wait3A_242 = tpu.memref_slice %dma_wait3A_239[%dma_wait3A_240, %dma_wait3A_241] : memref<125x80xi32, #tpu.memory_space<hbm>> -> memref<1x80xi32, #tpu.memory_space<hbm>>
    tpu.wait_dma2 semaphore(%arg17 : memref<!tpu.dma_semaphore, #tpu.memory_space<semaphore_mem>>) src(%dma_wait3A_242 : memref<1x80xi32, #tpu.memory_space<hbm>>) dst(%dma_wait3A_235 : memref<1x80xi32, #tpu.memory_space<vmem>>)
    %dma_start3A_243 = arith.constant 124 : i32
    %dma_start3A_244 = arith.constant 0 : i32
    %dma_start3A_245 = tpu.memref_slice %arg7[%dma_start3A_243, %dma_start3A_244] : memref<125x80xi32, #tpu.memory_space<vmem>> -> memref<1x80xi32, #tpu.memory_space<vmem>>
    %dma_start3A_246 = tpu.memref_squeeze %dma_start3A_245 : memref<1x80xi32, #tpu.memory_space<vmem>> -> memref<80xi32, #tpu.memory_space<vmem>>
    %dma_start3A_247 = arith.constant 0 : i32
    %dma_start3A_248 = arith.constant 0 : i32
    %dma_start3A_249 = tpu.memref_slice %arg2[%dma_start3A_247, %dma_start3A_248] : memref<10000x128xf32, #tpu.memory_space<hbm>> -> memref<10000x128xf32, #tpu.memory_space<hbm>>
    tpu.enqueue_indirect_dma source(%dma_start3A_249 : memref<10000x128xf32, #tpu.memory_space<hbm>>) target(%arg10 : memref<80x128xf32, #tpu.memory_space<vmem>>) offsets(%dma_start3A_246 : memref<80xi32, #tpu.memory_space<vmem>>) semaphore(%arg13 : memref<!tpu.dma_semaphore, #tpu.memory_space<semaphore_mem>>)
    %dma_start3A_250 = arith.constant 2 : i32
    %dma_start3A_251 = arith.constant 0 : i32
    %dma_start3A_252 = tpu.memref_slice %arg8[%dma_start3A_250, %dma_start3A_251] : memref<3x80xi32, #tpu.memory_space<vmem>> -> memref<1x80xi32, #tpu.memory_space<vmem>>
    %dma_start3A_253 = tpu.memref_squeeze %dma_start3A_252 : memref<1x80xi32, #tpu.memory_space<vmem>> -> memref<80xi32, #tpu.memory_space<vmem>>
    %dma_start3A_254 = arith.constant 0 : i32
    %dma_start3A_255 = arith.constant 0 : i32
    %dma_start3A_256 = tpu.memref_slice %arg21[%dma_start3A_254, %dma_start3A_255] : memref<10112x128xf32, #tpu.memory_space<vmem_shared>> -> memref<10112x128xf32, #tpu.memory_space<vmem_shared>>
    tpu.enqueue_indirect_dma source(%arg11 : memref<80x128xf32, #tpu.memory_space<vmem>>) target(%dma_start3A_256 : memref<10112x128xf32, #tpu.memory_space<vmem_shared>>) offsets(%dma_start3A_253 : memref<80xi32, #tpu.memory_space<vmem>>) semaphore(%arg20 : memref<!tpu.dma_semaphore, #tpu.memory_space<semaphore_mem>>) {add = true}
    %dma_wait3A_257 = arith.constant 2 : i32
    %dma_wait3A_258 = arith.constant 0 : i32
    %dma_wait3A_259 = tpu.memref_slice %arg8[%dma_wait3A_257, %dma_wait3A_258] : memref<3x80xi32, #tpu.memory_space<vmem>> -> memref<1x80xi32, #tpu.memory_space<vmem>>
    %dma_wait3A_260 = tpu.memref_squeeze %dma_wait3A_259 : memref<1x80xi32, #tpu.memory_space<vmem>> -> memref<80xi32, #tpu.memory_space<vmem>>
    %dma_wait3A_261 = arith.constant 0 : i32
    %dma_wait3A_262 = arith.constant 0 : i32
    %dma_wait3A_263 = tpu.memref_slice %arg21[%dma_wait3A_261, %dma_wait3A_262] : memref<10112x128xf32, #tpu.memory_space<vmem_shared>> -> memref<10112x128xf32, #tpu.memory_space<vmem_shared>>
    tpu.wait_indirect_dma semaphore(%arg20 : memref<!tpu.dma_semaphore, #tpu.memory_space<semaphore_mem>>) src(%arg11 : memref<80x128xf32, #tpu.memory_space<vmem>>) dst(%dma_wait3A_263 : memref<10112x128xf32, #tpu.memory_space<vmem_shared>>)
    %dma_wait3A_264 = arith.constant 123 : i32
    %dma_wait3A_265 = arith.constant 0 : i32
    %dma_wait3A_266 = tpu.memref_slice %arg7[%dma_wait3A_264, %dma_wait3A_265] : memref<125x80xi32, #tpu.memory_space<vmem>> -> memref<1x80xi32, #tpu.memory_space<vmem>>
    %dma_wait3A_267 = tpu.memref_squeeze %dma_wait3A_266 : memref<1x80xi32, #tpu.memory_space<vmem>> -> memref<80xi32, #tpu.memory_space<vmem>>
    %dma_wait3A_268 = arith.constant 0 : i32
    %dma_wait3A_269 = arith.constant 0 : i32
    %dma_wait3A_270 = tpu.memref_slice %arg2[%dma_wait3A_268, %dma_wait3A_269] : memref<10000x128xf32, #tpu.memory_space<hbm>> -> memref<10000x128xf32, #tpu.memory_space<hbm>>
    tpu.wait_indirect_dma semaphore(%arg12 : memref<!tpu.dma_semaphore, #tpu.memory_space<semaphore_mem>>) src(%dma_wait3A_270 : memref<10000x128xf32, #tpu.memory_space<hbm>>) dst(%arg9 : memref<80x128xf32, #tpu.memory_space<vmem>>)
    %dma_wait3A_271 = arith.constant 0 : i32
    %dma_wait3A_272 = arith.constant 0 : i32
    %dma_wait3A_273 = tpu.memref_slice %arg8[%dma_wait3A_271, %dma_wait3A_272] : memref<3x80xi32, #tpu.memory_space<vmem>> -> memref<1x80xi32, #tpu.memory_space<vmem>>
    %dma_wait3A_274 = arith.constant 0 : i32
    %dma_wait3A_275 = arith.constant 0 : i32
    %dma_wait3A_276 = tpu.memref_slice %arg4[%add3A, %dma_wait3A_274, %dma_wait3A_275] : memref<32x125x80xi32, #tpu.memory_space<hbm>> -> memref<1x125x80xi32, #tpu.memory_space<hbm>>
    %dma_wait3A_277 = tpu.memref_squeeze %dma_wait3A_276 : memref<1x125x80xi32, #tpu.memory_space<hbm>> -> memref<125x80xi32, #tpu.memory_space<hbm>>
    %dma_wait3A_278 = arith.constant 123 : i32
    %dma_wait3A_279 = arith.constant 0 : i32
    %dma_wait3A_280 = tpu.memref_slice %dma_wait3A_277[%dma_wait3A_278, %dma_wait3A_279] : memref<125x80xi32, #tpu.memory_space<hbm>> -> memref<1x80xi32, #tpu.memory_space<hbm>>
    %dma_wait3A_281 = arith.constant 0 : i32
    %dma_wait3A_282 = arith.constant 0 : i32
    %dma_wait3A_283 = tpu.memref_slice %arg8[%dma_wait3A_281, %dma_wait3A_282] : memref<3x80xi32, #tpu.memory_space<vmem>> -> memref<1x80xi32, #tpu.memory_space<vmem>>
    %dma_wait3A_284 = arith.constant 0 : i32
    %dma_wait3A_285 = arith.constant 0 : i32
    %dma_wait3A_286 = tpu.memref_slice %arg4[%add3A, %dma_wait3A_284, %dma_wait3A_285] : memref<32x125x80xi32, #tpu.memory_space<hbm>> -> memref<1x125x80xi32, #tpu.memory_space<hbm>>
    %dma_wait3A_287 = tpu.memref_squeeze %dma_wait3A_286 : memref<1x125x80xi32, #tpu.memory_space<hbm>> -> memref<125x80xi32, #tpu.memory_space<hbm>>
    %dma_wait3A_288 = arith.constant 123 : i32
    %dma_wait3A_289 = arith.constant 0 : i32
    %dma_wait3A_290 = tpu.memref_slice %dma_wait3A_287[%dma_wait3A_288, %dma_wait3A_289] : memref<125x80xi32, #tpu.memory_space<hbm>> -> memref<1x80xi32, #tpu.memory_space<hbm>>
    tpu.wait_dma2 semaphore(%arg15 : memref<!tpu.dma_semaphore, #tpu.memory_space<semaphore_mem>>) src(%dma_wait3A_290 : memref<1x80xi32, #tpu.memory_space<hbm>>) dst(%dma_wait3A_283 : memref<1x80xi32, #tpu.memory_space<vmem>>)
    %dma_start3A_291 = arith.constant 0 : i32
    %dma_start3A_292 = arith.constant 0 : i32
    %dma_start3A_293 = tpu.memref_slice %arg8[%dma_start3A_291, %dma_start3A_292] : memref<3x80xi32, #tpu.memory_space<vmem>> -> memref<1x80xi32, #tpu.memory_space<vmem>>
    %dma_start3A_294 = tpu.memref_squeeze %dma_start3A_293 : memref<1x80xi32, #tpu.memory_space<vmem>> -> memref<80xi32, #tpu.memory_space<vmem>>
    %dma_start3A_295 = arith.constant 0 : i32
    %dma_start3A_296 = arith.constant 0 : i32
    %dma_start3A_297 = tpu.memref_slice %arg21[%dma_start3A_295, %dma_start3A_296] : memref<10112x128xf32, #tpu.memory_space<vmem_shared>> -> memref<10112x128xf32, #tpu.memory_space<vmem_shared>>
    tpu.enqueue_indirect_dma source(%arg9 : memref<80x128xf32, #tpu.memory_space<vmem>>) target(%dma_start3A_297 : memref<10112x128xf32, #tpu.memory_space<vmem_shared>>) offsets(%dma_start3A_294 : memref<80xi32, #tpu.memory_space<vmem>>) semaphore(%arg18 : memref<!tpu.dma_semaphore, #tpu.memory_space<semaphore_mem>>) {add = true}
    %dma_wait3A_298 = arith.constant 124 : i32
    %dma_wait3A_299 = arith.constant 0 : i32
    %dma_wait3A_300 = tpu.memref_slice %arg7[%dma_wait3A_298, %dma_wait3A_299] : memref<125x80xi32, #tpu.memory_space<vmem>> -> memref<1x80xi32, #tpu.memory_space<vmem>>
    %dma_wait3A_301 = tpu.memref_squeeze %dma_wait3A_300 : memref<1x80xi32, #tpu.memory_space<vmem>> -> memref<80xi32, #tpu.memory_space<vmem>>
    %dma_wait3A_302 = arith.constant 0 : i32
    %dma_wait3A_303 = arith.constant 0 : i32
    %dma_wait3A_304 = tpu.memref_slice %arg2[%dma_wait3A_302, %dma_wait3A_303] : memref<10000x128xf32, #tpu.memory_space<hbm>> -> memref<10000x128xf32, #tpu.memory_space<hbm>>
    tpu.wait_indirect_dma semaphore(%arg13 : memref<!tpu.dma_semaphore, #tpu.memory_space<semaphore_mem>>) src(%dma_wait3A_304 : memref<10000x128xf32, #tpu.memory_space<hbm>>) dst(%arg10 : memref<80x128xf32, #tpu.memory_space<vmem>>)
    %dma_wait3A_305 = arith.constant 1 : i32
    %dma_wait3A_306 = arith.constant 0 : i32
    %dma_wait3A_307 = tpu.memref_slice %arg8[%dma_wait3A_305, %dma_wait3A_306] : memref<3x80xi32, #tpu.memory_space<vmem>> -> memref<1x80xi32, #tpu.memory_space<vmem>>
    %dma_wait3A_308 = arith.constant 0 : i32
    %dma_wait3A_309 = arith.constant 0 : i32
    %dma_wait3A_310 = tpu.memref_slice %arg4[%add3A, %dma_wait3A_308, %dma_wait3A_309] : memref<32x125x80xi32, #tpu.memory_space<hbm>> -> memref<1x125x80xi32, #tpu.memory_space<hbm>>
    %dma_wait3A_311 = tpu.memref_squeeze %dma_wait3A_310 : memref<1x125x80xi32, #tpu.memory_space<hbm>> -> memref<125x80xi32, #tpu.memory_space<hbm>>
    %dma_wait3A_312 = arith.constant 124 : i32
    %dma_wait3A_313 = arith.constant 0 : i32
    %dma_wait3A_314 = tpu.memref_slice %dma_wait3A_311[%dma_wait3A_312, %dma_wait3A_313] : memref<125x80xi32, #tpu.memory_space<hbm>> -> memref<1x80xi32, #tpu.memory_space<hbm>>
    %dma_wait3A_315 = arith.constant 1 : i32
    %dma_wait3A_316 = arith.constant 0 : i32
    %dma_wait3A_317 = tpu.memref_slice %arg8[%dma_wait3A_315, %dma_wait3A_316] : memref<3x80xi32, #tpu.memory_space<vmem>> -> memref<1x80xi32, #tpu.memory_space<vmem>>
    %dma_wait3A_318 = arith.constant 0 : i32
    %dma_wait3A_319 = arith.constant 0 : i32
    %dma_wait3A_320 = tpu.memref_slice %arg4[%add3A, %dma_wait3A_318, %dma_wait3A_319] : memref<32x125x80xi32, #tpu.memory_space<hbm>> -> memref<1x125x80xi32, #tpu.memory_space<hbm>>
    %dma_wait3A_321 = tpu.memref_squeeze %dma_wait3A_320 : memref<1x125x80xi32, #tpu.memory_space<hbm>> -> memref<125x80xi32, #tpu.memory_space<hbm>>
    %dma_wait3A_322 = arith.constant 124 : i32
    %dma_wait3A_323 = arith.constant 0 : i32
    %dma_wait3A_324 = tpu.memref_slice %dma_wait3A_321[%dma_wait3A_322, %dma_wait3A_323] : memref<125x80xi32, #tpu.memory_space<hbm>> -> memref<1x80xi32, #tpu.memory_space<hbm>>
    tpu.wait_dma2 semaphore(%arg16 : memref<!tpu.dma_semaphore, #tpu.memory_space<semaphore_mem>>) src(%dma_wait3A_324 : memref<1x80xi32, #tpu.memory_space<hbm>>) dst(%dma_wait3A_317 : memref<1x80xi32, #tpu.memory_space<vmem>>)
    %dma_start3A_325 = arith.constant 1 : i32
    %dma_start3A_326 = arith.constant 0 : i32
    %dma_start3A_327 = tpu.memref_slice %arg8[%dma_start3A_325, %dma_start3A_326] : memref<3x80xi32, #tpu.memory_space<vmem>> -> memref<1x80xi32, #tpu.memory_space<vmem>>
    %dma_start3A_328 = tpu.memref_squeeze %dma_start3A_327 : memref<1x80xi32, #tpu.memory_space<vmem>> -> memref<80xi32, #tpu.memory_space<vmem>>
    %dma_start3A_329 = arith.constant 0 : i32
    %dma_start3A_330 = arith.constant 0 : i32
    %dma_start3A_331 = tpu.memref_slice %arg21[%dma_start3A_329, %dma_start3A_330] : memref<10112x128xf32, #tpu.memory_space<vmem_shared>> -> memref<10112x128xf32, #tpu.memory_space<vmem_shared>>
    tpu.enqueue_indirect_dma source(%arg10 : memref<80x128xf32, #tpu.memory_space<vmem>>) target(%dma_start3A_331 : memref<10112x128xf32, #tpu.memory_space<vmem_shared>>) offsets(%dma_start3A_328 : memref<80xi32, #tpu.memory_space<vmem>>) semaphore(%arg19 : memref<!tpu.dma_semaphore, #tpu.memory_space<semaphore_mem>>) {add = true}
    %dma_wait3A_332 = arith.constant 0 : i32
    %dma_wait3A_333 = arith.constant 0 : i32
    %dma_wait3A_334 = tpu.memref_slice %arg8[%dma_wait3A_332, %dma_wait3A_333] : memref<3x80xi32, #tpu.memory_space<vmem>> -> memref<1x80xi32, #tpu.memory_space<vmem>>
    %dma_wait3A_335 = tpu.memref_squeeze %dma_wait3A_334 : memref<1x80xi32, #tpu.memory_space<vmem>> -> memref<80xi32, #tpu.memory_space<vmem>>
    %dma_wait3A_336 = arith.constant 0 : i32
    %dma_wait3A_337 = arith.constant 0 : i32
    %dma_wait3A_338 = tpu.memref_slice %arg21[%dma_wait3A_336, %dma_wait3A_337] : memref<10112x128xf32, #tpu.memory_space<vmem_shared>> -> memref<10112x128xf32, #tpu.memory_space<vmem_shared>>
    tpu.wait_indirect_dma semaphore(%arg18 : memref<!tpu.dma_semaphore, #tpu.memory_space<semaphore_mem>>) src(%arg9 : memref<80x128xf32, #tpu.memory_space<vmem>>) dst(%dma_wait3A_338 : memref<10112x128xf32, #tpu.memory_space<vmem_shared>>)
    %dma_wait3A_339 = arith.constant 1 : i32
    %dma_wait3A_340 = arith.constant 0 : i32
    %dma_wait3A_341 = tpu.memref_slice %arg8[%dma_wait3A_339, %dma_wait3A_340] : memref<3x80xi32, #tpu.memory_space<vmem>> -> memref<1x80xi32, #tpu.memory_space<vmem>>
    %dma_wait3A_342 = tpu.memref_squeeze %dma_wait3A_341 : memref<1x80xi32, #tpu.memory_space<vmem>> -> memref<80xi32, #tpu.memory_space<vmem>>
    %dma_wait3A_343 = arith.constant 0 : i32
    %dma_wait3A_344 = arith.constant 0 : i32
    %dma_wait3A_345 = tpu.memref_slice %arg21[%dma_wait3A_343, %dma_wait3A_344] : memref<10112x128xf32, #tpu.memory_space<vmem_shared>> -> memref<10112x128xf32, #tpu.memory_space<vmem_shared>>
    tpu.wait_indirect_dma semaphore(%arg19 : memref<!tpu.dma_semaphore, #tpu.memory_space<semaphore_mem>>) src(%arg10 : memref<80x128xf32, #tpu.memory_space<vmem>>) dst(%dma_wait3A_345 : memref<10112x128xf32, #tpu.memory_space<vmem_shared>>)
    %barrier3A_346 = arith.constant 0 : index
    tpu.barrier barrier_id(%barrier3A_346)
    "tpu.region"() ({
      %run_scoped3A = tpu.sem_alloc : memref<!tpu.dma_semaphore, #tpu.memory_space<semaphore_mem>>
      %dma_start3A_347 = arith.constant 0 : i32
      %dma_start3A_348 = arith.constant 0 : i32
      %dma_start3A_349 = tpu.memref_slice %arg6[%arg0, %dma_start3A_347, %dma_start3A_348] : memref<2x10112x128xf32, #tpu.memory_space<hbm>> -> memref<1x10112x128xf32, #tpu.memory_space<hbm>>
      %dma_start3A_350 = tpu.memref_squeeze %dma_start3A_349 : memref<1x10112x128xf32, #tpu.memory_space<hbm>> -> memref<10112x128xf32, #tpu.memory_space<hbm>>
      %dma_start3A_351 = arith.constant 0 : i32
      %dma_start3A_352 = tpu.memref_slice %dma_start3A_350[%mul3A_2, %dma_start3A_351] : memref<10112x128xf32, #tpu.memory_space<hbm>> -> memref<632x128xf32, #tpu.memory_space<hbm>>
      %dma_start3A_353 = arith.constant 0 : i32
      %dma_start3A_354 = tpu.memref_slice %arg21[%mul3A_2, %dma_start3A_353] : memref<10112x128xf32, #tpu.memory_space<vmem_shared>> -> memref<632x128xf32, #tpu.memory_space<vmem_shared>>
      tpu.enqueue_dma source(%dma_start3A_354 : memref<632x128xf32, #tpu.memory_space<vmem_shared>>) target(%dma_start3A_352 : memref<632x128xf32, #tpu.memory_space<hbm>>) target_semaphore(%run_scoped3A : memref<!tpu.dma_semaphore, #tpu.memory_space<semaphore_mem>>)
      %dma_wait3A_355 = arith.constant 0 : i32
      %dma_wait3A_356 = arith.constant 0 : i32
      %dma_wait3A_357 = tpu.memref_slice %arg6[%arg0, %dma_wait3A_355, %dma_wait3A_356] : memref<2x10112x128xf32, #tpu.memory_space<hbm>> -> memref<1x10112x128xf32, #tpu.memory_space<hbm>>
      %dma_wait3A_358 = tpu.memref_squeeze %dma_wait3A_357 : memref<1x10112x128xf32, #tpu.memory_space<hbm>> -> memref<10112x128xf32, #tpu.memory_space<hbm>>
      %dma_wait3A_359 = arith.constant 0 : i32
      %dma_wait3A_360 = tpu.memref_slice %dma_wait3A_358[%mul3A_2, %dma_wait3A_359] : memref<10112x128xf32, #tpu.memory_space<hbm>> -> memref<632x128xf32, #tpu.memory_space<hbm>>
      %dma_wait3A_361 = arith.constant 0 : i32
      %dma_wait3A_362 = tpu.memref_slice %arg21[%mul3A_2, %dma_wait3A_361] : memref<10112x128xf32, #tpu.memory_space<vmem_shared>> -> memref<632x128xf32, #tpu.memory_space<vmem_shared>>
      tpu.wait_dma2 semaphore(%run_scoped3A : memref<!tpu.dma_semaphore, #tpu.memory_space<semaphore_mem>>) src(%dma_wait3A_362 : memref<632x128xf32, #tpu.memory_space<vmem_shared>>) dst(%dma_wait3A_360 : memref<632x128xf32, #tpu.memory_space<hbm>>)
      tpu.yield
    }) : () -> ()
    return
  }
}

#map = affine_map<(d0, d1) -> (0, 0)>
#map1 = affine_map<(d0, d1) -> (0, 0, 0)>
module attributes {stable_mosaic.version = 14 : i64} {
  func.func @k(%arg0: i32, %arg1: i32, %arg2: memref<10000x128xf32, #tpu.memory_space<hbm>>, %arg3: memref<32x125x80xi32, #tpu.memory_space<hbm>>, %arg4: memref<32x125x80xi32, #tpu.memory_space<hbm>>, %arg5: memref<10112x128xf32, #tpu.memory_space<hbm>>, %arg6: memref<2x10112x128xf32, #tpu.memory_space<hbm>>, %arg7: memref<125x80xi32, #tpu.memory_space<vmem>>, %arg8: memref<3x80xi32, #tpu.memory_space<vmem>>, %arg9: memref<80x128xf32, #tpu.memory_space<vmem>>, %arg10: memref<80x128xf32, #tpu.memory_space<vmem>>, %arg11: memref<80x128xf32, #tpu.memory_space<vmem>>, %arg12: memref<!tpu.dma_semaphore, #tpu.memory_space<semaphore_mem>>, %arg13: memref<!tpu.dma_semaphore, #tpu.memory_space<semaphore_mem>>, %arg14: memref<!tpu.dma_semaphore, #tpu.memory_space<semaphore_mem>>, %arg15: memref<!tpu.dma_semaphore, #tpu.memory_space<semaphore_mem>>, %arg16: memref<!tpu.dma_semaphore, #tpu.memory_space<semaphore_mem>>, %arg17: memref<!tpu.dma_semaphore, #tpu.memory_space<semaphore_mem>>, %arg18: memref<!tpu.dma_semaphore, #tpu.memory_space<semaphore_mem>>, %arg19: memref<!tpu.dma_semaphore, #tpu.memory_space<semaphore_mem>>, %arg20: memref<!tpu.dma_semaphore, #tpu.memory_space<semaphore_mem>>, %arg21: memref<10112x128xf32, #tpu.memory_space<vmem_shared>>) attributes {dimension_semantics = [#tpu.dimension_semantics<core_parallel>, #tpu.dimension_semantics<subcore_parallel>], iteration_bounds = array<i64: 2, 16>, scalar_prefetch = 0 : i64, scratch_operands = 15 : i64, tpu.core_type = #tpu.core_type<sc_vector_subcore>, window_params = [{transform_indices = #map}, {transform_indices = #map1}, {transform_indices = #map1}, {transform_indices = #map}, {transform_indices = #map1}]} {
    %mul3A = arith.constant 2 : i32
    %mul3A_0 = arith.muli %arg1, %mul3A : i32
    %add3A = arith.addi %mul3A_0, %arg0 : i32
    %mul3A_1 = arith.constant 632 : i32
    %mul3A_2 = arith.muli %arg1, %mul3A_1 : i32
    "tpu.region"() ({
      %run_scoped3A = tpu.sem_alloc : memref<!tpu.dma_semaphore, #tpu.memory_space<semaphore_mem>>
      %dma_start3A_347 = arith.constant 0 : i32
      %dma_start3A_348 = tpu.memref_slice %arg21[%mul3A_2, %dma_start3A_347] : memref<10112x128xf32, #tpu.memory_space<vmem_shared>> -> memref<632x128xf32, #tpu.memory_space<vmem_shared>>
      %dma_start3A_349 = arith.constant 0 : i32
      %dma_start3A_350 = tpu.memref_slice %arg5[%mul3A_2, %dma_start3A_349] : memref<10112x128xf32, #tpu.memory_space<hbm>> -> memref<632x128xf32, #tpu.memory_space<hbm>>
      tpu.enqueue_dma source(%dma_start3A_350 : memref<632x128xf32, #tpu.memory_space<hbm>>) target(%dma_start3A_348 : memref<632x128xf32, #tpu.memory_space<vmem_shared>>) target_semaphore(%run_scoped3A : memref<!tpu.dma_semaphore, #tpu.memory_space<semaphore_mem>>)
      %dma_wait3A_351 = arith.constant 0 : i32
      %dma_wait3A_352 = tpu.memref_slice %arg21[%mul3A_2, %dma_wait3A_351] : memref<10112x128xf32, #tpu.memory_space<vmem_shared>> -> memref<632x128xf32, #tpu.memory_space<vmem_shared>>
      %dma_wait3A_353 = arith.constant 0 : i32
      %dma_wait3A_354 = tpu.memref_slice %arg5[%mul3A_2, %dma_wait3A_353] : memref<10112x128xf32, #tpu.memory_space<hbm>> -> memref<632x128xf32, #tpu.memory_space<hbm>>
      tpu.wait_dma2 semaphore(%run_scoped3A : memref<!tpu.dma_semaphore, #tpu.memory_space<semaphore_mem>>) src(%dma_wait3A_354 : memref<632x128xf32, #tpu.memory_space<hbm>>) dst(%dma_wait3A_352 : memref<632x128xf32, #tpu.memory_space<vmem_shared>>)
      tpu.yield
    }) : () -> ()
    "tpu.region"() ({
      %run_scoped3A = tpu.sem_alloc : memref<!tpu.dma_semaphore, #tpu.memory_space<semaphore_mem>>
      %dma_start3A_347 = arith.constant 0 : i32
      %dma_start3A_348 = arith.constant 0 : i32
      %dma_start3A_349 = tpu.memref_slice %arg3[%add3A, %dma_start3A_347, %dma_start3A_348] : memref<32x125x80xi32, #tpu.memory_space<hbm>> -> memref<1x125x80xi32, #tpu.memory_space<hbm>>
      %dma_start3A_350 = tpu.memref_squeeze %dma_start3A_349 : memref<1x125x80xi32, #tpu.memory_space<hbm>> -> memref<125x80xi32, #tpu.memory_space<hbm>>
      %dma_start3A_351 = arith.constant 0 : i32
      %dma_start3A_352 = arith.constant 0 : i32
      %dma_start3A_353 = tpu.memref_slice %arg3[%add3A, %dma_start3A_351, %dma_start3A_352] : memref<32x125x80xi32, #tpu.memory_space<hbm>> -> memref<1x125x80xi32, #tpu.memory_space<hbm>>
      %dma_start3A_354 = tpu.memref_squeeze %dma_start3A_353 : memref<1x125x80xi32, #tpu.memory_space<hbm>> -> memref<125x80xi32, #tpu.memory_space<hbm>>
      tpu.enqueue_dma source(%dma_start3A_354 : memref<125x80xi32, #tpu.memory_space<hbm>>) target(%arg7 : memref<125x80xi32, #tpu.memory_space<vmem>>) target_semaphore(%run_scoped3A : memref<!tpu.dma_semaphore, #tpu.memory_space<semaphore_mem>>)
      %dma_wait3A_355 = arith.constant 0 : i32
      %dma_wait3A_356 = arith.constant 0 : i32
      %dma_wait3A_357 = tpu.memref_slice %arg3[%add3A, %dma_wait3A_355, %dma_wait3A_356] : memref<32x125x80xi32, #tpu.memory_space<hbm>> -> memref<1x125x80xi32, #tpu.memory_space<hbm>>
      %dma_wait3A_358 = tpu.memref_squeeze %dma_wait3A_357 : memref<1x125x80xi32, #tpu.memory_space<hbm>> -> memref<125x80xi32, #tpu.memory_space<hbm>>
      %dma_wait3A_359 = arith.constant 0 : i32
      %dma_wait3A_360 = arith.constant 0 : i32
      %dma_wait3A_361 = tpu.memref_slice %arg3[%add3A, %dma_wait3A_359, %dma_wait3A_360] : memref<32x125x80xi32, #tpu.memory_space<hbm>> -> memref<1x125x80xi32, #tpu.memory_space<hbm>>
      %dma_wait3A_362 = tpu.memref_squeeze %dma_wait3A_361 : memref<1x125x80xi32, #tpu.memory_space<hbm>> -> memref<125x80xi32, #tpu.memory_space<hbm>>
      tpu.wait_dma2 semaphore(%run_scoped3A : memref<!tpu.dma_semaphore, #tpu.memory_space<semaphore_mem>>) src(%dma_wait3A_362 : memref<125x80xi32, #tpu.memory_space<hbm>>) dst(%arg7 : memref<125x80xi32, #tpu.memory_space<vmem>>)
      tpu.yield
    }) : () -> ()
    %barrier3A = arith.constant 0 : index
    tpu.barrier barrier_id(%barrier3A)
    %dma_start3A = arith.constant 0 : i32
    %dma_start3A_3 = arith.constant 0 : i32
    %dma_start3A_4 = tpu.memref_slice %arg8[%dma_start3A, %dma_start3A_3] : memref<3x80xi32, #tpu.memory_space<vmem>> -> memref<1x80xi32, #tpu.memory_space<vmem>>
    %dma_start3A_5 = arith.constant 0 : i32
    %dma_start3A_6 = arith.constant 0 : i32
    %dma_start3A_7 = tpu.memref_slice %arg4[%add3A, %dma_start3A_5, %dma_start3A_6] : memref<32x125x80xi32, #tpu.memory_space<hbm>> -> memref<1x125x80xi32, #tpu.memory_space<hbm>>
    %dma_start3A_8 = tpu.memref_squeeze %dma_start3A_7 : memref<1x125x80xi32, #tpu.memory_space<hbm>> -> memref<125x80xi32, #tpu.memory_space<hbm>>
    %dma_start3A_9 = arith.constant 0 : i32
    %dma_start3A_10 = arith.constant 0 : i32
    %dma_start3A_11 = tpu.memref_slice %dma_start3A_8[%dma_start3A_9, %dma_start3A_10] : memref<125x80xi32, #tpu.memory_space<hbm>> -> memref<1x80xi32, #tpu.memory_space<hbm>>
    %dma_start3A_12 = arith.constant 0 : i32
    %dma_start3A_13 = arith.constant 0 : i32
    %dma_start3A_14 = tpu.memref_slice %arg8[%dma_start3A_12, %dma_start3A_13] : memref<3x80xi32, #tpu.memory_space<vmem>> -> memref<1x80xi32, #tpu.memory_space<vmem>>
    %dma_start3A_15 = arith.constant 0 : i32
    %dma_start3A_16 = arith.constant 0 : i32
    %dma_start3A_17 = tpu.memref_slice %arg4[%add3A, %dma_start3A_15, %dma_start3A_16] : memref<32x125x80xi32, #tpu.memory_space<hbm>> -> memref<1x125x80xi32, #tpu.memory_space<hbm>>
    %dma_start3A_18 = tpu.memref_squeeze %dma_start3A_17 : memref<1x125x80xi32, #tpu.memory_space<hbm>> -> memref<125x80xi32, #tpu.memory_space<hbm>>
    %dma_start3A_19 = arith.constant 0 : i32
    %dma_start3A_20 = arith.constant 0 : i32
    %dma_start3A_21 = tpu.memref_slice %dma_start3A_18[%dma_start3A_19, %dma_start3A_20] : memref<125x80xi32, #tpu.memory_space<hbm>> -> memref<1x80xi32, #tpu.memory_space<hbm>>
    tpu.enqueue_dma source(%dma_start3A_21 : memref<1x80xi32, #tpu.memory_space<hbm>>) target(%dma_start3A_14 : memref<1x80xi32, #tpu.memory_space<vmem>>) target_semaphore(%arg15 : memref<!tpu.dma_semaphore, #tpu.memory_space<semaphore_mem>>)
    %dma_start3A_22 = arith.constant 1 : i32
    %dma_start3A_23 = arith.constant 0 : i32
    %dma_start3A_24 = tpu.memref_slice %arg8[%dma_start3A_22, %dma_start3A_23] : memref<3x80xi32, #tpu.memory_space<vmem>> -> memref<1x80xi32, #tpu.memory_space<vmem>>
    %dma_start3A_25 = arith.constant 0 : i32
    %dma_start3A_26 = arith.constant 0 : i32
    %dma_start3A_27 = tpu.memref_slice %arg4[%add3A, %dma_start3A_25, %dma_start3A_26] : memref<32x125x80xi32, #tpu.memory_space<hbm>> -> memref<1x125x80xi32, #tpu.memory_space<hbm>>
    %dma_start3A_28 = tpu.memref_squeeze %dma_start3A_27 : memref<1x125x80xi32, #tpu.memory_space<hbm>> -> memref<125x80xi32, #tpu.memory_space<hbm>>
    %dma_start3A_29 = arith.constant 1 : i32
    %dma_start3A_30 = arith.constant 0 : i32
    %dma_start3A_31 = tpu.memref_slice %dma_start3A_28[%dma_start3A_29, %dma_start3A_30] : memref<125x80xi32, #tpu.memory_space<hbm>> -> memref<1x80xi32, #tpu.memory_space<hbm>>
    %dma_start3A_32 = arith.constant 1 : i32
    %dma_start3A_33 = arith.constant 0 : i32
    %dma_start3A_34 = tpu.memref_slice %arg8[%dma_start3A_32, %dma_start3A_33] : memref<3x80xi32, #tpu.memory_space<vmem>> -> memref<1x80xi32, #tpu.memory_space<vmem>>
    %dma_start3A_35 = arith.constant 0 : i32
    %dma_start3A_36 = arith.constant 0 : i32
    %dma_start3A_37 = tpu.memref_slice %arg4[%add3A, %dma_start3A_35, %dma_start3A_36] : memref<32x125x80xi32, #tpu.memory_space<hbm>> -> memref<1x125x80xi32, #tpu.memory_space<hbm>>
    %dma_start3A_38 = tpu.memref_squeeze %dma_start3A_37 : memref<1x125x80xi32, #tpu.memory_space<hbm>> -> memref<125x80xi32, #tpu.memory_space<hbm>>
    %dma_start3A_39 = arith.constant 1 : i32
    %dma_start3A_40 = arith.constant 0 : i32
    %dma_start3A_41 = tpu.memref_slice %dma_start3A_38[%dma_start3A_39, %dma_start3A_40] : memref<125x80xi32, #tpu.memory_space<hbm>> -> memref<1x80xi32, #tpu.memory_space<hbm>>
    tpu.enqueue_dma source(%dma_start3A_41 : memref<1x80xi32, #tpu.memory_space<hbm>>) target(%dma_start3A_34 : memref<1x80xi32, #tpu.memory_space<vmem>>) target_semaphore(%arg16 : memref<!tpu.dma_semaphore, #tpu.memory_space<semaphore_mem>>)
    %dma_start3A_42 = arith.constant 2 : i32
    %dma_start3A_43 = arith.constant 0 : i32
    %dma_start3A_44 = tpu.memref_slice %arg8[%dma_start3A_42, %dma_start3A_43] : memref<3x80xi32, #tpu.memory_space<vmem>> -> memref<1x80xi32, #tpu.memory_space<vmem>>
    %dma_start3A_45 = arith.constant 0 : i32
    %dma_start3A_46 = arith.constant 0 : i32
    %dma_start3A_47 = tpu.memref_slice %arg4[%add3A, %dma_start3A_45, %dma_start3A_46] : memref<32x125x80xi32, #tpu.memory_space<hbm>> -> memref<1x125x80xi32, #tpu.memory_space<hbm>>
    %dma_start3A_48 = tpu.memref_squeeze %dma_start3A_47 : memref<1x125x80xi32, #tpu.memory_space<hbm>> -> memref<125x80xi32, #tpu.memory_space<hbm>>
    %dma_start3A_49 = arith.constant 2 : i32
    %dma_start3A_50 = arith.constant 0 : i32
    %dma_start3A_51 = tpu.memref_slice %dma_start3A_48[%dma_start3A_49, %dma_start3A_50] : memref<125x80xi32, #tpu.memory_space<hbm>> -> memref<1x80xi32, #tpu.memory_space<hbm>>
    %dma_start3A_52 = arith.constant 2 : i32
    %dma_start3A_53 = arith.constant 0 : i32
    %dma_start3A_54 = tpu.memref_slice %arg8[%dma_start3A_52, %dma_start3A_53] : memref<3x80xi32, #tpu.memory_space<vmem>> -> memref<1x80xi32, #tpu.memory_space<vmem>>
    %dma_start3A_55 = arith.constant 0 : i32
    %dma_start3A_56 = arith.constant 0 : i32
    %dma_start3A_57 = tpu.memref_slice %arg4[%add3A, %dma_start3A_55, %dma_start3A_56] : memref<32x125x80xi32, #tpu.memory_space<hbm>> -> memref<1x125x80xi32, #tpu.memory_space<hbm>>
    %dma_start3A_58 = tpu.memref_squeeze %dma_start3A_57 : memref<1x125x80xi32, #tpu.memory_space<hbm>> -> memref<125x80xi32, #tpu.memory_space<hbm>>
    %dma_start3A_59 = arith.constant 2 : i32
    %dma_start3A_60 = arith.constant 0 : i32
    %dma_start3A_61 = tpu.memref_slice %dma_start3A_58[%dma_start3A_59, %dma_start3A_60] : memref<125x80xi32, #tpu.memory_space<hbm>> -> memref<1x80xi32, #tpu.memory_space<hbm>>
    tpu.enqueue_dma source(%dma_start3A_61 : memref<1x80xi32, #tpu.memory_space<hbm>>) target(%dma_start3A_54 : memref<1x80xi32, #tpu.memory_space<vmem>>) target_semaphore(%arg17 : memref<!tpu.dma_semaphore, #tpu.memory_space<semaphore_mem>>)
    %dma_start3A_62 = arith.constant 0 : i32
    %dma_start3A_63 = arith.constant 0 : i32
    %dma_start3A_64 = tpu.memref_slice %arg7[%dma_start3A_62, %dma_start3A_63] : memref<125x80xi32, #tpu.memory_space<vmem>> -> memref<1x80xi32, #tpu.memory_space<vmem>>
    %dma_start3A_65 = tpu.memref_squeeze %dma_start3A_64 : memref<1x80xi32, #tpu.memory_space<vmem>> -> memref<80xi32, #tpu.memory_space<vmem>>
    %dma_start3A_66 = arith.constant 0 : i32
    %dma_start3A_67 = arith.constant 0 : i32
    %dma_start3A_68 = tpu.memref_slice %arg2[%dma_start3A_66, %dma_start3A_67] : memref<10000x128xf32, #tpu.memory_space<hbm>> -> memref<10000x128xf32, #tpu.memory_space<hbm>>
    tpu.enqueue_indirect_dma source(%dma_start3A_68 : memref<10000x128xf32, #tpu.memory_space<hbm>>) target(%arg9 : memref<80x128xf32, #tpu.memory_space<vmem>>) offsets(%dma_start3A_65 : memref<80xi32, #tpu.memory_space<vmem>>) semaphore(%arg12 : memref<!tpu.dma_semaphore, #tpu.memory_space<semaphore_mem>>)
    %dma_start3A_69 = arith.constant 1 : i32
    %dma_start3A_70 = arith.constant 0 : i32
    %dma_start3A_71 = tpu.memref_slice %arg7[%dma_start3A_69, %dma_start3A_70] : memref<125x80xi32, #tpu.memory_space<vmem>> -> memref<1x80xi32, #tpu.memory_space<vmem>>
    %dma_start3A_72 = tpu.memref_squeeze %dma_start3A_71 : memref<1x80xi32, #tpu.memory_space<vmem>> -> memref<80xi32, #tpu.memory_space<vmem>>
    %dma_start3A_73 = arith.constant 0 : i32
    %dma_start3A_74 = arith.constant 0 : i32
    %dma_start3A_75 = tpu.memref_slice %arg2[%dma_start3A_73, %dma_start3A_74] : memref<10000x128xf32, #tpu.memory_space<hbm>> -> memref<10000x128xf32, #tpu.memory_space<hbm>>
    tpu.enqueue_indirect_dma source(%dma_start3A_75 : memref<10000x128xf32, #tpu.memory_space<hbm>>) target(%arg10 : memref<80x128xf32, #tpu.memory_space<vmem>>) offsets(%dma_start3A_72 : memref<80xi32, #tpu.memory_space<vmem>>) semaphore(%arg13 : memref<!tpu.dma_semaphore, #tpu.memory_space<semaphore_mem>>)
    %dma_wait3A = arith.constant 0 : i32
    %dma_wait3A_76 = arith.constant 0 : i32
    %dma_wait3A_77 = tpu.memref_slice %arg7[%dma_wait3A, %dma_wait3A_76] : memref<125x80xi32, #tpu.memory_space<vmem>> -> memref<1x80xi32, #tpu.memory_space<vmem>>
    %dma_wait3A_78 = tpu.memref_squeeze %dma_wait3A_77 : memref<1x80xi32, #tpu.memory_space<vmem>> -> memref<80xi32, #tpu.memory_space<vmem>>
    %dma_wait3A_79 = arith.constant 0 : i32
    %dma_wait3A_80 = arith.constant 0 : i32
    %dma_wait3A_81 = tpu.memref_slice %arg2[%dma_wait3A_79, %dma_wait3A_80] : memref<10000x128xf32, #tpu.memory_space<hbm>> -> memref<10000x128xf32, #tpu.memory_space<hbm>>
    tpu.wait_indirect_dma semaphore(%arg12 : memref<!tpu.dma_semaphore, #tpu.memory_space<semaphore_mem>>) src(%dma_wait3A_81 : memref<10000x128xf32, #tpu.memory_space<hbm>>) dst(%arg9 : memref<80x128xf32, #tpu.memory_space<vmem>>)
    %dma_wait3A_82 = arith.constant 0 : i32
    %dma_wait3A_83 = arith.constant 0 : i32
    %dma_wait3A_84 = tpu.memref_slice %arg8[%dma_wait3A_82, %dma_wait3A_83] : memref<3x80xi32, #tpu.memory_space<vmem>> -> memref<1x80xi32, #tpu.memory_space<vmem>>
    %dma_wait3A_85 = arith.constant 0 : i32
    %dma_wait3A_86 = arith.constant 0 : i32
    %dma_wait3A_87 = tpu.memref_slice %arg4[%add3A, %dma_wait3A_85, %dma_wait3A_86] : memref<32x125x80xi32, #tpu.memory_space<hbm>> -> memref<1x125x80xi32, #tpu.memory_space<hbm>>
    %dma_wait3A_88 = tpu.memref_squeeze %dma_wait3A_87 : memref<1x125x80xi32, #tpu.memory_space<hbm>> -> memref<125x80xi32, #tpu.memory_space<hbm>>
    %dma_wait3A_89 = arith.constant 0 : i32
    %dma_wait3A_90 = arith.constant 0 : i32
    %dma_wait3A_91 = tpu.memref_slice %dma_wait3A_88[%dma_wait3A_89, %dma_wait3A_90] : memref<125x80xi32, #tpu.memory_space<hbm>> -> memref<1x80xi32, #tpu.memory_space<hbm>>
    %dma_wait3A_92 = arith.constant 0 : i32
    %dma_wait3A_93 = arith.constant 0 : i32
    %dma_wait3A_94 = tpu.memref_slice %arg8[%dma_wait3A_92, %dma_wait3A_93] : memref<3x80xi32, #tpu.memory_space<vmem>> -> memref<1x80xi32, #tpu.memory_space<vmem>>
    %dma_wait3A_95 = arith.constant 0 : i32
    %dma_wait3A_96 = arith.constant 0 : i32
    %dma_wait3A_97 = tpu.memref_slice %arg4[%add3A, %dma_wait3A_95, %dma_wait3A_96] : memref<32x125x80xi32, #tpu.memory_space<hbm>> -> memref<1x125x80xi32, #tpu.memory_space<hbm>>
    %dma_wait3A_98 = tpu.memref_squeeze %dma_wait3A_97 : memref<1x125x80xi32, #tpu.memory_space<hbm>> -> memref<125x80xi32, #tpu.memory_space<hbm>>
    %dma_wait3A_99 = arith.constant 0 : i32
    %dma_wait3A_100 = arith.constant 0 : i32
    %dma_wait3A_101 = tpu.memref_slice %dma_wait3A_98[%dma_wait3A_99, %dma_wait3A_100] : memref<125x80xi32, #tpu.memory_space<hbm>> -> memref<1x80xi32, #tpu.memory_space<hbm>>
    tpu.wait_dma2 semaphore(%arg15 : memref<!tpu.dma_semaphore, #tpu.memory_space<semaphore_mem>>) src(%dma_wait3A_101 : memref<1x80xi32, #tpu.memory_space<hbm>>) dst(%dma_wait3A_94 : memref<1x80xi32, #tpu.memory_space<vmem>>)
    %dma_start3A_102 = arith.constant 2 : i32
    %dma_start3A_103 = arith.constant 0 : i32
    %dma_start3A_104 = tpu.memref_slice %arg7[%dma_start3A_102, %dma_start3A_103] : memref<125x80xi32, #tpu.memory_space<vmem>> -> memref<1x80xi32, #tpu.memory_space<vmem>>
    %dma_start3A_105 = tpu.memref_squeeze %dma_start3A_104 : memref<1x80xi32, #tpu.memory_space<vmem>> -> memref<80xi32, #tpu.memory_space<vmem>>
    %dma_start3A_106 = arith.constant 0 : i32
    %dma_start3A_107 = arith.constant 0 : i32
    %dma_start3A_108 = tpu.memref_slice %arg2[%dma_start3A_106, %dma_start3A_107] : memref<10000x128xf32, #tpu.memory_space<hbm>> -> memref<10000x128xf32, #tpu.memory_space<hbm>>
    tpu.enqueue_indirect_dma source(%dma_start3A_108 : memref<10000x128xf32, #tpu.memory_space<hbm>>) target(%arg11 : memref<80x128xf32, #tpu.memory_space<vmem>>) offsets(%dma_start3A_105 : memref<80xi32, #tpu.memory_space<vmem>>) semaphore(%arg14 : memref<!tpu.dma_semaphore, #tpu.memory_space<semaphore_mem>>)
    %dma_start3A_109 = arith.constant 0 : i32
    %dma_start3A_110 = arith.constant 0 : i32
    %dma_start3A_111 = tpu.memref_slice %arg8[%dma_start3A_109, %dma_start3A_110] : memref<3x80xi32, #tpu.memory_space<vmem>> -> memref<1x80xi32, #tpu.memory_space<vmem>>
    %dma_start3A_112 = tpu.memref_squeeze %dma_start3A_111 : memref<1x80xi32, #tpu.memory_space<vmem>> -> memref<80xi32, #tpu.memory_space<vmem>>
    %dma_start3A_113 = arith.constant 0 : i32
    %dma_start3A_114 = arith.constant 0 : i32
    %dma_start3A_115 = tpu.memref_slice %arg21[%dma_start3A_113, %dma_start3A_114] : memref<10112x128xf32, #tpu.memory_space<vmem_shared>> -> memref<10112x128xf32, #tpu.memory_space<vmem_shared>>
    tpu.enqueue_indirect_dma source(%arg9 : memref<80x128xf32, #tpu.memory_space<vmem>>) target(%dma_start3A_115 : memref<10112x128xf32, #tpu.memory_space<vmem_shared>>) offsets(%dma_start3A_112 : memref<80xi32, #tpu.memory_space<vmem>>) semaphore(%arg18 : memref<!tpu.dma_semaphore, #tpu.memory_space<semaphore_mem>>) {add = true}
    %scan3A = arith.constant 0 : i32
    %scan3A_116 = arith.constant 0 : i32
    %scan3A_117 = arith.constant 40 : i32
    %scan3A_118 = arith.addi %scan3A_116, %scan3A_117 : i32
    %scan3A_119 = arith.constant 1 : i32
    scf.for %scan3A_347 = %scan3A_116 to %scan3A_118 step %scan3A_119  : i32 {
      %mul3A_348 = arith.constant 3 : i32
      %mul3A_349 = arith.muli %mul3A_348, %scan3A_347 : i32
      %add3A_350 = arith.constant 1 : i32
      %add3A_351 = arith.addi %mul3A_349, %add3A_350 : i32
      %dma_wait3A_352 = arith.constant 0 : i32
      %dma_wait3A_353 = arith.constant 0 : i32
      %dma_wait3A_354 = tpu.memref_slice %arg8[%dma_wait3A_352, %dma_wait3A_353] : memref<3x80xi32, #tpu.memory_space<vmem>> -> memref<1x80xi32, #tpu.memory_space<vmem>>
      %dma_wait3A_355 = tpu.memref_squeeze %dma_wait3A_354 : memref<1x80xi32, #tpu.memory_space<vmem>> -> memref<80xi32, #tpu.memory_space<vmem>>
      %dma_wait3A_356 = arith.constant 0 : i32
      %dma_wait3A_357 = arith.constant 0 : i32
      %dma_wait3A_358 = tpu.memref_slice %arg21[%dma_wait3A_356, %dma_wait3A_357] : memref<10112x128xf32, #tpu.memory_space<vmem_shared>> -> memref<10112x128xf32, #tpu.memory_space<vmem_shared>>
      tpu.wait_indirect_dma semaphore(%arg18 : memref<!tpu.dma_semaphore, #tpu.memory_space<semaphore_mem>>) src(%arg9 : memref<80x128xf32, #tpu.memory_space<vmem>>) dst(%dma_wait3A_358 : memref<10112x128xf32, #tpu.memory_space<vmem_shared>>)
      %add3A_359 = arith.constant 2 : i32
      %add3A_360 = arith.addi %add3A_351, %add3A_359 : i32
      %dma_start3A_361 = arith.constant 0 : i32
      %dma_start3A_362 = arith.constant 0 : i32
      %dma_start3A_363 = tpu.memref_slice %arg8[%dma_start3A_361, %dma_start3A_362] : memref<3x80xi32, #tpu.memory_space<vmem>> -> memref<1x80xi32, #tpu.memory_space<vmem>>
      %dma_start3A_364 = arith.constant 0 : i32
      %dma_start3A_365 = arith.constant 0 : i32
      %dma_start3A_366 = tpu.memref_slice %arg4[%add3A, %dma_start3A_364, %dma_start3A_365] : memref<32x125x80xi32, #tpu.memory_space<hbm>> -> memref<1x125x80xi32, #tpu.memory_space<hbm>>
      %dma_start3A_367 = tpu.memref_squeeze %dma_start3A_366 : memref<1x125x80xi32, #tpu.memory_space<hbm>> -> memref<125x80xi32, #tpu.memory_space<hbm>>
      %dma_start3A_368 = arith.constant 0 : i32
      %dma_start3A_369 = tpu.memref_slice %dma_start3A_367[%add3A_360, %dma_start3A_368] : memref<125x80xi32, #tpu.memory_space<hbm>> -> memref<1x80xi32, #tpu.memory_space<hbm>>
      %dma_start3A_370 = arith.constant 0 : i32
      %dma_start3A_371 = arith.constant 0 : i32
      %dma_start3A_372 = tpu.memref_slice %arg8[%dma_start3A_370, %dma_start3A_371] : memref<3x80xi32, #tpu.memory_space<vmem>> -> memref<1x80xi32, #tpu.memory_space<vmem>>
      %dma_start3A_373 = arith.constant 0 : i32
      %dma_start3A_374 = arith.constant 0 : i32
      %dma_start3A_375 = tpu.memref_slice %arg4[%add3A, %dma_start3A_373, %dma_start3A_374] : memref<32x125x80xi32, #tpu.memory_space<hbm>> -> memref<1x125x80xi32, #tpu.memory_space<hbm>>
      %dma_start3A_376 = tpu.memref_squeeze %dma_start3A_375 : memref<1x125x80xi32, #tpu.memory_space<hbm>> -> memref<125x80xi32, #tpu.memory_space<hbm>>
      %dma_start3A_377 = arith.constant 0 : i32
      %dma_start3A_378 = tpu.memref_slice %dma_start3A_376[%add3A_360, %dma_start3A_377] : memref<125x80xi32, #tpu.memory_space<hbm>> -> memref<1x80xi32, #tpu.memory_space<hbm>>
      tpu.enqueue_dma source(%dma_start3A_378 : memref<1x80xi32, #tpu.memory_space<hbm>>) target(%dma_start3A_372 : memref<1x80xi32, #tpu.memory_space<vmem>>) target_semaphore(%arg15 : memref<!tpu.dma_semaphore, #tpu.memory_space<semaphore_mem>>)
      %dma_wait3A_379 = arith.constant 0 : i32
      %dma_wait3A_380 = tpu.memref_slice %arg7[%add3A_351, %dma_wait3A_379] : memref<125x80xi32, #tpu.memory_space<vmem>> -> memref<1x80xi32, #tpu.memory_space<vmem>>
      %dma_wait3A_381 = tpu.memref_squeeze %dma_wait3A_380 : memref<1x80xi32, #tpu.memory_space<vmem>> -> memref<80xi32, #tpu.memory_space<vmem>>
      %dma_wait3A_382 = arith.constant 0 : i32
      %dma_wait3A_383 = arith.constant 0 : i32
      %dma_wait3A_384 = tpu.memref_slice %arg2[%dma_wait3A_382, %dma_wait3A_383] : memref<10000x128xf32, #tpu.memory_space<hbm>> -> memref<10000x128xf32, #tpu.memory_space<hbm>>
      tpu.wait_indirect_dma semaphore(%arg13 : memref<!tpu.dma_semaphore, #tpu.memory_space<semaphore_mem>>) src(%dma_wait3A_384 : memref<10000x128xf32, #tpu.memory_space<hbm>>) dst(%arg10 : memref<80x128xf32, #tpu.memory_space<vmem>>)
      %dma_wait3A_385 = arith.constant 1 : i32
      %dma_wait3A_386 = arith.constant 0 : i32
      %dma_wait3A_387 = tpu.memref_slice %arg8[%dma_wait3A_385, %dma_wait3A_386] : memref<3x80xi32, #tpu.memory_space<vmem>> -> memref<1x80xi32, #tpu.memory_space<vmem>>
      %dma_wait3A_388 = arith.constant 0 : i32
      %dma_wait3A_389 = arith.constant 0 : i32
      %dma_wait3A_390 = tpu.memref_slice %arg4[%add3A, %dma_wait3A_388, %dma_wait3A_389] : memref<32x125x80xi32, #tpu.memory_space<hbm>> -> memref<1x125x80xi32, #tpu.memory_space<hbm>>
      %dma_wait3A_391 = tpu.memref_squeeze %dma_wait3A_390 : memref<1x125x80xi32, #tpu.memory_space<hbm>> -> memref<125x80xi32, #tpu.memory_space<hbm>>
      %dma_wait3A_392 = arith.constant 0 : i32
      %dma_wait3A_393 = tpu.memref_slice %dma_wait3A_391[%add3A_351, %dma_wait3A_392] : memref<125x80xi32, #tpu.memory_space<hbm>> -> memref<1x80xi32, #tpu.memory_space<hbm>>
      %dma_wait3A_394 = arith.constant 1 : i32
      %dma_wait3A_395 = arith.constant 0 : i32
      %dma_wait3A_396 = tpu.memref_slice %arg8[%dma_wait3A_394, %dma_wait3A_395] : memref<3x80xi32, #tpu.memory_space<vmem>> -> memref<1x80xi32, #tpu.memory_space<vmem>>
      %dma_wait3A_397 = arith.constant 0 : i32
      %dma_wait3A_398 = arith.constant 0 : i32
      %dma_wait3A_399 = tpu.memref_slice %arg4[%add3A, %dma_wait3A_397, %dma_wait3A_398] : memref<32x125x80xi32, #tpu.memory_space<hbm>> -> memref<1x125x80xi32, #tpu.memory_space<hbm>>
      %dma_wait3A_400 = tpu.memref_squeeze %dma_wait3A_399 : memref<1x125x80xi32, #tpu.memory_space<hbm>> -> memref<125x80xi32, #tpu.memory_space<hbm>>
      %dma_wait3A_401 = arith.constant 0 : i32
      %dma_wait3A_402 = tpu.memref_slice %dma_wait3A_400[%add3A_351, %dma_wait3A_401] : memref<125x80xi32, #tpu.memory_space<hbm>> -> memref<1x80xi32, #tpu.memory_space<hbm>>
      tpu.wait_dma2 semaphore(%arg16 : memref<!tpu.dma_semaphore, #tpu.memory_space<semaphore_mem>>) src(%dma_wait3A_402 : memref<1x80xi32, #tpu.memory_space<hbm>>) dst(%dma_wait3A_396 : memref<1x80xi32, #tpu.memory_space<vmem>>)
      %add3A_403 = arith.constant 2 : i32
      %add3A_404 = arith.addi %add3A_351, %add3A_403 : i32
      %dma_start3A_405 = arith.constant 0 : i32
      %dma_start3A_406 = tpu.memref_slice %arg7[%add3A_404, %dma_start3A_405] : memref<125x80xi32, #tpu.memory_space<vmem>> -> memref<1x80xi32, #tpu.memory_space<vmem>>
      %dma_start3A_407 = tpu.memref_squeeze %dma_start3A_406 : memref<1x80xi32, #tpu.memory_space<vmem>> -> memref<80xi32, #tpu.memory_space<vmem>>
      %dma_start3A_408 = arith.constant 0 : i32
      %dma_start3A_409 = arith.constant 0 : i32
      %dma_start3A_410 = tpu.memref_slice %arg2[%dma_start3A_408, %dma_start3A_409] : memref<10000x128xf32, #tpu.memory_space<hbm>> -> memref<10000x128xf32, #tpu.memory_space<hbm>>
      tpu.enqueue_indirect_dma source(%dma_start3A_410 : memref<10000x128xf32, #tpu.memory_space<hbm>>) target(%arg9 : memref<80x128xf32, #tpu.memory_space<vmem>>) offsets(%dma_start3A_407 : memref<80xi32, #tpu.memory_space<vmem>>) semaphore(%arg12 : memref<!tpu.dma_semaphore, #tpu.memory_space<semaphore_mem>>)
      %dma_start3A_411 = arith.constant 1 : i32
      %dma_start3A_412 = arith.constant 0 : i32
      %dma_start3A_413 = tpu.memref_slice %arg8[%dma_start3A_411, %dma_start3A_412] : memref<3x80xi32, #tpu.memory_space<vmem>> -> memref<1x80xi32, #tpu.memory_space<vmem>>
      %dma_start3A_414 = tpu.memref_squeeze %dma_start3A_413 : memref<1x80xi32, #tpu.memory_space<vmem>> -> memref<80xi32, #tpu.memory_space<vmem>>
      %dma_start3A_415 = arith.constant 0 : i32
      %dma_start3A_416 = arith.constant 0 : i32
      %dma_start3A_417 = tpu.memref_slice %arg21[%dma_start3A_415, %dma_start3A_416] : memref<10112x128xf32, #tpu.memory_space<vmem_shared>> -> memref<10112x128xf32, #tpu.memory_space<vmem_shared>>
      tpu.enqueue_indirect_dma source(%arg10 : memref<80x128xf32, #tpu.memory_space<vmem>>) target(%dma_start3A_417 : memref<10112x128xf32, #tpu.memory_space<vmem_shared>>) offsets(%dma_start3A_414 : memref<80xi32, #tpu.memory_space<vmem>>) semaphore(%arg19 : memref<!tpu.dma_semaphore, #tpu.memory_space<semaphore_mem>>) {add = true}
      %add3A_418 = arith.constant 2 : i32
      %add3A_419 = arith.addi %mul3A_349, %add3A_418 : i32
      %dma_wait3A_420 = arith.constant 1 : i32
      %dma_wait3A_421 = arith.constant 0 : i32
      %dma_wait3A_422 = tpu.memref_slice %arg8[%dma_wait3A_420, %dma_wait3A_421] : memref<3x80xi32, #tpu.memory_space<vmem>> -> memref<1x80xi32, #tpu.memory_space<vmem>>
      %dma_wait3A_423 = tpu.memref_squeeze %dma_wait3A_422 : memref<1x80xi32, #tpu.memory_space<vmem>> -> memref<80xi32, #tpu.memory_space<vmem>>
      %dma_wait3A_424 = arith.constant 0 : i32
      %dma_wait3A_425 = arith.constant 0 : i32
      %dma_wait3A_426 = tpu.memref_slice %arg21[%dma_wait3A_424, %dma_wait3A_425] : memref<10112x128xf32, #tpu.memory_space<vmem_shared>> -> memref<10112x128xf32, #tpu.memory_space<vmem_shared>>
      tpu.wait_indirect_dma semaphore(%arg19 : memref<!tpu.dma_semaphore, #tpu.memory_space<semaphore_mem>>) src(%arg10 : memref<80x128xf32, #tpu.memory_space<vmem>>) dst(%dma_wait3A_426 : memref<10112x128xf32, #tpu.memory_space<vmem_shared>>)
      %add3A_427 = arith.constant 2 : i32
      %add3A_428 = arith.addi %add3A_419, %add3A_427 : i32
      %dma_start3A_429 = arith.constant 1 : i32
      %dma_start3A_430 = arith.constant 0 : i32
      %dma_start3A_431 = tpu.memref_slice %arg8[%dma_start3A_429, %dma_start3A_430] : memref<3x80xi32, #tpu.memory_space<vmem>> -> memref<1x80xi32, #tpu.memory_space<vmem>>
      %dma_start3A_432 = arith.constant 0 : i32
      %dma_start3A_433 = arith.constant 0 : i32
      %dma_start3A_434 = tpu.memref_slice %arg4[%add3A, %dma_start3A_432, %dma_start3A_433] : memref<32x125x80xi32, #tpu.memory_space<hbm>> -> memref<1x125x80xi32, #tpu.memory_space<hbm>>
      %dma_start3A_435 = tpu.memref_squeeze %dma_start3A_434 : memref<1x125x80xi32, #tpu.memory_space<hbm>> -> memref<125x80xi32, #tpu.memory_space<hbm>>
      %dma_start3A_436 = arith.constant 0 : i32
      %dma_start3A_437 = tpu.memref_slice %dma_start3A_435[%add3A_428, %dma_start3A_436] : memref<125x80xi32, #tpu.memory_space<hbm>> -> memref<1x80xi32, #tpu.memory_space<hbm>>
      %dma_start3A_438 = arith.constant 1 : i32
      %dma_start3A_439 = arith.constant 0 : i32
      %dma_start3A_440 = tpu.memref_slice %arg8[%dma_start3A_438, %dma_start3A_439] : memref<3x80xi32, #tpu.memory_space<vmem>> -> memref<1x80xi32, #tpu.memory_space<vmem>>
      %dma_start3A_441 = arith.constant 0 : i32
      %dma_start3A_442 = arith.constant 0 : i32
      %dma_start3A_443 = tpu.memref_slice %arg4[%add3A, %dma_start3A_441, %dma_start3A_442] : memref<32x125x80xi32, #tpu.memory_space<hbm>> -> memref<1x125x80xi32, #tpu.memory_space<hbm>>
      %dma_start3A_444 = tpu.memref_squeeze %dma_start3A_443 : memref<1x125x80xi32, #tpu.memory_space<hbm>> -> memref<125x80xi32, #tpu.memory_space<hbm>>
      %dma_start3A_445 = arith.constant 0 : i32
      %dma_start3A_446 = tpu.memref_slice %dma_start3A_444[%add3A_428, %dma_start3A_445] : memref<125x80xi32, #tpu.memory_space<hbm>> -> memref<1x80xi32, #tpu.memory_space<hbm>>
      tpu.enqueue_dma source(%dma_start3A_446 : memref<1x80xi32, #tpu.memory_space<hbm>>) target(%dma_start3A_440 : memref<1x80xi32, #tpu.memory_space<vmem>>) target_semaphore(%arg16 : memref<!tpu.dma_semaphore, #tpu.memory_space<semaphore_mem>>)
      %dma_wait3A_447 = arith.constant 0 : i32
      %dma_wait3A_448 = tpu.memref_slice %arg7[%add3A_419, %dma_wait3A_447] : memref<125x80xi32, #tpu.memory_space<vmem>> -> memref<1x80xi32, #tpu.memory_space<vmem>>
      %dma_wait3A_449 = tpu.memref_squeeze %dma_wait3A_448 : memref<1x80xi32, #tpu.memory_space<vmem>> -> memref<80xi32, #tpu.memory_space<vmem>>
      %dma_wait3A_450 = arith.constant 0 : i32
      %dma_wait3A_451 = arith.constant 0 : i32
      %dma_wait3A_452 = tpu.memref_slice %arg2[%dma_wait3A_450, %dma_wait3A_451] : memref<10000x128xf32, #tpu.memory_space<hbm>> -> memref<10000x128xf32, #tpu.memory_space<hbm>>
      tpu.wait_indirect_dma semaphore(%arg14 : memref<!tpu.dma_semaphore, #tpu.memory_space<semaphore_mem>>) src(%dma_wait3A_452 : memref<10000x128xf32, #tpu.memory_space<hbm>>) dst(%arg11 : memref<80x128xf32, #tpu.memory_space<vmem>>)
      %dma_wait3A_453 = arith.constant 2 : i32
      %dma_wait3A_454 = arith.constant 0 : i32
      %dma_wait3A_455 = tpu.memref_slice %arg8[%dma_wait3A_453, %dma_wait3A_454] : memref<3x80xi32, #tpu.memory_space<vmem>> -> memref<1x80xi32, #tpu.memory_space<vmem>>
      %dma_wait3A_456 = arith.constant 0 : i32
      %dma_wait3A_457 = arith.constant 0 : i32
      %dma_wait3A_458 = tpu.memref_slice %arg4[%add3A, %dma_wait3A_456, %dma_wait3A_457] : memref<32x125x80xi32, #tpu.memory_space<hbm>> -> memref<1x125x80xi32, #tpu.memory_space<hbm>>
      %dma_wait3A_459 = tpu.memref_squeeze %dma_wait3A_458 : memref<1x125x80xi32, #tpu.memory_space<hbm>> -> memref<125x80xi32, #tpu.memory_space<hbm>>
      %dma_wait3A_460 = arith.constant 0 : i32
      %dma_wait3A_461 = tpu.memref_slice %dma_wait3A_459[%add3A_419, %dma_wait3A_460] : memref<125x80xi32, #tpu.memory_space<hbm>> -> memref<1x80xi32, #tpu.memory_space<hbm>>
      %dma_wait3A_462 = arith.constant 2 : i32
      %dma_wait3A_463 = arith.constant 0 : i32
      %dma_wait3A_464 = tpu.memref_slice %arg8[%dma_wait3A_462, %dma_wait3A_463] : memref<3x80xi32, #tpu.memory_space<vmem>> -> memref<1x80xi32, #tpu.memory_space<vmem>>
      %dma_wait3A_465 = arith.constant 0 : i32
      %dma_wait3A_466 = arith.constant 0 : i32
      %dma_wait3A_467 = tpu.memref_slice %arg4[%add3A, %dma_wait3A_465, %dma_wait3A_466] : memref<32x125x80xi32, #tpu.memory_space<hbm>> -> memref<1x125x80xi32, #tpu.memory_space<hbm>>
      %dma_wait3A_468 = tpu.memref_squeeze %dma_wait3A_467 : memref<1x125x80xi32, #tpu.memory_space<hbm>> -> memref<125x80xi32, #tpu.memory_space<hbm>>
      %dma_wait3A_469 = arith.constant 0 : i32
      %dma_wait3A_470 = tpu.memref_slice %dma_wait3A_468[%add3A_419, %dma_wait3A_469] : memref<125x80xi32, #tpu.memory_space<hbm>> -> memref<1x80xi32, #tpu.memory_space<hbm>>
      tpu.wait_dma2 semaphore(%arg17 : memref<!tpu.dma_semaphore, #tpu.memory_space<semaphore_mem>>) src(%dma_wait3A_470 : memref<1x80xi32, #tpu.memory_space<hbm>>) dst(%dma_wait3A_464 : memref<1x80xi32, #tpu.memory_space<vmem>>)
      %add3A_471 = arith.constant 2 : i32
      %add3A_472 = arith.addi %add3A_419, %add3A_471 : i32
      %dma_start3A_473 = arith.constant 0 : i32
      %dma_start3A_474 = tpu.memref_slice %arg7[%add3A_472, %dma_start3A_473] : memref<125x80xi32, #tpu.memory_space<vmem>> -> memref<1x80xi32, #tpu.memory_space<vmem>>
      %dma_start3A_475 = tpu.memref_squeeze %dma_start3A_474 : memref<1x80xi32, #tpu.memory_space<vmem>> -> memref<80xi32, #tpu.memory_space<vmem>>
      %dma_start3A_476 = arith.constant 0 : i32
      %dma_start3A_477 = arith.constant 0 : i32
      %dma_start3A_478 = tpu.memref_slice %arg2[%dma_start3A_476, %dma_start3A_477] : memref<10000x128xf32, #tpu.memory_space<hbm>> -> memref<10000x128xf32, #tpu.memory_space<hbm>>
      tpu.enqueue_indirect_dma source(%dma_start3A_478 : memref<10000x128xf32, #tpu.memory_space<hbm>>) target(%arg10 : memref<80x128xf32, #tpu.memory_space<vmem>>) offsets(%dma_start3A_475 : memref<80xi32, #tpu.memory_space<vmem>>) semaphore(%arg13 : memref<!tpu.dma_semaphore, #tpu.memory_space<semaphore_mem>>)
      %dma_start3A_479 = arith.constant 2 : i32
      %dma_start3A_480 = arith.constant 0 : i32
      %dma_start3A_481 = tpu.memref_slice %arg8[%dma_start3A_479, %dma_start3A_480] : memref<3x80xi32, #tpu.memory_space<vmem>> -> memref<1x80xi32, #tpu.memory_space<vmem>>
      %dma_start3A_482 = tpu.memref_squeeze %dma_start3A_481 : memref<1x80xi32, #tpu.memory_space<vmem>> -> memref<80xi32, #tpu.memory_space<vmem>>
      %dma_start3A_483 = arith.constant 0 : i32
      %dma_start3A_484 = arith.constant 0 : i32
      %dma_start3A_485 = tpu.memref_slice %arg21[%dma_start3A_483, %dma_start3A_484] : memref<10112x128xf32, #tpu.memory_space<vmem_shared>> -> memref<10112x128xf32, #tpu.memory_space<vmem_shared>>
      tpu.enqueue_indirect_dma source(%arg11 : memref<80x128xf32, #tpu.memory_space<vmem>>) target(%dma_start3A_485 : memref<10112x128xf32, #tpu.memory_space<vmem_shared>>) offsets(%dma_start3A_482 : memref<80xi32, #tpu.memory_space<vmem>>) semaphore(%arg20 : memref<!tpu.dma_semaphore, #tpu.memory_space<semaphore_mem>>) {add = true}
      %add3A_486 = arith.constant 3 : i32
      %add3A_487 = arith.addi %mul3A_349, %add3A_486 : i32
      %dma_wait3A_488 = arith.constant 2 : i32
      %dma_wait3A_489 = arith.constant 0 : i32
      %dma_wait3A_490 = tpu.memref_slice %arg8[%dma_wait3A_488, %dma_wait3A_489] : memref<3x80xi32, #tpu.memory_space<vmem>> -> memref<1x80xi32, #tpu.memory_space<vmem>>
      %dma_wait3A_491 = tpu.memref_squeeze %dma_wait3A_490 : memref<1x80xi32, #tpu.memory_space<vmem>> -> memref<80xi32, #tpu.memory_space<vmem>>
      %dma_wait3A_492 = arith.constant 0 : i32
      %dma_wait3A_493 = arith.constant 0 : i32
      %dma_wait3A_494 = tpu.memref_slice %arg21[%dma_wait3A_492, %dma_wait3A_493] : memref<10112x128xf32, #tpu.memory_space<vmem_shared>> -> memref<10112x128xf32, #tpu.memory_space<vmem_shared>>
      tpu.wait_indirect_dma semaphore(%arg20 : memref<!tpu.dma_semaphore, #tpu.memory_space<semaphore_mem>>) src(%arg11 : memref<80x128xf32, #tpu.memory_space<vmem>>) dst(%dma_wait3A_494 : memref<10112x128xf32, #tpu.memory_space<vmem_shared>>)
      %add3A_495 = arith.constant 2 : i32
      %add3A_496 = arith.addi %add3A_487, %add3A_495 : i32
      %dma_start3A_497 = arith.constant 2 : i32
      %dma_start3A_498 = arith.constant 0 : i32
      %dma_start3A_499 = tpu.memref_slice %arg8[%dma_start3A_497, %dma_start3A_498] : memref<3x80xi32, #tpu.memory_space<vmem>> -> memref<1x80xi32, #tpu.memory_space<vmem>>
      %dma_start3A_500 = arith.constant 0 : i32
      %dma_start3A_501 = arith.constant 0 : i32
      %dma_start3A_502 = tpu.memref_slice %arg4[%add3A, %dma_start3A_500, %dma_start3A_501] : memref<32x125x80xi32, #tpu.memory_space<hbm>> -> memref<1x125x80xi32, #tpu.memory_space<hbm>>
      %dma_start3A_503 = tpu.memref_squeeze %dma_start3A_502 : memref<1x125x80xi32, #tpu.memory_space<hbm>> -> memref<125x80xi32, #tpu.memory_space<hbm>>
      %dma_start3A_504 = arith.constant 0 : i32
      %dma_start3A_505 = tpu.memref_slice %dma_start3A_503[%add3A_496, %dma_start3A_504] : memref<125x80xi32, #tpu.memory_space<hbm>> -> memref<1x80xi32, #tpu.memory_space<hbm>>
      %dma_start3A_506 = arith.constant 2 : i32
      %dma_start3A_507 = arith.constant 0 : i32
      %dma_start3A_508 = tpu.memref_slice %arg8[%dma_start3A_506, %dma_start3A_507] : memref<3x80xi32, #tpu.memory_space<vmem>> -> memref<1x80xi32, #tpu.memory_space<vmem>>
      %dma_start3A_509 = arith.constant 0 : i32
      %dma_start3A_510 = arith.constant 0 : i32
      %dma_start3A_511 = tpu.memref_slice %arg4[%add3A, %dma_start3A_509, %dma_start3A_510] : memref<32x125x80xi32, #tpu.memory_space<hbm>> -> memref<1x125x80xi32, #tpu.memory_space<hbm>>
      %dma_start3A_512 = tpu.memref_squeeze %dma_start3A_511 : memref<1x125x80xi32, #tpu.memory_space<hbm>> -> memref<125x80xi32, #tpu.memory_space<hbm>>
      %dma_start3A_513 = arith.constant 0 : i32
      %dma_start3A_514 = tpu.memref_slice %dma_start3A_512[%add3A_496, %dma_start3A_513] : memref<125x80xi32, #tpu.memory_space<hbm>> -> memref<1x80xi32, #tpu.memory_space<hbm>>
      tpu.enqueue_dma source(%dma_start3A_514 : memref<1x80xi32, #tpu.memory_space<hbm>>) target(%dma_start3A_508 : memref<1x80xi32, #tpu.memory_space<vmem>>) target_semaphore(%arg17 : memref<!tpu.dma_semaphore, #tpu.memory_space<semaphore_mem>>)
      %dma_wait3A_515 = arith.constant 0 : i32
      %dma_wait3A_516 = tpu.memref_slice %arg7[%add3A_487, %dma_wait3A_515] : memref<125x80xi32, #tpu.memory_space<vmem>> -> memref<1x80xi32, #tpu.memory_space<vmem>>
      %dma_wait3A_517 = tpu.memref_squeeze %dma_wait3A_516 : memref<1x80xi32, #tpu.memory_space<vmem>> -> memref<80xi32, #tpu.memory_space<vmem>>
      %dma_wait3A_518 = arith.constant 0 : i32
      %dma_wait3A_519 = arith.constant 0 : i32
      %dma_wait3A_520 = tpu.memref_slice %arg2[%dma_wait3A_518, %dma_wait3A_519] : memref<10000x128xf32, #tpu.memory_space<hbm>> -> memref<10000x128xf32, #tpu.memory_space<hbm>>
      tpu.wait_indirect_dma semaphore(%arg12 : memref<!tpu.dma_semaphore, #tpu.memory_space<semaphore_mem>>) src(%dma_wait3A_520 : memref<10000x128xf32, #tpu.memory_space<hbm>>) dst(%arg9 : memref<80x128xf32, #tpu.memory_space<vmem>>)
      %dma_wait3A_521 = arith.constant 0 : i32
      %dma_wait3A_522 = arith.constant 0 : i32
      %dma_wait3A_523 = tpu.memref_slice %arg8[%dma_wait3A_521, %dma_wait3A_522] : memref<3x80xi32, #tpu.memory_space<vmem>> -> memref<1x80xi32, #tpu.memory_space<vmem>>
      %dma_wait3A_524 = arith.constant 0 : i32
      %dma_wait3A_525 = arith.constant 0 : i32
      %dma_wait3A_526 = tpu.memref_slice %arg4[%add3A, %dma_wait3A_524, %dma_wait3A_525] : memref<32x125x80xi32, #tpu.memory_space<hbm>> -> memref<1x125x80xi32, #tpu.memory_space<hbm>>
      %dma_wait3A_527 = tpu.memref_squeeze %dma_wait3A_526 : memref<1x125x80xi32, #tpu.memory_space<hbm>> -> memref<125x80xi32, #tpu.memory_space<hbm>>
      %dma_wait3A_528 = arith.constant 0 : i32
      %dma_wait3A_529 = tpu.memref_slice %dma_wait3A_527[%add3A_487, %dma_wait3A_528] : memref<125x80xi32, #tpu.memory_space<hbm>> -> memref<1x80xi32, #tpu.memory_space<hbm>>
      %dma_wait3A_530 = arith.constant 0 : i32
      %dma_wait3A_531 = arith.constant 0 : i32
      %dma_wait3A_532 = tpu.memref_slice %arg8[%dma_wait3A_530, %dma_wait3A_531] : memref<3x80xi32, #tpu.memory_space<vmem>> -> memref<1x80xi32, #tpu.memory_space<vmem>>
      %dma_wait3A_533 = arith.constant 0 : i32
      %dma_wait3A_534 = arith.constant 0 : i32
      %dma_wait3A_535 = tpu.memref_slice %arg4[%add3A, %dma_wait3A_533, %dma_wait3A_534] : memref<32x125x80xi32, #tpu.memory_space<hbm>> -> memref<1x125x80xi32, #tpu.memory_space<hbm>>
      %dma_wait3A_536 = tpu.memref_squeeze %dma_wait3A_535 : memref<1x125x80xi32, #tpu.memory_space<hbm>> -> memref<125x80xi32, #tpu.memory_space<hbm>>
      %dma_wait3A_537 = arith.constant 0 : i32
      %dma_wait3A_538 = tpu.memref_slice %dma_wait3A_536[%add3A_487, %dma_wait3A_537] : memref<125x80xi32, #tpu.memory_space<hbm>> -> memref<1x80xi32, #tpu.memory_space<hbm>>
      tpu.wait_dma2 semaphore(%arg15 : memref<!tpu.dma_semaphore, #tpu.memory_space<semaphore_mem>>) src(%dma_wait3A_538 : memref<1x80xi32, #tpu.memory_space<hbm>>) dst(%dma_wait3A_532 : memref<1x80xi32, #tpu.memory_space<vmem>>)
      %add3A_539 = arith.constant 2 : i32
      %add3A_540 = arith.addi %add3A_487, %add3A_539 : i32
      %dma_start3A_541 = arith.constant 0 : i32
      %dma_start3A_542 = tpu.memref_slice %arg7[%add3A_540, %dma_start3A_541] : memref<125x80xi32, #tpu.memory_space<vmem>> -> memref<1x80xi32, #tpu.memory_space<vmem>>
      %dma_start3A_543 = tpu.memref_squeeze %dma_start3A_542 : memref<1x80xi32, #tpu.memory_space<vmem>> -> memref<80xi32, #tpu.memory_space<vmem>>
      %dma_start3A_544 = arith.constant 0 : i32
      %dma_start3A_545 = arith.constant 0 : i32
      %dma_start3A_546 = tpu.memref_slice %arg2[%dma_start3A_544, %dma_start3A_545] : memref<10000x128xf32, #tpu.memory_space<hbm>> -> memref<10000x128xf32, #tpu.memory_space<hbm>>
      tpu.enqueue_indirect_dma source(%dma_start3A_546 : memref<10000x128xf32, #tpu.memory_space<hbm>>) target(%arg11 : memref<80x128xf32, #tpu.memory_space<vmem>>) offsets(%dma_start3A_543 : memref<80xi32, #tpu.memory_space<vmem>>) semaphore(%arg14 : memref<!tpu.dma_semaphore, #tpu.memory_space<semaphore_mem>>)
      %dma_start3A_547 = arith.constant 0 : i32
      %dma_start3A_548 = arith.constant 0 : i32
      %dma_start3A_549 = tpu.memref_slice %arg8[%dma_start3A_547, %dma_start3A_548] : memref<3x80xi32, #tpu.memory_space<vmem>> -> memref<1x80xi32, #tpu.memory_space<vmem>>
      %dma_start3A_550 = tpu.memref_squeeze %dma_start3A_549 : memref<1x80xi32, #tpu.memory_space<vmem>> -> memref<80xi32, #tpu.memory_space<vmem>>
      %dma_start3A_551 = arith.constant 0 : i32
      %dma_start3A_552 = arith.constant 0 : i32
      %dma_start3A_553 = tpu.memref_slice %arg21[%dma_start3A_551, %dma_start3A_552] : memref<10112x128xf32, #tpu.memory_space<vmem_shared>> -> memref<10112x128xf32, #tpu.memory_space<vmem_shared>>
      tpu.enqueue_indirect_dma source(%arg9 : memref<80x128xf32, #tpu.memory_space<vmem>>) target(%dma_start3A_553 : memref<10112x128xf32, #tpu.memory_space<vmem_shared>>) offsets(%dma_start3A_550 : memref<80xi32, #tpu.memory_space<vmem>>) semaphore(%arg18 : memref<!tpu.dma_semaphore, #tpu.memory_space<semaphore_mem>>) {add = true}
    }
    %scan3A_120 = arith.constant 40 : i32
    %dma_wait3A_121 = arith.constant 0 : i32
    %dma_wait3A_122 = arith.constant 0 : i32
    %dma_wait3A_123 = tpu.memref_slice %arg8[%dma_wait3A_121, %dma_wait3A_122] : memref<3x80xi32, #tpu.memory_space<vmem>> -> memref<1x80xi32, #tpu.memory_space<vmem>>
    %dma_wait3A_124 = tpu.memref_squeeze %dma_wait3A_123 : memref<1x80xi32, #tpu.memory_space<vmem>> -> memref<80xi32, #tpu.memory_space<vmem>>
    %dma_wait3A_125 = arith.constant 0 : i32
    %dma_wait3A_126 = arith.constant 0 : i32
    %dma_wait3A_127 = tpu.memref_slice %arg21[%dma_wait3A_125, %dma_wait3A_126] : memref<10112x128xf32, #tpu.memory_space<vmem_shared>> -> memref<10112x128xf32, #tpu.memory_space<vmem_shared>>
    tpu.wait_indirect_dma semaphore(%arg18 : memref<!tpu.dma_semaphore, #tpu.memory_space<semaphore_mem>>) src(%arg9 : memref<80x128xf32, #tpu.memory_space<vmem>>) dst(%dma_wait3A_127 : memref<10112x128xf32, #tpu.memory_space<vmem_shared>>)
    %dma_start3A_128 = arith.constant 0 : i32
    %dma_start3A_129 = arith.constant 0 : i32
    %dma_start3A_130 = tpu.memref_slice %arg8[%dma_start3A_128, %dma_start3A_129] : memref<3x80xi32, #tpu.memory_space<vmem>> -> memref<1x80xi32, #tpu.memory_space<vmem>>
    %dma_start3A_131 = arith.constant 0 : i32
    %dma_start3A_132 = arith.constant 0 : i32
    %dma_start3A_133 = tpu.memref_slice %arg4[%add3A, %dma_start3A_131, %dma_start3A_132] : memref<32x125x80xi32, #tpu.memory_space<hbm>> -> memref<1x125x80xi32, #tpu.memory_space<hbm>>
    %dma_start3A_134 = tpu.memref_squeeze %dma_start3A_133 : memref<1x125x80xi32, #tpu.memory_space<hbm>> -> memref<125x80xi32, #tpu.memory_space<hbm>>
    %dma_start3A_135 = arith.constant 123 : i32
    %dma_start3A_136 = arith.constant 0 : i32
    %dma_start3A_137 = tpu.memref_slice %dma_start3A_134[%dma_start3A_135, %dma_start3A_136] : memref<125x80xi32, #tpu.memory_space<hbm>> -> memref<1x80xi32, #tpu.memory_space<hbm>>
    %dma_start3A_138 = arith.constant 0 : i32
    %dma_start3A_139 = arith.constant 0 : i32
    %dma_start3A_140 = tpu.memref_slice %arg8[%dma_start3A_138, %dma_start3A_139] : memref<3x80xi32, #tpu.memory_space<vmem>> -> memref<1x80xi32, #tpu.memory_space<vmem>>
    %dma_start3A_141 = arith.constant 0 : i32
    %dma_start3A_142 = arith.constant 0 : i32
    %dma_start3A_143 = tpu.memref_slice %arg4[%add3A, %dma_start3A_141, %dma_start3A_142] : memref<32x125x80xi32, #tpu.memory_space<hbm>> -> memref<1x125x80xi32, #tpu.memory_space<hbm>>
    %dma_start3A_144 = tpu.memref_squeeze %dma_start3A_143 : memref<1x125x80xi32, #tpu.memory_space<hbm>> -> memref<125x80xi32, #tpu.memory_space<hbm>>
    %dma_start3A_145 = arith.constant 123 : i32
    %dma_start3A_146 = arith.constant 0 : i32
    %dma_start3A_147 = tpu.memref_slice %dma_start3A_144[%dma_start3A_145, %dma_start3A_146] : memref<125x80xi32, #tpu.memory_space<hbm>> -> memref<1x80xi32, #tpu.memory_space<hbm>>
    tpu.enqueue_dma source(%dma_start3A_147 : memref<1x80xi32, #tpu.memory_space<hbm>>) target(%dma_start3A_140 : memref<1x80xi32, #tpu.memory_space<vmem>>) target_semaphore(%arg15 : memref<!tpu.dma_semaphore, #tpu.memory_space<semaphore_mem>>)
    %dma_wait3A_148 = arith.constant 121 : i32
    %dma_wait3A_149 = arith.constant 0 : i32
    %dma_wait3A_150 = tpu.memref_slice %arg7[%dma_wait3A_148, %dma_wait3A_149] : memref<125x80xi32, #tpu.memory_space<vmem>> -> memref<1x80xi32, #tpu.memory_space<vmem>>
    %dma_wait3A_151 = tpu.memref_squeeze %dma_wait3A_150 : memref<1x80xi32, #tpu.memory_space<vmem>> -> memref<80xi32, #tpu.memory_space<vmem>>
    %dma_wait3A_152 = arith.constant 0 : i32
    %dma_wait3A_153 = arith.constant 0 : i32
    %dma_wait3A_154 = tpu.memref_slice %arg2[%dma_wait3A_152, %dma_wait3A_153] : memref<10000x128xf32, #tpu.memory_space<hbm>> -> memref<10000x128xf32, #tpu.memory_space<hbm>>
    tpu.wait_indirect_dma semaphore(%arg13 : memref<!tpu.dma_semaphore, #tpu.memory_space<semaphore_mem>>) src(%dma_wait3A_154 : memref<10000x128xf32, #tpu.memory_space<hbm>>) dst(%arg10 : memref<80x128xf32, #tpu.memory_space<vmem>>)
    %dma_wait3A_155 = arith.constant 1 : i32
    %dma_wait3A_156 = arith.constant 0 : i32
    %dma_wait3A_157 = tpu.memref_slice %arg8[%dma_wait3A_155, %dma_wait3A_156] : memref<3x80xi32, #tpu.memory_space<vmem>> -> memref<1x80xi32, #tpu.memory_space<vmem>>
    %dma_wait3A_158 = arith.constant 0 : i32
    %dma_wait3A_159 = arith.constant 0 : i32
    %dma_wait3A_160 = tpu.memref_slice %arg4[%add3A, %dma_wait3A_158, %dma_wait3A_159] : memref<32x125x80xi32, #tpu.memory_space<hbm>> -> memref<1x125x80xi32, #tpu.memory_space<hbm>>
    %dma_wait3A_161 = tpu.memref_squeeze %dma_wait3A_160 : memref<1x125x80xi32, #tpu.memory_space<hbm>> -> memref<125x80xi32, #tpu.memory_space<hbm>>
    %dma_wait3A_162 = arith.constant 121 : i32
    %dma_wait3A_163 = arith.constant 0 : i32
    %dma_wait3A_164 = tpu.memref_slice %dma_wait3A_161[%dma_wait3A_162, %dma_wait3A_163] : memref<125x80xi32, #tpu.memory_space<hbm>> -> memref<1x80xi32, #tpu.memory_space<hbm>>
    %dma_wait3A_165 = arith.constant 1 : i32
    %dma_wait3A_166 = arith.constant 0 : i32
    %dma_wait3A_167 = tpu.memref_slice %arg8[%dma_wait3A_165, %dma_wait3A_166] : memref<3x80xi32, #tpu.memory_space<vmem>> -> memref<1x80xi32, #tpu.memory_space<vmem>>
    %dma_wait3A_168 = arith.constant 0 : i32
    %dma_wait3A_169 = arith.constant 0 : i32
    %dma_wait3A_170 = tpu.memref_slice %arg4[%add3A, %dma_wait3A_168, %dma_wait3A_169] : memref<32x125x80xi32, #tpu.memory_space<hbm>> -> memref<1x125x80xi32, #tpu.memory_space<hbm>>
    %dma_wait3A_171 = tpu.memref_squeeze %dma_wait3A_170 : memref<1x125x80xi32, #tpu.memory_space<hbm>> -> memref<125x80xi32, #tpu.memory_space<hbm>>
    %dma_wait3A_172 = arith.constant 121 : i32
    %dma_wait3A_173 = arith.constant 0 : i32
    %dma_wait3A_174 = tpu.memref_slice %dma_wait3A_171[%dma_wait3A_172, %dma_wait3A_173] : memref<125x80xi32, #tpu.memory_space<hbm>> -> memref<1x80xi32, #tpu.memory_space<hbm>>
    tpu.wait_dma2 semaphore(%arg16 : memref<!tpu.dma_semaphore, #tpu.memory_space<semaphore_mem>>) src(%dma_wait3A_174 : memref<1x80xi32, #tpu.memory_space<hbm>>) dst(%dma_wait3A_167 : memref<1x80xi32, #tpu.memory_space<vmem>>)
    %dma_start3A_175 = arith.constant 123 : i32
    %dma_start3A_176 = arith.constant 0 : i32
    %dma_start3A_177 = tpu.memref_slice %arg7[%dma_start3A_175, %dma_start3A_176] : memref<125x80xi32, #tpu.memory_space<vmem>> -> memref<1x80xi32, #tpu.memory_space<vmem>>
    %dma_start3A_178 = tpu.memref_squeeze %dma_start3A_177 : memref<1x80xi32, #tpu.memory_space<vmem>> -> memref<80xi32, #tpu.memory_space<vmem>>
    %dma_start3A_179 = arith.constant 0 : i32
    %dma_start3A_180 = arith.constant 0 : i32
    %dma_start3A_181 = tpu.memref_slice %arg2[%dma_start3A_179, %dma_start3A_180] : memref<10000x128xf32, #tpu.memory_space<hbm>> -> memref<10000x128xf32, #tpu.memory_space<hbm>>
    tpu.enqueue_indirect_dma source(%dma_start3A_181 : memref<10000x128xf32, #tpu.memory_space<hbm>>) target(%arg9 : memref<80x128xf32, #tpu.memory_space<vmem>>) offsets(%dma_start3A_178 : memref<80xi32, #tpu.memory_space<vmem>>) semaphore(%arg12 : memref<!tpu.dma_semaphore, #tpu.memory_space<semaphore_mem>>)
    %dma_start3A_182 = arith.constant 1 : i32
    %dma_start3A_183 = arith.constant 0 : i32
    %dma_start3A_184 = tpu.memref_slice %arg8[%dma_start3A_182, %dma_start3A_183] : memref<3x80xi32, #tpu.memory_space<vmem>> -> memref<1x80xi32, #tpu.memory_space<vmem>>
    %dma_start3A_185 = tpu.memref_squeeze %dma_start3A_184 : memref<1x80xi32, #tpu.memory_space<vmem>> -> memref<80xi32, #tpu.memory_space<vmem>>
    %dma_start3A_186 = arith.constant 0 : i32
    %dma_start3A_187 = arith.constant 0 : i32
    %dma_start3A_188 = tpu.memref_slice %arg21[%dma_start3A_186, %dma_start3A_187] : memref<10112x128xf32, #tpu.memory_space<vmem_shared>> -> memref<10112x128xf32, #tpu.memory_space<vmem_shared>>
    tpu.enqueue_indirect_dma source(%arg10 : memref<80x128xf32, #tpu.memory_space<vmem>>) target(%dma_start3A_188 : memref<10112x128xf32, #tpu.memory_space<vmem_shared>>) offsets(%dma_start3A_185 : memref<80xi32, #tpu.memory_space<vmem>>) semaphore(%arg19 : memref<!tpu.dma_semaphore, #tpu.memory_space<semaphore_mem>>) {add = true}
    %dma_wait3A_189 = arith.constant 1 : i32
    %dma_wait3A_190 = arith.constant 0 : i32
    %dma_wait3A_191 = tpu.memref_slice %arg8[%dma_wait3A_189, %dma_wait3A_190] : memref<3x80xi32, #tpu.memory_space<vmem>> -> memref<1x80xi32, #tpu.memory_space<vmem>>
    %dma_wait3A_192 = tpu.memref_squeeze %dma_wait3A_191 : memref<1x80xi32, #tpu.memory_space<vmem>> -> memref<80xi32, #tpu.memory_space<vmem>>
    %dma_wait3A_193 = arith.constant 0 : i32
    %dma_wait3A_194 = arith.constant 0 : i32
    %dma_wait3A_195 = tpu.memref_slice %arg21[%dma_wait3A_193, %dma_wait3A_194] : memref<10112x128xf32, #tpu.memory_space<vmem_shared>> -> memref<10112x128xf32, #tpu.memory_space<vmem_shared>>
    tpu.wait_indirect_dma semaphore(%arg19 : memref<!tpu.dma_semaphore, #tpu.memory_space<semaphore_mem>>) src(%arg10 : memref<80x128xf32, #tpu.memory_space<vmem>>) dst(%dma_wait3A_195 : memref<10112x128xf32, #tpu.memory_space<vmem_shared>>)
    %dma_start3A_196 = arith.constant 1 : i32
    %dma_start3A_197 = arith.constant 0 : i32
    %dma_start3A_198 = tpu.memref_slice %arg8[%dma_start3A_196, %dma_start3A_197] : memref<3x80xi32, #tpu.memory_space<vmem>> -> memref<1x80xi32, #tpu.memory_space<vmem>>
    %dma_start3A_199 = arith.constant 0 : i32
    %dma_start3A_200 = arith.constant 0 : i32
    %dma_start3A_201 = tpu.memref_slice %arg4[%add3A, %dma_start3A_199, %dma_start3A_200] : memref<32x125x80xi32, #tpu.memory_space<hbm>> -> memref<1x125x80xi32, #tpu.memory_space<hbm>>
    %dma_start3A_202 = tpu.memref_squeeze %dma_start3A_201 : memref<1x125x80xi32, #tpu.memory_space<hbm>> -> memref<125x80xi32, #tpu.memory_space<hbm>>
    %dma_start3A_203 = arith.constant 124 : i32
    %dma_start3A_204 = arith.constant 0 : i32
    %dma_start3A_205 = tpu.memref_slice %dma_start3A_202[%dma_start3A_203, %dma_start3A_204] : memref<125x80xi32, #tpu.memory_space<hbm>> -> memref<1x80xi32, #tpu.memory_space<hbm>>
    %dma_start3A_206 = arith.constant 1 : i32
    %dma_start3A_207 = arith.constant 0 : i32
    %dma_start3A_208 = tpu.memref_slice %arg8[%dma_start3A_206, %dma_start3A_207] : memref<3x80xi32, #tpu.memory_space<vmem>> -> memref<1x80xi32, #tpu.memory_space<vmem>>
    %dma_start3A_209 = arith.constant 0 : i32
    %dma_start3A_210 = arith.constant 0 : i32
    %dma_start3A_211 = tpu.memref_slice %arg4[%add3A, %dma_start3A_209, %dma_start3A_210] : memref<32x125x80xi32, #tpu.memory_space<hbm>> -> memref<1x125x80xi32, #tpu.memory_space<hbm>>
    %dma_start3A_212 = tpu.memref_squeeze %dma_start3A_211 : memref<1x125x80xi32, #tpu.memory_space<hbm>> -> memref<125x80xi32, #tpu.memory_space<hbm>>
    %dma_start3A_213 = arith.constant 124 : i32
    %dma_start3A_214 = arith.constant 0 : i32
    %dma_start3A_215 = tpu.memref_slice %dma_start3A_212[%dma_start3A_213, %dma_start3A_214] : memref<125x80xi32, #tpu.memory_space<hbm>> -> memref<1x80xi32, #tpu.memory_space<hbm>>
    tpu.enqueue_dma source(%dma_start3A_215 : memref<1x80xi32, #tpu.memory_space<hbm>>) target(%dma_start3A_208 : memref<1x80xi32, #tpu.memory_space<vmem>>) target_semaphore(%arg16 : memref<!tpu.dma_semaphore, #tpu.memory_space<semaphore_mem>>)
    %dma_wait3A_216 = arith.constant 122 : i32
    %dma_wait3A_217 = arith.constant 0 : i32
    %dma_wait3A_218 = tpu.memref_slice %arg7[%dma_wait3A_216, %dma_wait3A_217] : memref<125x80xi32, #tpu.memory_space<vmem>> -> memref<1x80xi32, #tpu.memory_space<vmem>>
    %dma_wait3A_219 = tpu.memref_squeeze %dma_wait3A_218 : memref<1x80xi32, #tpu.memory_space<vmem>> -> memref<80xi32, #tpu.memory_space<vmem>>
    %dma_wait3A_220 = arith.constant 0 : i32
    %dma_wait3A_221 = arith.constant 0 : i32
    %dma_wait3A_222 = tpu.memref_slice %arg2[%dma_wait3A_220, %dma_wait3A_221] : memref<10000x128xf32, #tpu.memory_space<hbm>> -> memref<10000x128xf32, #tpu.memory_space<hbm>>
    tpu.wait_indirect_dma semaphore(%arg14 : memref<!tpu.dma_semaphore, #tpu.memory_space<semaphore_mem>>) src(%dma_wait3A_222 : memref<10000x128xf32, #tpu.memory_space<hbm>>) dst(%arg11 : memref<80x128xf32, #tpu.memory_space<vmem>>)
    %dma_wait3A_223 = arith.constant 2 : i32
    %dma_wait3A_224 = arith.constant 0 : i32
    %dma_wait3A_225 = tpu.memref_slice %arg8[%dma_wait3A_223, %dma_wait3A_224] : memref<3x80xi32, #tpu.memory_space<vmem>> -> memref<1x80xi32, #tpu.memory_space<vmem>>
    %dma_wait3A_226 = arith.constant 0 : i32
    %dma_wait3A_227 = arith.constant 0 : i32
    %dma_wait3A_228 = tpu.memref_slice %arg4[%add3A, %dma_wait3A_226, %dma_wait3A_227] : memref<32x125x80xi32, #tpu.memory_space<hbm>> -> memref<1x125x80xi32, #tpu.memory_space<hbm>>
    %dma_wait3A_229 = tpu.memref_squeeze %dma_wait3A_228 : memref<1x125x80xi32, #tpu.memory_space<hbm>> -> memref<125x80xi32, #tpu.memory_space<hbm>>
    %dma_wait3A_230 = arith.constant 122 : i32
    %dma_wait3A_231 = arith.constant 0 : i32
    %dma_wait3A_232 = tpu.memref_slice %dma_wait3A_229[%dma_wait3A_230, %dma_wait3A_231] : memref<125x80xi32, #tpu.memory_space<hbm>> -> memref<1x80xi32, #tpu.memory_space<hbm>>
    %dma_wait3A_233 = arith.constant 2 : i32
    %dma_wait3A_234 = arith.constant 0 : i32
    %dma_wait3A_235 = tpu.memref_slice %arg8[%dma_wait3A_233, %dma_wait3A_234] : memref<3x80xi32, #tpu.memory_space<vmem>> -> memref<1x80xi32, #tpu.memory_space<vmem>>
    %dma_wait3A_236 = arith.constant 0 : i32
    %dma_wait3A_237 = arith.constant 0 : i32
    %dma_wait3A_238 = tpu.memref_slice %arg4[%add3A, %dma_wait3A_236, %dma_wait3A_237] : memref<32x125x80xi32, #tpu.memory_space<hbm>> -> memref<1x125x80xi32, #tpu.memory_space<hbm>>
    %dma_wait3A_239 = tpu.memref_squeeze %dma_wait3A_238 : memref<1x125x80xi32, #tpu.memory_space<hbm>> -> memref<125x80xi32, #tpu.memory_space<hbm>>
    %dma_wait3A_240 = arith.constant 122 : i32
    %dma_wait3A_241 = arith.constant 0 : i32
    %dma_wait3A_242 = tpu.memref_slice %dma_wait3A_239[%dma_wait3A_240, %dma_wait3A_241] : memref<125x80xi32, #tpu.memory_space<hbm>> -> memref<1x80xi32, #tpu.memory_space<hbm>>
    tpu.wait_dma2 semaphore(%arg17 : memref<!tpu.dma_semaphore, #tpu.memory_space<semaphore_mem>>) src(%dma_wait3A_242 : memref<1x80xi32, #tpu.memory_space<hbm>>) dst(%dma_wait3A_235 : memref<1x80xi32, #tpu.memory_space<vmem>>)
    %dma_start3A_243 = arith.constant 124 : i32
    %dma_start3A_244 = arith.constant 0 : i32
    %dma_start3A_245 = tpu.memref_slice %arg7[%dma_start3A_243, %dma_start3A_244] : memref<125x80xi32, #tpu.memory_space<vmem>> -> memref<1x80xi32, #tpu.memory_space<vmem>>
    %dma_start3A_246 = tpu.memref_squeeze %dma_start3A_245 : memref<1x80xi32, #tpu.memory_space<vmem>> -> memref<80xi32, #tpu.memory_space<vmem>>
    %dma_start3A_247 = arith.constant 0 : i32
    %dma_start3A_248 = arith.constant 0 : i32
    %dma_start3A_249 = tpu.memref_slice %arg2[%dma_start3A_247, %dma_start3A_248] : memref<10000x128xf32, #tpu.memory_space<hbm>> -> memref<10000x128xf32, #tpu.memory_space<hbm>>
    tpu.enqueue_indirect_dma source(%dma_start3A_249 : memref<10000x128xf32, #tpu.memory_space<hbm>>) target(%arg10 : memref<80x128xf32, #tpu.memory_space<vmem>>) offsets(%dma_start3A_246 : memref<80xi32, #tpu.memory_space<vmem>>) semaphore(%arg13 : memref<!tpu.dma_semaphore, #tpu.memory_space<semaphore_mem>>)
    %dma_start3A_250 = arith.constant 2 : i32
    %dma_start3A_251 = arith.constant 0 : i32
    %dma_start3A_252 = tpu.memref_slice %arg8[%dma_start3A_250, %dma_start3A_251] : memref<3x80xi32, #tpu.memory_space<vmem>> -> memref<1x80xi32, #tpu.memory_space<vmem>>
    %dma_start3A_253 = tpu.memref_squeeze %dma_start3A_252 : memref<1x80xi32, #tpu.memory_space<vmem>> -> memref<80xi32, #tpu.memory_space<vmem>>
    %dma_start3A_254 = arith.constant 0 : i32
    %dma_start3A_255 = arith.constant 0 : i32
    %dma_start3A_256 = tpu.memref_slice %arg21[%dma_start3A_254, %dma_start3A_255] : memref<10112x128xf32, #tpu.memory_space<vmem_shared>> -> memref<10112x128xf32, #tpu.memory_space<vmem_shared>>
    tpu.enqueue_indirect_dma source(%arg11 : memref<80x128xf32, #tpu.memory_space<vmem>>) target(%dma_start3A_256 : memref<10112x128xf32, #tpu.memory_space<vmem_shared>>) offsets(%dma_start3A_253 : memref<80xi32, #tpu.memory_space<vmem>>) semaphore(%arg20 : memref<!tpu.dma_semaphore, #tpu.memory_space<semaphore_mem>>) {add = true}
    %dma_wait3A_257 = arith.constant 2 : i32
    %dma_wait3A_258 = arith.constant 0 : i32
    %dma_wait3A_259 = tpu.memref_slice %arg8[%dma_wait3A_257, %dma_wait3A_258] : memref<3x80xi32, #tpu.memory_space<vmem>> -> memref<1x80xi32, #tpu.memory_space<vmem>>
    %dma_wait3A_260 = tpu.memref_squeeze %dma_wait3A_259 : memref<1x80xi32, #tpu.memory_space<vmem>> -> memref<80xi32, #tpu.memory_space<vmem>>
    %dma_wait3A_261 = arith.constant 0 : i32
    %dma_wait3A_262 = arith.constant 0 : i32
    %dma_wait3A_263 = tpu.memref_slice %arg21[%dma_wait3A_261, %dma_wait3A_262] : memref<10112x128xf32, #tpu.memory_space<vmem_shared>> -> memref<10112x128xf32, #tpu.memory_space<vmem_shared>>
    tpu.wait_indirect_dma semaphore(%arg20 : memref<!tpu.dma_semaphore, #tpu.memory_space<semaphore_mem>>) src(%arg11 : memref<80x128xf32, #tpu.memory_space<vmem>>) dst(%dma_wait3A_263 : memref<10112x128xf32, #tpu.memory_space<vmem_shared>>)
    %dma_wait3A_264 = arith.constant 123 : i32
    %dma_wait3A_265 = arith.constant 0 : i32
    %dma_wait3A_266 = tpu.memref_slice %arg7[%dma_wait3A_264, %dma_wait3A_265] : memref<125x80xi32, #tpu.memory_space<vmem>> -> memref<1x80xi32, #tpu.memory_space<vmem>>
    %dma_wait3A_267 = tpu.memref_squeeze %dma_wait3A_266 : memref<1x80xi32, #tpu.memory_space<vmem>> -> memref<80xi32, #tpu.memory_space<vmem>>
    %dma_wait3A_268 = arith.constant 0 : i32
    %dma_wait3A_269 = arith.constant 0 : i32
    %dma_wait3A_270 = tpu.memref_slice %arg2[%dma_wait3A_268, %dma_wait3A_269] : memref<10000x128xf32, #tpu.memory_space<hbm>> -> memref<10000x128xf32, #tpu.memory_space<hbm>>
    tpu.wait_indirect_dma semaphore(%arg12 : memref<!tpu.dma_semaphore, #tpu.memory_space<semaphore_mem>>) src(%dma_wait3A_270 : memref<10000x128xf32, #tpu.memory_space<hbm>>) dst(%arg9 : memref<80x128xf32, #tpu.memory_space<vmem>>)
    %dma_wait3A_271 = arith.constant 0 : i32
    %dma_wait3A_272 = arith.constant 0 : i32
    %dma_wait3A_273 = tpu.memref_slice %arg8[%dma_wait3A_271, %dma_wait3A_272] : memref<3x80xi32, #tpu.memory_space<vmem>> -> memref<1x80xi32, #tpu.memory_space<vmem>>
    %dma_wait3A_274 = arith.constant 0 : i32
    %dma_wait3A_275 = arith.constant 0 : i32
    %dma_wait3A_276 = tpu.memref_slice %arg4[%add3A, %dma_wait3A_274, %dma_wait3A_275] : memref<32x125x80xi32, #tpu.memory_space<hbm>> -> memref<1x125x80xi32, #tpu.memory_space<hbm>>
    %dma_wait3A_277 = tpu.memref_squeeze %dma_wait3A_276 : memref<1x125x80xi32, #tpu.memory_space<hbm>> -> memref<125x80xi32, #tpu.memory_space<hbm>>
    %dma_wait3A_278 = arith.constant 123 : i32
    %dma_wait3A_279 = arith.constant 0 : i32
    %dma_wait3A_280 = tpu.memref_slice %dma_wait3A_277[%dma_wait3A_278, %dma_wait3A_279] : memref<125x80xi32, #tpu.memory_space<hbm>> -> memref<1x80xi32, #tpu.memory_space<hbm>>
    %dma_wait3A_281 = arith.constant 0 : i32
    %dma_wait3A_282 = arith.constant 0 : i32
    %dma_wait3A_283 = tpu.memref_slice %arg8[%dma_wait3A_281, %dma_wait3A_282] : memref<3x80xi32, #tpu.memory_space<vmem>> -> memref<1x80xi32, #tpu.memory_space<vmem>>
    %dma_wait3A_284 = arith.constant 0 : i32
    %dma_wait3A_285 = arith.constant 0 : i32
    %dma_wait3A_286 = tpu.memref_slice %arg4[%add3A, %dma_wait3A_284, %dma_wait3A_285] : memref<32x125x80xi32, #tpu.memory_space<hbm>> -> memref<1x125x80xi32, #tpu.memory_space<hbm>>
    %dma_wait3A_287 = tpu.memref_squeeze %dma_wait3A_286 : memref<1x125x80xi32, #tpu.memory_space<hbm>> -> memref<125x80xi32, #tpu.memory_space<hbm>>
    %dma_wait3A_288 = arith.constant 123 : i32
    %dma_wait3A_289 = arith.constant 0 : i32
    %dma_wait3A_290 = tpu.memref_slice %dma_wait3A_287[%dma_wait3A_288, %dma_wait3A_289] : memref<125x80xi32, #tpu.memory_space<hbm>> -> memref<1x80xi32, #tpu.memory_space<hbm>>
    tpu.wait_dma2 semaphore(%arg15 : memref<!tpu.dma_semaphore, #tpu.memory_space<semaphore_mem>>) src(%dma_wait3A_290 : memref<1x80xi32, #tpu.memory_space<hbm>>) dst(%dma_wait3A_283 : memref<1x80xi32, #tpu.memory_space<vmem>>)
    %dma_start3A_291 = arith.constant 0 : i32
    %dma_start3A_292 = arith.constant 0 : i32
    %dma_start3A_293 = tpu.memref_slice %arg8[%dma_start3A_291, %dma_start3A_292] : memref<3x80xi32, #tpu.memory_space<vmem>> -> memref<1x80xi32, #tpu.memory_space<vmem>>
    %dma_start3A_294 = tpu.memref_squeeze %dma_start3A_293 : memref<1x80xi32, #tpu.memory_space<vmem>> -> memref<80xi32, #tpu.memory_space<vmem>>
    %dma_start3A_295 = arith.constant 0 : i32
    %dma_start3A_296 = arith.constant 0 : i32
    %dma_start3A_297 = tpu.memref_slice %arg21[%dma_start3A_295, %dma_start3A_296] : memref<10112x128xf32, #tpu.memory_space<vmem_shared>> -> memref<10112x128xf32, #tpu.memory_space<vmem_shared>>
    tpu.enqueue_indirect_dma source(%arg9 : memref<80x128xf32, #tpu.memory_space<vmem>>) target(%dma_start3A_297 : memref<10112x128xf32, #tpu.memory_space<vmem_shared>>) offsets(%dma_start3A_294 : memref<80xi32, #tpu.memory_space<vmem>>) semaphore(%arg18 : memref<!tpu.dma_semaphore, #tpu.memory_space<semaphore_mem>>) {add = true}
    %dma_wait3A_298 = arith.constant 124 : i32
    %dma_wait3A_299 = arith.constant 0 : i32
    %dma_wait3A_300 = tpu.memref_slice %arg7[%dma_wait3A_298, %dma_wait3A_299] : memref<125x80xi32, #tpu.memory_space<vmem>> -> memref<1x80xi32, #tpu.memory_space<vmem>>
    %dma_wait3A_301 = tpu.memref_squeeze %dma_wait3A_300 : memref<1x80xi32, #tpu.memory_space<vmem>> -> memref<80xi32, #tpu.memory_space<vmem>>
    %dma_wait3A_302 = arith.constant 0 : i32
    %dma_wait3A_303 = arith.constant 0 : i32
    %dma_wait3A_304 = tpu.memref_slice %arg2[%dma_wait3A_302, %dma_wait3A_303] : memref<10000x128xf32, #tpu.memory_space<hbm>> -> memref<10000x128xf32, #tpu.memory_space<hbm>>
    tpu.wait_indirect_dma semaphore(%arg13 : memref<!tpu.dma_semaphore, #tpu.memory_space<semaphore_mem>>) src(%dma_wait3A_304 : memref<10000x128xf32, #tpu.memory_space<hbm>>) dst(%arg10 : memref<80x128xf32, #tpu.memory_space<vmem>>)
    %dma_wait3A_305 = arith.constant 1 : i32
    %dma_wait3A_306 = arith.constant 0 : i32
    %dma_wait3A_307 = tpu.memref_slice %arg8[%dma_wait3A_305, %dma_wait3A_306] : memref<3x80xi32, #tpu.memory_space<vmem>> -> memref<1x80xi32, #tpu.memory_space<vmem>>
    %dma_wait3A_308 = arith.constant 0 : i32
    %dma_wait3A_309 = arith.constant 0 : i32
    %dma_wait3A_310 = tpu.memref_slice %arg4[%add3A, %dma_wait3A_308, %dma_wait3A_309] : memref<32x125x80xi32, #tpu.memory_space<hbm>> -> memref<1x125x80xi32, #tpu.memory_space<hbm>>
    %dma_wait3A_311 = tpu.memref_squeeze %dma_wait3A_310 : memref<1x125x80xi32, #tpu.memory_space<hbm>> -> memref<125x80xi32, #tpu.memory_space<hbm>>
    %dma_wait3A_312 = arith.constant 124 : i32
    %dma_wait3A_313 = arith.constant 0 : i32
    %dma_wait3A_314 = tpu.memref_slice %dma_wait3A_311[%dma_wait3A_312, %dma_wait3A_313] : memref<125x80xi32, #tpu.memory_space<hbm>> -> memref<1x80xi32, #tpu.memory_space<hbm>>
    %dma_wait3A_315 = arith.constant 1 : i32
    %dma_wait3A_316 = arith.constant 0 : i32
    %dma_wait3A_317 = tpu.memref_slice %arg8[%dma_wait3A_315, %dma_wait3A_316] : memref<3x80xi32, #tpu.memory_space<vmem>> -> memref<1x80xi32, #tpu.memory_space<vmem>>
    %dma_wait3A_318 = arith.constant 0 : i32
    %dma_wait3A_319 = arith.constant 0 : i32
    %dma_wait3A_320 = tpu.memref_slice %arg4[%add3A, %dma_wait3A_318, %dma_wait3A_319] : memref<32x125x80xi32, #tpu.memory_space<hbm>> -> memref<1x125x80xi32, #tpu.memory_space<hbm>>
    %dma_wait3A_321 = tpu.memref_squeeze %dma_wait3A_320 : memref<1x125x80xi32, #tpu.memory_space<hbm>> -> memref<125x80xi32, #tpu.memory_space<hbm>>
    %dma_wait3A_322 = arith.constant 124 : i32
    %dma_wait3A_323 = arith.constant 0 : i32
    %dma_wait3A_324 = tpu.memref_slice %dma_wait3A_321[%dma_wait3A_322, %dma_wait3A_323] : memref<125x80xi32, #tpu.memory_space<hbm>> -> memref<1x80xi32, #tpu.memory_space<hbm>>
    tpu.wait_dma2 semaphore(%arg16 : memref<!tpu.dma_semaphore, #tpu.memory_space<semaphore_mem>>) src(%dma_wait3A_324 : memref<1x80xi32, #tpu.memory_space<hbm>>) dst(%dma_wait3A_317 : memref<1x80xi32, #tpu.memory_space<vmem>>)
    %dma_start3A_325 = arith.constant 1 : i32
    %dma_start3A_326 = arith.constant 0 : i32
    %dma_start3A_327 = tpu.memref_slice %arg8[%dma_start3A_325, %dma_start3A_326] : memref<3x80xi32, #tpu.memory_space<vmem>> -> memref<1x80xi32, #tpu.memory_space<vmem>>
    %dma_start3A_328 = tpu.memref_squeeze %dma_start3A_327 : memref<1x80xi32, #tpu.memory_space<vmem>> -> memref<80xi32, #tpu.memory_space<vmem>>
    %dma_start3A_329 = arith.constant 0 : i32
    %dma_start3A_330 = arith.constant 0 : i32
    %dma_start3A_331 = tpu.memref_slice %arg21[%dma_start3A_329, %dma_start3A_330] : memref<10112x128xf32, #tpu.memory_space<vmem_shared>> -> memref<10112x128xf32, #tpu.memory_space<vmem_shared>>
    tpu.enqueue_indirect_dma source(%arg10 : memref<80x128xf32, #tpu.memory_space<vmem>>) target(%dma_start3A_331 : memref<10112x128xf32, #tpu.memory_space<vmem_shared>>) offsets(%dma_start3A_328 : memref<80xi32, #tpu.memory_space<vmem>>) semaphore(%arg19 : memref<!tpu.dma_semaphore, #tpu.memory_space<semaphore_mem>>) {add = true}
    %dma_wait3A_332 = arith.constant 0 : i32
    %dma_wait3A_333 = arith.constant 0 : i32
    %dma_wait3A_334 = tpu.memref_slice %arg8[%dma_wait3A_332, %dma_wait3A_333] : memref<3x80xi32, #tpu.memory_space<vmem>> -> memref<1x80xi32, #tpu.memory_space<vmem>>
    %dma_wait3A_335 = tpu.memref_squeeze %dma_wait3A_334 : memref<1x80xi32, #tpu.memory_space<vmem>> -> memref<80xi32, #tpu.memory_space<vmem>>
    %dma_wait3A_336 = arith.constant 0 : i32
    %dma_wait3A_337 = arith.constant 0 : i32
    %dma_wait3A_338 = tpu.memref_slice %arg21[%dma_wait3A_336, %dma_wait3A_337] : memref<10112x128xf32, #tpu.memory_space<vmem_shared>> -> memref<10112x128xf32, #tpu.memory_space<vmem_shared>>
    tpu.wait_indirect_dma semaphore(%arg18 : memref<!tpu.dma_semaphore, #tpu.memory_space<semaphore_mem>>) src(%arg9 : memref<80x128xf32, #tpu.memory_space<vmem>>) dst(%dma_wait3A_338 : memref<10112x128xf32, #tpu.memory_space<vmem_shared>>)
    %dma_wait3A_339 = arith.constant 1 : i32
    %dma_wait3A_340 = arith.constant 0 : i32
    %dma_wait3A_341 = tpu.memref_slice %arg8[%dma_wait3A_339, %dma_wait3A_340] : memref<3x80xi32, #tpu.memory_space<vmem>> -> memref<1x80xi32, #tpu.memory_space<vmem>>
    %dma_wait3A_342 = tpu.memref_squeeze %dma_wait3A_341 : memref<1x80xi32, #tpu.memory_space<vmem>> -> memref<80xi32, #tpu.memory_space<vmem>>
    %dma_wait3A_343 = arith.constant 0 : i32
    %dma_wait3A_344 = arith.constant 0 : i32
    %dma_wait3A_345 = tpu.memref_slice %arg21[%dma_wait3A_343, %dma_wait3A_344] : memref<10112x128xf32, #tpu.memory_space<vmem_shared>> -> memref<10112x128xf32, #tpu.memory_space<vmem_shared>>
    tpu.wait_indirect_dma semaphore(%arg19 : memref<!tpu.dma_semaphore, #tpu.memory_space<semaphore_mem>>) src(%arg10 : memref<80x128xf32, #tpu.memory_space<vmem>>) dst(%dma_wait3A_345 : memref<10112x128xf32, #tpu.memory_space<vmem_shared>>)
    %barrier3A_346 = arith.constant 0 : index
    tpu.barrier barrier_id(%barrier3A_346)
    "tpu.region"() ({
      %run_scoped3A = tpu.sem_alloc : memref<!tpu.dma_semaphore, #tpu.memory_space<semaphore_mem>>
      %dma_start3A_347 = arith.constant 0 : i32
      %dma_start3A_348 = arith.constant 0 : i32
      %dma_start3A_349 = tpu.memref_slice %arg6[%arg0, %dma_start3A_347, %dma_start3A_348] : memref<2x10112x128xf32, #tpu.memory_space<hbm>> -> memref<1x10112x128xf32, #tpu.memory_space<hbm>>
      %dma_start3A_350 = tpu.memref_squeeze %dma_start3A_349 : memref<1x10112x128xf32, #tpu.memory_space<hbm>> -> memref<10112x128xf32, #tpu.memory_space<hbm>>
      %dma_start3A_351 = arith.constant 0 : i32
      %dma_start3A_352 = tpu.memref_slice %dma_start3A_350[%mul3A_2, %dma_start3A_351] : memref<10112x128xf32, #tpu.memory_space<hbm>> -> memref<632x128xf32, #tpu.memory_space<hbm>>
      %dma_start3A_353 = arith.constant 0 : i32
      %dma_start3A_354 = tpu.memref_slice %arg21[%mul3A_2, %dma_start3A_353] : memref<10112x128xf32, #tpu.memory_space<vmem_shared>> -> memref<632x128xf32, #tpu.memory_space<vmem_shared>>
      tpu.enqueue_dma source(%dma_start3A_354 : memref<632x128xf32, #tpu.memory_space<vmem_shared>>) target(%dma_start3A_352 : memref<632x128xf32, #tpu.memory_space<hbm>>) target_semaphore(%run_scoped3A : memref<!tpu.dma_semaphore, #tpu.memory_space<semaphore_mem>>)
      %dma_wait3A_355 = arith.constant 0 : i32
      %dma_wait3A_356 = arith.constant 0 : i32
      %dma_wait3A_357 = tpu.memref_slice %arg6[%arg0, %dma_wait3A_355, %dma_wait3A_356] : memref<2x10112x128xf32, #tpu.memory_space<hbm>> -> memref<1x10112x128xf32, #tpu.memory_space<hbm>>
      %dma_wait3A_358 = tpu.memref_squeeze %dma_wait3A_357 : memref<1x10112x128xf32, #tpu.memory_space<hbm>> -> memref<10112x128xf32, #tpu.memory_space<hbm>>
      %dma_wait3A_359 = arith.constant 0 : i32
      %dma_wait3A_360 = tpu.memref_slice %dma_wait3A_358[%mul3A_2, %dma_wait3A_359] : memref<10112x128xf32, #tpu.memory_space<hbm>> -> memref<632x128xf32, #tpu.memory_space<hbm>>
      %dma_wait3A_361 = arith.constant 0 : i32
      %dma_wait3A_362 = tpu.memref_slice %arg21[%mul3A_2, %dma_wait3A_361] : memref<10112x128xf32, #tpu.memory_space<vmem_shared>> -> memref<632x128xf32, #tpu.memory_space<vmem_shared>>
      tpu.wait_dma2 semaphore(%run_scoped3A : memref<!tpu.dma_semaphore, #tpu.memory_space<semaphore_mem>>) src(%dma_wait3A_362 : memref<632x128xf32, #tpu.memory_space<vmem_shared>>) dst(%dma_wait3A_360 : memref<632x128xf32, #tpu.memory_space<hbm>>)
      tpu.yield
    }) : () -> ()
    return
  }
}

module attributes {stable_mosaic.version = 14 : i64} {
  func.func @body(%arg0: i32, %arg1: memref<2x2000x128xf32, #tpu.memory_space<vmem>>, %arg2: memref<2000x128xf32, #tpu.memory_space<vmem>>, %arg3: memref<2000x1xf32, #tpu.memory_space<vmem>>, %arg4: memref<2000x128xf32, #tpu.memory_space<vmem>>) attributes {dimension_semantics = [#tpu.dimension_semantics<arbitrary>], iteration_bounds = array<i64: 5>, scalar_prefetch = 0 : i64, scratch_operands = 0 : i64, tpu.core_type = #tpu.core_type<tc>, window_params = [{transform_indices = @transform_0, window_bounds = array<i64: 2, 2000, 128>}, {transform_indices = @transform_1, window_bounds = array<i64: 2000, 128>}, {transform_indices = @transform_2, window_bounds = array<i64: 2000, 1>}, {transform_indices = @transform_3, window_bounds = array<i64: 2000, 128>}]} {
    %get3A = arith.constant 0 : index
    %get3A_0 = arith.constant 0 : index
    %get3A_1 = arith.constant 0 : index
    %get3A_2 = vector.load %arg1[%get3A, %get3A_0, %get3A_1] : memref<2x2000x128xf32, #tpu.memory_space<vmem>>, vector<1x2000x1xf32>
    %get3A_3 = vector.shape_cast %get3A_2 : vector<1x2000x1xf32> to vector<2000x1xf32>
    %get3A_4 = arith.constant 1 : index
    %get3A_5 = arith.constant 0 : index
    %get3A_6 = arith.constant 0 : index
    %get3A_7 = vector.load %arg1[%get3A_4, %get3A_5, %get3A_6] : memref<2x2000x128xf32, #tpu.memory_space<vmem>>, vector<1x2000x1xf32>
    %get3A_8 = vector.shape_cast %get3A_7 : vector<1x2000x1xf32> to vector<2000x1xf32>
    %add3A = arith.addf %get3A_3, %get3A_8 : vector<2000x1xf32>
    %add3A_9 = arith.constant 1.000000e+00 : f32
    %add3A_10 = vector.broadcast %add3A_9 : f32 to vector<2000x1xf32>
    %add3A_11 = arith.addf %add3A, %add3A_10 : vector<2000x1xf32>
    %rsqrt3A = math.rsqrt %add3A_11 : vector<2000x1xf32>
    %swap3A = arith.constant 0 : index
    %swap3A_12 = arith.constant 0 : index
    %swap3A_13 = vector.load %arg3[%swap3A, %swap3A_12] : memref<2000x1xf32, #tpu.memory_space<vmem>>, vector<2000x1xf32>
    tpu.vector_store %arg3[%swap3A, %swap3A_12], %rsqrt3A {strides = array<i32>} : memref<2000x1xf32, #tpu.memory_space<vmem>>, vector<2000x1xf32>,
    %get3A_14 = arith.constant 0 : index
    %get3A_15 = arith.constant 0 : index
    %get3A_16 = vector.load %arg2[%get3A_14, %get3A_15] : memref<2000x128xf32, #tpu.memory_space<vmem>>, vector<2000x128xf32>
    %mul3A = vector.broadcast %rsqrt3A : vector<2000x1xf32> to vector<2000x128xf32>
    %mul3A_17 = arith.mulf %get3A_16, %mul3A : vector<2000x128xf32>
    %swap3A_18 = arith.constant 0 : index
    %swap3A_19 = arith.constant 0 : index
    %swap3A_20 = vector.load %arg4[%swap3A_18, %swap3A_19] : memref<2000x128xf32, #tpu.memory_space<vmem>>, vector<2000x128xf32>
    tpu.vector_store %arg4[%swap3A_18, %swap3A_19], %mul3A_17 {strides = array<i32>} : memref<2000x128xf32, #tpu.memory_space<vmem>>, vector<2000x128xf32>,
    return
  }
  func.func @transform_0(%arg0: i32) -> (i32, i32, i32) {
    %c0_i32 = arith.constant 0 : i32
    %c0_i32_0 = arith.constant 0 : i32
    %c0_i32_1 = arith.constant 0 : i32
    return %c0_i32, %arg0, %c0_i32_0 : i32, i32, i32
  }
  func.func @transform_1(%arg0: i32) -> (i32, i32) {
    %c0_i32 = arith.constant 0 : i32
    %c0_i32_0 = arith.constant 0 : i32
    return %arg0, %c0_i32 : i32, i32
  }
  func.func @transform_2(%arg0: i32) -> (i32, i32) {
    %c0_i32 = arith.constant 0 : i32
    %c0_i32_0 = arith.constant 0 : i32
    return %arg0, %c0_i32 : i32, i32
  }
  func.func @transform_3(%arg0: i32) -> (i32, i32) {
    %c0_i32 = arith.constant 0 : i32
    %c0_i32_0 = arith.constant 0 : i32
    return %arg0, %c0_i32 : i32, i32
  }
}

module attributes {stable_mosaic.version = 14 : i64} {
  func.func @body(%arg0: i32, %arg1: memref<2x2000x128xf32, #tpu.memory_space<vmem>>, %arg2: memref<2000x128xf32, #tpu.memory_space<vmem>>, %arg3: memref<2000x1xf32, #tpu.memory_space<vmem>>, %arg4: memref<128x128xf32, #tpu.memory_space<vmem>>, %arg5: memref<1x128xf32, #tpu.memory_space<vmem>>, %arg6: memref<2000x128xf32, #tpu.memory_space<vmem>>) attributes {dimension_semantics = [#tpu.dimension_semantics<arbitrary>], iteration_bounds = array<i64: 5>, scalar_prefetch = 0 : i64, scratch_operands = 0 : i64, tpu.core_type = #tpu.core_type<tc>, window_params = [{transform_indices = @transform_0, window_bounds = array<i64: 2, 2000, 128>}, {transform_indices = @transform_1, window_bounds = array<i64: 2000, 128>}, {transform_indices = @transform_2, window_bounds = array<i64: 2000, 1>}, {pipeline_mode = #tpu.pipeline_mode<synchronous>, transform_indices = @transform_3, window_bounds = array<i64: 128, 128>}, {pipeline_mode = #tpu.pipeline_mode<synchronous>, transform_indices = @transform_4, window_bounds = array<i64: 1, 128>}, {transform_indices = @transform_5, window_bounds = array<i64: 2000, 128>}]} {
    %get3A = arith.constant 0 : index
    %get3A_0 = arith.constant 0 : index
    %get3A_1 = vector.load %arg3[%get3A, %get3A_0] : memref<2000x1xf32, #tpu.memory_space<vmem>>, vector<2000x1xf32>
    %get3A_2 = arith.constant 0 : index
    %get3A_3 = arith.constant 0 : index
    %get3A_4 = arith.constant 0 : index
    %get3A_5 = vector.load %arg1[%get3A_2, %get3A_3, %get3A_4] : memref<2x2000x128xf32, #tpu.memory_space<vmem>>, vector<1x2000x128xf32>
    %get3A_6 = vector.shape_cast %get3A_5 : vector<1x2000x128xf32> to vector<2000x128xf32>
    %get3A_7 = arith.constant 1 : index
    %get3A_8 = arith.constant 0 : index
    %get3A_9 = arith.constant 0 : index
    %get3A_10 = vector.load %arg1[%get3A_7, %get3A_8, %get3A_9] : memref<2x2000x128xf32, #tpu.memory_space<vmem>>, vector<1x2000x128xf32>
    %get3A_11 = vector.shape_cast %get3A_10 : vector<1x2000x128xf32> to vector<2000x128xf32>
    %add3A = arith.addf %get3A_6, %get3A_11 : vector<2000x128xf32>
    %get3A_12 = arith.constant 0 : index
    %get3A_13 = arith.constant 0 : index
    %get3A_14 = vector.load %arg2[%get3A_12, %get3A_13] : memref<2000x128xf32, #tpu.memory_space<vmem>>, vector<2000x128xf32>
    %add3A_15 = arith.addf %add3A, %get3A_14 : vector<2000x128xf32>
    %mul3A = vector.broadcast %get3A_1 : vector<2000x1xf32> to vector<2000x128xf32>
    %mul3A_16 = arith.mulf %add3A_15, %mul3A : vector<2000x128xf32>
    %get3A_17 = arith.constant 0 : index
    %get3A_18 = arith.constant 0 : index
    %get3A_19 = vector.load %arg4[%get3A_17, %get3A_18] : memref<128x128xf32, #tpu.memory_space<vmem>>, vector<128x128xf32>
    %dot_general3A = arith.constant dense<0.000000e+00> : vector<2000x128xf32>
    %dot_general3A_20 = tpu.matmul %mul3A_16, %get3A_19, %dot_general3A {dimension_numbers = #tpu.dot_dimension_numbers<[1], [0], [0], [1], [0, 0, 1, 1], [], []>, transpose_lhs_hint = false} : vector<2000x128xf32>, vector<128x128xf32>, vector<2000x128xf32> -> vector<2000x128xf32>
    %get3A_21 = arith.constant 0 : index
    %get3A_22 = arith.constant 0 : index
    %get3A_23 = vector.load %arg5[%get3A_21, %get3A_22] : memref<1x128xf32, #tpu.memory_space<vmem>>, vector<1x128xf32>
    %add3A_24 = vector.broadcast %get3A_23 : vector<1x128xf32> to vector<2000x128xf32>
    %add3A_25 = arith.addf %dot_general3A_20, %add3A_24 : vector<2000x128xf32>
    %abs3A = math.absf %add3A_25 : vector<2000x128xf32>
    %neg3A = arith.constant 0.000000e+00 : f32
    %neg3A_26 = vector.broadcast %neg3A : f32 to vector<2000x128xf32>
    %neg3A_27 = arith.subf %neg3A_26, %abs3A : vector<2000x128xf32>
    %exp3A = math.exp %neg3A_27 : vector<2000x128xf32>
    %add3A_28 = arith.constant 1.000000e+00 : f32
    %add3A_29 = vector.broadcast %add3A_28 : f32 to vector<2000x128xf32>
    %add3A_30 = arith.addf %add3A_29, %exp3A : vector<2000x128xf32>
    %log3A = math.log %add3A_30 : vector<2000x128xf32>
    %max3A = arith.constant 0.000000e+00 : f32
    %max3A_31 = vector.broadcast %max3A : f32 to vector<2000x128xf32>
    %max3A_32 = arith.maximumf %add3A_25, %max3A_31 : vector<2000x128xf32>
    %add3A_33 = arith.addf %log3A, %max3A_32 : vector<2000x128xf32>
    %mul3A_34 = vector.broadcast %get3A_1 : vector<2000x1xf32> to vector<2000x128xf32>
    %mul3A_35 = arith.mulf %add3A_33, %mul3A_34 : vector<2000x128xf32>
    %swap3A = arith.constant 0 : index
    %swap3A_36 = arith.constant 0 : index
    %swap3A_37 = vector.load %arg6[%swap3A, %swap3A_36] : memref<2000x128xf32, #tpu.memory_space<vmem>>, vector<2000x128xf32>
    tpu.vector_store %arg6[%swap3A, %swap3A_36], %mul3A_35 {strides = array<i32>} : memref<2000x128xf32, #tpu.memory_space<vmem>>, vector<2000x128xf32>,
    return
  }
  func.func @transform_0(%arg0: i32) -> (i32, i32, i32) {
    %c0_i32 = arith.constant 0 : i32
    %c0_i32_0 = arith.constant 0 : i32
    %c0_i32_1 = arith.constant 0 : i32
    return %c0_i32, %arg0, %c0_i32_0 : i32, i32, i32
  }
  func.func @transform_1(%arg0: i32) -> (i32, i32) {
    %c0_i32 = arith.constant 0 : i32
    %c0_i32_0 = arith.constant 0 : i32
    return %arg0, %c0_i32 : i32, i32
  }
  func.func @transform_2(%arg0: i32) -> (i32, i32) {
    %c0_i32 = arith.constant 0 : i32
    %c0_i32_0 = arith.constant 0 : i32
    return %arg0, %c0_i32 : i32, i32
  }
  func.func @transform_3(%arg0: i32) -> (i32, i32) {
    %c0_i32 = arith.constant 0 : i32
    %c0_i32_0 = arith.constant 0 : i32
    %c0_i32_1 = arith.constant 0 : i32
    return %c0_i32, %c0_i32_0 : i32, i32
  }
  func.func @transform_4(%arg0: i32) -> (i32, i32) {
    %c0_i32 = arith.constant 0 : i32
    %c0_i32_0 = arith.constant 0 : i32
    %c0_i32_1 = arith.constant 0 : i32
    return %c0_i32, %c0_i32_0 : i32, i32
  }
  func.func @transform_5(%arg0: i32) -> (i32, i32) {
    %c0_i32 = arith.constant 0 : i32
    %c0_i32_0 = arith.constant 0 : i32
    return %arg0, %c0_i32 : i32, i32
  }
}

module attributes {stable_mosaic.version = 14 : i64} {
  func.func @body(%arg0: i32, %arg1: memref<2x2000x128xf32, #tpu.memory_space<vmem>>, %arg2: memref<2000x128xf32, #tpu.memory_space<vmem>>, %arg3: memref<2000x1xf32, #tpu.memory_space<vmem>>, %arg4: memref<128x64xf32, #tpu.memory_space<vmem>>, %arg5: memref<1x64xf32, #tpu.memory_space<vmem>>, %arg6: memref<128x64xf32, #tpu.memory_space<vmem>>, %arg7: memref<1x64xf32, #tpu.memory_space<vmem>>, %arg8: memref<2000x64xf32, #tpu.memory_space<vmem>>, %arg9: memref<2000x64xf32, #tpu.memory_space<vmem>>, %arg10: memref<2000x64xf32, #tpu.memory_space<vmem>>, %arg11: memref<2000x64xf32, #tpu.memory_space<vmem>>, %arg12: memref<2000x64xf32, #tpu.memory_space<vmem>>, %arg13: memref<2000x64xf32, #tpu.memory_space<vmem>>) attributes {dimension_semantics = [#tpu.dimension_semantics<arbitrary>], iteration_bounds = array<i64: 5>, scalar_prefetch = 0 : i64, scratch_operands = 0 : i64, tpu.core_type = #tpu.core_type<tc>, window_params = [{transform_indices = @transform_0, window_bounds = array<i64: 2, 2000, 128>}, {transform_indices = @transform_1, window_bounds = array<i64: 2000, 128>}, {transform_indices = @transform_2, window_bounds = array<i64: 2000, 1>}, {pipeline_mode = #tpu.pipeline_mode<synchronous>, transform_indices = @transform_3, window_bounds = array<i64: 128, 64>}, {pipeline_mode = #tpu.pipeline_mode<synchronous>, transform_indices = @transform_4, window_bounds = array<i64: 1, 64>}, {pipeline_mode = #tpu.pipeline_mode<synchronous>, transform_indices = @transform_5, window_bounds = array<i64: 128, 64>}, {pipeline_mode = #tpu.pipeline_mode<synchronous>, transform_indices = @transform_6, window_bounds = array<i64: 1, 64>}, {transform_indices = @transform_7, window_bounds = array<i64: 2000, 64>}, {transform_indices = @transform_8, window_bounds = array<i64: 2000, 64>}, {transform_indices = @transform_9, window_bounds = array<i64: 2000, 64>}, {transform_indices = @transform_10, window_bounds = array<i64: 2000, 64>}, {transform_indices = @transform_11, window_bounds = array<i64: 2000, 64>}, {transform_indices = @transform_12, window_bounds = array<i64: 2000, 64>}]} {
    %get3A = arith.constant 0 : index
    %get3A_0 = arith.constant 0 : index
    %get3A_1 = vector.load %arg3[%get3A, %get3A_0] : memref<2000x1xf32, #tpu.memory_space<vmem>>, vector<2000x1xf32>
    %get3A_2 = arith.constant 0 : index
    %get3A_3 = arith.constant 0 : index
    %get3A_4 = arith.constant 0 : index
    %get3A_5 = vector.load %arg1[%get3A_2, %get3A_3, %get3A_4] : memref<2x2000x128xf32, #tpu.memory_space<vmem>>, vector<1x2000x128xf32>
    %get3A_6 = vector.shape_cast %get3A_5 : vector<1x2000x128xf32> to vector<2000x128xf32>
    %get3A_7 = arith.constant 1 : index
    %get3A_8 = arith.constant 0 : index
    %get3A_9 = arith.constant 0 : index
    %get3A_10 = vector.load %arg1[%get3A_7, %get3A_8, %get3A_9] : memref<2x2000x128xf32, #tpu.memory_space<vmem>>, vector<1x2000x128xf32>
    %get3A_11 = vector.shape_cast %get3A_10 : vector<1x2000x128xf32> to vector<2000x128xf32>
    %add3A = arith.addf %get3A_6, %get3A_11 : vector<2000x128xf32>
    %get3A_12 = arith.constant 0 : index
    %get3A_13 = arith.constant 0 : index
    %get3A_14 = vector.load %arg2[%get3A_12, %get3A_13] : memref<2000x128xf32, #tpu.memory_space<vmem>>, vector<2000x128xf32>
    %add3A_15 = arith.addf %add3A, %get3A_14 : vector<2000x128xf32>
    %mul3A = vector.broadcast %get3A_1 : vector<2000x1xf32> to vector<2000x128xf32>
    %mul3A_16 = arith.mulf %add3A_15, %mul3A : vector<2000x128xf32>
    %get3A_17 = arith.constant 0 : index
    %get3A_18 = arith.constant 0 : index
    %get3A_19 = vector.load %arg4[%get3A_17, %get3A_18] : memref<128x64xf32, #tpu.memory_space<vmem>>, vector<128x64xf32>
    %dot_general3A = arith.constant dense<0.000000e+00> : vector<2000x64xf32>
    %dot_general3A_20 = tpu.matmul %mul3A_16, %get3A_19, %dot_general3A {dimension_numbers = #tpu.dot_dimension_numbers<[1], [0], [0], [1], [0, 0, 1, 1], [], []>, transpose_lhs_hint = false} : vector<2000x128xf32>, vector<128x64xf32>, vector<2000x64xf32> -> vector<2000x64xf32>
    %get3A_21 = arith.constant 0 : index
    %get3A_22 = arith.constant 0 : index
    %get3A_23 = vector.load %arg5[%get3A_21, %get3A_22] : memref<1x64xf32, #tpu.memory_space<vmem>>, vector<1x64xf32>
    %add3A_24 = vector.broadcast %get3A_23 : vector<1x64xf32> to vector<2000x64xf32>
    %add3A_25 = arith.addf %dot_general3A_20, %add3A_24 : vector<2000x64xf32>
    %get3A_26 = arith.constant 0 : index
    %get3A_27 = arith.constant 0 : index
    %get3A_28 = vector.load %arg6[%get3A_26, %get3A_27] : memref<128x64xf32, #tpu.memory_space<vmem>>, vector<128x64xf32>
    %dot_general3A_29 = arith.constant dense<0.000000e+00> : vector<2000x64xf32>
    %dot_general3A_30 = tpu.matmul %mul3A_16, %get3A_28, %dot_general3A_29 {dimension_numbers = #tpu.dot_dimension_numbers<[1], [0], [0], [1], [0, 0, 1, 1], [], []>, transpose_lhs_hint = false} : vector<2000x128xf32>, vector<128x64xf32>, vector<2000x64xf32> -> vector<2000x64xf32>
    %get3A_31 = arith.constant 0 : index
    %get3A_32 = arith.constant 0 : index
    %get3A_33 = vector.load %arg7[%get3A_31, %get3A_32] : memref<1x64xf32, #tpu.memory_space<vmem>>, vector<1x64xf32>
    %add3A_34 = vector.broadcast %get3A_33 : vector<1x64xf32> to vector<2000x64xf32>
    %add3A_35 = arith.addf %dot_general3A_30, %add3A_34 : vector<2000x64xf32>
    %exp3A = math.exp %add3A_35 : vector<2000x64xf32>
    %sqrt3A = math.sqrt %exp3A : vector<2000x64xf32>
    %get3A_36 = arith.constant 0 : index
    %get3A_37 = arith.constant 0 : index
    %get3A_38 = vector.load %arg8[%get3A_36, %get3A_37] : memref<2000x64xf32, #tpu.memory_space<vmem>>, vector<2000x64xf32>
    %mul3A_39 = arith.mulf %sqrt3A, %get3A_38 : vector<2000x64xf32>
    %add3A_40 = arith.addf %add3A_25, %mul3A_39 : vector<2000x64xf32>
    %reduce_max3A = arith.constant dense<0xFF800000> : vector<2000xf32>
    %reduce_max3A_41 = vector.multi_reduction <maximumf>, %add3A_40, %reduce_max3A [1] : vector<2000x64xf32> to vector<2000xf32>
    %broadcast_in_dim3A = vector.shape_cast %reduce_max3A_41 : vector<2000xf32> to vector<2000x1xf32>
    %sub3A = vector.broadcast %broadcast_in_dim3A : vector<2000x1xf32> to vector<2000x64xf32>
    %sub3A_42 = arith.subf %add3A_40, %sub3A : vector<2000x64xf32>
    %exp3A_43 = math.exp %sub3A_42 : vector<2000x64xf32>
    %reduce_sum3A = arith.constant dense<0.000000e+00> : vector<2000xf32>
    %reduce_sum3A_44 = vector.multi_reduction <add>, %exp3A_43, %reduce_sum3A [1] : vector<2000x64xf32> to vector<2000xf32>
    %broadcast_in_dim3A_45 = vector.shape_cast %reduce_sum3A_44 : vector<2000xf32> to vector<2000x1xf32>
    %div3A = vector.broadcast %broadcast_in_dim3A_45 : vector<2000x1xf32> to vector<2000x64xf32>
    %div3A_46 = arith.divf %exp3A_43, %div3A : vector<2000x64xf32>
    %swap3A = arith.constant 0 : index
    %swap3A_47 = arith.constant 0 : index
    %swap3A_48 = vector.load %arg9[%swap3A, %swap3A_47] : memref<2000x64xf32, #tpu.memory_space<vmem>>, vector<2000x64xf32>
    tpu.vector_store %arg9[%swap3A, %swap3A_47], %add3A_40 {strides = array<i32>} : memref<2000x64xf32, #tpu.memory_space<vmem>>, vector<2000x64xf32>,
    %swap3A_49 = arith.constant 0 : index
    %swap3A_50 = arith.constant 0 : index
    %swap3A_51 = vector.load %arg10[%swap3A_49, %swap3A_50] : memref<2000x64xf32, #tpu.memory_space<vmem>>, vector<2000x64xf32>
    tpu.vector_store %arg10[%swap3A_49, %swap3A_50], %div3A_46 {strides = array<i32>} : memref<2000x64xf32, #tpu.memory_space<vmem>>, vector<2000x64xf32>,
    %swap3A_52 = arith.constant 0 : index
    %swap3A_53 = arith.constant 0 : index
    %swap3A_54 = vector.load %arg11[%swap3A_52, %swap3A_53] : memref<2000x64xf32, #tpu.memory_space<vmem>>, vector<2000x64xf32>
    tpu.vector_store %arg11[%swap3A_52, %swap3A_53], %add3A_25 {strides = array<i32>} : memref<2000x64xf32, #tpu.memory_space<vmem>>, vector<2000x64xf32>,
    %swap3A_55 = arith.constant 0 : index
    %swap3A_56 = arith.constant 0 : index
    %swap3A_57 = vector.load %arg12[%swap3A_55, %swap3A_56] : memref<2000x64xf32, #tpu.memory_space<vmem>>, vector<2000x64xf32>
    tpu.vector_store %arg12[%swap3A_55, %swap3A_56], %add3A_35 {strides = array<i32>} : memref<2000x64xf32, #tpu.memory_space<vmem>>, vector<2000x64xf32>,
    %swap3A_58 = arith.constant 0 : index
    %swap3A_59 = arith.constant 0 : index
    %swap3A_60 = vector.load %arg13[%swap3A_58, %swap3A_59] : memref<2000x64xf32, #tpu.memory_space<vmem>>, vector<2000x64xf32>
    tpu.vector_store %arg13[%swap3A_58, %swap3A_59], %exp3A {strides = array<i32>} : memref<2000x64xf32, #tpu.memory_space<vmem>>, vector<2000x64xf32>,
    return
  }
  func.func @transform_0(%arg0: i32) -> (i32, i32, i32) {
    %c0_i32 = arith.constant 0 : i32
    %c0_i32_0 = arith.constant 0 : i32
    %c0_i32_1 = arith.constant 0 : i32
    return %c0_i32, %arg0, %c0_i32_0 : i32, i32, i32
  }
  func.func @transform_1(%arg0: i32) -> (i32, i32) {
    %c0_i32 = arith.constant 0 : i32
    %c0_i32_0 = arith.constant 0 : i32
    return %arg0, %c0_i32 : i32, i32
  }
  func.func @transform_2(%arg0: i32) -> (i32, i32) {
    %c0_i32 = arith.constant 0 : i32
    %c0_i32_0 = arith.constant 0 : i32
    return %arg0, %c0_i32 : i32, i32
  }
  func.func @transform_3(%arg0: i32) -> (i32, i32) {
    %c0_i32 = arith.constant 0 : i32
    %c0_i32_0 = arith.constant 0 : i32
    %c0_i32_1 = arith.constant 0 : i32
    return %c0_i32, %c0_i32_0 : i32, i32
  }
  func.func @transform_4(%arg0: i32) -> (i32, i32) {
    %c0_i32 = arith.constant 0 : i32
    %c0_i32_0 = arith.constant 0 : i32
    %c0_i32_1 = arith.constant 0 : i32
    return %c0_i32, %c0_i32_0 : i32, i32
  }
  func.func @transform_5(%arg0: i32) -> (i32, i32) {
    %c0_i32 = arith.constant 0 : i32
    %c0_i32_0 = arith.constant 0 : i32
    %c0_i32_1 = arith.constant 0 : i32
    return %c0_i32, %c0_i32_0 : i32, i32
  }
  func.func @transform_6(%arg0: i32) -> (i32, i32) {
    %c0_i32 = arith.constant 0 : i32
    %c0_i32_0 = arith.constant 0 : i32
    %c0_i32_1 = arith.constant 0 : i32
    return %c0_i32, %c0_i32_0 : i32, i32
  }
  func.func @transform_7(%arg0: i32) -> (i32, i32) {
    %c0_i32 = arith.constant 0 : i32
    %c0_i32_0 = arith.constant 0 : i32
    return %arg0, %c0_i32 : i32, i32
  }
  func.func @transform_8(%arg0: i32) -> (i32, i32) {
    %c0_i32 = arith.constant 0 : i32
    %c0_i32_0 = arith.constant 0 : i32
    return %arg0, %c0_i32 : i32, i32
  }
  func.func @transform_9(%arg0: i32) -> (i32, i32) {
    %c0_i32 = arith.constant 0 : i32
    %c0_i32_0 = arith.constant 0 : i32
    return %arg0, %c0_i32 : i32, i32
  }
  func.func @transform_10(%arg0: i32) -> (i32, i32) {
    %c0_i32 = arith.constant 0 : i32
    %c0_i32_0 = arith.constant 0 : i32
    return %arg0, %c0_i32 : i32, i32
  }
  func.func @transform_11(%arg0: i32) -> (i32, i32) {
    %c0_i32 = arith.constant 0 : i32
    %c0_i32_0 = arith.constant 0 : i32
    return %arg0, %c0_i32 : i32, i32
  }
  func.func @transform_12(%arg0: i32) -> (i32, i32) {
    %c0_i32 = arith.constant 0 : i32
    %c0_i32_0 = arith.constant 0 : i32
    return %arg0, %c0_i32 : i32, i32
  }
}

</mosaic_0001>

<sc_bundles>
// kernel: kernel.12.cloned.1.call-start
scs
__scs_entry_jumppad:
0x0: {  	(pc) =	sbr.rel $0x88, $3  }
0x1: {  	(tag) =	ssettag $0x0;
	lr =	simm.s32 $0x1  }
0x2: {  	[smem:$0x3F94] =	sst lr;
	_ =	strace $0xD0000000  }
0x3: {  	_ = 	snop  }
0x4: {  	_ = 	snop  }
0x5: {  	_ = 	snop  }
0x6: {  	_ = 	snop  }
0x7: {  	_ = 	snop  }
__scs_overlays_trampoline_lowered:
0x8: {  	[smem:$0x3FA3] =	sst s0  }
0x9: {  	[smem:$0x3FA4] =	sst s1  }
0xa: {  	[smem:$0x3FA5] =	sst s2  }
0xb: {  	[smem:$0x3FA6] =	sst s3  }
0xc: {  	[smem:$0x3FA7] =	sst s4  }
0xd: {  	[smem:$0x3FA8] =	sst s5  }
0xe: {  	[smem:$0x3FA9] =	sst s6  }
0xf: {  	[smem:$0x3FAA] =	sst s7  }
0x10: {  	[smem:$0x3FAB] =	sst s8  }
0x11: {  	[smem:$0x3FAC] =	sst s9;
	s0 =	simm.s32 @!p0 $0x0  }
0x12: {  	s1 =	sld [smem:$0x3F92];
	s0 =	simm.s32 @p0 $0x1  }
0x13: {  	[smem:$0x3FAD] =	sst s0;
	s0 =	simm.s32 @!p1 $0x0  }
0x14: {  	s2 =	sld [smem:$0x3F91];
	s0 =	simm.s32 @p1 $0x1  }
0x15: {  	[smem:$0x3FAE] =	sst s0;
	s0 =	simm.s32 @!p2 $0x0  }
0x16: {  	s3 =	sld [smem:$0x3FDB];
	s0 =	simm.s32 @p2 $0x1  }
0x17: {  	s4 =	simm.s32 $0x1BF5;
	[smem:$0x3FB0] =	sst s0  }
0x18: {  	s0 =	sld [smem:$0x3F93];
	_ =	swait.ge [sflag:s4], $0x0  }
0x19: {  	s7 =	sld [smem:$0x3F94]  }
0x1a: {  	s8 =	sadd.s32 $0xFFFFE003, lr  }
0x1b: {  	s9 =	sadd.s32 $0xFFFFFEF7, lr;
	s5 =	simm.s32 $0xFFFFFFFF;
	p2 =	slt.u32 s8, $0xFFFFF086  }
0x1c: {  	p1 =	slt.u32 s9, $0xF7A;
	s5 =	simm.s32 @!p2 $0x0  }
0x1d: {  	s5 =	simm.s32 @p1 $0x1;
	p0 =	seq.s32 s7, s2  }
0x1e: {  	s7 =	smul.u32 @!p0 $0xF7A, s2;
	p2 =	seq.s32 @!p0 s5, $0x0  }
0x1f: {  	s9 =	smul.u32 $0xF7A, s1;
	s8 =	simm.s32 @!p0 $0x1BF5;
	p2 =	por !p2, p0  }
0x20: {  	[sflag:s8] =	ssyncset.s32 @!p0 $0xFFFFF086;
	s6 =	sadd.s32 @!p0 s3, s7;
	s7 =	simm.s32 @!p0 $0x108  }
0x21: {  	s3 =	sadd.s32 s3, s9;
	s6 =	sadd.s32 @!p0 $0x88, s6;
	s7 =	simm.s32 @p2 $0x1082  }
0x22: {  	[simem:s7], [sflag:s8] =	dma.local @!p0 [hbm:s6], $0xF7A  }
0x23: {  	s9 =	sor.u32 $0xD0000000, s2;
	s6 =	simm.s32 $0x108;
	_ =	swait.ge @!p0 [sflag:s8], $0x0  }
0x24: {  	s3 =	sadd.s32 $0x88, s3;
	s6 =	simm.s32 @!p1 $0x1082;
	[sflag:s4] =	ssyncset.s32 $0xFFFFF086  }
0x25: {  	[simem:s6], [sflag:s4] =	dma.local [hbm:s3], $0xF7A  }
0x26: {  	[smem:$0x3F94] =	sst s1;
	(tag) =	ssettag s2;
	_ =	strace s9  }
0x27: {  	s1 =	sld [smem:$0x3FA4]  }
0x28: {  	s2 =	sld [smem:$0x3FA5]  }
0x29: {  	s4 =	sld [smem:$0x3FA7]  }
0x2a: {  	p0 =	seq.s32 s5, $0x0;
	s5 =	sld [smem:$0x3FA8]  }
0x2b: {  	s6 =	sld [smem:$0x3FA9]  }
0x2c: {  	s7 =	sld [smem:$0x3FAA]  }
0x2d: {  	s3 =	simm.s32 $0x108;
	s8 =	sld [smem:$0x3FAB]  }
0x2e: {  	s3 =	simm.s32 @!p0 $0x1082;
	s9 =	sld [smem:$0x3FAC]  }
0x2f: {  	lr =	sadd.s32 s0, s3;
	s0 =	sld [smem:$0x3FA3]  }
0x30: {  	s3 =	sld [smem:$0x3FA6]  }
0x31: {  	[smem:$0x3FAF] =	sst s10  }
0x32: {  	s10 =	sld [smem:$0x3FAD];
	_ =	sdelay $0x3  }
0x33: {  	p0 =	seq.s32 s10, $0x1;
	s10 =	sld [smem:$0x3FAF];
	_ =	sdelay $0x3  }
0x34: {  	[smem:$0x3FAF] =	sst s10  }
0x35: {  	s10 =	sld [smem:$0x3FAE];
	_ =	sdelay $0x3  }
0x36: {  	p1 =	seq.s32 s10, $0x1;
	s10 =	sld [smem:$0x3FAF];
	_ =	sdelay $0x3  }
0x37: {  	[smem:$0x3FAF] =	sst s10  }
0x38: {  	s10 =	sld [smem:$0x3FB0]  }
0x39: {  	_ = 	snop;
	(pc) =	sbr.ind lr, $3  }
0x3a: {  	_ = 	snop  }
0x3b: {  	_ = 	snop  }
0x3c: {  	p2 =	seq.s32 s10, $0x1;
	s10 =	sld [smem:$0x3FAF]  }
0x3d: {  	_ =	shalt  }
0x3e: {  	_ =	shalt  }
0x3f: {  	_ =	shalt  }
0x40: {  	_ =	shalt  }
0x41: {  	_ =	shalt  }
0x42: {  	_ =	shalt  }
0x43: {  	_ =	shalt  }
0x44: {  	_ =	shalt  }
0x45: {  	_ =	shalt  }
0x46: {  	_ =	shalt  }
0x47: {  	_ =	shalt  }
0x48: {  	_ =	shalt  }
0x49: {  	_ =	shalt  }
0x4a: {  	_ =	shalt  }
0x4b: {  	_ =	shalt  }
0x4c: {  	_ =	shalt  }
0x4d: {  	_ =	shalt  }
0x4e: {  	_ =	shalt  }
0x4f: {  	_ =	shalt  }
0x50: {  	_ =	shalt  }
0x51: {  	_ =	shalt  }
0x52: {  	_ =	shalt  }
0x53: {  	_ =	shalt  }
0x54: {  	_ =	shalt  }
0x55: {  	_ =	shalt  }
0x56: {  	_ =	shalt  }
0x57: {  	_ =	shalt  }
0x58: {  	_ =	shalt  }
0x59: {  	_ =	shalt  }
0x5a: {  	_ =	shalt  }
0x5b: {  	_ =	shalt  }
0x5c: {  	_ =	shalt  }
0x5d: {  	_ =	shalt  }
0x5e: {  	_ =	shalt  }
0x5f: {  	_ =	shalt  }
0x60: {  	_ =	shalt  }
0x61: {  	_ =	shalt  }
0x62: {  	_ =	shalt  }
0x63: {  	_ =	shalt  }
0x64: {  	_ =	shalt  }
0x65: {  	_ =	shalt  }
0x66: {  	_ =	shalt  }
0x67: {  	_ =	shalt  }
0x68: {  	_ =	shalt  }
0x69: {  	_ =	shalt  }
0x6a: {  	_ =	shalt  }
0x6b: {  	_ =	shalt  }
0x6c: {  	_ =	shalt  }
0x6d: {  	_ =	shalt  }
0x6e: {  	_ =	shalt  }
0x6f: {  	_ =	shalt  }
0x70: {  	_ =	shalt  }
0x71: {  	_ =	shalt  }
0x72: {  	_ =	shalt  }
0x73: {  	_ =	shalt  }
0x74: {  	_ =	shalt  }
0x75: {  	_ =	shalt  }
0x76: {  	_ =	shalt  }
0x77: {  	_ =	shalt  }
0x78: {  	_ =	shalt  }
0x79: {  	_ =	shalt  }
0x7a: {  	_ =	shalt  }
0x7b: {  	_ =	shalt  }
0x7c: {  	_ =	shalt  }
0x7d: {  	_ =	shalt  }
0x7e: {  	_ =	shalt  }
0x7f: {  	_ =	shalt  }
0x80: {  	_ =	shalt  }
0x81: {  	_ =	shalt  }
0x82: {  	_ =	shalt  }
0x83: {  	_ =	shalt  }
0x84: {  	_ =	shalt  }
0x85: {  	_ =	shalt  }
0x86: {  	_ =	shalt  }
0x87: {  	_ =	shalt  }
.Lfunc_end0:
.L_simem_size_0:
called_computation_lowered:
.L_overlay_start_0:
0x88: {  	s2 =	sld [smem:$0x3FD9]  }
0x89: {  	s3 =	sld [smem:$0x3FFE];
	_ =	sdelay $0x1  }
0x8a: {  	s1 =	srdreg.scid  }
0x8b: {  	s0 =	sand.u32 $0x1, s1  }
0x8c: {  	s14 =	sshll.u32 s0, $0xA;
	s2 =	sadd.s32 s3, s2  }
0x8d: {  	s2 =	sadd.s32 s2, s14  }
0x8e: {  	[smem:$0x3FBB] =	sst s2  }
0x8f: {  	_ = 	snop  }
0x90: {  	s2 =	sld [smem:$0x3FD0];
	_ =	sdelay $0x2  }
0x91: {  	s15 =	simm.s32 $0xA;
	s4 =	simm.s32 $0x10  }
0x92: {  	[smem:s4], [sflag:s15] =	dma.local [hbm:s2], $0x1  }
0x93: {  	_ =	swait.eq [sflag:s15], $0x1  }
0x94: {  	[sflag:s15] =	ssyncset.done $0x0  }
0x95: {  	s16 =	sld [smem:$0x12];
	[sflag:s15] =	ssyncadd.s32 $0xFFFFFFFF  }
0x96: {  	s17 =	sld [smem:$0x14];
	(tm) =	ssettm $0x1  }
0x97: {  	s18 =	sld [smem:$0x3FFB];
	_ =	sdelay $0x3  }
0x98: {  	_ =	strace s18  }
0x99: {  	s4 =	sld [smem:$0x3FFC];
	_ =	sdelay $0x3  }
0x9a: {  	_ =	strace s4  }
0x9b: {  	s4 =	sld [smem:$0x3FFD];
	_ =	sdelay $0x3  }
0x9c: {  	_ =	strace s4  }
0x9d: {  	_ =	strace $0x8FFFFFFF  }
0x9e: {  	s19 =	sld [smem:$0x3FDB];
	_ =	sdelay $0x1  }
0x9f: {  	s5 =	simm.s32 $_scs_section_size  }
0xa0: {  	s6 =	simm.s32 $_size__tile_overlayer_lowered;
	s7 =	simm.s32 $_tile_overlayer_lowered  }
0xa1: {  	s22 =	simm.s32 $0x1BFF;
	s21 =	sshll.u32 s7, $0x1;
	s4 =	sadd.s32 s5, s19  }
0xa2: {  	s8 =	simm.s32 $0x0;
	s20 =	sshll.u32 s6, $0x1;
	s6 =	sadd.s32 s21, s4  }
0xa3: {  	[timem:s8], [sflag:s22] =	dma.local [hbm:s6], s20  }
0xa4: {  	_ =	swait.ge [sflag:s22], s20  }
0xa5: {  	s5 =	ssub.s32 $0x0, s20;
	[sflag:s22] =	ssyncset.done $0x0  }
0xa6: {  	[sflag:s22] =	ssyncadd.s32 s5;
	_ =	sdelay $0x1  }
0xa7: {  	s23 =	simm.s32 $0x1B8B  }
0xa8: {  	_ =	swait.ge [sflag:s23], $0x1  }
0xa9: {  	[sflag:s23] =	ssyncset.done $0x0  }
0xaa: {  	s25 =	simm.s32 $0x1B8E;
	s24 =	sld [smem:$0x3FFE];
	[sflag:s23] =	ssyncadd.s32 $0xFFFFFFFF  }
0xab: {  	s26 =	simm.s32 $execute0_lowered;
	[smem:$0x3FD2] =	sst s25  }
0xac: {  	s6 =	sshll.u32 s26, $0x1;
	_ =	strace $0x80000046;
	[dreg:$0x1] =	wrdreg $0xFFFFFFFF  }
0xad: {  	s28 =	simm.s32 $_size_execute0_lowered;
	s4 =	sadd.s32 s4, s6;
	[dreg:$0x0] =	wrdreg $0x0  }
0xae: {  	s6 =	sshll.u32 s28, $0x1;
	[dreg:$0x2] =	wrdreg s4  }
0xaf: {  	[dreg:$0x3] =	wrdreg s6  }
0xb0: {  	[dreg:$0x4] =	wrdreg $0xC0  }
0xb1: {  	_ =	task [dreg:s8], $0x5FFFF  }
0xb2: {  	[dreg:$0x1] =	wrdreg $0xFFFFFFFF  }
0xb3: {  	[dreg:$0x0] =	wrdreg $0x60  }
0xb4: {  	[dreg:$0x2] =	wrdreg s17  }
0xb5: {  	[dreg:$0x3] =	wrdreg s16  }
0xb6: {  	[dreg:$0x4] =	wrdreg s24  }
0xb7: {  	[dreg:$0x5] =	wrdreg $0x68000  }
0xb8: {  	[dreg:$0x6] =	wrdreg $0x9  }
0xb9: {  	_ =	task.clear_ibuf [dreg:s8], $0x7FFFF;
	_ =	strace $0x90000046  }
0xba: {  	s29 =	simm.s32 $0x9;
	_ =	strace $0x80000048  }
0xbb: {  	_ =	swait.ge [sflag:s29], $0x1  }
0xbc: {  	[sflag:s29] =	ssyncadd.s32 $0xFFFFFFFF  }
0xbd: {  	_ =	strace $0x90000048  }
0xbe: {  	_ =	sfence  }
0xbf: {  	s30 =	sld [smem:$0x0];
	_ =	sdelay $0x2  }
0xc0: {  	s31 =	sshll.u32 s1, $0xD;
	s1 =	sshrl.u32 s1, $0x2  }
0xc1: {  	s3 =	sand.u32 $0x4000, s31;
	s1 =	sadd.s32 s1, s30  }
0xc2: {  	s0 =	sor.u32 s3, s0;
	s1 =	sshll.u32 s1, $0x11  }
0xc3: {  	s0 =	sor.u32 s1, s0  }
0xc4: {  	s0 =	sadd.s32 $0x8F2B, s0  }
0xc5: {  	[sflag:s0] =	ssyncadd.remote.s32 $0x1  }
0xc6: {  	_ =	sfence.sel $0xFFFF  }
0xc7: {  	[dreg:$0x0] =	wrdreg $0xFFFFFFFF;
	(pc) =	sbr.abs _section_cstart, $3  }
0xc8: {  	[dreg:$0x1] =	wrdreg $0xFFFFFFFF  }
0xc9: {  	_ =	task.clear_ibuf [dreg:s8], $0x2FFFF;
	_ =	strace $0x9FFFFFFF  }
0xca: {  	(tm) =	ssettm $0x7FFFFFFF  }
0xcb: {  	_ =	shalt  }
tec
execute0_lowered:
.L_overlay_start_1:
0x0: {  	(tag) =	ssettag $0x1  }
0x1: {  	s7 =	rddreg [dreg:$0x0]  }
0x2: {  	s2 =	rddreg [dreg:$0x1]  }
0x3: {  	s5 =	rddreg [dreg:$0x2]  }
0x4: {  	s3 =	rddreg [dreg:$0x3]  }
0x5: {  	s0 =	rddreg [dreg:$0x4];
	s1 =	stileid.u32  }
0x6: {  	s4 =	simm.s32 $0x0;
	s6 =	srdreg.scid;
	s13 =	smul.u32 $0x2780, s1  }
0x7: {  	[smem:$0x7FF] =	sst s4;
	s6 =	sand.u32 $0x1, s6;
	s8 =	smul.u32 $0x4F000, s1  }
0x8: {  	s29 =	sshll.u32 s1, $0x6;
	s31 =	sshll.u32 s1, $0xC;
	_ =	strace $0x80000047  }
0x9: {  	s9 =	smul.u32 $0x27800, s6;
	s10 =	ssub.s32 $0x2, s6;
	s30 =	sshll.u32 s6, $0xB  }
0xa: {  	s6 =	sor.u32 $0x1C01, s29;
	s11 =	sadd.s32 s13, s5;
	s12 =	sshrl.u32 s10, $0x1  }
0xb: {  	s8 =	sshrl.u32 s8, $0x2;
	s7 =	sadd.s32 s7, s30;
	s9 =	sadd.s32 s9, s5  }
0xc: {  	s10 =	ssub.s32 s10, s12;
	s28 =	sadd.s32 s8, s3;
	s5 =	sadd.s32 $0x4600, s11  }
0xd: {  	s7 =	sadd.s32 s31, s7;
	s11 =	simm.s32 $0x4000;
	s12 =	simm.s32 $0x50  }
0xe: {  	s14 =	sadd.s32 $0x2BE00, s9;
	s8 =	smax.u32 s10, $0x1;
	s9 =	sshrl.u32 s28, $0x3  }
0xf: {  	s10 =	simm.s32 $0x1;
	s13 =	sadd.s32 s13, s14;
	s14 =	simm.s32 $0x0  }
.LBB2_1:
0x10: {  	[spmem:s9], [sflag:s6] =	dma.local [hbm:s5], $0x2780  }
0x11: {  	_ =	swait.ge [sflag:s10], $0x2780  }
0x12: {  	[sflag:s10] =	ssyncset.done $0x0  }
0x13: {  	[sflag:s10] =	ssyncadd.s32 $0xFFFFD880  }
0x14: {  	[tilespmem:s4], [sflag:$0x1] =	stream.linear.gather [hbm4b:s7+s4], $0x3E80, $0x38;
	[tilespmem:$0x1A400] =	vst v63  }
0x15: {  	_ =	swait.ge [sflag:s10], $0x3E80  }
0x16: {  	[sflag:s10] =	ssyncset.done $0x0  }
0x17: {  	[sflag:s10] =	ssyncadd.s32 $0xFFFFC180  }
0x18: {  	[tilespmem:s11], [sflag:$0x1] =	stream.linear.gather [hbm4b:s2+s4], $0x2800, $0x38;
	[tilespmem:$0x1A400] =	vst v63  }
0x19: {  	_ =	swait.ge [sflag:s10], $0x2800  }
0x1a: {  	[sflag:s10] =	ssyncset.done $0x0  }
0x1b: {  	[sflag:s10] =	ssyncadd.s32 $0xFFFFD800  }
0x1c: {  	s15 =	simm.s32 $0x0;
	[bflag:$0x0] =	sbarrier.arrive $0xFFFF  }
0x1d: {  	[spmem:s3] =	stream.indirect.scatter.add.f32 [tilespmem:s11], [sflag:$0x1], $0x80, s15, s12, $0xb8;
	[tilespmem:$0x1A400] =	vst v63  }
0x1e: {  	_ =	swait.ge [sflag:s10], $0x2800  }
0x1f: {  	s15 =	simm.s32 $0x200;
	[sflag:s10] =	ssyncset.done $0x0  }
.LBB2_2:
0x20: {  	s16 =	sshra.s32 s15, $0x2;
	[sflag:s10] =	ssyncadd.s32 $0xFFFFD800;
	p0 =	sne.s32 s15, $0xF800  }
0x21: {  	[spmem:s3] =	stream.indirect.scatter.add.f32 [tilespmem:s11], [sflag:$0x1], $0x80, s16, s12, $0xb8;
	[tilespmem:$0x1A400] =	vst v63  }
.Ltmp0:
0x22: {  	_ = 	snop;
	(pc) =	sbr.rel @p0 .LBB2_2-.Ltmp0, $4  }
0x23: {  	_ = 	snop  }
0x24: {  	s15 =	sadd.s32 $0x200, s15  }
0x25: {  	_ =	swait.ge [sflag:s10], $0x2800  }
0x26: {  	[sflag:s10] =	ssyncset.done $0x0  }
0x27: {  	s14 =	sadd.s32 $0x1, s14  }
0x28: {  	[sflag:s10] =	ssyncadd.s32 $0xFFFFD800;
	p0 =	sne.s32 s14, s8  }
.Ltmp1:
0x29: {  	[bflag:$0x0] =	sbarrier.arrive $0xFFFF;
	(pc) =	sbr.rel @p0 .LBB2_1-.Ltmp1, $4  }
0x2a: {  	[hbm:s13], [sflag:s6] =	dma.local [spmem:s9], $0x2780  }
0x2b: {  	_ =	swait.ge [sflag:s10], $0x2780  }
0x2c: {  	[sflag:s10] =	ssyncset.done $0x0  }
0x2d: {  	[sflag:s10] =	ssyncadd.s32 $0xFFFFD880  }
0x2e: {  	_ =	sfence.sel $0x180000  }
0x2f: {  	[bflag:$0x0] =	sbarrier.arrive $0xFFFF  }
0x30: {  	p0 =	sne.s32 s1, $0x0;
	_ =	strace $0x90000047  }
0x31: {  	s0 =	sadd.s32 @!p0 $0x100000, s0;
	[bflag:$0x2] =	sbarrier.arrive $0xFFFF  }
0x32: {  	[sflag:s0] =	ssyncadd.tile.s32 @!p0 $0x1;
	_ =	shalt  }
.Lfunc_end2:
_tile_overlayer_lowered:
.L_overlay_start_2:
0x33: {  	(tag) =	ssettag $0x2  }
0x34: {  	s0 =	rddreg [dreg:$0x0];
	s2 =	stileid.u32  }
0x35: {  	s1 =	rddreg [dreg:$0x1];
	p0 =	sne.s32 s2, $0x0  }
0x36: {  	s3 =	rddreg [dreg:$0x2];
	[bflag:$0x3] =	sbarrier.arrive $0xFFFF;
	s2 =	simm.s32 @!p0 $0x1C01  }
0x37: {  	[timem:s3], [sflag:s2] =	dma.local @!p0 [hbm:s0], s1  }
0x38: {  	s0 =	simm.s32 @!p0 $0x1  }
0x39: {  	_ =	swait.ge @!p0 [sflag:s0], s1  }
0x3a: {  	s1 =	ssub.s32 @!p0 $0x0, s1;
	[sflag:s0] =	ssyncset.done @!p0 $0x0  }
0x3b: {  	[sflag:s0] =	ssyncadd.s32 @!p0 s1  }
0x3c: {  	[bflag:$0x3] =	sbarrier.arrive $0xFFFF  }
0x3d: {  	_ =	shalt  }

// kernel: kernel.15.cloned.1.call-start
scs
__scs_entry_jumppad:
0x0: {  	(pc) =	sbr.rel $0x88, $3  }
0x1: {  	(tag) =	ssettag $0x0;
	lr =	simm.s32 $0x1  }
0x2: {  	[smem:$0x3F94] =	sst lr;
	_ =	strace $0xD0000000  }
0x3: {  	_ = 	snop  }
0x4: {  	_ = 	snop  }
0x5: {  	_ = 	snop  }
0x6: {  	_ = 	snop  }
0x7: {  	_ = 	snop  }
__scs_overlays_trampoline_lowered:
0x8: {  	[smem:$0x3FA3] =	sst s0  }
0x9: {  	[smem:$0x3FA4] =	sst s1  }
0xa: {  	[smem:$0x3FA5] =	sst s2  }
0xb: {  	[smem:$0x3FA6] =	sst s3  }
0xc: {  	[smem:$0x3FA7] =	sst s4  }
0xd: {  	[smem:$0x3FA8] =	sst s5  }
0xe: {  	[smem:$0x3FA9] =	sst s6  }
0xf: {  	[smem:$0x3FAA] =	sst s7  }
0x10: {  	[smem:$0x3FAB] =	sst s8  }
0x11: {  	[smem:$0x3FAC] =	sst s9;
	s0 =	simm.s32 @!p0 $0x0  }
0x12: {  	s1 =	sld [smem:$0x3F92];
	s0 =	simm.s32 @p0 $0x1  }
0x13: {  	[smem:$0x3FAD] =	sst s0;
	s0 =	simm.s32 @!p1 $0x0  }
0x14: {  	s2 =	sld [smem:$0x3F91];
	s0 =	simm.s32 @p1 $0x1  }
0x15: {  	[smem:$0x3FAE] =	sst s0;
	s0 =	simm.s32 @!p2 $0x0  }
0x16: {  	s3 =	sld [smem:$0x3FDB];
	s0 =	simm.s32 @p2 $0x1  }
0x17: {  	s4 =	simm.s32 $0x1BF5;
	[smem:$0x3FB0] =	sst s0  }
0x18: {  	s0 =	sld [smem:$0x3F93];
	_ =	swait.ge [sflag:s4], $0x0  }
0x19: {  	s7 =	sld [smem:$0x3F94]  }
0x1a: {  	s8 =	sadd.s32 $0xFFFFE003, lr  }
0x1b: {  	s9 =	sadd.s32 $0xFFFFFEF7, lr;
	s5 =	simm.s32 $0xFFFFFFFF;
	p2 =	slt.u32 s8, $0xFFFFF086  }
0x1c: {  	p1 =	slt.u32 s9, $0xF7A;
	s5 =	simm.s32 @!p2 $0x0  }
0x1d: {  	s5 =	simm.s32 @p1 $0x1;
	p0 =	seq.s32 s7, s2  }
0x1e: {  	s7 =	smul.u32 @!p0 $0xF7A, s2;
	p2 =	seq.s32 @!p0 s5, $0x0  }
0x1f: {  	s9 =	smul.u32 $0xF7A, s1;
	s8 =	simm.s32 @!p0 $0x1BF5;
	p2 =	por !p2, p0  }
0x20: {  	[sflag:s8] =	ssyncset.s32 @!p0 $0xFFFFF086;
	s6 =	sadd.s32 @!p0 s3, s7;
	s7 =	simm.s32 @!p0 $0x108  }
0x21: {  	s3 =	sadd.s32 s3, s9;
	s6 =	sadd.s32 @!p0 $0x88, s6;
	s7 =	simm.s32 @p2 $0x1082  }
0x22: {  	[simem:s7], [sflag:s8] =	dma.local @!p0 [hbm:s6], $0xF7A  }
0x23: {  	s9 =	sor.u32 $0xD0000000, s2;
	s6 =	simm.s32 $0x108;
	_ =	swait.ge @!p0 [sflag:s8], $0x0  }
0x24: {  	s3 =	sadd.s32 $0x88, s3;
	s6 =	simm.s32 @!p1 $0x1082;
	[sflag:s4] =	ssyncset.s32 $0xFFFFF086  }
0x25: {  	[simem:s6], [sflag:s4] =	dma.local [hbm:s3], $0xF7A  }
0x26: {  	[smem:$0x3F94] =	sst s1;
	(tag) =	ssettag s2;
	_ =	strace s9  }
0x27: {  	s1 =	sld [smem:$0x3FA4]  }
0x28: {  	s2 =	sld [smem:$0x3FA5]  }
0x29: {  	s4 =	sld [smem:$0x3FA7]  }
0x2a: {  	p0 =	seq.s32 s5, $0x0;
	s5 =	sld [smem:$0x3FA8]  }
0x2b: {  	s6 =	sld [smem:$0x3FA9]  }
0x2c: {  	s7 =	sld [smem:$0x3FAA]  }
0x2d: {  	s3 =	simm.s32 $0x108;
	s8 =	sld [smem:$0x3FAB]  }
0x2e: {  	s3 =	simm.s32 @!p0 $0x1082;
	s9 =	sld [smem:$0x3FAC]  }
0x2f: {  	lr =	sadd.s32 s0, s3;
	s0 =	sld [smem:$0x3FA3]  }
0x30: {  	s3 =	sld [smem:$0x3FA6]  }
0x31: {  	[smem:$0x3FAF] =	sst s10  }
0x32: {  	s10 =	sld [smem:$0x3FAD];
	_ =	sdelay $0x3  }
0x33: {  	p0 =	seq.s32 s10, $0x1;
	s10 =	sld [smem:$0x3FAF];
	_ =	sdelay $0x3  }
0x34: {  	[smem:$0x3FAF] =	sst s10  }
0x35: {  	s10 =	sld [smem:$0x3FAE];
	_ =	sdelay $0x3  }
0x36: {  	p1 =	seq.s32 s10, $0x1;
	s10 =	sld [smem:$0x3FAF];
	_ =	sdelay $0x3  }
0x37: {  	[smem:$0x3FAF] =	sst s10  }
0x38: {  	s10 =	sld [smem:$0x3FB0]  }
0x39: {  	_ = 	snop;
	(pc) =	sbr.ind lr, $3  }
0x3a: {  	_ = 	snop  }
0x3b: {  	_ = 	snop  }
0x3c: {  	p2 =	seq.s32 s10, $0x1;
	s10 =	sld [smem:$0x3FAF]  }
0x3d: {  	_ =	shalt  }
0x3e: {  	_ =	shalt  }
0x3f: {  	_ =	shalt  }
0x40: {  	_ =	shalt  }
0x41: {  	_ =	shalt  }
0x42: {  	_ =	shalt  }
0x43: {  	_ =	shalt  }
0x44: {  	_ =	shalt  }
0x45: {  	_ =	shalt  }
0x46: {  	_ =	shalt  }
0x47: {  	_ =	shalt  }
0x48: {  	_ =	shalt  }
0x49: {  	_ =	shalt  }
0x4a: {  	_ =	shalt  }
0x4b: {  	_ =	shalt  }
0x4c: {  	_ =	shalt  }
0x4d: {  	_ =	shalt  }
0x4e: {  	_ =	shalt  }
0x4f: {  	_ =	shalt  }
0x50: {  	_ =	shalt  }
0x51: {  	_ =	shalt  }
0x52: {  	_ =	shalt  }
0x53: {  	_ =	shalt  }
0x54: {  	_ =	shalt  }
0x55: {  	_ =	shalt  }
0x56: {  	_ =	shalt  }
0x57: {  	_ =	shalt  }
0x58: {  	_ =	shalt  }
0x59: {  	_ =	shalt  }
0x5a: {  	_ =	shalt  }
0x5b: {  	_ =	shalt  }
0x5c: {  	_ =	shalt  }
0x5d: {  	_ =	shalt  }
0x5e: {  	_ =	shalt  }
0x5f: {  	_ =	shalt  }
0x60: {  	_ =	shalt  }
0x61: {  	_ =	shalt  }
0x62: {  	_ =	shalt  }
0x63: {  	_ =	shalt  }
0x64: {  	_ =	shalt  }
0x65: {  	_ =	shalt  }
0x66: {  	_ =	shalt  }
0x67: {  	_ =	shalt  }
0x68: {  	_ =	shalt  }
0x69: {  	_ =	shalt  }
0x6a: {  	_ =	shalt  }
0x6b: {  	_ =	shalt  }
0x6c: {  	_ =	shalt  }
0x6d: {  	_ =	shalt  }
0x6e: {  	_ =	shalt  }
0x6f: {  	_ =	shalt  }
0x70: {  	_ =	shalt  }
0x71: {  	_ =	shalt  }
0x72: {  	_ =	shalt  }
0x73: {  	_ =	shalt  }
0x74: {  	_ =	shalt  }
0x75: {  	_ =	shalt  }
0x76: {  	_ =	shalt  }
0x77: {  	_ =	shalt  }
0x78: {  	_ =	shalt  }
0x79: {  	_ =	shalt  }
0x7a: {  	_ =	shalt  }
0x7b: {  	_ =	shalt  }
0x7c: {  	_ =	shalt  }
0x7d: {  	_ =	shalt  }
0x7e: {  	_ =	shalt  }
0x7f: {  	_ =	shalt  }
0x80: {  	_ =	shalt  }
0x81: {  	_ =	shalt  }
0x82: {  	_ =	shalt  }
0x83: {  	_ =	shalt  }
0x84: {  	_ =	shalt  }
0x85: {  	_ =	shalt  }
0x86: {  	_ =	shalt  }
0x87: {  	_ =	shalt  }
.Lfunc_end0:
.L_simem_size_0:
called_computation.1_lowered:
.L_overlay_start_0:
0x88: {  	s2 =	sld [smem:$0x3FD9]  }
0x89: {  	s3 =	sld [smem:$0x3FFE];
	_ =	sdelay $0x1  }
0x8a: {  	s1 =	srdreg.scid  }
0x8b: {  	s0 =	sand.u32 $0x1, s1  }
0x8c: {  	s14 =	sshll.u32 s0, $0xA;
	s2 =	sadd.s32 s3, s2  }
0x8d: {  	s2 =	sadd.s32 s2, s14  }
0x8e: {  	[smem:$0x3FBB] =	sst s2  }
0x8f: {  	_ = 	snop  }
0x90: {  	s2 =	sld [smem:$0x3FD0];
	_ =	sdelay $0x2  }
0x91: {  	s15 =	simm.s32 $0xA;
	s4 =	simm.s32 $0x10  }
0x92: {  	[smem:s4], [sflag:s15] =	dma.local [hbm:s2], $0x1  }
0x93: {  	_ =	swait.eq [sflag:s15], $0x1  }
0x94: {  	[sflag:s15] =	ssyncset.done $0x0  }
0x95: {  	s16 =	sld [smem:$0x13];
	[sflag:s15] =	ssyncadd.s32 $0xFFFFFFFF  }
0x96: {  	s17 =	sld [smem:$0x14];
	(tm) =	ssettm $0x1  }
0x97: {  	s18 =	sld [smem:$0x3FFB];
	_ =	sdelay $0x3  }
0x98: {  	_ =	strace s18  }
0x99: {  	s4 =	sld [smem:$0x3FFC];
	_ =	sdelay $0x3  }
0x9a: {  	_ =	strace s4  }
0x9b: {  	s4 =	sld [smem:$0x3FFD];
	_ =	sdelay $0x3  }
0x9c: {  	_ =	strace s4  }
0x9d: {  	_ =	strace $0x8FFFFFFF  }
0x9e: {  	s19 =	sld [smem:$0x3FDB];
	_ =	sdelay $0x1  }
0x9f: {  	s5 =	simm.s32 $_scs_section_size  }
0xa0: {  	s6 =	simm.s32 $_size__tile_overlayer_lowered;
	s7 =	simm.s32 $_tile_overlayer_lowered  }
0xa1: {  	s22 =	simm.s32 $0x1BFF;
	s21 =	sshll.u32 s7, $0x1;
	s4 =	sadd.s32 s5, s19  }
0xa2: {  	s8 =	simm.s32 $0x0;
	s20 =	sshll.u32 s6, $0x1;
	s6 =	sadd.s32 s21, s4  }
0xa3: {  	[timem:s8], [sflag:s22] =	dma.local [hbm:s6], s20  }
0xa4: {  	_ =	swait.ge [sflag:s22], s20  }
0xa5: {  	s5 =	ssub.s32 $0x0, s20;
	[sflag:s22] =	ssyncset.done $0x0  }
0xa6: {  	[sflag:s22] =	ssyncadd.s32 s5;
	_ =	sdelay $0x1  }
0xa7: {  	s23 =	simm.s32 $0x1B8B  }
0xa8: {  	_ =	swait.ge [sflag:s23], $0x1  }
0xa9: {  	[sflag:s23] =	ssyncset.done $0x0  }
0xaa: {  	s25 =	simm.s32 $0x1B8E;
	s24 =	sld [smem:$0x3FFE];
	[sflag:s23] =	ssyncadd.s32 $0xFFFFFFFF  }
0xab: {  	s26 =	simm.s32 $execute0_lowered;
	[smem:$0x3FD2] =	sst s25  }
0xac: {  	s6 =	sshll.u32 s26, $0x1;
	_ =	strace $0x80000049;
	[dreg:$0x1] =	wrdreg $0xFFFFFFFF  }
0xad: {  	s28 =	simm.s32 $_size_execute0_lowered;
	s4 =	sadd.s32 s4, s6;
	[dreg:$0x0] =	wrdreg $0x0  }
0xae: {  	s6 =	sshll.u32 s28, $0x1;
	[dreg:$0x2] =	wrdreg s4  }
0xaf: {  	[dreg:$0x3] =	wrdreg s6  }
0xb0: {  	[dreg:$0x4] =	wrdreg $0xC0  }
0xb1: {  	_ =	task [dreg:s8], $0x5FFFF  }
0xb2: {  	[dreg:$0x1] =	wrdreg $0xFFFFFFFF  }
0xb3: {  	[dreg:$0x0] =	wrdreg $0x60  }
0xb4: {  	[dreg:$0x2] =	wrdreg s24  }
0xb5: {  	[dreg:$0x3] =	wrdreg s16  }
0xb6: {  	[dreg:$0x4] =	wrdreg s17  }
0xb7: {  	[dreg:$0x5] =	wrdreg $0xBA000  }
0xb8: {  	[dreg:$0x6] =	wrdreg $0x9  }
0xb9: {  	_ =	task.clear_ibuf [dreg:s8], $0x7FFFF;
	_ =	strace $0x90000049  }
0xba: {  	s29 =	simm.s32 $0x9;
	_ =	strace $0x8000004B  }
0xbb: {  	_ =	swait.ge [sflag:s29], $0x1  }
0xbc: {  	[sflag:s29] =	ssyncadd.s32 $0xFFFFFFFF  }
0xbd: {  	_ =	strace $0x9000004B  }
0xbe: {  	_ =	sfence  }
0xbf: {  	s30 =	sld [smem:$0x0];
	_ =	sdelay $0x2  }
0xc0: {  	s31 =	sshll.u32 s1, $0xD;
	s1 =	sshrl.u32 s1, $0x2  }
0xc1: {  	s3 =	sand.u32 $0x4000, s31;
	s1 =	sadd.s32 s1, s30  }
0xc2: {  	s0 =	sor.u32 s3, s0;
	s1 =	sshll.u32 s1, $0x11  }
0xc3: {  	s0 =	sor.u32 s1, s0  }
0xc4: {  	s0 =	sadd.s32 $0x8F2B, s0  }
0xc5: {  	[sflag:s0] =	ssyncadd.remote.s32 $0x1  }
0xc6: {  	_ =	sfence.sel $0xFFFF  }
0xc7: {  	[dreg:$0x0] =	wrdreg $0xFFFFFFFF;
	(pc) =	sbr.abs _section_cstart, $3  }
0xc8: {  	[dreg:$0x1] =	wrdreg $0xFFFFFFFF  }
0xc9: {  	_ =	task.clear_ibuf [dreg:s8], $0x2FFFF;
	_ =	strace $0x9FFFFFFF  }
0xca: {  	(tm) =	ssettm $0x7FFFFFFF  }
0xcb: {  	_ =	shalt  }
tec
execute0_lowered:
.L_overlay_start_1:
0x0: {  	(tag) =	ssettag $0x1  }
0x1: {  	s0 =	rddreg [dreg:$0x0]  }
0x2: {  	s1 =	rddreg [dreg:$0x1]  }
0x3: {  	s5 =	rddreg [dreg:$0x2]  }
0x4: {  	s2 =	rddreg [dreg:$0x3];
	s3 =	simm.s32 $0x0  }
0x5: {  	s12 =	stileid.u32;
	s4 =	srdreg.scid;
	s14 =	simm.s32 $0x4080  }
0x6: {  	s16 =	simm.s32 $0x4100;
	s17 =	simm.s32 $0x50;
	s18 =	simm.s32 $0x4200  }
0x7: {  	s20 =	simm.s32 $0x6A00;
	s28 =	simm.s32 $0x2;
	s29 =	simm.s32 $0x5  }
0x8: {  	s30 =	simm.s32 $0x8;
	s31 =	simm.s32 $0x3;
	s19 =	smul.u32 $0x2780, s12  }
0x9: {  	[smem:$0x7FF] =	sst s3;
	s6 =	sand.u32 $0x1, s4;
	s7 =	smul.u32 $0x4F000, s12  }
0xa: {  	s4 =	sadd.s32 $0x2BE00, s0;
	s22 =	sshll.u32 s12, $0x6;
	s23 =	sshll.u32 s12, $0xC  }
0xb: {  	s12 =	simm.s32 $0x4000;
	_ =	strace $0x8000004A;
	s8 =	smul.u32 $0x27800, s6  }
0xc: {  	s9 =	ssub.s32 $0x2, s6;
	s24 =	sshll.u32 s6, $0xB;
	s6 =	sor.u32 $0x1C0A, s22  }
0xd: {  	s22 =	simm.s32 $0x4;
	s10 =	sadd.s32 s19, s0;
	s11 =	sshrl.u32 s9, $0x1  }
0xe: {  	s7 =	sshrl.u32 s7, $0x2;
	s0 =	sadd.s32 s8, s0;
	s9 =	ssub.s32 s9, s11  }
0xf: {  	s21 =	sadd.s32 s7, s2;
	s25 =	sadd.s32 $0x4600, s10;
	s8 =	sor.u32 s24, s23  }
0x10: {  	s11 =	simm.s32 $0xA;
	[dreg:$0x5] =	wrdreg s25;
	s1 =	sadd.s32 s1, s8  }
0x11: {  	s8 =	sadd.s32 s5, s8;
	s0 =	sadd.s32 $0x7A200, s0;
	s26 =	smax.u32 s9, $0x1  }
0x12: {  	s10 =	sshrl.u32 s21, $0x3;
	s21 =	simm.s32 $0x1;
	[dreg:$0x6] =	wrdreg s1  }
0x13: {  	s25 =	simm.s32 $0x9200;
	[dreg:$0x7] =	wrdreg s26;
	s13 =	sadd.s32 $0x10, s8  }
0x14: {  	s15 =	sadd.s32 $0x20, s8;
	s24 =	sadd.s32 s19, s0;
	s26 =	simm.s32 $0x7  }
0x15: {  	s0 =	simm.s32 $0x6;
	s1 =	simm.s32 $0x9;
	s19 =	simm.s32 $0x0  }
.LBB2_1:
0x16: {  	s5 =	rddreg [dreg:$0x5]  }
0x17: {  	[spmem:s10], [sflag:s6] =	dma.local [hbm:s5], $0x2780  }
0x18: {  	_ =	swait.ge [sflag:s11], $0x2780  }
0x19: {  	[sflag:s11] =	ssyncset.done $0x0  }
0x1a: {  	s9 =	rddreg [dreg:$0x6];
	[sflag:s11] =	ssyncadd.s32 $0xFFFFD880  }
0x1b: {  	[tilespmem:s3], [sflag:$0xA] =	stream.linear.gather [hbm4b:s9+s3], $0x3E80, $0x38;
	[tilespmem:$0x1F600] =	vst v63  }
0x1c: {  	_ =	swait.ge [sflag:s11], $0x3E80  }
0x1d: {  	[sflag:s11] =	ssyncset.done $0x0  }
0x1e: {  	[sflag:s11] =	ssyncadd.s32 $0xFFFFC180  }
0x1f: {  	[bflag:$0x0] =	sbarrier.arrive $0xFFFF  }
0x20: {  	[tilespmem:s12], [sflag:$0x4] =	stream.linear.gather [hbm4b:s8+s3], $0x80, $0x38;
	[tilespmem:$0x1F600] =	vst v63  }
0x21: {  	_ = 	snop  }
0x22: {  	[tilespmem:s14], [sflag:$0x5] =	stream.linear.gather [hbm4b:s13+s3], $0x80, $0x38;
	[tilespmem:$0x1F600] =	vst v63  }
0x23: {  	_ = 	snop  }
0x24: {  	[tilespmem:s16], [sflag:$0x6] =	stream.linear.gather [hbm4b:s15+s3], $0x80, $0x38;
	[tilespmem:$0x1F600] =	vst v63  }
0x25: {  	_ = 	snop  }
0x26: {  	[tilespmem:s18], [sflag:$0x1] =	stream.indirect.gather [hbm4b:s4+s17], $0x80, s3, s17, $0xb8;
	[tilespmem:$0x1F600] =	vst v63  }
0x27: {  	s23 =	simm.s32 $0x80  }
0x28: {  	[tilespmem:s20], [sflag:$0x2] =	stream.indirect.gather [hbm4b:s4+s17], $0x80, s23, s17, $0xb8;
	[tilespmem:$0x1F600] =	vst v63  }
0x29: {  	_ =	swait.ge [sflag:s21], $0x2800  }
0x2a: {  	[sflag:s21] =	ssyncset.done $0x0  }
0x2b: {  	[sflag:s21] =	ssyncadd.s32 $0xFFFFD800  }
0x2c: {  	_ =	swait.ge [sflag:s22], $0x80  }
0x2d: {  	[sflag:s22] =	ssyncset.done $0x0  }
0x2e: {  	s7 =	simm.s32 $0x100;
	[sflag:s22] =	ssyncadd.s32 $0xFFFFFF80  }
0x2f: {  	[tilespmem:s25], [sflag:$0x3] =	stream.indirect.gather [hbm4b:s4+s17], $0x80, s7, s17, $0xb8;
	[tilespmem:$0x1F600] =	vst v63  }
0x30: {  	_ = 	snop  }
0x31: {  	[spmem:s2] =	stream.indirect.scatter.add.f32 [tilespmem:s18], [sflag:$0x7], $0x80, s12, s17, $0xb8;
	[tilespmem:$0x1F600] =	vst v63  }
0x32: {  	_ =	swait.ge [sflag:s26], $0x2800  }
0x33: {  	s5 =	sadd.s32 $0x0, s8;
	[sflag:s26] =	ssyncset.done $0x0  }
0x34: {  	s23 =	sadd.s32 $0x30, s5;
	[sflag:s26] =	ssyncadd.s32 $0xFFFFD800  }
0x35: {  	[tilespmem:s12], [sflag:$0x4] =	stream.linear.gather [hbm4b:s23+s3], $0x80, $0x38;
	[tilespmem:$0x1F600] =	vst v63  }
0x36: {  	_ =	swait.ge [sflag:s28], $0x2800  }
0x37: {  	[sflag:s28] =	ssyncset.done $0x0  }
0x38: {  	[sflag:s28] =	ssyncadd.s32 $0xFFFFD800  }
0x39: {  	_ =	swait.ge [sflag:s29], $0x80  }
0x3a: {  	[sflag:s29] =	ssyncset.done $0x0  }
0x3b: {  	s9 =	simm.s32 $0x180;
	[sflag:s29] =	ssyncadd.s32 $0xFFFFFF80  }
0x3c: {  	[tilespmem:s18], [sflag:$0x1] =	stream.indirect.gather [hbm4b:s4+s17], $0x80, s9, s17, $0xb8;
	[tilespmem:$0x1F600] =	vst v63  }
0x3d: {  	_ = 	snop  }
0x3e: {  	[spmem:s2] =	stream.indirect.scatter.add.f32 [tilespmem:s20], [sflag:$0x8], $0x80, s14, s17, $0xb8;
	[tilespmem:$0x1F600] =	vst v63  }
0x3f: {  	_ =	swait.ge [sflag:s30], $0x2800  }
0x40: {  	[sflag:s30] =	ssyncset.done $0x0  }
0x41: {  	s7 =	sadd.s32 $0x40, s5;
	[sflag:s30] =	ssyncadd.s32 $0xFFFFD800  }
0x42: {  	[tilespmem:s14], [sflag:$0x5] =	stream.linear.gather [hbm4b:s7+s3], $0x80, $0x38;
	[tilespmem:$0x1F600] =	vst v63  }
0x43: {  	_ =	swait.ge [sflag:s31], $0x2800  }
0x44: {  	[sflag:s31] =	ssyncset.done $0x0  }
0x45: {  	[sflag:s31] =	ssyncadd.s32 $0xFFFFD800  }
0x46: {  	_ =	swait.ge [sflag:s0], $0x80  }
0x47: {  	[sflag:s0] =	ssyncset.done $0x0  }
0x48: {  	s9 =	simm.s32 $0x200;
	[sflag:s0] =	ssyncadd.s32 $0xFFFFFF80  }
0x49: {  	[tilespmem:s20], [sflag:$0x2] =	stream.indirect.gather [hbm4b:s4+s17], $0x80, s9, s17, $0xb8;
	[tilespmem:$0x1F600] =	vst v63  }
0x4a: {  	_ = 	snop  }
0x4b: {  	[spmem:s2] =	stream.indirect.scatter.add.f32 [tilespmem:s25], [sflag:$0x9], $0x80, s16, s17, $0xb8;
	[tilespmem:$0x1F600] =	vst v63  }
0x4c: {  	_ =	swait.ge [sflag:s1], $0x2800  }
0x4d: {  	[sflag:s1] =	ssyncset.done $0x0  }
0x4e: {  	s5 =	sadd.s32 $0x50, s5;
	[sflag:s1] =	ssyncadd.s32 $0xFFFFD800  }
0x4f: {  	[tilespmem:s16], [sflag:$0x6] =	stream.linear.gather [hbm4b:s5+s3], $0x80, $0x38;
	[tilespmem:$0x1F600] =	vst v63  }
0x50: {  	_ =	swait.ge [sflag:s21], $0x2800  }
0x51: {  	[sflag:s21] =	ssyncset.done $0x0  }
0x52: {  	[sflag:s21] =	ssyncadd.s32 $0xFFFFD800  }
0x53: {  	_ =	swait.ge [sflag:s22], $0x80  }
0x54: {  	[sflag:s22] =	ssyncset.done $0x0  }
0x55: {  	s23 =	simm.s32 $0x280;
	[sflag:s22] =	ssyncadd.s32 $0xFFFFFF80  }
0x56: {  	[tilespmem:s25], [sflag:$0x3] =	stream.indirect.gather [hbm4b:s4+s17], $0x80, s23, s17, $0xb8;
	[tilespmem:$0x1F600] =	vst v63  }
0x57: {  	s5 =	simm.s32 $0x400;
	s23 =	simm.s32 $0x30  }
.LBB2_2:
0x58: {  	[spmem:s2] =	stream.indirect.scatter.add.f32 [tilespmem:s18], [sflag:$0x7], $0x80, s12, s17, $0xb8;
	[tilespmem:$0x1F600] =	vst v63  }
0x59: {  	s7 =	smov.u32 s23  }
0x5a: {  	p0 =	sne.s32 s23, $0x750;
	s23 =	sadd.s32 $0x30, s23;
	_ =	swait.ge [sflag:s26], $0x2800  }
0x5b: {  	s7 =	sadd.s32 s7, s8;
	[sflag:s26] =	ssyncset.done $0x0  }
0x5c: {  	s9 =	sadd.s32 $0x30, s7;
	[sflag:s26] =	ssyncadd.s32 $0xFFFFD800  }
0x5d: {  	[tilespmem:s12], [sflag:$0x4] =	stream.linear.gather [hbm4b:s9+s3], $0x80, $0x38;
	[tilespmem:$0x1F600] =	vst v63  }
0x5e: {  	_ =	swait.ge [sflag:s28], $0x2800  }
0x5f: {  	[sflag:s28] =	ssyncset.done $0x0  }
0x60: {  	[sflag:s28] =	ssyncadd.s32 $0xFFFFD800  }
0x61: {  	_ =	swait.ge [sflag:s29], $0x80  }
0x62: {  	[sflag:s29] =	ssyncset.done $0x0  }
0x63: {  	s9 =	sadd.s32 $0xFFFFFF00, s5;
	[sflag:s29] =	ssyncadd.s32 $0xFFFFFF80  }
0x64: {  	[tilespmem:s18], [sflag:$0x1] =	stream.indirect.gather [hbm4b:s4+s17], $0x80, s9, s17, $0xb8;
	[tilespmem:$0x1F600] =	vst v63  }
0x65: {  	_ = 	snop  }
0x66: {  	[spmem:s2] =	stream.indirect.scatter.add.f32 [tilespmem:s20], [sflag:$0x8], $0x80, s14, s17, $0xb8;
	[tilespmem:$0x1F600] =	vst v63  }
0x67: {  	_ =	swait.ge [sflag:s30], $0x2800  }
0x68: {  	[sflag:s30] =	ssyncset.done $0x0  }
0x69: {  	s9 =	sadd.s32 $0x40, s7;
	[sflag:s30] =	ssyncadd.s32 $0xFFFFD800  }
0x6a: {  	[tilespmem:s14], [sflag:$0x5] =	stream.linear.gather [hbm4b:s9+s3], $0x80, $0x38;
	[tilespmem:$0x1F600] =	vst v63  }
0x6b: {  	_ =	swait.ge [sflag:s31], $0x2800  }
0x6c: {  	[sflag:s31] =	ssyncset.done $0x0  }
0x6d: {  	[sflag:s31] =	ssyncadd.s32 $0xFFFFD800  }
0x6e: {  	_ =	swait.ge [sflag:s0], $0x80  }
0x6f: {  	[sflag:s0] =	ssyncset.done $0x0  }
0x70: {  	s9 =	sadd.s32 $0xFFFFFF80, s5;
	[sflag:s0] =	ssyncadd.s32 $0xFFFFFF80  }
0x71: {  	[tilespmem:s20], [sflag:$0x2] =	stream.indirect.gather [hbm4b:s4+s17], $0x80, s9, s17, $0xb8;
	[tilespmem:$0x1F600] =	vst v63  }
0x72: {  	_ = 	snop  }
0x73: {  	[spmem:s2] =	stream.indirect.scatter.add.f32 [tilespmem:s25], [sflag:$0x9], $0x80, s16, s17, $0xb8;
	[tilespmem:$0x1F600] =	vst v63  }
0x74: {  	_ =	swait.ge [sflag:s1], $0x2800  }
0x75: {  	[sflag:s1] =	ssyncset.done $0x0  }
0x76: {  	s7 =	sadd.s32 $0x50, s7;
	[sflag:s1] =	ssyncadd.s32 $0xFFFFD800  }
0x77: {  	[tilespmem:s16], [sflag:$0x6] =	stream.linear.gather [hbm4b:s7+s3], $0x80, $0x38;
	[tilespmem:$0x1F600] =	vst v63  }
0x78: {  	_ =	swait.ge [sflag:s21], $0x2800  }
0x79: {  	[sflag:s21] =	ssyncset.done $0x0  }
0x7a: {  	[sflag:s21] =	ssyncadd.s32 $0xFFFFD800  }
.Ltmp0:
0x7b: {  	_ =	swait.ge [sflag:s22], $0x80;
	(pc) =	sbr.rel @p0 .LBB2_2-.Ltmp0, $4  }
0x7c: {  	[sflag:s22] =	ssyncset.done $0x0  }
0x7d: {  	[sflag:s22] =	ssyncadd.s32 $0xFFFFFF80  }
0x7e: {  	[tilespmem:s25], [sflag:$0x3] =	stream.indirect.gather [hbm4b:s4+s17], $0x80, s5, s17, $0xb8;
	[tilespmem:$0x1F600] =	vst v63  }
0x7f: {  	s5 =	sadd.s32 $0x180, s5  }
0x80: {  	[spmem:s2] =	stream.indirect.scatter.add.f32 [tilespmem:s18], [sflag:$0x7], $0x80, s12, s17, $0xb8;
	[tilespmem:$0x1F600] =	vst v63  }
0x81: {  	_ =	swait.ge [sflag:s26], $0x2800  }
0x82: {  	[sflag:s26] =	ssyncset.done $0x0  }
0x83: {  	s5 =	sadd.s32 $0x7B0, s8;
	[sflag:s26] =	ssyncadd.s32 $0xFFFFD800  }
0x84: {  	[tilespmem:s12], [sflag:$0x4] =	stream.linear.gather [hbm4b:s5+s3], $0x80, $0x38;
	[tilespmem:$0x1F600] =	vst v63  }
0x85: {  	_ =	swait.ge [sflag:s28], $0x2800  }
0x86: {  	[sflag:s28] =	ssyncset.done $0x0  }
0x87: {  	[sflag:s28] =	ssyncadd.s32 $0xFFFFD800  }
0x88: {  	_ =	swait.ge [sflag:s29], $0x80  }
0x89: {  	[sflag:s29] =	ssyncset.done $0x0  }
0x8a: {  	s23 =	simm.s32 $0x3D80;
	[sflag:s29] =	ssyncadd.s32 $0xFFFFFF80  }
0x8b: {  	[tilespmem:s18], [sflag:$0x1] =	stream.indirect.gather [hbm4b:s4+s17], $0x80, s23, s17, $0xb8;
	[tilespmem:$0x1F600] =	vst v63  }
0x8c: {  	_ = 	snop  }
0x8d: {  	[spmem:s2] =	stream.indirect.scatter.add.f32 [tilespmem:s20], [sflag:$0x8], $0x80, s14, s17, $0xb8;
	[tilespmem:$0x1F600] =	vst v63  }
0x8e: {  	_ =	swait.ge [sflag:s30], $0x2800  }
0x8f: {  	[sflag:s30] =	ssyncset.done $0x0  }
0x90: {  	s7 =	sadd.s32 $0x7C0, s8;
	[sflag:s30] =	ssyncadd.s32 $0xFFFFD800  }
0x91: {  	[tilespmem:s14], [sflag:$0x5] =	stream.linear.gather [hbm4b:s7+s3], $0x80, $0x38;
	[tilespmem:$0x1F600] =	vst v63  }
0x92: {  	_ =	swait.ge [sflag:s31], $0x2800  }
0x93: {  	[sflag:s31] =	ssyncset.done $0x0  }
0x94: {  	[sflag:s31] =	ssyncadd.s32 $0xFFFFD800  }
0x95: {  	_ =	swait.ge [sflag:s0], $0x80  }
0x96: {  	[sflag:s0] =	ssyncset.done $0x0  }
0x97: {  	s9 =	simm.s32 $0x3E00;
	[sflag:s0] =	ssyncadd.s32 $0xFFFFFF80  }
0x98: {  	[tilespmem:s20], [sflag:$0x2] =	stream.indirect.gather [hbm4b:s4+s17], $0x80, s9, s17, $0xb8;
	[tilespmem:$0x1F600] =	vst v63  }
0x99: {  	_ = 	snop  }
0x9a: {  	[spmem:s2] =	stream.indirect.scatter.add.f32 [tilespmem:s25], [sflag:$0x9], $0x80, s16, s17, $0xb8;
	[tilespmem:$0x1F600] =	vst v63  }
0x9b: {  	_ =	swait.ge [sflag:s1], $0x2800  }
0x9c: {  	[sflag:s1] =	ssyncset.done $0x0  }
0x9d: {  	[sflag:s1] =	ssyncadd.s32 $0xFFFFD800  }
0x9e: {  	_ =	swait.ge [sflag:s21], $0x2800  }
0x9f: {  	[sflag:s21] =	ssyncset.done $0x0  }
0xa0: {  	[sflag:s21] =	ssyncadd.s32 $0xFFFFD800  }
0xa1: {  	_ =	swait.ge [sflag:s22], $0x80  }
0xa2: {  	[sflag:s22] =	ssyncset.done $0x0  }
0xa3: {  	[sflag:s22] =	ssyncadd.s32 $0xFFFFFF80  }
0xa4: {  	[spmem:s2] =	stream.indirect.scatter.add.f32 [tilespmem:s18], [sflag:$0x7], $0x80, s12, s17, $0xb8;
	[tilespmem:$0x1F600] =	vst v63  }
0xa5: {  	_ =	swait.ge [sflag:s28], $0x2800  }
0xa6: {  	[sflag:s28] =	ssyncset.done $0x0  }
0xa7: {  	[sflag:s28] =	ssyncadd.s32 $0xFFFFD800  }
0xa8: {  	_ =	swait.ge [sflag:s29], $0x80  }
0xa9: {  	[sflag:s29] =	ssyncset.done $0x0  }
0xaa: {  	[sflag:s29] =	ssyncadd.s32 $0xFFFFFF80  }
0xab: {  	[spmem:s2] =	stream.indirect.scatter.add.f32 [tilespmem:s20], [sflag:$0x8], $0x80, s14, s17, $0xb8;
	[tilespmem:$0x1F600] =	vst v63  }
0xac: {  	_ =	swait.ge [sflag:s26], $0x2800  }
0xad: {  	[sflag:s26] =	ssyncset.done $0x0  }
0xae: {  	[sflag:s26] =	ssyncadd.s32 $0xFFFFD800  }
0xaf: {  	_ =	swait.ge [sflag:s30], $0x2800  }
0xb0: {  	[sflag:s30] =	ssyncset.done $0x0  }
0xb1: {  	[sflag:s30] =	ssyncadd.s32 $0xFFFFD800  }
0xb2: {  	[bflag:$0x0] =	sbarrier.arrive $0xFFFF  }
0xb3: {  	[hbm:s24], [sflag:s6] =	dma.local [spmem:s10], $0x2780  }
0xb4: {  	_ =	swait.ge [sflag:s11], $0x2780  }
0xb5: {  	s19 =	sadd.s32 $0x1, s19;
	s23 =	rddreg [dreg:$0x7]  }
0xb6: {  	p0 =	sne.s32 s19, s23  }
.Ltmp1:
0xb7: {  	_ = 	snop;
	(pc) =	sbr.rel @p0 .LBB2_1-.Ltmp1, $3  }
0xb8: {  	_ =	sdelay $0x1  }
0xb9: {  	[sflag:s11] =	ssyncset.done $0x0  }
0xba: {  	[sflag:s11] =	ssyncadd.s32 $0xFFFFD880  }
0xbb: {  	_ =	sfence.sel $0x180000  }
0xbc: {  	[bflag:$0x0] =	sbarrier.arrive $0xFFFF  }
0xbd: {  	_ =	strace $0x9000004A  }
0xbe: {  	s0 =	stileid.u32;
	[bflag:$0x2] =	sbarrier.arrive $0xFFFF  }
0xbf: {  	p0 =	sne.s32 s0, $0x0;
	s0 =	rddreg [dreg:$0x4]  }
0xc0: {  	s0 =	sadd.s32 @!p0 $0x100000, s0  }
0xc1: {  	[sflag:s0] =	ssyncadd.tile.s32 @!p0 $0x1;
	_ =	shalt  }
.Lfunc_end2:
_tile_overlayer_lowered:
.L_overlay_start_2:
0xc2: {  	(tag) =	ssettag $0x2  }
0xc3: {  	s0 =	rddreg [dreg:$0x0];
	s2 =	stileid.u32  }
0xc4: {  	s1 =	rddreg [dreg:$0x1];
	p0 =	sne.s32 s2, $0x0  }
0xc5: {  	s3 =	rddreg [dreg:$0x2];
	[bflag:$0x3] =	sbarrier.arrive $0xFFFF;
	s2 =	simm.s32 @!p0 $0x1C0A  }
0xc6: {  	[timem:s3], [sflag:s2] =	dma.local @!p0 [hbm:s0], s1  }
0xc7: {  	s0 =	simm.s32 @!p0 $0xA  }
0xc8: {  	_ =	swait.ge @!p0 [sflag:s0], s1  }
0xc9: {  	s1 =	ssub.s32 @!p0 $0x0, s1;
	[sflag:s0] =	ssyncset.done @!p0 $0x0  }
0xca: {  	[sflag:s0] =	ssyncadd.s32 @!p0 s1  }
0xcb: {  	[bflag:$0x3] =	sbarrier.arrive $0xFFFF  }
0xcc: {  	_ =	shalt  }

// kernel: kernel.18.cloned.1.call-start
scs
__scs_entry_jumppad:
0x0: {  	(pc) =	sbr.rel $0x88, $3  }
0x1: {  	(tag) =	ssettag $0x0;
	lr =	simm.s32 $0x1  }
0x2: {  	[smem:$0x3F94] =	sst lr;
	_ =	strace $0xD0000000  }
0x3: {  	_ = 	snop  }
0x4: {  	_ = 	snop  }
0x5: {  	_ = 	snop  }
0x6: {  	_ = 	snop  }
0x7: {  	_ = 	snop  }
__scs_overlays_trampoline_lowered:
0x8: {  	[smem:$0x3FA3] =	sst s0  }
0x9: {  	[smem:$0x3FA4] =	sst s1  }
0xa: {  	[smem:$0x3FA5] =	sst s2  }
0xb: {  	[smem:$0x3FA6] =	sst s3  }
0xc: {  	[smem:$0x3FA7] =	sst s4  }
0xd: {  	[smem:$0x3FA8] =	sst s5  }
0xe: {  	[smem:$0x3FA9] =	sst s6  }
0xf: {  	[smem:$0x3FAA] =	sst s7  }
0x10: {  	[smem:$0x3FAB] =	sst s8  }
0x11: {  	[smem:$0x3FAC] =	sst s9;
	s0 =	simm.s32 @!p0 $0x0  }
0x12: {  	s1 =	sld [smem:$0x3F92];
	s0 =	simm.s32 @p0 $0x1  }
0x13: {  	[smem:$0x3FAD] =	sst s0;
	s0 =	simm.s32 @!p1 $0x0  }
0x14: {  	s2 =	sld [smem:$0x3F91];
	s0 =	simm.s32 @p1 $0x1  }
0x15: {  	[smem:$0x3FAE] =	sst s0;
	s0 =	simm.s32 @!p2 $0x0  }
0x16: {  	s3 =	sld [smem:$0x3FDB];
	s0 =	simm.s32 @p2 $0x1  }
0x17: {  	s4 =	simm.s32 $0x1BF5;
	[smem:$0x3FB0] =	sst s0  }
0x18: {  	s0 =	sld [smem:$0x3F93];
	_ =	swait.ge [sflag:s4], $0x0  }
0x19: {  	s7 =	sld [smem:$0x3F94]  }
0x1a: {  	s8 =	sadd.s32 $0xFFFFE003, lr  }
0x1b: {  	s9 =	sadd.s32 $0xFFFFFEF7, lr;
	s5 =	simm.s32 $0xFFFFFFFF;
	p2 =	slt.u32 s8, $0xFFFFF086  }
0x1c: {  	p1 =	slt.u32 s9, $0xF7A;
	s5 =	simm.s32 @!p2 $0x0  }
0x1d: {  	s5 =	simm.s32 @p1 $0x1;
	p0 =	seq.s32 s7, s2  }
0x1e: {  	s7 =	smul.u32 @!p0 $0xF7A, s2;
	p2 =	seq.s32 @!p0 s5, $0x0  }
0x1f: {  	s9 =	smul.u32 $0xF7A, s1;
	s8 =	simm.s32 @!p0 $0x1BF5;
	p2 =	por !p2, p0  }
0x20: {  	[sflag:s8] =	ssyncset.s32 @!p0 $0xFFFFF086;
	s6 =	sadd.s32 @!p0 s3, s7;
	s7 =	simm.s32 @!p0 $0x108  }
0x21: {  	s3 =	sadd.s32 s3, s9;
	s6 =	sadd.s32 @!p0 $0x88, s6;
	s7 =	simm.s32 @p2 $0x1082  }
0x22: {  	[simem:s7], [sflag:s8] =	dma.local @!p0 [hbm:s6], $0xF7A  }
0x23: {  	s9 =	sor.u32 $0xD0000000, s2;
	s6 =	simm.s32 $0x108;
	_ =	swait.ge @!p0 [sflag:s8], $0x0  }
0x24: {  	s3 =	sadd.s32 $0x88, s3;
	s6 =	simm.s32 @!p1 $0x1082;
	[sflag:s4] =	ssyncset.s32 $0xFFFFF086  }
0x25: {  	[simem:s6], [sflag:s4] =	dma.local [hbm:s3], $0xF7A  }
0x26: {  	[smem:$0x3F94] =	sst s1;
	(tag) =	ssettag s2;
	_ =	strace s9  }
0x27: {  	s1 =	sld [smem:$0x3FA4]  }
0x28: {  	s2 =	sld [smem:$0x3FA5]  }
0x29: {  	s4 =	sld [smem:$0x3FA7]  }
0x2a: {  	p0 =	seq.s32 s5, $0x0;
	s5 =	sld [smem:$0x3FA8]  }
0x2b: {  	s6 =	sld [smem:$0x3FA9]  }
0x2c: {  	s7 =	sld [smem:$0x3FAA]  }
0x2d: {  	s3 =	simm.s32 $0x108;
	s8 =	sld [smem:$0x3FAB]  }
0x2e: {  	s3 =	simm.s32 @!p0 $0x1082;
	s9 =	sld [smem:$0x3FAC]  }
0x2f: {  	lr =	sadd.s32 s0, s3;
	s0 =	sld [smem:$0x3FA3]  }
0x30: {  	s3 =	sld [smem:$0x3FA6]  }
0x31: {  	[smem:$0x3FAF] =	sst s10  }
0x32: {  	s10 =	sld [smem:$0x3FAD];
	_ =	sdelay $0x3  }
0x33: {  	p0 =	seq.s32 s10, $0x1;
	s10 =	sld [smem:$0x3FAF];
	_ =	sdelay $0x3  }
0x34: {  	[smem:$0x3FAF] =	sst s10  }
0x35: {  	s10 =	sld [smem:$0x3FAE];
	_ =	sdelay $0x3  }
0x36: {  	p1 =	seq.s32 s10, $0x1;
	s10 =	sld [smem:$0x3FAF];
	_ =	sdelay $0x3  }
0x37: {  	[smem:$0x3FAF] =	sst s10  }
0x38: {  	s10 =	sld [smem:$0x3FB0]  }
0x39: {  	_ = 	snop;
	(pc) =	sbr.ind lr, $3  }
0x3a: {  	_ = 	snop  }
0x3b: {  	_ = 	snop  }
0x3c: {  	p2 =	seq.s32 s10, $0x1;
	s10 =	sld [smem:$0x3FAF]  }
0x3d: {  	_ =	shalt  }
0x3e: {  	_ =	shalt  }
0x3f: {  	_ =	shalt  }
0x40: {  	_ =	shalt  }
0x41: {  	_ =	shalt  }
0x42: {  	_ =	shalt  }
0x43: {  	_ =	shalt  }
0x44: {  	_ =	shalt  }
0x45: {  	_ =	shalt  }
0x46: {  	_ =	shalt  }
0x47: {  	_ =	shalt  }
0x48: {  	_ =	shalt  }
0x49: {  	_ =	shalt  }
0x4a: {  	_ =	shalt  }
0x4b: {  	_ =	shalt  }
0x4c: {  	_ =	shalt  }
0x4d: {  	_ =	shalt  }
0x4e: {  	_ =	shalt  }
0x4f: {  	_ =	shalt  }
0x50: {  	_ =	shalt  }
0x51: {  	_ =	shalt  }
0x52: {  	_ =	shalt  }
0x53: {  	_ =	shalt  }
0x54: {  	_ =	shalt  }
0x55: {  	_ =	shalt  }
0x56: {  	_ =	shalt  }
0x57: {  	_ =	shalt  }
0x58: {  	_ =	shalt  }
0x59: {  	_ =	shalt  }
0x5a: {  	_ =	shalt  }
0x5b: {  	_ =	shalt  }
0x5c: {  	_ =	shalt  }
0x5d: {  	_ =	shalt  }
0x5e: {  	_ =	shalt  }
0x5f: {  	_ =	shalt  }
0x60: {  	_ =	shalt  }
0x61: {  	_ =	shalt  }
0x62: {  	_ =	shalt  }
0x63: {  	_ =	shalt  }
0x64: {  	_ =	shalt  }
0x65: {  	_ =	shalt  }
0x66: {  	_ =	shalt  }
0x67: {  	_ =	shalt  }
0x68: {  	_ =	shalt  }
0x69: {  	_ =	shalt  }
0x6a: {  	_ =	shalt  }
0x6b: {  	_ =	shalt  }
0x6c: {  	_ =	shalt  }
0x6d: {  	_ =	shalt  }
0x6e: {  	_ =	shalt  }
0x6f: {  	_ =	shalt  }
0x70: {  	_ =	shalt  }
0x71: {  	_ =	shalt  }
0x72: {  	_ =	shalt  }
0x73: {  	_ =	shalt  }
0x74: {  	_ =	shalt  }
0x75: {  	_ =	shalt  }
0x76: {  	_ =	shalt  }
0x77: {  	_ =	shalt  }
0x78: {  	_ =	shalt  }
0x79: {  	_ =	shalt  }
0x7a: {  	_ =	shalt  }
0x7b: {  	_ =	shalt  }
0x7c: {  	_ =	shalt  }
0x7d: {  	_ =	shalt  }
0x7e: {  	_ =	shalt  }
0x7f: {  	_ =	shalt  }
0x80: {  	_ =	shalt  }
0x81: {  	_ =	shalt  }
0x82: {  	_ =	shalt  }
0x83: {  	_ =	shalt  }
0x84: {  	_ =	shalt  }
0x85: {  	_ =	shalt  }
0x86: {  	_ =	shalt  }
0x87: {  	_ =	shalt  }
.Lfunc_end0:
.L_simem_size_0:
called_computation.2_lowered:
.L_overlay_start_0:
0x88: {  	s2 =	sld [smem:$0x3FD9]  }
0x89: {  	s3 =	sld [smem:$0x3FFE];
	_ =	sdelay $0x1  }
0x8a: {  	s1 =	srdreg.scid  }
0x8b: {  	s0 =	sand.u32 $0x1, s1  }
0x8c: {  	s14 =	sshll.u32 s0, $0xA;
	s2 =	sadd.s32 s3, s2  }
0x8d: {  	s2 =	sadd.s32 s2, s14  }
0x8e: {  	[smem:$0x3FBB] =	sst s2  }
0x8f: {  	_ = 	snop  }
0x90: {  	s2 =	sld [smem:$0x3FD0];
	_ =	sdelay $0x2  }
0x91: {  	s15 =	simm.s32 $0xA;
	s4 =	simm.s32 $0x10  }
0x92: {  	[smem:s4], [sflag:s15] =	dma.local [hbm:s2], $0x1  }
0x93: {  	_ =	swait.eq [sflag:s15], $0x1  }
0x94: {  	[sflag:s15] =	ssyncset.done $0x0  }
0x95: {  	s16 =	sld [smem:$0x13];
	[sflag:s15] =	ssyncadd.s32 $0xFFFFFFFF  }
0x96: {  	s17 =	sld [smem:$0x14];
	(tm) =	ssettm $0x1  }
0x97: {  	s18 =	sld [smem:$0x3FFB];
	_ =	sdelay $0x3  }
0x98: {  	_ =	strace s18  }
0x99: {  	s4 =	sld [smem:$0x3FFC];
	_ =	sdelay $0x3  }
0x9a: {  	_ =	strace s4  }
0x9b: {  	s4 =	sld [smem:$0x3FFD];
	_ =	sdelay $0x3  }
0x9c: {  	_ =	strace s4  }
0x9d: {  	_ =	strace $0x8FFFFFFF  }
0x9e: {  	s19 =	sld [smem:$0x3FDB];
	_ =	sdelay $0x1  }
0x9f: {  	s5 =	simm.s32 $_scs_section_size  }
0xa0: {  	s6 =	simm.s32 $_size__tile_overlayer_lowered;
	s7 =	simm.s32 $_tile_overlayer_lowered  }
0xa1: {  	s22 =	simm.s32 $0x1BFF;
	s21 =	sshll.u32 s7, $0x1;
	s4 =	sadd.s32 s5, s19  }
0xa2: {  	s8 =	simm.s32 $0x0;
	s20 =	sshll.u32 s6, $0x1;
	s6 =	sadd.s32 s21, s4  }
0xa3: {  	[timem:s8], [sflag:s22] =	dma.local [hbm:s6], s20  }
0xa4: {  	_ =	swait.ge [sflag:s22], s20  }
0xa5: {  	s5 =	ssub.s32 $0x0, s20;
	[sflag:s22] =	ssyncset.done $0x0  }
0xa6: {  	[sflag:s22] =	ssyncadd.s32 s5;
	_ =	sdelay $0x1  }
0xa7: {  	s23 =	simm.s32 $0x1B8B  }
0xa8: {  	_ =	swait.ge [sflag:s23], $0x1  }
0xa9: {  	[sflag:s23] =	ssyncset.done $0x0  }
0xaa: {  	s25 =	simm.s32 $0x1B8E;
	s24 =	sld [smem:$0x3FFE];
	[sflag:s23] =	ssyncadd.s32 $0xFFFFFFFF  }
0xab: {  	s26 =	simm.s32 $execute0_lowered;
	[smem:$0x3FD2] =	sst s25  }
0xac: {  	s6 =	sshll.u32 s26, $0x1;
	_ =	strace $0x8000004C;
	[dreg:$0x1] =	wrdreg $0xFFFFFFFF  }
0xad: {  	s28 =	simm.s32 $_size_execute0_lowered;
	s4 =	sadd.s32 s4, s6;
	[dreg:$0x0] =	wrdreg $0x0  }
0xae: {  	s6 =	sshll.u32 s28, $0x1;
	[dreg:$0x2] =	wrdreg s4  }
0xaf: {  	[dreg:$0x3] =	wrdreg s6  }
0xb0: {  	[dreg:$0x4] =	wrdreg $0xC0  }
0xb1: {  	_ =	task [dreg:s8], $0x5FFFF  }
0xb2: {  	[dreg:$0x1] =	wrdreg $0xFFFFFFFF  }
0xb3: {  	[dreg:$0x0] =	wrdreg $0x60  }
0xb4: {  	[dreg:$0x2] =	wrdreg s24  }
0xb5: {  	[dreg:$0x3] =	wrdreg s16  }
0xb6: {  	[dreg:$0x4] =	wrdreg s17  }
0xb7: {  	[dreg:$0x5] =	wrdreg $0xBA000  }
0xb8: {  	[dreg:$0x6] =	wrdreg $0x9  }
0xb9: {  	_ =	task.clear_ibuf [dreg:s8], $0x7FFFF;
	_ =	strace $0x9000004C  }
0xba: {  	s29 =	simm.s32 $0x9;
	_ =	strace $0x8000004E  }
0xbb: {  	_ =	swait.ge [sflag:s29], $0x1  }
0xbc: {  	[sflag:s29] =	ssyncadd.s32 $0xFFFFFFFF  }
0xbd: {  	_ =	strace $0x9000004E  }
0xbe: {  	_ =	sfence  }
0xbf: {  	s30 =	sld [smem:$0x0];
	_ =	sdelay $0x2  }
0xc0: {  	s31 =	sshll.u32 s1, $0xD;
	s1 =	sshrl.u32 s1, $0x2  }
0xc1: {  	s3 =	sand.u32 $0x4000, s31;
	s1 =	sadd.s32 s1, s30  }
0xc2: {  	s0 =	sor.u32 s3, s0;
	s1 =	sshll.u32 s1, $0x11  }
0xc3: {  	s0 =	sor.u32 s1, s0  }
0xc4: {  	s0 =	sadd.s32 $0x8F2B, s0  }
0xc5: {  	[sflag:s0] =	ssyncadd.remote.s32 $0x1  }
0xc6: {  	_ =	sfence.sel $0xFFFF  }
0xc7: {  	[dreg:$0x0] =	wrdreg $0xFFFFFFFF;
	(pc) =	sbr.abs _section_cstart, $3  }
0xc8: {  	[dreg:$0x1] =	wrdreg $0xFFFFFFFF  }
0xc9: {  	_ =	task.clear_ibuf [dreg:s8], $0x2FFFF;
	_ =	strace $0x9FFFFFFF  }
0xca: {  	(tm) =	ssettm $0x7FFFFFFF  }
0xcb: {  	_ =	shalt  }
tec
execute0_lowered:
.L_overlay_start_1:
0x0: {  	(tag) =	ssettag $0x1  }
0x1: {  	s0 =	rddreg [dreg:$0x0]  }
0x2: {  	s1 =	rddreg [dreg:$0x1]  }
0x3: {  	s5 =	rddreg [dreg:$0x2]  }
0x4: {  	s2 =	rddreg [dreg:$0x3];
	s3 =	simm.s32 $0x0  }
0x5: {  	s12 =	stileid.u32;
	s4 =	srdreg.scid;
	s14 =	simm.s32 $0x4080  }
0x6: {  	s16 =	simm.s32 $0x4100;
	s17 =	simm.s32 $0x50;
	s18 =	simm.s32 $0x4200  }
0x7: {  	s20 =	simm.s32 $0x6A00;
	s28 =	simm.s32 $0x2;
	s29 =	simm.s32 $0x5  }
0x8: {  	s30 =	simm.s32 $0x8;
	s31 =	simm.s32 $0x3;
	s19 =	smul.u32 $0x2780, s12  }
0x9: {  	[smem:$0x7FF] =	sst s3;
	s6 =	sand.u32 $0x1, s4;
	s7 =	smul.u32 $0x4F000, s12  }
0xa: {  	s4 =	sadd.s32 $0x2BE00, s0;
	s22 =	sshll.u32 s12, $0x6;
	s23 =	sshll.u32 s12, $0xC  }
0xb: {  	s12 =	simm.s32 $0x4000;
	_ =	strace $0x8000004D;
	s8 =	smul.u32 $0x27800, s6  }
0xc: {  	s9 =	ssub.s32 $0x2, s6;
	s24 =	sshll.u32 s6, $0xB;
	s6 =	sor.u32 $0x1C0A, s22  }
0xd: {  	s22 =	simm.s32 $0x4;
	s10 =	sadd.s32 s19, s0;
	s11 =	sshrl.u32 s9, $0x1  }
0xe: {  	s7 =	sshrl.u32 s7, $0x2;
	s0 =	sadd.s32 s8, s0;
	s9 =	ssub.s32 s9, s11  }
0xf: {  	s21 =	sadd.s32 s7, s2;
	s25 =	sadd.s32 $0x4600, s10;
	s8 =	sor.u32 s24, s23  }
0x10: {  	s11 =	simm.s32 $0xA;
	[dreg:$0x5] =	wrdreg s25;
	s1 =	sadd.s32 s1, s8  }
0x11: {  	s8 =	sadd.s32 s5, s8;
	s0 =	sadd.s32 $0x7A200, s0;
	s26 =	smax.u32 s9, $0x1  }
0x12: {  	s10 =	sshrl.u32 s21, $0x3;
	s21 =	simm.s32 $0x1;
	[dreg:$0x6] =	wrdreg s1  }
0x13: {  	s25 =	simm.s32 $0x9200;
	[dreg:$0x7] =	wrdreg s26;
	s13 =	sadd.s32 $0x10, s8  }
0x14: {  	s15 =	sadd.s32 $0x20, s8;
	s24 =	sadd.s32 s19, s0;
	s26 =	simm.s32 $0x7  }
0x15: {  	s0 =	simm.s32 $0x6;
	s1 =	simm.s32 $0x9;
	s19 =	simm.s32 $0x0  }
.LBB2_1:
0x16: {  	s5 =	rddreg [dreg:$0x5]  }
0x17: {  	[spmem:s10], [sflag:s6] =	dma.local [hbm:s5], $0x2780  }
0x18: {  	_ =	swait.ge [sflag:s11], $0x2780  }
0x19: {  	[sflag:s11] =	ssyncset.done $0x0  }
0x1a: {  	s9 =	rddreg [dreg:$0x6];
	[sflag:s11] =	ssyncadd.s32 $0xFFFFD880  }
0x1b: {  	[tilespmem:s3], [sflag:$0xA] =	stream.linear.gather [hbm4b:s9+s3], $0x3E80, $0x38;
	[tilespmem:$0x1F600] =	vst v63  }
0x1c: {  	_ =	swait.ge [sflag:s11], $0x3E80  }
0x1d: {  	[sflag:s11] =	ssyncset.done $0x0  }
0x1e: {  	[sflag:s11] =	ssyncadd.s32 $0xFFFFC180  }
0x1f: {  	[bflag:$0x0] =	sbarrier.arrive $0xFFFF  }
0x20: {  	[tilespmem:s12], [sflag:$0x4] =	stream.linear.gather [hbm4b:s8+s3], $0x80, $0x38;
	[tilespmem:$0x1F600] =	vst v63  }
0x21: {  	_ = 	snop  }
0x22: {  	[tilespmem:s14], [sflag:$0x5] =	stream.linear.gather [hbm4b:s13+s3], $0x80, $0x38;
	[tilespmem:$0x1F600] =	vst v63  }
0x23: {  	_ = 	snop  }
0x24: {  	[tilespmem:s16], [sflag:$0x6] =	stream.linear.gather [hbm4b:s15+s3], $0x80, $0x38;
	[tilespmem:$0x1F600] =	vst v63  }
0x25: {  	_ = 	snop  }
0x26: {  	[tilespmem:s18], [sflag:$0x1] =	stream.indirect.gather [hbm4b:s4+s17], $0x80, s3, s17, $0xb8;
	[tilespmem:$0x1F600] =	vst v63  }
0x27: {  	s23 =	simm.s32 $0x80  }
0x28: {  	[tilespmem:s20], [sflag:$0x2] =	stream.indirect.gather [hbm4b:s4+s17], $0x80, s23, s17, $0xb8;
	[tilespmem:$0x1F600] =	vst v63  }
0x29: {  	_ =	swait.ge [sflag:s21], $0x2800  }
0x2a: {  	[sflag:s21] =	ssyncset.done $0x0  }
0x2b: {  	[sflag:s21] =	ssyncadd.s32 $0xFFFFD800  }
0x2c: {  	_ =	swait.ge [sflag:s22], $0x80  }
0x2d: {  	[sflag:s22] =	ssyncset.done $0x0  }
0x2e: {  	s7 =	simm.s32 $0x100;
	[sflag:s22] =	ssyncadd.s32 $0xFFFFFF80  }
0x2f: {  	[tilespmem:s25], [sflag:$0x3] =	stream.indirect.gather [hbm4b:s4+s17], $0x80, s7, s17, $0xb8;
	[tilespmem:$0x1F600] =	vst v63  }
0x30: {  	_ = 	snop  }
0x31: {  	[spmem:s2] =	stream.indirect.scatter.add.f32 [tilespmem:s18], [sflag:$0x7], $0x80, s12, s17, $0xb8;
	[tilespmem:$0x1F600] =	vst v63  }
0x32: {  	_ =	swait.ge [sflag:s26], $0x2800  }
0x33: {  	s5 =	sadd.s32 $0x0, s8;
	[sflag:s26] =	ssyncset.done $0x0  }
0x34: {  	s23 =	sadd.s32 $0x30, s5;
	[sflag:s26] =	ssyncadd.s32 $0xFFFFD800  }
0x35: {  	[tilespmem:s12], [sflag:$0x4] =	stream.linear.gather [hbm4b:s23+s3], $0x80, $0x38;
	[tilespmem:$0x1F600] =	vst v63  }
0x36: {  	_ =	swait.ge [sflag:s28], $0x2800  }
0x37: {  	[sflag:s28] =	ssyncset.done $0x0  }
0x38: {  	[sflag:s28] =	ssyncadd.s32 $0xFFFFD800  }
0x39: {  	_ =	swait.ge [sflag:s29], $0x80  }
0x3a: {  	[sflag:s29] =	ssyncset.done $0x0  }
0x3b: {  	s9 =	simm.s32 $0x180;
	[sflag:s29] =	ssyncadd.s32 $0xFFFFFF80  }
0x3c: {  	[tilespmem:s18], [sflag:$0x1] =	stream.indirect.gather [hbm4b:s4+s17], $0x80, s9, s17, $0xb8;
	[tilespmem:$0x1F600] =	vst v63  }
0x3d: {  	_ = 	snop  }
0x3e: {  	[spmem:s2] =	stream.indirect.scatter.add.f32 [tilespmem:s20], [sflag:$0x8], $0x80, s14, s17, $0xb8;
	[tilespmem:$0x1F600] =	vst v63  }
0x3f: {  	_ =	swait.ge [sflag:s30], $0x2800  }
0x40: {  	[sflag:s30] =	ssyncset.done $0x0  }
0x41: {  	s7 =	sadd.s32 $0x40, s5;
	[sflag:s30] =	ssyncadd.s32 $0xFFFFD800  }
0x42: {  	[tilespmem:s14], [sflag:$0x5] =	stream.linear.gather [hbm4b:s7+s3], $0x80, $0x38;
	[tilespmem:$0x1F600] =	vst v63  }
0x43: {  	_ =	swait.ge [sflag:s31], $0x2800  }
0x44: {  	[sflag:s31] =	ssyncset.done $0x0  }
0x45: {  	[sflag:s31] =	ssyncadd.s32 $0xFFFFD800  }
0x46: {  	_ =	swait.ge [sflag:s0], $0x80  }
0x47: {  	[sflag:s0] =	ssyncset.done $0x0  }
0x48: {  	s9 =	simm.s32 $0x200;
	[sflag:s0] =	ssyncadd.s32 $0xFFFFFF80  }
0x49: {  	[tilespmem:s20], [sflag:$0x2] =	stream.indirect.gather [hbm4b:s4+s17], $0x80, s9, s17, $0xb8;
	[tilespmem:$0x1F600] =	vst v63  }
0x4a: {  	_ = 	snop  }
0x4b: {  	[spmem:s2] =	stream.indirect.scatter.add.f32 [tilespmem:s25], [sflag:$0x9], $0x80, s16, s17, $0xb8;
	[tilespmem:$0x1F600] =	vst v63  }
0x4c: {  	_ =	swait.ge [sflag:s1], $0x2800  }
0x4d: {  	[sflag:s1] =	ssyncset.done $0x0  }
0x4e: {  	s5 =	sadd.s32 $0x50, s5;
	[sflag:s1] =	ssyncadd.s32 $0xFFFFD800  }
0x4f: {  	[tilespmem:s16], [sflag:$0x6] =	stream.linear.gather [hbm4b:s5+s3], $0x80, $0x38;
	[tilespmem:$0x1F600] =	vst v63  }
0x50: {  	_ =	swait.ge [sflag:s21], $0x2800  }
0x51: {  	[sflag:s21] =	ssyncset.done $0x0  }
0x52: {  	[sflag:s21] =	ssyncadd.s32 $0xFFFFD800  }
0x53: {  	_ =	swait.ge [sflag:s22], $0x80  }
0x54: {  	[sflag:s22] =	ssyncset.done $0x0  }
0x55: {  	s23 =	simm.s32 $0x280;
	[sflag:s22] =	ssyncadd.s32 $0xFFFFFF80  }
0x56: {  	[tilespmem:s25], [sflag:$0x3] =	stream.indirect.gather [hbm4b:s4+s17], $0x80, s23, s17, $0xb8;
	[tilespmem:$0x1F600] =	vst v63  }
0x57: {  	s5 =	simm.s32 $0x400;
	s23 =	simm.s32 $0x30  }
.LBB2_2:
0x58: {  	[spmem:s2] =	stream.indirect.scatter.add.f32 [tilespmem:s18], [sflag:$0x7], $0x80, s12, s17, $0xb8;
	[tilespmem:$0x1F600] =	vst v63  }
0x59: {  	s7 =	smov.u32 s23  }
0x5a: {  	p0 =	sne.s32 s23, $0x750;
	s23 =	sadd.s32 $0x30, s23;
	_ =	swait.ge [sflag:s26], $0x2800  }
0x5b: {  	s7 =	sadd.s32 s7, s8;
	[sflag:s26] =	ssyncset.done $0x0  }
0x5c: {  	s9 =	sadd.s32 $0x30, s7;
	[sflag:s26] =	ssyncadd.s32 $0xFFFFD800  }
0x5d: {  	[tilespmem:s12], [sflag:$0x4] =	stream.linear.gather [hbm4b:s9+s3], $0x80, $0x38;
	[tilespmem:$0x1F600] =	vst v63  }
0x5e: {  	_ =	swait.ge [sflag:s28], $0x2800  }
0x5f: {  	[sflag:s28] =	ssyncset.done $0x0  }
0x60: {  	[sflag:s28] =	ssyncadd.s32 $0xFFFFD800  }
0x61: {  	_ =	swait.ge [sflag:s29], $0x80  }
0x62: {  	[sflag:s29] =	ssyncset.done $0x0  }
0x63: {  	s9 =	sadd.s32 $0xFFFFFF00, s5;
	[sflag:s29] =	ssyncadd.s32 $0xFFFFFF80  }
0x64: {  	[tilespmem:s18], [sflag:$0x1] =	stream.indirect.gather [hbm4b:s4+s17], $0x80, s9, s17, $0xb8;
	[tilespmem:$0x1F600] =	vst v63  }
0x65: {  	_ = 	snop  }
0x66: {  	[spmem:s2] =	stream.indirect.scatter.add.f32 [tilespmem:s20], [sflag:$0x8], $0x80, s14, s17, $0xb8;
	[tilespmem:$0x1F600] =	vst v63  }
0x67: {  	_ =	swait.ge [sflag:s30], $0x2800  }
0x68: {  	[sflag:s30] =	ssyncset.done $0x0  }
0x69: {  	s9 =	sadd.s32 $0x40, s7;
	[sflag:s30] =	ssyncadd.s32 $0xFFFFD800  }
0x6a: {  	[tilespmem:s14], [sflag:$0x5] =	stream.linear.gather [hbm4b:s9+s3], $0x80, $0x38;
	[tilespmem:$0x1F600] =	vst v63  }
0x6b: {  	_ =	swait.ge [sflag:s31], $0x2800  }
0x6c: {  	[sflag:s31] =	ssyncset.done $0x0  }
0x6d: {  	[sflag:s31] =	ssyncadd.s32 $0xFFFFD800  }
0x6e: {  	_ =	swait.ge [sflag:s0], $0x80  }
0x6f: {  	[sflag:s0] =	ssyncset.done $0x0  }
0x70: {  	s9 =	sadd.s32 $0xFFFFFF80, s5;
	[sflag:s0] =	ssyncadd.s32 $0xFFFFFF80  }
0x71: {  	[tilespmem:s20], [sflag:$0x2] =	stream.indirect.gather [hbm4b:s4+s17], $0x80, s9, s17, $0xb8;
	[tilespmem:$0x1F600] =	vst v63  }
0x72: {  	_ = 	snop  }
0x73: {  	[spmem:s2] =	stream.indirect.scatter.add.f32 [tilespmem:s25], [sflag:$0x9], $0x80, s16, s17, $0xb8;
	[tilespmem:$0x1F600] =	vst v63  }
0x74: {  	_ =	swait.ge [sflag:s1], $0x2800  }
0x75: {  	[sflag:s1] =	ssyncset.done $0x0  }
0x76: {  	s7 =	sadd.s32 $0x50, s7;
	[sflag:s1] =	ssyncadd.s32 $0xFFFFD800  }
0x77: {  	[tilespmem:s16], [sflag:$0x6] =	stream.linear.gather [hbm4b:s7+s3], $0x80, $0x38;
	[tilespmem:$0x1F600] =	vst v63  }
0x78: {  	_ =	swait.ge [sflag:s21], $0x2800  }
0x79: {  	[sflag:s21] =	ssyncset.done $0x0  }
0x7a: {  	[sflag:s21] =	ssyncadd.s32 $0xFFFFD800  }
.Ltmp0:
0x7b: {  	_ =	swait.ge [sflag:s22], $0x80;
	(pc) =	sbr.rel @p0 .LBB2_2-.Ltmp0, $4  }
0x7c: {  	[sflag:s22] =	ssyncset.done $0x0  }
0x7d: {  	[sflag:s22] =	ssyncadd.s32 $0xFFFFFF80  }
0x7e: {  	[tilespmem:s25], [sflag:$0x3] =	stream.indirect.gather [hbm4b:s4+s17], $0x80, s5, s17, $0xb8;
	[tilespmem:$0x1F600] =	vst v63  }
0x7f: {  	s5 =	sadd.s32 $0x180, s5  }
0x80: {  	[spmem:s2] =	stream.indirect.scatter.add.f32 [tilespmem:s18], [sflag:$0x7], $0x80, s12, s17, $0xb8;
	[tilespmem:$0x1F600] =	vst v63  }
0x81: {  	_ =	swait.ge [sflag:s26], $0x2800  }
0x82: {  	[sflag:s26] =	ssyncset.done $0x0  }
0x83: {  	s5 =	sadd.s32 $0x7B0, s8;
	[sflag:s26] =	ssyncadd.s32 $0xFFFFD800  }
0x84: {  	[tilespmem:s12], [sflag:$0x4] =	stream.linear.gather [hbm4b:s5+s3], $0x80, $0x38;
	[tilespmem:$0x1F600] =	vst v63  }
0x85: {  	_ =	swait.ge [sflag:s28], $0x2800  }
0x86: {  	[sflag:s28] =	ssyncset.done $0x0  }
0x87: {  	[sflag:s28] =	ssyncadd.s32 $0xFFFFD800  }
0x88: {  	_ =	swait.ge [sflag:s29], $0x80  }
0x89: {  	[sflag:s29] =	ssyncset.done $0x0  }
0x8a: {  	s23 =	simm.s32 $0x3D80;
	[sflag:s29] =	ssyncadd.s32 $0xFFFFFF80  }
0x8b: {  	[tilespmem:s18], [sflag:$0x1] =	stream.indirect.gather [hbm4b:s4+s17], $0x80, s23, s17, $0xb8;
	[tilespmem:$0x1F600] =	vst v63  }
0x8c: {  	_ = 	snop  }
0x8d: {  	[spmem:s2] =	stream.indirect.scatter.add.f32 [tilespmem:s20], [sflag:$0x8], $0x80, s14, s17, $0xb8;
	[tilespmem:$0x1F600] =	vst v63  }
0x8e: {  	_ =	swait.ge [sflag:s30], $0x2800  }
0x8f: {  	[sflag:s30] =	ssyncset.done $0x0  }
0x90: {  	s7 =	sadd.s32 $0x7C0, s8;
	[sflag:s30] =	ssyncadd.s32 $0xFFFFD800  }
0x91: {  	[tilespmem:s14], [sflag:$0x5] =	stream.linear.gather [hbm4b:s7+s3], $0x80, $0x38;
	[tilespmem:$0x1F600] =	vst v63  }
0x92: {  	_ =	swait.ge [sflag:s31], $0x2800  }
0x93: {  	[sflag:s31] =	ssyncset.done $0x0  }
0x94: {  	[sflag:s31] =	ssyncadd.s32 $0xFFFFD800  }
0x95: {  	_ =	swait.ge [sflag:s0], $0x80  }
0x96: {  	[sflag:s0] =	ssyncset.done $0x0  }
0x97: {  	s9 =	simm.s32 $0x3E00;
	[sflag:s0] =	ssyncadd.s32 $0xFFFFFF80  }
0x98: {  	[tilespmem:s20], [sflag:$0x2] =	stream.indirect.gather [hbm4b:s4+s17], $0x80, s9, s17, $0xb8;
	[tilespmem:$0x1F600] =	vst v63  }
0x99: {  	_ = 	snop  }
0x9a: {  	[spmem:s2] =	stream.indirect.scatter.add.f32 [tilespmem:s25], [sflag:$0x9], $0x80, s16, s17, $0xb8;
	[tilespmem:$0x1F600] =	vst v63  }
0x9b: {  	_ =	swait.ge [sflag:s1], $0x2800  }
0x9c: {  	[sflag:s1] =	ssyncset.done $0x0  }
0x9d: {  	[sflag:s1] =	ssyncadd.s32 $0xFFFFD800  }
0x9e: {  	_ =	swait.ge [sflag:s21], $0x2800  }
0x9f: {  	[sflag:s21] =	ssyncset.done $0x0  }
0xa0: {  	[sflag:s21] =	ssyncadd.s32 $0xFFFFD800  }
0xa1: {  	_ =	swait.ge [sflag:s22], $0x80  }
0xa2: {  	[sflag:s22] =	ssyncset.done $0x0  }
0xa3: {  	[sflag:s22] =	ssyncadd.s32 $0xFFFFFF80  }
0xa4: {  	[spmem:s2] =	stream.indirect.scatter.add.f32 [tilespmem:s18], [sflag:$0x7], $0x80, s12, s17, $0xb8;
	[tilespmem:$0x1F600] =	vst v63  }
0xa5: {  	_ =	swait.ge [sflag:s28], $0x2800  }
0xa6: {  	[sflag:s28] =	ssyncset.done $0x0  }
0xa7: {  	[sflag:s28] =	ssyncadd.s32 $0xFFFFD800  }
0xa8: {  	_ =	swait.ge [sflag:s29], $0x80  }
0xa9: {  	[sflag:s29] =	ssyncset.done $0x0  }
0xaa: {  	[sflag:s29] =	ssyncadd.s32 $0xFFFFFF80  }
0xab: {  	[spmem:s2] =	stream.indirect.scatter.add.f32 [tilespmem:s20], [sflag:$0x8], $0x80, s14, s17, $0xb8;
	[tilespmem:$0x1F600] =	vst v63  }
0xac: {  	_ =	swait.ge [sflag:s26], $0x2800  }
0xad: {  	[sflag:s26] =	ssyncset.done $0x0  }
0xae: {  	[sflag:s26] =	ssyncadd.s32 $0xFFFFD800  }
0xaf: {  	_ =	swait.ge [sflag:s30], $0x2800  }
0xb0: {  	[sflag:s30] =	ssyncset.done $0x0  }
0xb1: {  	[sflag:s30] =	ssyncadd.s32 $0xFFFFD800  }
0xb2: {  	[bflag:$0x0] =	sbarrier.arrive $0xFFFF  }
0xb3: {  	[hbm:s24], [sflag:s6] =	dma.local [spmem:s10], $0x2780  }
0xb4: {  	_ =	swait.ge [sflag:s11], $0x2780  }
0xb5: {  	s19 =	sadd.s32 $0x1, s19;
	s23 =	rddreg [dreg:$0x7]  }
0xb6: {  	p0 =	sne.s32 s19, s23  }
.Ltmp1:
0xb7: {  	_ = 	snop;
	(pc) =	sbr.rel @p0 .LBB2_1-.Ltmp1, $3  }
0xb8: {  	_ =	sdelay $0x1  }
0xb9: {  	[sflag:s11] =	ssyncset.done $0x0  }
0xba: {  	[sflag:s11] =	ssyncadd.s32 $0xFFFFD880  }
0xbb: {  	_ =	sfence.sel $0x180000  }
0xbc: {  	[bflag:$0x0] =	sbarrier.arrive $0xFFFF  }
0xbd: {  	_ =	strace $0x9000004D  }
0xbe: {  	s0 =	stileid.u32;
	[bflag:$0x2] =	sbarrier.arrive $0xFFFF  }
0xbf: {  	p0 =	sne.s32 s0, $0x0;
	s0 =	rddreg [dreg:$0x4]  }
0xc0: {  	s0 =	sadd.s32 @!p0 $0x100000, s0  }
0xc1: {  	[sflag:s0] =	ssyncadd.tile.s32 @!p0 $0x1;
	_ =	shalt  }
.Lfunc_end2:
_tile_overlayer_lowered:
.L_overlay_start_2:
0xc2: {  	(tag) =	ssettag $0x2  }
0xc3: {  	s0 =	rddreg [dreg:$0x0];
	s2 =	stileid.u32  }
0xc4: {  	s1 =	rddreg [dreg:$0x1];
	p0 =	sne.s32 s2, $0x0  }
0xc5: {  	s3 =	rddreg [dreg:$0x2];
	[bflag:$0x3] =	sbarrier.arrive $0xFFFF;
	s2 =	simm.s32 @!p0 $0x1C0A  }
0xc6: {  	[timem:s3], [sflag:s2] =	dma.local @!p0 [hbm:s0], s1  }
0xc7: {  	s0 =	simm.s32 @!p0 $0xA  }
0xc8: {  	_ =	swait.ge @!p0 [sflag:s0], s1  }
0xc9: {  	s1 =	ssub.s32 @!p0 $0x0, s1;
	[sflag:s0] =	ssyncset.done @!p0 $0x0  }
0xca: {  	[sflag:s0] =	ssyncadd.s32 @!p0 s1  }
0xcb: {  	[bflag:$0x3] =	sbarrier.arrive $0xFFFF  }
0xcc: {  	_ =	shalt  }

// kernel: kernel.21.cloned.1.call-start
scs
__scs_entry_jumppad:
0x0: {  	(pc) =	sbr.rel $0x88, $3  }
0x1: {  	(tag) =	ssettag $0x0;
	lr =	simm.s32 $0x1  }
0x2: {  	[smem:$0x3F94] =	sst lr;
	_ =	strace $0xD0000000  }
0x3: {  	_ = 	snop  }
0x4: {  	_ = 	snop  }
0x5: {  	_ = 	snop  }
0x6: {  	_ = 	snop  }
0x7: {  	_ = 	snop  }
__scs_overlays_trampoline_lowered:
0x8: {  	[smem:$0x3FA3] =	sst s0  }
0x9: {  	[smem:$0x3FA4] =	sst s1  }
0xa: {  	[smem:$0x3FA5] =	sst s2  }
0xb: {  	[smem:$0x3FA6] =	sst s3  }
0xc: {  	[smem:$0x3FA7] =	sst s4  }
0xd: {  	[smem:$0x3FA8] =	sst s5  }
0xe: {  	[smem:$0x3FA9] =	sst s6  }
0xf: {  	[smem:$0x3FAA] =	sst s7  }
0x10: {  	[smem:$0x3FAB] =	sst s8  }
0x11: {  	[smem:$0x3FAC] =	sst s9;
	s0 =	simm.s32 @!p0 $0x0  }
0x12: {  	s1 =	sld [smem:$0x3F92];
	s0 =	simm.s32 @p0 $0x1  }
0x13: {  	[smem:$0x3FAD] =	sst s0;
	s0 =	simm.s32 @!p1 $0x0  }
0x14: {  	s2 =	sld [smem:$0x3F91];
	s0 =	simm.s32 @p1 $0x1  }
0x15: {  	[smem:$0x3FAE] =	sst s0;
	s0 =	simm.s32 @!p2 $0x0  }
0x16: {  	s3 =	sld [smem:$0x3FDB];
	s0 =	simm.s32 @p2 $0x1  }
0x17: {  	s4 =	simm.s32 $0x1BF5;
	[smem:$0x3FB0] =	sst s0  }
0x18: {  	s0 =	sld [smem:$0x3F93];
	_ =	swait.ge [sflag:s4], $0x0  }
0x19: {  	s7 =	sld [smem:$0x3F94]  }
0x1a: {  	s8 =	sadd.s32 $0xFFFFE003, lr  }
0x1b: {  	s9 =	sadd.s32 $0xFFFFFEF7, lr;
	s5 =	simm.s32 $0xFFFFFFFF;
	p2 =	slt.u32 s8, $0xFFFFF086  }
0x1c: {  	p1 =	slt.u32 s9, $0xF7A;
	s5 =	simm.s32 @!p2 $0x0  }
0x1d: {  	s5 =	simm.s32 @p1 $0x1;
	p0 =	seq.s32 s7, s2  }
0x1e: {  	s7 =	smul.u32 @!p0 $0xF7A, s2;
	p2 =	seq.s32 @!p0 s5, $0x0  }
0x1f: {  	s9 =	smul.u32 $0xF7A, s1;
	s8 =	simm.s32 @!p0 $0x1BF5;
	p2 =	por !p2, p0  }
0x20: {  	[sflag:s8] =	ssyncset.s32 @!p0 $0xFFFFF086;
	s6 =	sadd.s32 @!p0 s3, s7;
	s7 =	simm.s32 @!p0 $0x108  }
0x21: {  	s3 =	sadd.s32 s3, s9;
	s6 =	sadd.s32 @!p0 $0x88, s6;
	s7 =	simm.s32 @p2 $0x1082  }
0x22: {  	[simem:s7], [sflag:s8] =	dma.local @!p0 [hbm:s6], $0xF7A  }
0x23: {  	s9 =	sor.u32 $0xD0000000, s2;
	s6 =	simm.s32 $0x108;
	_ =	swait.ge @!p0 [sflag:s8], $0x0  }
0x24: {  	s3 =	sadd.s32 $0x88, s3;
	s6 =	simm.s32 @!p1 $0x1082;
	[sflag:s4] =	ssyncset.s32 $0xFFFFF086  }
0x25: {  	[simem:s6], [sflag:s4] =	dma.local [hbm:s3], $0xF7A  }
0x26: {  	[smem:$0x3F94] =	sst s1;
	(tag) =	ssettag s2;
	_ =	strace s9  }
0x27: {  	s1 =	sld [smem:$0x3FA4]  }
0x28: {  	s2 =	sld [smem:$0x3FA5]  }
0x29: {  	s4 =	sld [smem:$0x3FA7]  }
0x2a: {  	p0 =	seq.s32 s5, $0x0;
	s5 =	sld [smem:$0x3FA8]  }
0x2b: {  	s6 =	sld [smem:$0x3FA9]  }
0x2c: {  	s7 =	sld [smem:$0x3FAA]  }
0x2d: {  	s3 =	simm.s32 $0x108;
	s8 =	sld [smem:$0x3FAB]  }
0x2e: {  	s3 =	simm.s32 @!p0 $0x1082;
	s9 =	sld [smem:$0x3FAC]  }
0x2f: {  	lr =	sadd.s32 s0, s3;
	s0 =	sld [smem:$0x3FA3]  }
0x30: {  	s3 =	sld [smem:$0x3FA6]  }
0x31: {  	[smem:$0x3FAF] =	sst s10  }
0x32: {  	s10 =	sld [smem:$0x3FAD];
	_ =	sdelay $0x3  }
0x33: {  	p0 =	seq.s32 s10, $0x1;
	s10 =	sld [smem:$0x3FAF];
	_ =	sdelay $0x3  }
0x34: {  	[smem:$0x3FAF] =	sst s10  }
0x35: {  	s10 =	sld [smem:$0x3FAE];
	_ =	sdelay $0x3  }
0x36: {  	p1 =	seq.s32 s10, $0x1;
	s10 =	sld [smem:$0x3FAF];
	_ =	sdelay $0x3  }
0x37: {  	[smem:$0x3FAF] =	sst s10  }
0x38: {  	s10 =	sld [smem:$0x3FB0]  }
0x39: {  	_ = 	snop;
	(pc) =	sbr.ind lr, $3  }
0x3a: {  	_ = 	snop  }
0x3b: {  	_ = 	snop  }
0x3c: {  	p2 =	seq.s32 s10, $0x1;
	s10 =	sld [smem:$0x3FAF]  }
0x3d: {  	_ =	shalt  }
0x3e: {  	_ =	shalt  }
0x3f: {  	_ =	shalt  }
0x40: {  	_ =	shalt  }
0x41: {  	_ =	shalt  }
0x42: {  	_ =	shalt  }
0x43: {  	_ =	shalt  }
0x44: {  	_ =	shalt  }
0x45: {  	_ =	shalt  }
0x46: {  	_ =	shalt  }
0x47: {  	_ =	shalt  }
0x48: {  	_ =	shalt  }
0x49: {  	_ =	shalt  }
0x4a: {  	_ =	shalt  }
0x4b: {  	_ =	shalt  }
0x4c: {  	_ =	shalt  }
0x4d: {  	_ =	shalt  }
0x4e: {  	_ =	shalt  }
0x4f: {  	_ =	shalt  }
0x50: {  	_ =	shalt  }
0x51: {  	_ =	shalt  }
0x52: {  	_ =	shalt  }
0x53: {  	_ =	shalt  }
0x54: {  	_ =	shalt  }
0x55: {  	_ =	shalt  }
0x56: {  	_ =	shalt  }
0x57: {  	_ =	shalt  }
0x58: {  	_ =	shalt  }
0x59: {  	_ =	shalt  }
0x5a: {  	_ =	shalt  }
0x5b: {  	_ =	shalt  }
0x5c: {  	_ =	shalt  }
0x5d: {  	_ =	shalt  }
0x5e: {  	_ =	shalt  }
0x5f: {  	_ =	shalt  }
0x60: {  	_ =	shalt  }
0x61: {  	_ =	shalt  }
0x62: {  	_ =	shalt  }
0x63: {  	_ =	shalt  }
0x64: {  	_ =	shalt  }
0x65: {  	_ =	shalt  }
0x66: {  	_ =	shalt  }
0x67: {  	_ =	shalt  }
0x68: {  	_ =	shalt  }
0x69: {  	_ =	shalt  }
0x6a: {  	_ =	shalt  }
0x6b: {  	_ =	shalt  }
0x6c: {  	_ =	shalt  }
0x6d: {  	_ =	shalt  }
0x6e: {  	_ =	shalt  }
0x6f: {  	_ =	shalt  }
0x70: {  	_ =	shalt  }
0x71: {  	_ =	shalt  }
0x72: {  	_ =	shalt  }
0x73: {  	_ =	shalt  }
0x74: {  	_ =	shalt  }
0x75: {  	_ =	shalt  }
0x76: {  	_ =	shalt  }
0x77: {  	_ =	shalt  }
0x78: {  	_ =	shalt  }
0x79: {  	_ =	shalt  }
0x7a: {  	_ =	shalt  }
0x7b: {  	_ =	shalt  }
0x7c: {  	_ =	shalt  }
0x7d: {  	_ =	shalt  }
0x7e: {  	_ =	shalt  }
0x7f: {  	_ =	shalt  }
0x80: {  	_ =	shalt  }
0x81: {  	_ =	shalt  }
0x82: {  	_ =	shalt  }
0x83: {  	_ =	shalt  }
0x84: {  	_ =	shalt  }
0x85: {  	_ =	shalt  }
0x86: {  	_ =	shalt  }
0x87: {  	_ =	shalt  }
.Lfunc_end0:
.L_simem_size_0:
called_computation.3_lowered:
.L_overlay_start_0:
0x88: {  	s2 =	sld [smem:$0x3FD9]  }
0x89: {  	s3 =	sld [smem:$0x3FFE];
	_ =	sdelay $0x1  }
0x8a: {  	s1 =	srdreg.scid  }
0x8b: {  	s0 =	sand.u32 $0x1, s1  }
0x8c: {  	s14 =	sshll.u32 s0, $0xA;
	s2 =	sadd.s32 s3, s2  }
0x8d: {  	s2 =	sadd.s32 s2, s14  }
0x8e: {  	[smem:$0x3FBB] =	sst s2  }
0x8f: {  	_ = 	snop  }
0x90: {  	s2 =	sld [smem:$0x3FD0];
	_ =	sdelay $0x2  }
0x91: {  	s15 =	simm.s32 $0xA;
	s4 =	simm.s32 $0x10  }
0x92: {  	[smem:s4], [sflag:s15] =	dma.local [hbm:s2], $0x1  }
0x93: {  	_ =	swait.eq [sflag:s15], $0x1  }
0x94: {  	[sflag:s15] =	ssyncset.done $0x0  }
0x95: {  	s16 =	sld [smem:$0x13];
	[sflag:s15] =	ssyncadd.s32 $0xFFFFFFFF  }
0x96: {  	s17 =	sld [smem:$0x14];
	(tm) =	ssettm $0x1  }
0x97: {  	s18 =	sld [smem:$0x3FFB];
	_ =	sdelay $0x3  }
0x98: {  	_ =	strace s18  }
0x99: {  	s4 =	sld [smem:$0x3FFC];
	_ =	sdelay $0x3  }
0x9a: {  	_ =	strace s4  }
0x9b: {  	s4 =	sld [smem:$0x3FFD];
	_ =	sdelay $0x3  }
0x9c: {  	_ =	strace s4  }
0x9d: {  	_ =	strace $0x8FFFFFFF  }
0x9e: {  	s19 =	sld [smem:$0x3FDB];
	_ =	sdelay $0x1  }
0x9f: {  	s5 =	simm.s32 $_scs_section_size  }
0xa0: {  	s6 =	simm.s32 $_size__tile_overlayer_lowered;
	s7 =	simm.s32 $_tile_overlayer_lowered  }
0xa1: {  	s22 =	simm.s32 $0x1BFF;
	s21 =	sshll.u32 s7, $0x1;
	s4 =	sadd.s32 s5, s19  }
0xa2: {  	s8 =	simm.s32 $0x0;
	s20 =	sshll.u32 s6, $0x1;
	s6 =	sadd.s32 s21, s4  }
0xa3: {  	[timem:s8], [sflag:s22] =	dma.local [hbm:s6], s20  }
0xa4: {  	_ =	swait.ge [sflag:s22], s20  }
0xa5: {  	s5 =	ssub.s32 $0x0, s20;
	[sflag:s22] =	ssyncset.done $0x0  }
0xa6: {  	[sflag:s22] =	ssyncadd.s32 s5;
	_ =	sdelay $0x1  }
0xa7: {  	s23 =	simm.s32 $0x1B8B  }
0xa8: {  	_ =	swait.ge [sflag:s23], $0x1  }
0xa9: {  	[sflag:s23] =	ssyncset.done $0x0  }
0xaa: {  	s25 =	simm.s32 $0x1B8E;
	s24 =	sld [smem:$0x3FFE];
	[sflag:s23] =	ssyncadd.s32 $0xFFFFFFFF  }
0xab: {  	s26 =	simm.s32 $execute0_lowered;
	[smem:$0x3FD2] =	sst s25  }
0xac: {  	s6 =	sshll.u32 s26, $0x1;
	_ =	strace $0x8000004F;
	[dreg:$0x1] =	wrdreg $0xFFFFFFFF  }
0xad: {  	s28 =	simm.s32 $_size_execute0_lowered;
	s4 =	sadd.s32 s4, s6;
	[dreg:$0x0] =	wrdreg $0x0  }
0xae: {  	s6 =	sshll.u32 s28, $0x1;
	[dreg:$0x2] =	wrdreg s4  }
0xaf: {  	[dreg:$0x3] =	wrdreg s6  }
0xb0: {  	[dreg:$0x4] =	wrdreg $0xC0  }
0xb1: {  	_ =	task [dreg:s8], $0x5FFFF  }
0xb2: {  	[dreg:$0x1] =	wrdreg $0xFFFFFFFF  }
0xb3: {  	[dreg:$0x0] =	wrdreg $0x60  }
0xb4: {  	[dreg:$0x2] =	wrdreg s24  }
0xb5: {  	[dreg:$0x3] =	wrdreg s16  }
0xb6: {  	[dreg:$0x4] =	wrdreg s17  }
0xb7: {  	[dreg:$0x5] =	wrdreg $0xBA000  }
0xb8: {  	[dreg:$0x6] =	wrdreg $0x9  }
0xb9: {  	_ =	task.clear_ibuf [dreg:s8], $0x7FFFF;
	_ =	strace $0x9000004F  }
0xba: {  	s29 =	simm.s32 $0x9;
	_ =	strace $0x80000051  }
0xbb: {  	_ =	swait.ge [sflag:s29], $0x1  }
0xbc: {  	[sflag:s29] =	ssyncadd.s32 $0xFFFFFFFF  }
0xbd: {  	_ =	strace $0x90000051  }
0xbe: {  	_ =	sfence  }
0xbf: {  	s30 =	sld [smem:$0x0];
	_ =	sdelay $0x2  }
0xc0: {  	s31 =	sshll.u32 s1, $0xD;
	s1 =	sshrl.u32 s1, $0x2  }
0xc1: {  	s3 =	sand.u32 $0x4000, s31;
	s1 =	sadd.s32 s1, s30  }
0xc2: {  	s0 =	sor.u32 s3, s0;
	s1 =	sshll.u32 s1, $0x11  }
0xc3: {  	s0 =	sor.u32 s1, s0  }
0xc4: {  	s0 =	sadd.s32 $0x8F2B, s0  }
0xc5: {  	[sflag:s0] =	ssyncadd.remote.s32 $0x1  }
0xc6: {  	_ =	sfence.sel $0xFFFF  }
0xc7: {  	[dreg:$0x0] =	wrdreg $0xFFFFFFFF;
	(pc) =	sbr.abs _section_cstart, $3  }
0xc8: {  	[dreg:$0x1] =	wrdreg $0xFFFFFFFF  }
0xc9: {  	_ =	task.clear_ibuf [dreg:s8], $0x2FFFF;
	_ =	strace $0x9FFFFFFF  }
0xca: {  	(tm) =	ssettm $0x7FFFFFFF  }
0xcb: {  	_ =	shalt  }
tec
execute0_lowered:
.L_overlay_start_1:
0x0: {  	(tag) =	ssettag $0x1  }
0x1: {  	s0 =	rddreg [dreg:$0x0]  }
0x2: {  	s1 =	rddreg [dreg:$0x1]  }
0x3: {  	s5 =	rddreg [dreg:$0x2]  }
0x4: {  	s2 =	rddreg [dreg:$0x3];
	s3 =	simm.s32 $0x0  }
0x5: {  	s12 =	stileid.u32;
	s4 =	srdreg.scid;
	s14 =	simm.s32 $0x4080  }
0x6: {  	s16 =	simm.s32 $0x4100;
	s17 =	simm.s32 $0x50;
	s18 =	simm.s32 $0x4200  }
0x7: {  	s20 =	simm.s32 $0x6A00;
	s28 =	simm.s32 $0x2;
	s29 =	simm.s32 $0x5  }
0x8: {  	s30 =	simm.s32 $0x8;
	s31 =	simm.s32 $0x3;
	s19 =	smul.u32 $0x2780, s12  }
0x9: {  	[smem:$0x7FF] =	sst s3;
	s6 =	sand.u32 $0x1, s4;
	s7 =	smul.u32 $0x4F000, s12  }
0xa: {  	s4 =	sadd.s32 $0x2BE00, s0;
	s22 =	sshll.u32 s12, $0x6;
	s23 =	sshll.u32 s12, $0xC  }
0xb: {  	s12 =	simm.s32 $0x4000;
	_ =	strace $0x80000050;
	s8 =	smul.u32 $0x27800, s6  }
0xc: {  	s9 =	ssub.s32 $0x2, s6;
	s24 =	sshll.u32 s6, $0xB;
	s6 =	sor.u32 $0x1C0A, s22  }
0xd: {  	s22 =	simm.s32 $0x4;
	s10 =	sadd.s32 s19, s0;
	s11 =	sshrl.u32 s9, $0x1  }
0xe: {  	s7 =	sshrl.u32 s7, $0x2;
	s0 =	sadd.s32 s8, s0;
	s9 =	ssub.s32 s9, s11  }
0xf: {  	s21 =	sadd.s32 s7, s2;
	s25 =	sadd.s32 $0x4600, s10;
	s8 =	sor.u32 s24, s23  }
0x10: {  	s11 =	simm.s32 $0xA;
	[dreg:$0x5] =	wrdreg s25;
	s1 =	sadd.s32 s1, s8  }
0x11: {  	s8 =	sadd.s32 s5, s8;
	s0 =	sadd.s32 $0x7A200, s0;
	s26 =	smax.u32 s9, $0x1  }
0x12: {  	s10 =	sshrl.u32 s21, $0x3;
	s21 =	simm.s32 $0x1;
	[dreg:$0x6] =	wrdreg s1  }
0x13: {  	s25 =	simm.s32 $0x9200;
	[dreg:$0x7] =	wrdreg s26;
	s13 =	sadd.s32 $0x10, s8  }
0x14: {  	s15 =	sadd.s32 $0x20, s8;
	s24 =	sadd.s32 s19, s0;
	s26 =	simm.s32 $0x7  }
0x15: {  	s0 =	simm.s32 $0x6;
	s1 =	simm.s32 $0x9;
	s19 =	simm.s32 $0x0  }
.LBB2_1:
0x16: {  	s5 =	rddreg [dreg:$0x5]  }
0x17: {  	[spmem:s10], [sflag:s6] =	dma.local [hbm:s5], $0x2780  }
0x18: {  	_ =	swait.ge [sflag:s11], $0x2780  }
0x19: {  	[sflag:s11] =	ssyncset.done $0x0  }
0x1a: {  	s9 =	rddreg [dreg:$0x6];
	[sflag:s11] =	ssyncadd.s32 $0xFFFFD880  }
0x1b: {  	[tilespmem:s3], [sflag:$0xA] =	stream.linear.gather [hbm4b:s9+s3], $0x3E80, $0x38;
	[tilespmem:$0x1F600] =	vst v63  }
0x1c: {  	_ =	swait.ge [sflag:s11], $0x3E80  }
0x1d: {  	[sflag:s11] =	ssyncset.done $0x0  }
0x1e: {  	[sflag:s11] =	ssyncadd.s32 $0xFFFFC180  }
0x1f: {  	[bflag:$0x0] =	sbarrier.arrive $0xFFFF  }
0x20: {  	[tilespmem:s12], [sflag:$0x4] =	stream.linear.gather [hbm4b:s8+s3], $0x80, $0x38;
	[tilespmem:$0x1F600] =	vst v63  }
0x21: {  	_ = 	snop  }
0x22: {  	[tilespmem:s14], [sflag:$0x5] =	stream.linear.gather [hbm4b:s13+s3], $0x80, $0x38;
	[tilespmem:$0x1F600] =	vst v63  }
0x23: {  	_ = 	snop  }
0x24: {  	[tilespmem:s16], [sflag:$0x6] =	stream.linear.gather [hbm4b:s15+s3], $0x80, $0x38;
	[tilespmem:$0x1F600] =	vst v63  }
0x25: {  	_ = 	snop  }
0x26: {  	[tilespmem:s18], [sflag:$0x1] =	stream.indirect.gather [hbm4b:s4+s17], $0x80, s3, s17, $0xb8;
	[tilespmem:$0x1F600] =	vst v63  }
0x27: {  	s23 =	simm.s32 $0x80  }
0x28: {  	[tilespmem:s20], [sflag:$0x2] =	stream.indirect.gather [hbm4b:s4+s17], $0x80, s23, s17, $0xb8;
	[tilespmem:$0x1F600] =	vst v63  }
0x29: {  	_ =	swait.ge [sflag:s21], $0x2800  }
0x2a: {  	[sflag:s21] =	ssyncset.done $0x0  }
0x2b: {  	[sflag:s21] =	ssyncadd.s32 $0xFFFFD800  }
0x2c: {  	_ =	swait.ge [sflag:s22], $0x80  }
0x2d: {  	[sflag:s22] =	ssyncset.done $0x0  }
0x2e: {  	s7 =	simm.s32 $0x100;
	[sflag:s22] =	ssyncadd.s32 $0xFFFFFF80  }
0x2f: {  	[tilespmem:s25], [sflag:$0x3] =	stream.indirect.gather [hbm4b:s4+s17], $0x80, s7, s17, $0xb8;
	[tilespmem:$0x1F600] =	vst v63  }
0x30: {  	_ = 	snop  }
0x31: {  	[spmem:s2] =	stream.indirect.scatter.add.f32 [tilespmem:s18], [sflag:$0x7], $0x80, s12, s17, $0xb8;
	[tilespmem:$0x1F600] =	vst v63  }
0x32: {  	_ =	swait.ge [sflag:s26], $0x2800  }
0x33: {  	s5 =	sadd.s32 $0x0, s8;
	[sflag:s26] =	ssyncset.done $0x0  }
0x34: {  	s23 =	sadd.s32 $0x30, s5;
	[sflag:s26] =	ssyncadd.s32 $0xFFFFD800  }
0x35: {  	[tilespmem:s12], [sflag:$0x4] =	stream.linear.gather [hbm4b:s23+s3], $0x80, $0x38;
	[tilespmem:$0x1F600] =	vst v63  }
0x36: {  	_ =	swait.ge [sflag:s28], $0x2800  }
0x37: {  	[sflag:s28] =	ssyncset.done $0x0  }
0x38: {  	[sflag:s28] =	ssyncadd.s32 $0xFFFFD800  }
0x39: {  	_ =	swait.ge [sflag:s29], $0x80  }
0x3a: {  	[sflag:s29] =	ssyncset.done $0x0  }
0x3b: {  	s9 =	simm.s32 $0x180;
	[sflag:s29] =	ssyncadd.s32 $0xFFFFFF80  }
0x3c: {  	[tilespmem:s18], [sflag:$0x1] =	stream.indirect.gather [hbm4b:s4+s17], $0x80, s9, s17, $0xb8;
	[tilespmem:$0x1F600] =	vst v63  }
0x3d: {  	_ = 	snop  }
0x3e: {  	[spmem:s2] =	stream.indirect.scatter.add.f32 [tilespmem:s20], [sflag:$0x8], $0x80, s14, s17, $0xb8;
	[tilespmem:$0x1F600] =	vst v63  }
0x3f: {  	_ =	swait.ge [sflag:s30], $0x2800  }
0x40: {  	[sflag:s30] =	ssyncset.done $0x0  }
0x41: {  	s7 =	sadd.s32 $0x40, s5;
	[sflag:s30] =	ssyncadd.s32 $0xFFFFD800  }
0x42: {  	[tilespmem:s14], [sflag:$0x5] =	stream.linear.gather [hbm4b:s7+s3], $0x80, $0x38;
	[tilespmem:$0x1F600] =	vst v63  }
0x43: {  	_ =	swait.ge [sflag:s31], $0x2800  }
0x44: {  	[sflag:s31] =	ssyncset.done $0x0  }
0x45: {  	[sflag:s31] =	ssyncadd.s32 $0xFFFFD800  }
0x46: {  	_ =	swait.ge [sflag:s0], $0x80  }
0x47: {  	[sflag:s0] =	ssyncset.done $0x0  }
0x48: {  	s9 =	simm.s32 $0x200;
	[sflag:s0] =	ssyncadd.s32 $0xFFFFFF80  }
0x49: {  	[tilespmem:s20], [sflag:$0x2] =	stream.indirect.gather [hbm4b:s4+s17], $0x80, s9, s17, $0xb8;
	[tilespmem:$0x1F600] =	vst v63  }
0x4a: {  	_ = 	snop  }
0x4b: {  	[spmem:s2] =	stream.indirect.scatter.add.f32 [tilespmem:s25], [sflag:$0x9], $0x80, s16, s17, $0xb8;
	[tilespmem:$0x1F600] =	vst v63  }
0x4c: {  	_ =	swait.ge [sflag:s1], $0x2800  }
0x4d: {  	[sflag:s1] =	ssyncset.done $0x0  }
0x4e: {  	s5 =	sadd.s32 $0x50, s5;
	[sflag:s1] =	ssyncadd.s32 $0xFFFFD800  }
0x4f: {  	[tilespmem:s16], [sflag:$0x6] =	stream.linear.gather [hbm4b:s5+s3], $0x80, $0x38;
	[tilespmem:$0x1F600] =	vst v63  }
0x50: {  	_ =	swait.ge [sflag:s21], $0x2800  }
0x51: {  	[sflag:s21] =	ssyncset.done $0x0  }
0x52: {  	[sflag:s21] =	ssyncadd.s32 $0xFFFFD800  }
0x53: {  	_ =	swait.ge [sflag:s22], $0x80  }
0x54: {  	[sflag:s22] =	ssyncset.done $0x0  }
0x55: {  	s23 =	simm.s32 $0x280;
	[sflag:s22] =	ssyncadd.s32 $0xFFFFFF80  }
0x56: {  	[tilespmem:s25], [sflag:$0x3] =	stream.indirect.gather [hbm4b:s4+s17], $0x80, s23, s17, $0xb8;
	[tilespmem:$0x1F600] =	vst v63  }
0x57: {  	s5 =	simm.s32 $0x400;
	s23 =	simm.s32 $0x30  }
.LBB2_2:
0x58: {  	[spmem:s2] =	stream.indirect.scatter.add.f32 [tilespmem:s18], [sflag:$0x7], $0x80, s12, s17, $0xb8;
	[tilespmem:$0x1F600] =	vst v63  }
0x59: {  	s7 =	smov.u32 s23  }
0x5a: {  	p0 =	sne.s32 s23, $0x750;
	s23 =	sadd.s32 $0x30, s23;
	_ =	swait.ge [sflag:s26], $0x2800  }
0x5b: {  	s7 =	sadd.s32 s7, s8;
	[sflag:s26] =	ssyncset.done $0x0  }
0x5c: {  	s9 =	sadd.s32 $0x30, s7;
	[sflag:s26] =	ssyncadd.s32 $0xFFFFD800  }
0x5d: {  	[tilespmem:s12], [sflag:$0x4] =	stream.linear.gather [hbm4b:s9+s3], $0x80, $0x38;
	[tilespmem:$0x1F600] =	vst v63  }
0x5e: {  	_ =	swait.ge [sflag:s28], $0x2800  }
0x5f: {  	[sflag:s28] =	ssyncset.done $0x0  }
0x60: {  	[sflag:s28] =	ssyncadd.s32 $0xFFFFD800  }
0x61: {  	_ =	swait.ge [sflag:s29], $0x80  }
0x62: {  	[sflag:s29] =	ssyncset.done $0x0  }
0x63: {  	s9 =	sadd.s32 $0xFFFFFF00, s5;
	[sflag:s29] =	ssyncadd.s32 $0xFFFFFF80  }
0x64: {  	[tilespmem:s18], [sflag:$0x1] =	stream.indirect.gather [hbm4b:s4+s17], $0x80, s9, s17, $0xb8;
	[tilespmem:$0x1F600] =	vst v63  }
0x65: {  	_ = 	snop  }
0x66: {  	[spmem:s2] =	stream.indirect.scatter.add.f32 [tilespmem:s20], [sflag:$0x8], $0x80, s14, s17, $0xb8;
	[tilespmem:$0x1F600] =	vst v63  }
0x67: {  	_ =	swait.ge [sflag:s30], $0x2800  }
0x68: {  	[sflag:s30] =	ssyncset.done $0x0  }
0x69: {  	s9 =	sadd.s32 $0x40, s7;
	[sflag:s30] =	ssyncadd.s32 $0xFFFFD800  }
0x6a: {  	[tilespmem:s14], [sflag:$0x5] =	stream.linear.gather [hbm4b:s9+s3], $0x80, $0x38;
	[tilespmem:$0x1F600] =	vst v63  }
0x6b: {  	_ =	swait.ge [sflag:s31], $0x2800  }
0x6c: {  	[sflag:s31] =	ssyncset.done $0x0  }
0x6d: {  	[sflag:s31] =	ssyncadd.s32 $0xFFFFD800  }
0x6e: {  	_ =	swait.ge [sflag:s0], $0x80  }
0x6f: {  	[sflag:s0] =	ssyncset.done $0x0  }
0x70: {  	s9 =	sadd.s32 $0xFFFFFF80, s5;
	[sflag:s0] =	ssyncadd.s32 $0xFFFFFF80  }
0x71: {  	[tilespmem:s20], [sflag:$0x2] =	stream.indirect.gather [hbm4b:s4+s17], $0x80, s9, s17, $0xb8;
	[tilespmem:$0x1F600] =	vst v63  }
0x72: {  	_ = 	snop  }
0x73: {  	[spmem:s2] =	stream.indirect.scatter.add.f32 [tilespmem:s25], [sflag:$0x9], $0x80, s16, s17, $0xb8;
	[tilespmem:$0x1F600] =	vst v63  }
0x74: {  	_ =	swait.ge [sflag:s1], $0x2800  }
0x75: {  	[sflag:s1] =	ssyncset.done $0x0  }
0x76: {  	s7 =	sadd.s32 $0x50, s7;
	[sflag:s1] =	ssyncadd.s32 $0xFFFFD800  }
0x77: {  	[tilespmem:s16], [sflag:$0x6] =	stream.linear.gather [hbm4b:s7+s3], $0x80, $0x38;
	[tilespmem:$0x1F600] =	vst v63  }
0x78: {  	_ =	swait.ge [sflag:s21], $0x2800  }
0x79: {  	[sflag:s21] =	ssyncset.done $0x0  }
0x7a: {  	[sflag:s21] =	ssyncadd.s32 $0xFFFFD800  }
.Ltmp0:
0x7b: {  	_ =	swait.ge [sflag:s22], $0x80;
	(pc) =	sbr.rel @p0 .LBB2_2-.Ltmp0, $4  }
0x7c: {  	[sflag:s22] =	ssyncset.done $0x0  }
0x7d: {  	[sflag:s22] =	ssyncadd.s32 $0xFFFFFF80  }
0x7e: {  	[tilespmem:s25], [sflag:$0x3] =	stream.indirect.gather [hbm4b:s4+s17], $0x80, s5, s17, $0xb8;
	[tilespmem:$0x1F600] =	vst v63  }
0x7f: {  	s5 =	sadd.s32 $0x180, s5  }
0x80: {  	[spmem:s2] =	stream.indirect.scatter.add.f32 [tilespmem:s18], [sflag:$0x7], $0x80, s12, s17, $0xb8;
	[tilespmem:$0x1F600] =	vst v63  }
0x81: {  	_ =	swait.ge [sflag:s26], $0x2800  }
0x82: {  	[sflag:s26] =	ssyncset.done $0x0  }
0x83: {  	s5 =	sadd.s32 $0x7B0, s8;
	[sflag:s26] =	ssyncadd.s32 $0xFFFFD800  }
0x84: {  	[tilespmem:s12], [sflag:$0x4] =	stream.linear.gather [hbm4b:s5+s3], $0x80, $0x38;
	[tilespmem:$0x1F600] =	vst v63  }
0x85: {  	_ =	swait.ge [sflag:s28], $0x2800  }
0x86: {  	[sflag:s28] =	ssyncset.done $0x0  }
0x87: {  	[sflag:s28] =	ssyncadd.s32 $0xFFFFD800  }
0x88: {  	_ =	swait.ge [sflag:s29], $0x80  }
0x89: {  	[sflag:s29] =	ssyncset.done $0x0  }
0x8a: {  	s23 =	simm.s32 $0x3D80;
	[sflag:s29] =	ssyncadd.s32 $0xFFFFFF80  }
0x8b: {  	[tilespmem:s18], [sflag:$0x1] =	stream.indirect.gather [hbm4b:s4+s17], $0x80, s23, s17, $0xb8;
	[tilespmem:$0x1F600] =	vst v63  }
0x8c: {  	_ = 	snop  }
0x8d: {  	[spmem:s2] =	stream.indirect.scatter.add.f32 [tilespmem:s20], [sflag:$0x8], $0x80, s14, s17, $0xb8;
	[tilespmem:$0x1F600] =	vst v63  }
0x8e: {  	_ =	swait.ge [sflag:s30], $0x2800  }
0x8f: {  	[sflag:s30] =	ssyncset.done $0x0  }
0x90: {  	s7 =	sadd.s32 $0x7C0, s8;
	[sflag:s30] =	ssyncadd.s32 $0xFFFFD800  }
0x91: {  	[tilespmem:s14], [sflag:$0x5] =	stream.linear.gather [hbm4b:s7+s3], $0x80, $0x38;
	[tilespmem:$0x1F600] =	vst v63  }
0x92: {  	_ =	swait.ge [sflag:s31], $0x2800  }
0x93: {  	[sflag:s31] =	ssyncset.done $0x0  }
0x94: {  	[sflag:s31] =	ssyncadd.s32 $0xFFFFD800  }
0x95: {  	_ =	swait.ge [sflag:s0], $0x80  }
0x96: {  	[sflag:s0] =	ssyncset.done $0x0  }
0x97: {  	s9 =	simm.s32 $0x3E00;
	[sflag:s0] =	ssyncadd.s32 $0xFFFFFF80  }
0x98: {  	[tilespmem:s20], [sflag:$0x2] =	stream.indirect.gather [hbm4b:s4+s17], $0x80, s9, s17, $0xb8;
	[tilespmem:$0x1F600] =	vst v63  }
0x99: {  	_ = 	snop  }
0x9a: {  	[spmem:s2] =	stream.indirect.scatter.add.f32 [tilespmem:s25], [sflag:$0x9], $0x80, s16, s17, $0xb8;
	[tilespmem:$0x1F600] =	vst v63  }
0x9b: {  	_ =	swait.ge [sflag:s1], $0x2800  }
0x9c: {  	[sflag:s1] =	ssyncset.done $0x0  }
0x9d: {  	[sflag:s1] =	ssyncadd.s32 $0xFFFFD800  }
0x9e: {  	_ =	swait.ge [sflag:s21], $0x2800  }
0x9f: {  	[sflag:s21] =	ssyncset.done $0x0  }
0xa0: {  	[sflag:s21] =	ssyncadd.s32 $0xFFFFD800  }
0xa1: {  	_ =	swait.ge [sflag:s22], $0x80  }
0xa2: {  	[sflag:s22] =	ssyncset.done $0x0  }
0xa3: {  	[sflag:s22] =	ssyncadd.s32 $0xFFFFFF80  }
0xa4: {  	[spmem:s2] =	stream.indirect.scatter.add.f32 [tilespmem:s18], [sflag:$0x7], $0x80, s12, s17, $0xb8;
	[tilespmem:$0x1F600] =	vst v63  }
0xa5: {  	_ =	swait.ge [sflag:s28], $0x2800  }
0xa6: {  	[sflag:s28] =	ssyncset.done $0x0  }
0xa7: {  	[sflag:s28] =	ssyncadd.s32 $0xFFFFD800  }
0xa8: {  	_ =	swait.ge [sflag:s29], $0x80  }
0xa9: {  	[sflag:s29] =	ssyncset.done $0x0  }
0xaa: {  	[sflag:s29] =	ssyncadd.s32 $0xFFFFFF80  }
0xab: {  	[spmem:s2] =	stream.indirect.scatter.add.f32 [tilespmem:s20], [sflag:$0x8], $0x80, s14, s17, $0xb8;
	[tilespmem:$0x1F600] =	vst v63  }
0xac: {  	_ =	swait.ge [sflag:s26], $0x2800  }
0xad: {  	[sflag:s26] =	ssyncset.done $0x0  }
0xae: {  	[sflag:s26] =	ssyncadd.s32 $0xFFFFD800  }
0xaf: {  	_ =	swait.ge [sflag:s30], $0x2800  }
0xb0: {  	[sflag:s30] =	ssyncset.done $0x0  }
0xb1: {  	[sflag:s30] =	ssyncadd.s32 $0xFFFFD800  }
0xb2: {  	[bflag:$0x0] =	sbarrier.arrive $0xFFFF  }
0xb3: {  	[hbm:s24], [sflag:s6] =	dma.local [spmem:s10], $0x2780  }
0xb4: {  	_ =	swait.ge [sflag:s11], $0x2780  }
0xb5: {  	s19 =	sadd.s32 $0x1, s19;
	s23 =	rddreg [dreg:$0x7]  }
0xb6: {  	p0 =	sne.s32 s19, s23  }
.Ltmp1:
0xb7: {  	_ = 	snop;
	(pc) =	sbr.rel @p0 .LBB2_1-.Ltmp1, $3  }
0xb8: {  	_ =	sdelay $0x1  }
0xb9: {  	[sflag:s11] =	ssyncset.done $0x0  }
0xba: {  	[sflag:s11] =	ssyncadd.s32 $0xFFFFD880  }
0xbb: {  	_ =	sfence.sel $0x180000  }
0xbc: {  	[bflag:$0x0] =	sbarrier.arrive $0xFFFF  }
0xbd: {  	_ =	strace $0x90000050  }
0xbe: {  	s0 =	stileid.u32;
	[bflag:$0x2] =	sbarrier.arrive $0xFFFF  }
0xbf: {  	p0 =	sne.s32 s0, $0x0;
	s0 =	rddreg [dreg:$0x4]  }
0xc0: {  	s0 =	sadd.s32 @!p0 $0x100000, s0  }
0xc1: {  	[sflag:s0] =	ssyncadd.tile.s32 @!p0 $0x1;
	_ =	shalt  }
.Lfunc_end2:
_tile_overlayer_lowered:
.L_overlay_start_2:
0xc2: {  	(tag) =	ssettag $0x2  }
0xc3: {  	s0 =	rddreg [dreg:$0x0];
	s2 =	stileid.u32  }
0xc4: {  	s1 =	rddreg [dreg:$0x1];
	p0 =	sne.s32 s2, $0x0  }
0xc5: {  	s3 =	rddreg [dreg:$0x2];
	[bflag:$0x3] =	sbarrier.arrive $0xFFFF;
	s2 =	simm.s32 @!p0 $0x1C0A  }
0xc6: {  	[timem:s3], [sflag:s2] =	dma.local @!p0 [hbm:s0], s1  }
0xc7: {  	s0 =	simm.s32 @!p0 $0xA  }
0xc8: {  	_ =	swait.ge @!p0 [sflag:s0], s1  }
0xc9: {  	s1 =	ssub.s32 @!p0 $0x0, s1;
	[sflag:s0] =	ssyncset.done @!p0 $0x0  }
0xca: {  	[sflag:s0] =	ssyncadd.s32 @!p0 s1  }
0xcb: {  	[bflag:$0x3] =	sbarrier.arrive $0xFFFF  }
0xcc: {  	_ =	shalt  }

// kernel: kernel.24.cloned.1.call-start
scs
__scs_entry_jumppad:
0x0: {  	(pc) =	sbr.rel $0x88, $3  }
0x1: {  	(tag) =	ssettag $0x0;
	lr =	simm.s32 $0x1  }
0x2: {  	[smem:$0x3F94] =	sst lr;
	_ =	strace $0xD0000000  }
0x3: {  	_ = 	snop  }
0x4: {  	_ = 	snop  }
0x5: {  	_ = 	snop  }
0x6: {  	_ = 	snop  }
0x7: {  	_ = 	snop  }
__scs_overlays_trampoline_lowered:
0x8: {  	[smem:$0x3FA3] =	sst s0  }
0x9: {  	[smem:$0x3FA4] =	sst s1  }
0xa: {  	[smem:$0x3FA5] =	sst s2  }
0xb: {  	[smem:$0x3FA6] =	sst s3  }
0xc: {  	[smem:$0x3FA7] =	sst s4  }
0xd: {  	[smem:$0x3FA8] =	sst s5  }
0xe: {  	[smem:$0x3FA9] =	sst s6  }
0xf: {  	[smem:$0x3FAA] =	sst s7  }
0x10: {  	[smem:$0x3FAB] =	sst s8  }
0x11: {  	[smem:$0x3FAC] =	sst s9;
	s0 =	simm.s32 @!p0 $0x0  }
0x12: {  	s1 =	sld [smem:$0x3F92];
	s0 =	simm.s32 @p0 $0x1  }
0x13: {  	[smem:$0x3FAD] =	sst s0;
	s0 =	simm.s32 @!p1 $0x0  }
0x14: {  	s2 =	sld [smem:$0x3F91];
	s0 =	simm.s32 @p1 $0x1  }
0x15: {  	[smem:$0x3FAE] =	sst s0;
	s0 =	simm.s32 @!p2 $0x0  }
0x16: {  	s3 =	sld [smem:$0x3FDB];
	s0 =	simm.s32 @p2 $0x1  }
0x17: {  	s4 =	simm.s32 $0x1BF5;
	[smem:$0x3FB0] =	sst s0  }
0x18: {  	s0 =	sld [smem:$0x3F93];
	_ =	swait.ge [sflag:s4], $0x0  }
0x19: {  	s7 =	sld [smem:$0x3F94]  }
0x1a: {  	s8 =	sadd.s32 $0xFFFFE003, lr  }
0x1b: {  	s9 =	sadd.s32 $0xFFFFFEF7, lr;
	s5 =	simm.s32 $0xFFFFFFFF;
	p2 =	slt.u32 s8, $0xFFFFF086  }
0x1c: {  	p1 =	slt.u32 s9, $0xF7A;
	s5 =	simm.s32 @!p2 $0x0  }
0x1d: {  	s5 =	simm.s32 @p1 $0x1;
	p0 =	seq.s32 s7, s2  }
0x1e: {  	s7 =	smul.u32 @!p0 $0xF7A, s2;
	p2 =	seq.s32 @!p0 s5, $0x0  }
0x1f: {  	s9 =	smul.u32 $0xF7A, s1;
	s8 =	simm.s32 @!p0 $0x1BF5;
	p2 =	por !p2, p0  }
0x20: {  	[sflag:s8] =	ssyncset.s32 @!p0 $0xFFFFF086;
	s6 =	sadd.s32 @!p0 s3, s7;
	s7 =	simm.s32 @!p0 $0x108  }
0x21: {  	s3 =	sadd.s32 s3, s9;
	s6 =	sadd.s32 @!p0 $0x88, s6;
	s7 =	simm.s32 @p2 $0x1082  }
0x22: {  	[simem:s7], [sflag:s8] =	dma.local @!p0 [hbm:s6], $0xF7A  }
0x23: {  	s9 =	sor.u32 $0xD0000000, s2;
	s6 =	simm.s32 $0x108;
	_ =	swait.ge @!p0 [sflag:s8], $0x0  }
0x24: {  	s3 =	sadd.s32 $0x88, s3;
	s6 =	simm.s32 @!p1 $0x1082;
	[sflag:s4] =	ssyncset.s32 $0xFFFFF086  }
0x25: {  	[simem:s6], [sflag:s4] =	dma.local [hbm:s3], $0xF7A  }
0x26: {  	[smem:$0x3F94] =	sst s1;
	(tag) =	ssettag s2;
	_ =	strace s9  }
0x27: {  	s1 =	sld [smem:$0x3FA4]  }
0x28: {  	s2 =	sld [smem:$0x3FA5]  }
0x29: {  	s4 =	sld [smem:$0x3FA7]  }
0x2a: {  	p0 =	seq.s32 s5, $0x0;
	s5 =	sld [smem:$0x3FA8]  }
0x2b: {  	s6 =	sld [smem:$0x3FA9]  }
0x2c: {  	s7 =	sld [smem:$0x3FAA]  }
0x2d: {  	s3 =	simm.s32 $0x108;
	s8 =	sld [smem:$0x3FAB]  }
0x2e: {  	s3 =	simm.s32 @!p0 $0x1082;
	s9 =	sld [smem:$0x3FAC]  }
0x2f: {  	lr =	sadd.s32 s0, s3;
	s0 =	sld [smem:$0x3FA3]  }
0x30: {  	s3 =	sld [smem:$0x3FA6]  }
0x31: {  	[smem:$0x3FAF] =	sst s10  }
0x32: {  	s10 =	sld [smem:$0x3FAD];
	_ =	sdelay $0x3  }
0x33: {  	p0 =	seq.s32 s10, $0x1;
	s10 =	sld [smem:$0x3FAF];
	_ =	sdelay $0x3  }
0x34: {  	[smem:$0x3FAF] =	sst s10  }
0x35: {  	s10 =	sld [smem:$0x3FAE];
	_ =	sdelay $0x3  }
0x36: {  	p1 =	seq.s32 s10, $0x1;
	s10 =	sld [smem:$0x3FAF];
	_ =	sdelay $0x3  }
0x37: {  	[smem:$0x3FAF] =	sst s10  }
0x38: {  	s10 =	sld [smem:$0x3FB0]  }
0x39: {  	_ = 	snop;
	(pc) =	sbr.ind lr, $3  }
0x3a: {  	_ = 	snop  }
0x3b: {  	_ = 	snop  }
0x3c: {  	p2 =	seq.s32 s10, $0x1;
	s10 =	sld [smem:$0x3FAF]  }
0x3d: {  	_ =	shalt  }
0x3e: {  	_ =	shalt  }
0x3f: {  	_ =	shalt  }
0x40: {  	_ =	shalt  }
0x41: {  	_ =	shalt  }
0x42: {  	_ =	shalt  }
0x43: {  	_ =	shalt  }
0x44: {  	_ =	shalt  }
0x45: {  	_ =	shalt  }
0x46: {  	_ =	shalt  }
0x47: {  	_ =	shalt  }
0x48: {  	_ =	shalt  }
0x49: {  	_ =	shalt  }
0x4a: {  	_ =	shalt  }
0x4b: {  	_ =	shalt  }
0x4c: {  	_ =	shalt  }
0x4d: {  	_ =	shalt  }
0x4e: {  	_ =	shalt  }
0x4f: {  	_ =	shalt  }
0x50: {  	_ =	shalt  }
0x51: {  	_ =	shalt  }
0x52: {  	_ =	shalt  }
0x53: {  	_ =	shalt  }
0x54: {  	_ =	shalt  }
0x55: {  	_ =	shalt  }
0x56: {  	_ =	shalt  }
0x57: {  	_ =	shalt  }
0x58: {  	_ =	shalt  }
0x59: {  	_ =	shalt  }
0x5a: {  	_ =	shalt  }
0x5b: {  	_ =	shalt  }
0x5c: {  	_ =	shalt  }
0x5d: {  	_ =	shalt  }
0x5e: {  	_ =	shalt  }
0x5f: {  	_ =	shalt  }
0x60: {  	_ =	shalt  }
0x61: {  	_ =	shalt  }
0x62: {  	_ =	shalt  }
0x63: {  	_ =	shalt  }
0x64: {  	_ =	shalt  }
0x65: {  	_ =	shalt  }
0x66: {  	_ =	shalt  }
0x67: {  	_ =	shalt  }
0x68: {  	_ =	shalt  }
0x69: {  	_ =	shalt  }
0x6a: {  	_ =	shalt  }
0x6b: {  	_ =	shalt  }
0x6c: {  	_ =	shalt  }
0x6d: {  	_ =	shalt  }
0x6e: {  	_ =	shalt  }
0x6f: {  	_ =	shalt  }
0x70: {  	_ =	shalt  }
0x71: {  	_ =	shalt  }
0x72: {  	_ =	shalt  }
0x73: {  	_ =	shalt  }
0x74: {  	_ =	shalt  }
0x75: {  	_ =	shalt  }
0x76: {  	_ =	shalt  }
0x77: {  	_ =	shalt  }
0x78: {  	_ =	shalt  }
0x79: {  	_ =	shalt  }
0x7a: {  	_ =	shalt  }
0x7b: {  	_ =	shalt  }
0x7c: {  	_ =	shalt  }
0x7d: {  	_ =	shalt  }
0x7e: {  	_ =	shalt  }
0x7f: {  	_ =	shalt  }
0x80: {  	_ =	shalt  }
0x81: {  	_ =	shalt  }
0x82: {  	_ =	shalt  }
0x83: {  	_ =	shalt  }
0x84: {  	_ =	shalt  }
0x85: {  	_ =	shalt  }
0x86: {  	_ =	shalt  }
0x87: {  	_ =	shalt  }
.Lfunc_end0:
.L_simem_size_0:
called_computation.4_lowered:
.L_overlay_start_0:
0x88: {  	s2 =	sld [smem:$0x3FD9]  }
0x89: {  	s3 =	sld [smem:$0x3FFE];
	_ =	sdelay $0x1  }
0x8a: {  	s1 =	srdreg.scid  }
0x8b: {  	s0 =	sand.u32 $0x1, s1  }
0x8c: {  	s14 =	sshll.u32 s0, $0xA;
	s2 =	sadd.s32 s3, s2  }
0x8d: {  	s2 =	sadd.s32 s2, s14  }
0x8e: {  	[smem:$0x3FBB] =	sst s2  }
0x8f: {  	_ = 	snop  }
0x90: {  	s2 =	sld [smem:$0x3FD0];
	_ =	sdelay $0x2  }
0x91: {  	s15 =	simm.s32 $0xA;
	s4 =	simm.s32 $0x10  }
0x92: {  	[smem:s4], [sflag:s15] =	dma.local [hbm:s2], $0x1  }
0x93: {  	_ =	swait.eq [sflag:s15], $0x1  }
0x94: {  	[sflag:s15] =	ssyncset.done $0x0  }
0x95: {  	s16 =	sld [smem:$0x13];
	[sflag:s15] =	ssyncadd.s32 $0xFFFFFFFF  }
0x96: {  	s17 =	sld [smem:$0x14];
	(tm) =	ssettm $0x1  }
0x97: {  	s18 =	sld [smem:$0x3FFB];
	_ =	sdelay $0x3  }
0x98: {  	_ =	strace s18  }
0x99: {  	s4 =	sld [smem:$0x3FFC];
	_ =	sdelay $0x3  }
0x9a: {  	_ =	strace s4  }
0x9b: {  	s4 =	sld [smem:$0x3FFD];
	_ =	sdelay $0x3  }
0x9c: {  	_ =	strace s4  }
0x9d: {  	_ =	strace $0x8FFFFFFF  }
0x9e: {  	s19 =	sld [smem:$0x3FDB];
	_ =	sdelay $0x1  }
0x9f: {  	s5 =	simm.s32 $_scs_section_size  }
0xa0: {  	s6 =	simm.s32 $_size__tile_overlayer_lowered;
	s7 =	simm.s32 $_tile_overlayer_lowered  }
0xa1: {  	s22 =	simm.s32 $0x1BFF;
	s21 =	sshll.u32 s7, $0x1;
	s4 =	sadd.s32 s5, s19  }
0xa2: {  	s8 =	simm.s32 $0x0;
	s20 =	sshll.u32 s6, $0x1;
	s6 =	sadd.s32 s21, s4  }
0xa3: {  	[timem:s8], [sflag:s22] =	dma.local [hbm:s6], s20  }
0xa4: {  	_ =	swait.ge [sflag:s22], s20  }
0xa5: {  	s5 =	ssub.s32 $0x0, s20;
	[sflag:s22] =	ssyncset.done $0x0  }
0xa6: {  	[sflag:s22] =	ssyncadd.s32 s5;
	_ =	sdelay $0x1  }
0xa7: {  	s23 =	simm.s32 $0x1B8B  }
0xa8: {  	_ =	swait.ge [sflag:s23], $0x1  }
0xa9: {  	[sflag:s23] =	ssyncset.done $0x0  }
0xaa: {  	s25 =	simm.s32 $0x1B8E;
	s24 =	sld [smem:$0x3FFE];
	[sflag:s23] =	ssyncadd.s32 $0xFFFFFFFF  }
0xab: {  	s26 =	simm.s32 $execute0_lowered;
	[smem:$0x3FD2] =	sst s25  }
0xac: {  	s6 =	sshll.u32 s26, $0x1;
	_ =	strace $0x80000052;
	[dreg:$0x1] =	wrdreg $0xFFFFFFFF  }
0xad: {  	s28 =	simm.s32 $_size_execute0_lowered;
	s4 =	sadd.s32 s4, s6;
	[dreg:$0x0] =	wrdreg $0x0  }
0xae: {  	s6 =	sshll.u32 s28, $0x1;
	[dreg:$0x2] =	wrdreg s4  }
0xaf: {  	[dreg:$0x3] =	wrdreg s6  }
0xb0: {  	[dreg:$0x4] =	wrdreg $0xC0  }
0xb1: {  	_ =	task [dreg:s8], $0x5FFFF  }
0xb2: {  	[dreg:$0x1] =	wrdreg $0xFFFFFFFF  }
0xb3: {  	[dreg:$0x0] =	wrdreg $0x60  }
0xb4: {  	[dreg:$0x2] =	wrdreg s24  }
0xb5: {  	[dreg:$0x3] =	wrdreg s16  }
0xb6: {  	[dreg:$0x4] =	wrdreg s17  }
0xb7: {  	[dreg:$0x5] =	wrdreg $0xBA000  }
0xb8: {  	[dreg:$0x6] =	wrdreg $0x9  }
0xb9: {  	_ =	task.clear_ibuf [dreg:s8], $0x7FFFF;
	_ =	strace $0x90000052  }
0xba: {  	s29 =	simm.s32 $0x9;
	_ =	strace $0x80000054  }
0xbb: {  	_ =	swait.ge [sflag:s29], $0x1  }
0xbc: {  	[sflag:s29] =	ssyncadd.s32 $0xFFFFFFFF  }
0xbd: {  	_ =	strace $0x90000054  }
0xbe: {  	_ =	sfence  }
0xbf: {  	s30 =	sld [smem:$0x0];
	_ =	sdelay $0x2  }
0xc0: {  	s31 =	sshll.u32 s1, $0xD;
	s1 =	sshrl.u32 s1, $0x2  }
0xc1: {  	s3 =	sand.u32 $0x4000, s31;
	s1 =	sadd.s32 s1, s30  }
0xc2: {  	s0 =	sor.u32 s3, s0;
	s1 =	sshll.u32 s1, $0x11  }
0xc3: {  	s0 =	sor.u32 s1, s0  }
0xc4: {  	s0 =	sadd.s32 $0x8F2B, s0  }
0xc5: {  	[sflag:s0] =	ssyncadd.remote.s32 $0x1  }
0xc6: {  	_ =	sfence.sel $0xFFFF  }
0xc7: {  	[dreg:$0x0] =	wrdreg $0xFFFFFFFF;
	(pc) =	sbr.abs _section_cstart, $3  }
0xc8: {  	[dreg:$0x1] =	wrdreg $0xFFFFFFFF  }
0xc9: {  	_ =	task.clear_ibuf [dreg:s8], $0x2FFFF;
	_ =	strace $0x9FFFFFFF  }
0xca: {  	(tm) =	ssettm $0x7FFFFFFF  }
0xcb: {  	_ =	shalt  }
tec
execute0_lowered:
.L_overlay_start_1:
0x0: {  	(tag) =	ssettag $0x1  }
0x1: {  	s0 =	rddreg [dreg:$0x0]  }
0x2: {  	s1 =	rddreg [dreg:$0x1]  }
0x3: {  	s5 =	rddreg [dreg:$0x2]  }
0x4: {  	s2 =	rddreg [dreg:$0x3];
	s3 =	simm.s32 $0x0  }
0x5: {  	s12 =	stileid.u32;
	s4 =	srdreg.scid;
	s14 =	simm.s32 $0x4080  }
0x6: {  	s16 =	simm.s32 $0x4100;
	s17 =	simm.s32 $0x50;
	s18 =	simm.s32 $0x4200  }
0x7: {  	s20 =	simm.s32 $0x6A00;
	s28 =	simm.s32 $0x2;
	s29 =	simm.s32 $0x5  }
0x8: {  	s30 =	simm.s32 $0x8;
	s31 =	simm.s32 $0x3;
	s19 =	smul.u32 $0x2780, s12  }
0x9: {  	[smem:$0x7FF] =	sst s3;
	s6 =	sand.u32 $0x1, s4;
	s7 =	smul.u32 $0x4F000, s12  }
0xa: {  	s4 =	sadd.s32 $0x2BE00, s0;
	s22 =	sshll.u32 s12, $0x6;
	s23 =	sshll.u32 s12, $0xC  }
0xb: {  	s12 =	simm.s32 $0x4000;
	_ =	strace $0x80000053;
	s8 =	smul.u32 $0x27800, s6  }
0xc: {  	s9 =	ssub.s32 $0x2, s6;
	s24 =	sshll.u32 s6, $0xB;
	s6 =	sor.u32 $0x1C0A, s22  }
0xd: {  	s22 =	simm.s32 $0x4;
	s10 =	sadd.s32 s19, s0;
	s11 =	sshrl.u32 s9, $0x1  }
0xe: {  	s7 =	sshrl.u32 s7, $0x2;
	s0 =	sadd.s32 s8, s0;
	s9 =	ssub.s32 s9, s11  }
0xf: {  	s21 =	sadd.s32 s7, s2;
	s25 =	sadd.s32 $0x4600, s10;
	s8 =	sor.u32 s24, s23  }
0x10: {  	s11 =	simm.s32 $0xA;
	[dreg:$0x5] =	wrdreg s25;
	s1 =	sadd.s32 s1, s8  }
0x11: {  	s8 =	sadd.s32 s5, s8;
	s0 =	sadd.s32 $0x7A200, s0;
	s26 =	smax.u32 s9, $0x1  }
0x12: {  	s10 =	sshrl.u32 s21, $0x3;
	s21 =	simm.s32 $0x1;
	[dreg:$0x6] =	wrdreg s1  }
0x13: {  	s25 =	simm.s32 $0x9200;
	[dreg:$0x7] =	wrdreg s26;
	s13 =	sadd.s32 $0x10, s8  }
0x14: {  	s15 =	sadd.s32 $0x20, s8;
	s24 =	sadd.s32 s19, s0;
	s26 =	simm.s32 $0x7  }
0x15: {  	s0 =	simm.s32 $0x6;
	s1 =	simm.s32 $0x9;
	s19 =	simm.s32 $0x0  }
.LBB2_1:
0x16: {  	s5 =	rddreg [dreg:$0x5]  }
0x17: {  	[spmem:s10], [sflag:s6] =	dma.local [hbm:s5], $0x2780  }
0x18: {  	_ =	swait.ge [sflag:s11], $0x2780  }
0x19: {  	[sflag:s11] =	ssyncset.done $0x0  }
0x1a: {  	s9 =	rddreg [dreg:$0x6];
	[sflag:s11] =	ssyncadd.s32 $0xFFFFD880  }
0x1b: {  	[tilespmem:s3], [sflag:$0xA] =	stream.linear.gather [hbm4b:s9+s3], $0x3E80, $0x38;
	[tilespmem:$0x1F600] =	vst v63  }
0x1c: {  	_ =	swait.ge [sflag:s11], $0x3E80  }
0x1d: {  	[sflag:s11] =	ssyncset.done $0x0  }
0x1e: {  	[sflag:s11] =	ssyncadd.s32 $0xFFFFC180  }
0x1f: {  	[bflag:$0x0] =	sbarrier.arrive $0xFFFF  }
0x20: {  	[tilespmem:s12], [sflag:$0x4] =	stream.linear.gather [hbm4b:s8+s3], $0x80, $0x38;
	[tilespmem:$0x1F600] =	vst v63  }
0x21: {  	_ = 	snop  }
0x22: {  	[tilespmem:s14], [sflag:$0x5] =	stream.linear.gather [hbm4b:s13+s3], $0x80, $0x38;
	[tilespmem:$0x1F600] =	vst v63  }
0x23: {  	_ = 	snop  }
0x24: {  	[tilespmem:s16], [sflag:$0x6] =	stream.linear.gather [hbm4b:s15+s3], $0x80, $0x38;
	[tilespmem:$0x1F600] =	vst v63  }
0x25: {  	_ = 	snop  }
0x26: {  	[tilespmem:s18], [sflag:$0x1] =	stream.indirect.gather [hbm4b:s4+s17], $0x80, s3, s17, $0xb8;
	[tilespmem:$0x1F600] =	vst v63  }
0x27: {  	s23 =	simm.s32 $0x80  }
0x28: {  	[tilespmem:s20], [sflag:$0x2] =	stream.indirect.gather [hbm4b:s4+s17], $0x80, s23, s17, $0xb8;
	[tilespmem:$0x1F600] =	vst v63  }
0x29: {  	_ =	swait.ge [sflag:s21], $0x2800  }
0x2a: {  	[sflag:s21] =	ssyncset.done $0x0  }
0x2b: {  	[sflag:s21] =	ssyncadd.s32 $0xFFFFD800  }
0x2c: {  	_ =	swait.ge [sflag:s22], $0x80  }
0x2d: {  	[sflag:s22] =	ssyncset.done $0x0  }
0x2e: {  	s7 =	simm.s32 $0x100;
	[sflag:s22] =	ssyncadd.s32 $0xFFFFFF80  }
0x2f: {  	[tilespmem:s25], [sflag:$0x3] =	stream.indirect.gather [hbm4b:s4+s17], $0x80, s7, s17, $0xb8;
	[tilespmem:$0x1F600] =	vst v63  }
0x30: {  	_ = 	snop  }
0x31: {  	[spmem:s2] =	stream.indirect.scatter.add.f32 [tilespmem:s18], [sflag:$0x7], $0x80, s12, s17, $0xb8;
	[tilespmem:$0x1F600] =	vst v63  }
0x32: {  	_ =	swait.ge [sflag:s26], $0x2800  }
0x33: {  	s5 =	sadd.s32 $0x0, s8;
	[sflag:s26] =	ssyncset.done $0x0  }
0x34: {  	s23 =	sadd.s32 $0x30, s5;
	[sflag:s26] =	ssyncadd.s32 $0xFFFFD800  }
0x35: {  	[tilespmem:s12], [sflag:$0x4] =	stream.linear.gather [hbm4b:s23+s3], $0x80, $0x38;
	[tilespmem:$0x1F600] =	vst v63  }
0x36: {  	_ =	swait.ge [sflag:s28], $0x2800  }
0x37: {  	[sflag:s28] =	ssyncset.done $0x0  }
0x38: {  	[sflag:s28] =	ssyncadd.s32 $0xFFFFD800  }
0x39: {  	_ =	swait.ge [sflag:s29], $0x80  }
0x3a: {  	[sflag:s29] =	ssyncset.done $0x0  }
0x3b: {  	s9 =	simm.s32 $0x180;
	[sflag:s29] =	ssyncadd.s32 $0xFFFFFF80  }
0x3c: {  	[tilespmem:s18], [sflag:$0x1] =	stream.indirect.gather [hbm4b:s4+s17], $0x80, s9, s17, $0xb8;
	[tilespmem:$0x1F600] =	vst v63  }
0x3d: {  	_ = 	snop  }
0x3e: {  	[spmem:s2] =	stream.indirect.scatter.add.f32 [tilespmem:s20], [sflag:$0x8], $0x80, s14, s17, $0xb8;
	[tilespmem:$0x1F600] =	vst v63  }
0x3f: {  	_ =	swait.ge [sflag:s30], $0x2800  }
0x40: {  	[sflag:s30] =	ssyncset.done $0x0  }
0x41: {  	s7 =	sadd.s32 $0x40, s5;
	[sflag:s30] =	ssyncadd.s32 $0xFFFFD800  }
0x42: {  	[tilespmem:s14], [sflag:$0x5] =	stream.linear.gather [hbm4b:s7+s3], $0x80, $0x38;
	[tilespmem:$0x1F600] =	vst v63  }
0x43: {  	_ =	swait.ge [sflag:s31], $0x2800  }
0x44: {  	[sflag:s31] =	ssyncset.done $0x0  }
0x45: {  	[sflag:s31] =	ssyncadd.s32 $0xFFFFD800  }
0x46: {  	_ =	swait.ge [sflag:s0], $0x80  }
0x47: {  	[sflag:s0] =	ssyncset.done $0x0  }
0x48: {  	s9 =	simm.s32 $0x200;
	[sflag:s0] =	ssyncadd.s32 $0xFFFFFF80  }
0x49: {  	[tilespmem:s20], [sflag:$0x2] =	stream.indirect.gather [hbm4b:s4+s17], $0x80, s9, s17, $0xb8;
	[tilespmem:$0x1F600] =	vst v63  }
0x4a: {  	_ = 	snop  }
0x4b: {  	[spmem:s2] =	stream.indirect.scatter.add.f32 [tilespmem:s25], [sflag:$0x9], $0x80, s16, s17, $0xb8;
	[tilespmem:$0x1F600] =	vst v63  }
0x4c: {  	_ =	swait.ge [sflag:s1], $0x2800  }
0x4d: {  	[sflag:s1] =	ssyncset.done $0x0  }
0x4e: {  	s5 =	sadd.s32 $0x50, s5;
	[sflag:s1] =	ssyncadd.s32 $0xFFFFD800  }
0x4f: {  	[tilespmem:s16], [sflag:$0x6] =	stream.linear.gather [hbm4b:s5+s3], $0x80, $0x38;
	[tilespmem:$0x1F600] =	vst v63  }
0x50: {  	_ =	swait.ge [sflag:s21], $0x2800  }
0x51: {  	[sflag:s21] =	ssyncset.done $0x0  }
0x52: {  	[sflag:s21] =	ssyncadd.s32 $0xFFFFD800  }
0x53: {  	_ =	swait.ge [sflag:s22], $0x80  }
0x54: {  	[sflag:s22] =	ssyncset.done $0x0  }
0x55: {  	s23 =	simm.s32 $0x280;
	[sflag:s22] =	ssyncadd.s32 $0xFFFFFF80  }
0x56: {  	[tilespmem:s25], [sflag:$0x3] =	stream.indirect.gather [hbm4b:s4+s17], $0x80, s23, s17, $0xb8;
	[tilespmem:$0x1F600] =	vst v63  }
0x57: {  	s5 =	simm.s32 $0x400;
	s23 =	simm.s32 $0x30  }
.LBB2_2:
0x58: {  	[spmem:s2] =	stream.indirect.scatter.add.f32 [tilespmem:s18], [sflag:$0x7], $0x80, s12, s17, $0xb8;
	[tilespmem:$0x1F600] =	vst v63  }
0x59: {  	s7 =	smov.u32 s23  }
0x5a: {  	p0 =	sne.s32 s23, $0x750;
	s23 =	sadd.s32 $0x30, s23;
	_ =	swait.ge [sflag:s26], $0x2800  }
0x5b: {  	s7 =	sadd.s32 s7, s8;
	[sflag:s26] =	ssyncset.done $0x0  }
0x5c: {  	s9 =	sadd.s32 $0x30, s7;
	[sflag:s26] =	ssyncadd.s32 $0xFFFFD800  }
0x5d: {  	[tilespmem:s12], [sflag:$0x4] =	stream.linear.gather [hbm4b:s9+s3], $0x80, $0x38;
	[tilespmem:$0x1F600] =	vst v63  }
0x5e: {  	_ =	swait.ge [sflag:s28], $0x2800  }
0x5f: {  	[sflag:s28] =	ssyncset.done $0x0  }
0x60: {  	[sflag:s28] =	ssyncadd.s32 $0xFFFFD800  }
0x61: {  	_ =	swait.ge [sflag:s29], $0x80  }
0x62: {  	[sflag:s29] =	ssyncset.done $0x0  }
0x63: {  	s9 =	sadd.s32 $0xFFFFFF00, s5;
	[sflag:s29] =	ssyncadd.s32 $0xFFFFFF80  }
0x64: {  	[tilespmem:s18], [sflag:$0x1] =	stream.indirect.gather [hbm4b:s4+s17], $0x80, s9, s17, $0xb8;
	[tilespmem:$0x1F600] =	vst v63  }
0x65: {  	_ = 	snop  }
0x66: {  	[spmem:s2] =	stream.indirect.scatter.add.f32 [tilespmem:s20], [sflag:$0x8], $0x80, s14, s17, $0xb8;
	[tilespmem:$0x1F600] =	vst v63  }
0x67: {  	_ =	swait.ge [sflag:s30], $0x2800  }
0x68: {  	[sflag:s30] =	ssyncset.done $0x0  }
0x69: {  	s9 =	sadd.s32 $0x40, s7;
	[sflag:s30] =	ssyncadd.s32 $0xFFFFD800  }
0x6a: {  	[tilespmem:s14], [sflag:$0x5] =	stream.linear.gather [hbm4b:s9+s3], $0x80, $0x38;
	[tilespmem:$0x1F600] =	vst v63  }
0x6b: {  	_ =	swait.ge [sflag:s31], $0x2800  }
0x6c: {  	[sflag:s31] =	ssyncset.done $0x0  }
0x6d: {  	[sflag:s31] =	ssyncadd.s32 $0xFFFFD800  }
0x6e: {  	_ =	swait.ge [sflag:s0], $0x80  }
0x6f: {  	[sflag:s0] =	ssyncset.done $0x0  }
0x70: {  	s9 =	sadd.s32 $0xFFFFFF80, s5;
	[sflag:s0] =	ssyncadd.s32 $0xFFFFFF80  }
0x71: {  	[tilespmem:s20], [sflag:$0x2] =	stream.indirect.gather [hbm4b:s4+s17], $0x80, s9, s17, $0xb8;
	[tilespmem:$0x1F600] =	vst v63  }
0x72: {  	_ = 	snop  }
0x73: {  	[spmem:s2] =	stream.indirect.scatter.add.f32 [tilespmem:s25], [sflag:$0x9], $0x80, s16, s17, $0xb8;
	[tilespmem:$0x1F600] =	vst v63  }
0x74: {  	_ =	swait.ge [sflag:s1], $0x2800  }
0x75: {  	[sflag:s1] =	ssyncset.done $0x0  }
0x76: {  	s7 =	sadd.s32 $0x50, s7;
	[sflag:s1] =	ssyncadd.s32 $0xFFFFD800  }
0x77: {  	[tilespmem:s16], [sflag:$0x6] =	stream.linear.gather [hbm4b:s7+s3], $0x80, $0x38;
	[tilespmem:$0x1F600] =	vst v63  }
0x78: {  	_ =	swait.ge [sflag:s21], $0x2800  }
0x79: {  	[sflag:s21] =	ssyncset.done $0x0  }
0x7a: {  	[sflag:s21] =	ssyncadd.s32 $0xFFFFD800  }
.Ltmp0:
0x7b: {  	_ =	swait.ge [sflag:s22], $0x80;
	(pc) =	sbr.rel @p0 .LBB2_2-.Ltmp0, $4  }
0x7c: {  	[sflag:s22] =	ssyncset.done $0x0  }
0x7d: {  	[sflag:s22] =	ssyncadd.s32 $0xFFFFFF80  }
0x7e: {  	[tilespmem:s25], [sflag:$0x3] =	stream.indirect.gather [hbm4b:s4+s17], $0x80, s5, s17, $0xb8;
	[tilespmem:$0x1F600] =	vst v63  }
0x7f: {  	s5 =	sadd.s32 $0x180, s5  }
0x80: {  	[spmem:s2] =	stream.indirect.scatter.add.f32 [tilespmem:s18], [sflag:$0x7], $0x80, s12, s17, $0xb8;
	[tilespmem:$0x1F600] =	vst v63  }
0x81: {  	_ =	swait.ge [sflag:s26], $0x2800  }
0x82: {  	[sflag:s26] =	ssyncset.done $0x0  }
0x83: {  	s5 =	sadd.s32 $0x7B0, s8;
	[sflag:s26] =	ssyncadd.s32 $0xFFFFD800  }
0x84: {  	[tilespmem:s12], [sflag:$0x4] =	stream.linear.gather [hbm4b:s5+s3], $0x80, $0x38;
	[tilespmem:$0x1F600] =	vst v63  }
0x85: {  	_ =	swait.ge [sflag:s28], $0x2800  }
0x86: {  	[sflag:s28] =	ssyncset.done $0x0  }
0x87: {  	[sflag:s28] =	ssyncadd.s32 $0xFFFFD800  }
0x88: {  	_ =	swait.ge [sflag:s29], $0x80  }
0x89: {  	[sflag:s29] =	ssyncset.done $0x0  }
0x8a: {  	s23 =	simm.s32 $0x3D80;
	[sflag:s29] =	ssyncadd.s32 $0xFFFFFF80  }
0x8b: {  	[tilespmem:s18], [sflag:$0x1] =	stream.indirect.gather [hbm4b:s4+s17], $0x80, s23, s17, $0xb8;
	[tilespmem:$0x1F600] =	vst v63  }
0x8c: {  	_ = 	snop  }
0x8d: {  	[spmem:s2] =	stream.indirect.scatter.add.f32 [tilespmem:s20], [sflag:$0x8], $0x80, s14, s17, $0xb8;
	[tilespmem:$0x1F600] =	vst v63  }
0x8e: {  	_ =	swait.ge [sflag:s30], $0x2800  }
0x8f: {  	[sflag:s30] =	ssyncset.done $0x0  }
0x90: {  	s7 =	sadd.s32 $0x7C0, s8;
	[sflag:s30] =	ssyncadd.s32 $0xFFFFD800  }
0x91: {  	[tilespmem:s14], [sflag:$0x5] =	stream.linear.gather [hbm4b:s7+s3], $0x80, $0x38;
	[tilespmem:$0x1F600] =	vst v63  }
0x92: {  	_ =	swait.ge [sflag:s31], $0x2800  }
0x93: {  	[sflag:s31] =	ssyncset.done $0x0  }
0x94: {  	[sflag:s31] =	ssyncadd.s32 $0xFFFFD800  }
0x95: {  	_ =	swait.ge [sflag:s0], $0x80  }
0x96: {  	[sflag:s0] =	ssyncset.done $0x0  }
0x97: {  	s9 =	simm.s32 $0x3E00;
	[sflag:s0] =	ssyncadd.s32 $0xFFFFFF80  }
0x98: {  	[tilespmem:s20], [sflag:$0x2] =	stream.indirect.gather [hbm4b:s4+s17], $0x80, s9, s17, $0xb8;
	[tilespmem:$0x1F600] =	vst v63  }
0x99: {  	_ = 	snop  }
0x9a: {  	[spmem:s2] =	stream.indirect.scatter.add.f32 [tilespmem:s25], [sflag:$0x9], $0x80, s16, s17, $0xb8;
	[tilespmem:$0x1F600] =	vst v63  }
0x9b: {  	_ =	swait.ge [sflag:s1], $0x2800  }
0x9c: {  	[sflag:s1] =	ssyncset.done $0x0  }
0x9d: {  	[sflag:s1] =	ssyncadd.s32 $0xFFFFD800  }
0x9e: {  	_ =	swait.ge [sflag:s21], $0x2800  }
0x9f: {  	[sflag:s21] =	ssyncset.done $0x0  }
0xa0: {  	[sflag:s21] =	ssyncadd.s32 $0xFFFFD800  }
0xa1: {  	_ =	swait.ge [sflag:s22], $0x80  }
0xa2: {  	[sflag:s22] =	ssyncset.done $0x0  }
0xa3: {  	[sflag:s22] =	ssyncadd.s32 $0xFFFFFF80  }
0xa4: {  	[spmem:s2] =	stream.indirect.scatter.add.f32 [tilespmem:s18], [sflag:$0x7], $0x80, s12, s17, $0xb8;
	[tilespmem:$0x1F600] =	vst v63  }
0xa5: {  	_ =	swait.ge [sflag:s28], $0x2800  }
0xa6: {  	[sflag:s28] =	ssyncset.done $0x0  }
0xa7: {  	[sflag:s28] =	ssyncadd.s32 $0xFFFFD800  }
0xa8: {  	_ =	swait.ge [sflag:s29], $0x80  }
0xa9: {  	[sflag:s29] =	ssyncset.done $0x0  }
0xaa: {  	[sflag:s29] =	ssyncadd.s32 $0xFFFFFF80  }
0xab: {  	[spmem:s2] =	stream.indirect.scatter.add.f32 [tilespmem:s20], [sflag:$0x8], $0x80, s14, s17, $0xb8;
	[tilespmem:$0x1F600] =	vst v63  }
0xac: {  	_ =	swait.ge [sflag:s26], $0x2800  }
0xad: {  	[sflag:s26] =	ssyncset.done $0x0  }
0xae: {  	[sflag:s26] =	ssyncadd.s32 $0xFFFFD800  }
0xaf: {  	_ =	swait.ge [sflag:s30], $0x2800  }
0xb0: {  	[sflag:s30] =	ssyncset.done $0x0  }
0xb1: {  	[sflag:s30] =	ssyncadd.s32 $0xFFFFD800  }
0xb2: {  	[bflag:$0x0] =	sbarrier.arrive $0xFFFF  }
0xb3: {  	[hbm:s24], [sflag:s6] =	dma.local [spmem:s10], $0x2780  }
0xb4: {  	_ =	swait.ge [sflag:s11], $0x2780  }
0xb5: {  	s19 =	sadd.s32 $0x1, s19;
	s23 =	rddreg [dreg:$0x7]  }
0xb6: {  	p0 =	sne.s32 s19, s23  }
.Ltmp1:
0xb7: {  	_ = 	snop;
	(pc) =	sbr.rel @p0 .LBB2_1-.Ltmp1, $3  }
0xb8: {  	_ =	sdelay $0x1  }
0xb9: {  	[sflag:s11] =	ssyncset.done $0x0  }
0xba: {  	[sflag:s11] =	ssyncadd.s32 $0xFFFFD880  }
0xbb: {  	_ =	sfence.sel $0x180000  }
0xbc: {  	[bflag:$0x0] =	sbarrier.arrive $0xFFFF  }
0xbd: {  	_ =	strace $0x90000053  }
0xbe: {  	s0 =	stileid.u32;
	[bflag:$0x2] =	sbarrier.arrive $0xFFFF  }
0xbf: {  	p0 =	sne.s32 s0, $0x0;
	s0 =	rddreg [dreg:$0x4]  }
0xc0: {  	s0 =	sadd.s32 @!p0 $0x100000, s0  }
0xc1: {  	[sflag:s0] =	ssyncadd.tile.s32 @!p0 $0x1;
	_ =	shalt  }
.Lfunc_end2:
_tile_overlayer_lowered:
.L_overlay_start_2:
0xc2: {  	(tag) =	ssettag $0x2  }
0xc3: {  	s0 =	rddreg [dreg:$0x0];
	s2 =	stileid.u32  }
0xc4: {  	s1 =	rddreg [dreg:$0x1];
	p0 =	sne.s32 s2, $0x0  }
0xc5: {  	s3 =	rddreg [dreg:$0x2];
	[bflag:$0x3] =	sbarrier.arrive $0xFFFF;
	s2 =	simm.s32 @!p0 $0x1C0A  }
0xc6: {  	[timem:s3], [sflag:s2] =	dma.local @!p0 [hbm:s0], s1  }
0xc7: {  	s0 =	simm.s32 @!p0 $0xA  }
0xc8: {  	_ =	swait.ge @!p0 [sflag:s0], s1  }
0xc9: {  	s1 =	ssub.s32 @!p0 $0x0, s1;
	[sflag:s0] =	ssyncset.done @!p0 $0x0  }
0xca: {  	[sflag:s0] =	ssyncadd.s32 @!p0 s1  }
0xcb: {  	[bflag:$0x3] =	sbarrier.arrive $0xFFFF  }
0xcc: {  	_ =	shalt  }

</sc_bundles>
